<compile_context>
chip_gen: v7x
topology: tpu7x:2x2x1
jax: 0.10.2.dev20260603
libtpu: 0.0.44.dev20260713+nightly
codegen_flags: <defaults>
</compile_context>

<pallas_src>
import functools

import jax
import jax.numpy as jnp
from jax import lax
from jax.experimental import pallas as pl
from jax.experimental.pallas import tpu as pltpu
from jax.experimental.pallas import tpu_sc as plsc

B, N, C, K = 8, 2000, 128, 9
NDS = 1000
EPS = 1e-5
NPAD = 2048



def _bn3(x):
    m = jnp.mean(x, axis=(0, 2), keepdims=True)
    v = jnp.var(x, axis=(0, 2), keepdims=True)
    return (x - m) / jnp.sqrt(v + EPS)


def _bn4(x):
    m = jnp.mean(x, axis=(0, 2, 3), keepdims=True)
    v = jnp.var(x, axis=(0, 2, 3), keepdims=True)
    return (x - m) / jnp.sqrt(v + EPS)


def _bn1(x):
    m = jnp.mean(x, axis=0, keepdims=True)
    v = jnp.var(x, axis=0, keepdims=True)
    return (x - m) / jnp.sqrt(v + EPS)


def _in3(x):
    m = jnp.mean(x, axis=2, keepdims=True)
    v = jnp.var(x, axis=2, keepdims=True)
    return (x - m) / jnp.sqrt(v + EPS)


def _c1(x, W, b):
    return jnp.einsum('oc,bcn->bon', W, x) + b[None, :, None]


def _c2(x, W, b, sw):
    out = lax.conv_general_dilated(
        x, W, window_strides=(1, sw), padding='VALID',
        dimension_numbers=('NCHW', 'OIHW', 'NCHW'))
    return out + b[None, :, None, None]


def _resnet(x, Wr, br, W1, b1, W2, b2, pre):
    x1 = _c1(x, Wr, br) if pre else x
    out = jax.nn.relu(_bn3(_in3(_c1(x, W1, b1))))
    out = _bn3(_in3(_c1(out, W2, b2)))
    return jax.nn.relu(out + x1)


_RT = 200


def _knn_body(pd_ref, idx_ref):
    v = pd_ref[0]
    colio = lax.broadcasted_iota(jnp.int32, (_RT, N), 1)
    for k in range(K):
        m = jnp.max(v, axis=1, keepdims=True)
        sel = jnp.min(jnp.where(v == m, colio, N), axis=1)
        idx_ref[0, :, k] = sel
        v = jnp.where(colio == sel[:, None], -jnp.inf, v)


def _knn_topk(pd):
    return pl.pallas_call(
        _knn_body,
        grid=(B, N // _RT),
        in_specs=[pl.BlockSpec((1, _RT, N), lambda b, t: (b, t, 0))],
        out_specs=pl.BlockSpec((1, _RT, 16), lambda b, t: (b, t, 0)),
        out_shape=jax.ShapeDtypeStruct((B, N, 16), jnp.int32),
    )(pd)


def _graph_feature(x, k):
    inner = -2.0 * jnp.einsum('bcn,bcm->bnm', x, x)
    xx = jnp.sum(x * x, axis=1)
    pd = -xx[:, :, None] - inner - xx[:, None, :]
    idx = _knn_topk(pd)[:, :, :K]
    xt = jnp.transpose(x, (0, 2, 1))
    fidx = (idx + jnp.arange(B, dtype=jnp.int32)[:, None, None] * N).reshape(-1)
    fidx = jnp.concatenate(
        [fidx, jnp.zeros((_GF_NOUT - B * N * K,), jnp.int32)])
    rows = _sc_gather_wide(xt.reshape(B * N, C), fidx,
                           _GF_NOUT, _GF_CHUNKS)[:B * N * K]
    feat = rows.reshape(B, N, K, C)
    xrep = jnp.broadcast_to(xt[:, :, None, :], feat.shape)
    f = jnp.concatenate([xrep, xrep - feat], axis=3)
    return jnp.transpose(f, (0, 3, 1, 2))


def _scores(x, y, Wc, bc, Wr, br, Wl1, bl1, Wl2, bl2, Wbe, bbe, Wknn, bknn,
            Wg1, bg1, Wg2, bg2, Wd1, bd1, Wd2, bd2, W2l1, b2l1, W2l2, b2l2,
            Wlin, blin):
    xt = jnp.transpose(x[:, 0, :, :], (0, 2, 1))
    out0 = jax.nn.relu(_bn3(_c1(xt, Wc, bc)))
    d = _resnet(out0, Wr, br, Wl1, bl1, Wl2, bl2, True)
    x1 = jax.nn.relu(_bn3(_c1(d, Wbe, bbe)))
    xl = jax.nn.relu(_bn3(_c1(x1, Wknn, bknn)))
    f = _graph_feature(xl, K)
    h = jax.nn.relu(_bn4(_c2(f, Wd1, bd1, 3)))
    h = jax.nn.relu(_bn4(_c2(h, Wd2, bd2, 1)))
    gv = jnp.mean(x1, axis=2)
    g1 = jax.nn.relu(_bn1(gv @ Wg1.T + bg1))
    g2 = _bn1(g1 @ Wg2.T + bg2)
    xlg = g2[:, :, None, None] + h
    wei = jax.nn.sigmoid(xlg)[:, :, :, 0]
    out = 2.0 * d * wei + 2.0 * out0 * (1.0 - wei)
    out = _resnet(out, Wr, br, W2l1, b2l1, W2l2, b2l2, False)
    return _c1(out, Wlin, blin)[:, 0, :]



def _xor_swap(a, j):
    lower = (lax.broadcasted_iota(jnp.int32, a.shape, 1) & j) == 0
    return jnp.where(lower, jnp.roll(a, -j, axis=1), jnp.roll(a, j, axis=1))


def _topk_body(w_ref, idx_ref):
    v = w_ref[...]
    iota = lax.broadcasted_iota(jnp.int32, (B, NPAD), 1)
    idx = iota
    k = 2
    while k <= NPAD:
        j = k // 2
        while j >= 1:
            pv = _xor_swap(v, j)
            pidx = _xor_swap(idx, j)
            desc = (iota & k) == 0
            lower = (iota & j) == 0
            before = (v > pv) | ((v == pv) & (idx < pidx))
            take_self = desc == (lower == before)
            v = jnp.where(take_self, v, pv)
            idx = jnp.where(take_self, idx, pidx)
            j //= 2
        k *= 2
    idx_ref[...] = idx


def _topk_indices(w0):
    wp = jnp.concatenate(
        [w0, jnp.full((B, NPAD - N), -jnp.inf, jnp.float32)], axis=1)
    return pl.pallas_call(
        _topk_body,
        out_shape=jax.ShapeDtypeStruct((B, NPAD), jnp.int32),
    )(wp)



_D = 128
_NW = 32

_DS_NOUT = 8192
_GF_NOUT = 147456
_GF_CHUNKS = 16


def _sc_gather_wide(table, fidx, nout, nchunks):
    bpw = nout // _NW
    chunk = bpw // nchunks
    mesh = plsc.VectorSubcoreMesh(core_axis_name="c", subcore_axis_name="s")

    @functools.partial(
        pl.kernel, mesh=mesh,
        out_type=jax.ShapeDtypeStruct((nout, _D), jnp.float32),
        scratch_types=[
            pltpu.VMEM((chunk,), jnp.int32),
            pltpu.VMEM((chunk,), jnp.int32),
            pltpu.VMEM((chunk, _D), jnp.float32),
            pltpu.VMEM((chunk, _D), jnp.float32),
            pltpu.SemaphoreType.DMA,
            pltpu.SemaphoreType.DMA,
        ],
    )
    def k(table_hbm, idx_hbm, out_hbm, idx_v0, idx_v1, rows_v0, rows_v1,
          sem0, sem1):
        wid = lax.axis_index("s") * 2 + lax.axis_index("c")
        idx_bufs = (idx_v0, idx_v1)
        row_bufs = (rows_v0, rows_v1)
        sems = (sem0, sem1)

        def start(c):
            s = c % 2
            base = wid * bpw + c * chunk
            pltpu.sync_copy(idx_hbm.at[pl.ds(base, chunk)], idx_bufs[s])
            return pltpu.async_copy(table_hbm.at[idx_bufs[s]],
                                    row_bufs[s], sems[s])

        h = start(0)
        for c in range(nchunks):
            h_next = start(c + 1) if c + 1 < nchunks else None
            h.wait()
            base = wid * bpw + c * chunk
            pltpu.sync_copy(row_bufs[c % 2], out_hbm.at[pl.ds(base, chunk)])
            h = h_next

    return k(table, fidx)



def kernel(x, y, Wc, bc, Wr, br, Wl1, bl1, Wl2, bl2, Wbe, bbe, Wknn, bknn,
           Wg1, bg1, Wg2, bg2, Wd1, bd1, Wd2, bd2, W2l1, b2l1, W2l2, b2l2,
           Wlin, blin):
    w0 = _scores(x, y, Wc, bc, Wr, br, Wl1, bl1, Wl2, bl2, Wbe, bbe,
                 Wknn, bknn, Wg1, bg1, Wg2, bg2, Wd1, bd1, Wd2, bd2,
                 W2l1, b2l1, W2l2, b2l2, Wlin, blin)

    idx_sorted = _topk_indices(w0)
    idx = idx_sorted[:, :NDS]

    fidx = (idx + jnp.arange(B, dtype=jnp.int32)[:, None] * N).reshape(-1)
    fidx = jnp.concatenate(
        [fidx, jnp.zeros((_DS_NOUT - B * NDS,), jnp.int32)])

    table = jnp.concatenate(
        [x[:, 0, :, :], y[:, :, None],
         jnp.zeros((B, N, _D - 5), jnp.float32)], axis=2).reshape(B * N, _D)

    rows = _sc_gather_wide(table, fidx, _DS_NOUT, 1)[:B * NDS]
    x_ds = rows[:, :4].reshape(B, NDS, 4)[:, None, :, :]
    y_ds = rows[:, 4].reshape(B, NDS)
    return x_ds, y_ds, w0

# --- scband reference (transcript-rebuilt; emitter-appended) ---
"""Pipeline reference for scband-ds-block-24111946400596 (READ-ONLY COPY).

The authoritative reference and input builder live on the scoring server;
editing this copy changes nothing except your own understanding.
"""

import jax, jax.numpy as jnp
import numpy as np

B, N, C, K = 8, 2000, 128, 9
SR = 0.5
EPS = 1e-5

def _bn3(x):
    m = jnp.mean(x, axis=(0, 2), keepdims=True)
    v = jnp.var(x, axis=(0, 2), keepdims=True)
    return (x - m) / jnp.sqrt(v + EPS)

def _bn4(x):
    m = jnp.mean(x, axis=(0, 2, 3), keepdims=True)
    v = jnp.var(x, axis=(0, 2, 3), keepdims=True)
    return (x - m) / jnp.sqrt(v + EPS)

def _bn1(x):
    m = jnp.mean(x, axis=0, keepdims=True)
    v = jnp.var(x, axis=0, keepdims=True)
    return (x - m) / jnp.sqrt(v + EPS)

def _in3(x):
    m = jnp.mean(x, axis=2, keepdims=True)
    v = jnp.var(x, axis=2, keepdims=True)
    return (x - m) / jnp.sqrt(v + EPS)

def _c1(x, W, b):
    return jnp.einsum('oc,bcn->bon', W, x) + b[None, :, None]

def _c2(x, W, b, sw):
    out = jax.lax.conv_general_dilated(x, W, window_strides=(1, sw), padding='VALID', dimension_numbers=('NCHW', 'OIHW', 'NCHW'))
    return out + b[None, :, None, None]

def _resnet(x, Wr, br, W1, b1, W2, b2, pre):
    x1 = _c1(x, Wr, br) if pre else x
    out = jax.nn.relu(_bn3(_in3(_c1(x, W1, b1))))
    out = _bn3(_in3(_c1(out, W2, b2)))
    return jax.nn.relu(out + x1)

def _graph_feature(x, k):
    inner = -2.0 * jnp.einsum('bcn,bcm->bnm', x, x)
    xx = jnp.sum(x * x, axis=1)
    pd = -xx[:, :, None] - inner - xx[:, None, :]
    _, idx = jax.lax.top_k(pd, k)
    xt = jnp.transpose(x, (0, 2, 1))
    feat = jax.vmap(lambda a, i: a[i])(xt, idx)
    xrep = jnp.broadcast_to(xt[:, :, None, :], feat.shape)
    f = jnp.concatenate([xrep, xrep - feat], axis=3)
    return jnp.transpose(f, (0, 3, 1, 2))

_PARAM_SHAPES = {
    'Wc': (C, 4), 'bc': (C,),
    'Wr': (C, C), 'br': (C,), 'Wl1': (C, C), 'bl1': (C,), 'Wl2': (C, C), 'bl2': (C,),
    'Wbe': (C, C), 'bbe': (C,), 'Wknn': (C, C), 'bknn': (C,),
    'Wg1': (C // 4, C), 'bg1': (C // 4,), 'Wg2': (C, C // 4), 'bg2': (C,),
    'Wd1': (C, 2 * C, 1, 3), 'bd1': (C,), 'Wd2': (C, C, 1, 3), 'bd2': (C,),
    'W2l1': (C, C), 'b2l1': (C,), 'W2l2': (C, C), 'b2l2': (C,),
    'Wlin': (1, C), 'blin': (1,)}

def setup_inputs(seed: int = 0):
    key = jax.random.key(seed)
    ks = jax.random.split(key, 40)
    inp = {}
    inp['x'] = jax.random.normal(ks[0], (B, 1, N, 4), jnp.float32)
    inp['y'] = jax.random.uniform(ks[1], (B, N), dtype=jnp.float32)
    for i, (name, shp) in enumerate(_PARAM_SHAPES.items()):
        inp[name] = jax.random.normal(ks[2 + i], shp, jnp.float32) * 0.05
    return inp

def reference(x, y, Wc, bc, Wr, br, Wl1, bl1, Wl2, bl2, Wbe, bbe, Wknn, bknn, Wg1, bg1, Wg2, bg2, Wd1, bd1, Wd2, bd2, W2l1, b2l1, W2l2, b2l2, Wlin, blin):
    xt = jnp.transpose(x[:, 0, :, :], (0, 2, 1))
    out0 = jax.nn.relu(_bn3(_c1(xt, Wc, bc)))
    d = _resnet(out0, Wr, br, Wl1, bl1, Wl2, bl2, True)
    x1 = jax.nn.relu(_bn3(_c1(d, Wbe, bbe)))
    xl = jax.nn.relu(_bn3(_c1(x1, Wknn, bknn)))
    f = _graph_feature(xl, K)
    h = jax.nn.relu(_bn4(_c2(f, Wd1, bd1, 3)))
    h = jax.nn.relu(_bn4(_c2(h, Wd2, bd2, 1)))
    gv = jnp.mean(x1, axis=2)
    g1 = jax.nn.relu(_bn1(gv @ Wg1.T + bg1))
    g2 = _bn1(g1 @ Wg2.T + bg2)
    xlg = g2[:, :, None, None] + h
    wei = jax.nn.sigmoid(xlg)[:, :, :, 0]
    out = 2.0 * d * wei + 2.0 * out0 * (1.0 - wei)
    out = _resnet(out, Wr, br, W2l1, b2l1, W2l2, b2l2, False)
    w0 = _c1(out, Wlin, blin)[:, 0, :]
    n_ds = int(N * SR)
    w_ds, idx = jax.lax.top_k(w0, n_ds)
    x_ds = jnp.take_along_axis(x, idx[:, None, :, None], axis=2)
    y_ds = jnp.take_along_axis(y, idx, axis=1)
    return x_ds, y_ds, w0

if __name__ == "__main__":
    import jax
    _d = setup_inputs()
    print(jax.jit(kernel)(*tuple(_d.values())))

</pallas_src>

<mosaic_0001>
#map = affine_map<(d0, d1) -> (0, 0)>
#map1 = affine_map<(d0, d1) -> (0)>
module attributes {stable_mosaic.version = 14 : i64} {
  func.func @k(%arg0: i32, %arg1: i32, %arg2: memref<16000x128xf32, #tpu.memory_space<hbm>>, %arg3: memref<8192xi32, #tpu.memory_space<hbm>>, %arg4: memref<8192x128xf32, #tpu.memory_space<hbm>>, %arg5: memref<256xi32, #tpu.memory_space<vmem>>, %arg6: memref<256xi32, #tpu.memory_space<vmem>>, %arg7: memref<256x128xf32, #tpu.memory_space<vmem>>, %arg8: memref<256x128xf32, #tpu.memory_space<vmem>>, %arg9: memref<!tpu.dma_semaphore, #tpu.memory_space<semaphore_mem>>, %arg10: memref<!tpu.dma_semaphore, #tpu.memory_space<semaphore_mem>>) attributes {dimension_semantics = [#tpu.dimension_semantics<core_parallel>, #tpu.dimension_semantics<subcore_parallel>], iteration_bounds = array<i64: 2, 16>, scalar_prefetch = 0 : i64, scratch_operands = 6 : i64, tpu.core_type = #tpu.core_type<sc_vector_subcore>, window_params = [{transform_indices = #map}, {transform_indices = #map1}, {transform_indices = #map}]} {
    %mul3A = arith.constant 2 : i32
    %mul3A_0 = arith.muli %arg1, %mul3A : i32
    %add3A = arith.addi %mul3A_0, %arg0 : i32
    %mul3A_1 = arith.constant 256 : i32
    %mul3A_2 = arith.muli %add3A, %mul3A_1 : i32
    %add3A_3 = arith.constant 0 : i32
    %add3A_4 = arith.addi %mul3A_2, %add3A_3 : i32
    "tpu.region"() ({
      %run_scoped3A = tpu.sem_alloc : memref<!tpu.dma_semaphore, #tpu.memory_space<semaphore_mem>>
      %dma_start3A_13 = tpu.memref_slice %arg3[%add3A_4] : memref<8192xi32, #tpu.memory_space<hbm>> -> memref<256xi32, #tpu.memory_space<hbm>>
      %dma_start3A_14 = tpu.memref_slice %arg3[%add3A_4] : memref<8192xi32, #tpu.memory_space<hbm>> -> memref<256xi32, #tpu.memory_space<hbm>>
      tpu.enqueue_dma source(%dma_start3A_14 : memref<256xi32, #tpu.memory_space<hbm>>) target(%arg5 : memref<256xi32, #tpu.memory_space<vmem>>) target_semaphore(%run_scoped3A : memref<!tpu.dma_semaphore, #tpu.memory_space<semaphore_mem>>)
      %dma_wait3A_15 = tpu.memref_slice %arg3[%add3A_4] : memref<8192xi32, #tpu.memory_space<hbm>> -> memref<256xi32, #tpu.memory_space<hbm>>
      %dma_wait3A_16 = tpu.memref_slice %arg3[%add3A_4] : memref<8192xi32, #tpu.memory_space<hbm>> -> memref<256xi32, #tpu.memory_space<hbm>>
      tpu.wait_dma2 semaphore(%run_scoped3A : memref<!tpu.dma_semaphore, #tpu.memory_space<semaphore_mem>>) src(%dma_wait3A_16 : memref<256xi32, #tpu.memory_space<hbm>>) dst(%arg5 : memref<256xi32, #tpu.memory_space<vmem>>)
      tpu.yield
    }) : () -> ()
    %dma_start3A = arith.constant 0 : i32
    %dma_start3A_5 = arith.constant 0 : i32
    %dma_start3A_6 = tpu.memref_slice %arg2[%dma_start3A, %dma_start3A_5] : memref<16000x128xf32, #tpu.memory_space<hbm>> -> memref<16000x128xf32, #tpu.memory_space<hbm>>
    tpu.enqueue_indirect_dma source(%dma_start3A_6 : memref<16000x128xf32, #tpu.memory_space<hbm>>) target(%arg7 : memref<256x128xf32, #tpu.memory_space<vmem>>) offsets(%arg5 : memref<256xi32, #tpu.memory_space<vmem>>) semaphore(%arg9 : memref<!tpu.dma_semaphore, #tpu.memory_space<semaphore_mem>>)
    %dma_wait3A = arith.constant 0 : i32
    %dma_wait3A_7 = arith.constant 0 : i32
    %dma_wait3A_8 = tpu.memref_slice %arg2[%dma_wait3A, %dma_wait3A_7] : memref<16000x128xf32, #tpu.memory_space<hbm>> -> memref<16000x128xf32, #tpu.memory_space<hbm>>
    tpu.wait_indirect_dma semaphore(%arg9 : memref<!tpu.dma_semaphore, #tpu.memory_space<semaphore_mem>>) src(%dma_wait3A_8 : memref<16000x128xf32, #tpu.memory_space<hbm>>) dst(%arg7 : memref<256x128xf32, #tpu.memory_space<vmem>>)
    %mul3A_9 = arith.constant 256 : i32
    %mul3A_10 = arith.muli %add3A, %mul3A_9 : i32
    %add3A_11 = arith.constant 0 : i32
    %add3A_12 = arith.addi %mul3A_10, %add3A_11 : i32
    "tpu.region"() ({
      %run_scoped3A = tpu.sem_alloc : memref<!tpu.dma_semaphore, #tpu.memory_space<semaphore_mem>>
      %dma_start3A_13 = arith.constant 0 : i32
      %dma_start3A_14 = tpu.memref_slice %arg4[%add3A_12, %dma_start3A_13] : memref<8192x128xf32, #tpu.memory_space<hbm>> -> memref<256x128xf32, #tpu.memory_space<hbm>>
      %dma_start3A_15 = arith.constant 0 : i32
      %dma_start3A_16 = tpu.memref_slice %arg4[%add3A_12, %dma_start3A_15] : memref<8192x128xf32, #tpu.memory_space<hbm>> -> memref<256x128xf32, #tpu.memory_space<hbm>>
      tpu.enqueue_dma source(%arg7 : memref<256x128xf32, #tpu.memory_space<vmem>>) target(%dma_start3A_16 : memref<256x128xf32, #tpu.memory_space<hbm>>) target_semaphore(%run_scoped3A : memref<!tpu.dma_semaphore, #tpu.memory_space<semaphore_mem>>)
      %dma_wait3A_17 = arith.constant 0 : i32
      %dma_wait3A_18 = tpu.memref_slice %arg4[%add3A_12, %dma_wait3A_17] : memref<8192x128xf32, #tpu.memory_space<hbm>> -> memref<256x128xf32, #tpu.memory_space<hbm>>
      %dma_wait3A_19 = arith.constant 0 : i32
      %dma_wait3A_20 = tpu.memref_slice %arg4[%add3A_12, %dma_wait3A_19] : memref<8192x128xf32, #tpu.memory_space<hbm>> -> memref<256x128xf32, #tpu.memory_space<hbm>>
      tpu.wait_dma2 semaphore(%run_scoped3A : memref<!tpu.dma_semaphore, #tpu.memory_space<semaphore_mem>>) src(%arg7 : memref<256x128xf32, #tpu.memory_space<vmem>>) dst(%dma_wait3A_20 : memref<256x128xf32, #tpu.memory_space<hbm>>)
      tpu.yield
    }) : () -> ()
    return
  }
}

module attributes {stable_mosaic.version = 14 : i64} {
  func.func @_topk_body(%arg0: memref<8x2048xf32, #tpu.memory_space<vmem>>, %arg1: memref<8x2048xi32, #tpu.memory_space<vmem>>) attributes {dimension_semantics = [], scalar_prefetch = 0 : i64, scratch_operands = 0 : i64, tpu.core_type = #tpu.core_type<tc>} {
    %get3A = arith.constant 0 : index
    %get3A_0 = arith.constant 0 : index
    %get3A_1 = vector.load %arg0[%get3A, %get3A_0] : memref<8x2048xf32, #tpu.memory_space<vmem>>, vector<8x2048xf32>
    %iota3A = tpu.iota {dimensions = array<i32: 1>} : vector<8x2048xi32>
    %iota3A_2 = tpu.iota {dimensions = array<i32: 1>} : vector<8x2048xi32>
    %and3A = arith.constant 1 : i32
    %and3A_3 = vector.broadcast %and3A : i32 to vector<8x2048xi32>
    %and3A_4 = arith.andi %iota3A_2, %and3A_3 : vector<8x2048xi32>
    %eq3A = arith.constant 0 : i32
    %eq3A_5 = vector.broadcast %eq3A : i32 to vector<8x2048xi32>
    %eq3A_6 = arith.cmpi eq, %and3A_4, %eq3A_5 : vector<8x2048xi32>
    %slice3A = vector.extract_strided_slice %get3A_1 {offsets = [0, 1], sizes = [8, 2047], strides = [1, 1]} : vector<8x2048xf32> to vector<8x2047xf32>
    %slice3A_7 = vector.extract_strided_slice %get3A_1 {offsets = [0, 0], sizes = [8, 1], strides = [1, 1]} : vector<8x2048xf32> to vector<8x1xf32>
    %concatenate3A = tpu.concatenate %slice3A, %slice3A_7 in 1 : vector<8x2047xf32>, vector<8x1xf32> -> vector<8x2048xf32>
    %slice3A_8 = vector.extract_strided_slice %get3A_1 {offsets = [0, 2047], sizes = [8, 1], strides = [1, 1]} : vector<8x2048xf32> to vector<8x1xf32>
    %slice3A_9 = vector.extract_strided_slice %get3A_1 {offsets = [0, 0], sizes = [8, 2047], strides = [1, 1]} : vector<8x2048xf32> to vector<8x2047xf32>
    %concatenate3A_10 = tpu.concatenate %slice3A_8, %slice3A_9 in 1 : vector<8x1xf32>, vector<8x2047xf32> -> vector<8x2048xf32>
    %select_n3A = arith.select %eq3A_6, %concatenate3A, %concatenate3A_10 : vector<8x2048xi1>, vector<8x2048xf32>
    %iota3A_11 = tpu.iota {dimensions = array<i32: 1>} : vector<8x2048xi32>
    %and3A_12 = arith.constant 1 : i32
    %and3A_13 = vector.broadcast %and3A_12 : i32 to vector<8x2048xi32>
    %and3A_14 = arith.andi %iota3A_11, %and3A_13 : vector<8x2048xi32>
    %eq3A_15 = arith.constant 0 : i32
    %eq3A_16 = vector.broadcast %eq3A_15 : i32 to vector<8x2048xi32>
    %eq3A_17 = arith.cmpi eq, %and3A_14, %eq3A_16 : vector<8x2048xi32>
    %slice3A_18 = vector.extract_strided_slice %iota3A {offsets = [0, 1], sizes = [8, 2047], strides = [1, 1]} : vector<8x2048xi32> to vector<8x2047xi32>
    %slice3A_19 = vector.extract_strided_slice %iota3A {offsets = [0, 0], sizes = [8, 1], strides = [1, 1]} : vector<8x2048xi32> to vector<8x1xi32>
    %concatenate3A_20 = tpu.concatenate %slice3A_18, %slice3A_19 in 1 : vector<8x2047xi32>, vector<8x1xi32> -> vector<8x2048xi32>
    %slice3A_21 = vector.extract_strided_slice %iota3A {offsets = [0, 2047], sizes = [8, 1], strides = [1, 1]} : vector<8x2048xi32> to vector<8x1xi32>
    %slice3A_22 = vector.extract_strided_slice %iota3A {offsets = [0, 0], sizes = [8, 2047], strides = [1, 1]} : vector<8x2048xi32> to vector<8x2047xi32>
    %concatenate3A_23 = tpu.concatenate %slice3A_21, %slice3A_22 in 1 : vector<8x1xi32>, vector<8x2047xi32> -> vector<8x2048xi32>
    %select_n3A_24 = arith.select %eq3A_17, %concatenate3A_20, %concatenate3A_23 : vector<8x2048xi1>, vector<8x2048xi32>
    %and3A_25 = arith.constant 2 : i32
    %and3A_26 = vector.broadcast %and3A_25 : i32 to vector<8x2048xi32>
    %and3A_27 = arith.andi %iota3A, %and3A_26 : vector<8x2048xi32>
    %eq3A_28 = arith.constant 0 : i32
    %eq3A_29 = vector.broadcast %eq3A_28 : i32 to vector<8x2048xi32>
    %eq3A_30 = arith.cmpi eq, %and3A_27, %eq3A_29 : vector<8x2048xi32>
    %and3A_31 = arith.constant 1 : i32
    %and3A_32 = vector.broadcast %and3A_31 : i32 to vector<8x2048xi32>
    %and3A_33 = arith.andi %iota3A, %and3A_32 : vector<8x2048xi32>
    %eq3A_34 = arith.constant 0 : i32
    %eq3A_35 = vector.broadcast %eq3A_34 : i32 to vector<8x2048xi32>
    %eq3A_36 = arith.cmpi eq, %and3A_33, %eq3A_35 : vector<8x2048xi32>
    %gt3A = arith.cmpf ogt, %get3A_1, %select_n3A : vector<8x2048xf32>
    %eq3A_37 = arith.cmpf oeq, %get3A_1, %select_n3A : vector<8x2048xf32>
    %lt3A = arith.cmpi slt, %iota3A, %select_n3A_24 : vector<8x2048xi32>
    %and3A_38 = arith.andi %eq3A_37, %lt3A : vector<8x2048xi1>
    %or3A = arith.ori %gt3A, %and3A_38 : vector<8x2048xi1>
    %eq3A_39 = arith.xori %eq3A_36, %or3A : vector<8x2048xi1>
    %eq3A_40 = arith.constant dense<true> : vector<8x2048xi1>
    %eq3A_41 = arith.xori %eq3A_39, %eq3A_40 : vector<8x2048xi1>
    %eq3A_42 = arith.xori %eq3A_30, %eq3A_41 : vector<8x2048xi1>
    %eq3A_43 = arith.constant dense<true> : vector<8x2048xi1>
    %eq3A_44 = arith.xori %eq3A_42, %eq3A_43 : vector<8x2048xi1>
    %select_n3A_45 = arith.select %eq3A_44, %get3A_1, %select_n3A : vector<8x2048xi1>, vector<8x2048xf32>
    %select_n3A_46 = arith.select %eq3A_44, %iota3A, %select_n3A_24 : vector<8x2048xi1>, vector<8x2048xi32>
    %iota3A_47 = tpu.iota {dimensions = array<i32: 1>} : vector<8x2048xi32>
    %and3A_48 = arith.constant 2 : i32
    %and3A_49 = vector.broadcast %and3A_48 : i32 to vector<8x2048xi32>
    %and3A_50 = arith.andi %iota3A_47, %and3A_49 : vector<8x2048xi32>
    %eq3A_51 = arith.constant 0 : i32
    %eq3A_52 = vector.broadcast %eq3A_51 : i32 to vector<8x2048xi32>
    %eq3A_53 = arith.cmpi eq, %and3A_50, %eq3A_52 : vector<8x2048xi32>
    %slice3A_54 = vector.extract_strided_slice %select_n3A_45 {offsets = [0, 2], sizes = [8, 2046], strides = [1, 1]} : vector<8x2048xf32> to vector<8x2046xf32>
    %slice3A_55 = vector.extract_strided_slice %select_n3A_45 {offsets = [0, 0], sizes = [8, 2], strides = [1, 1]} : vector<8x2048xf32> to vector<8x2xf32>
    %concatenate3A_56 = tpu.concatenate %slice3A_54, %slice3A_55 in 1 : vector<8x2046xf32>, vector<8x2xf32> -> vector<8x2048xf32>
    %slice3A_57 = vector.extract_strided_slice %select_n3A_45 {offsets = [0, 2046], sizes = [8, 2], strides = [1, 1]} : vector<8x2048xf32> to vector<8x2xf32>
    %slice3A_58 = vector.extract_strided_slice %select_n3A_45 {offsets = [0, 0], sizes = [8, 2046], strides = [1, 1]} : vector<8x2048xf32> to vector<8x2046xf32>
    %concatenate3A_59 = tpu.concatenate %slice3A_57, %slice3A_58 in 1 : vector<8x2xf32>, vector<8x2046xf32> -> vector<8x2048xf32>
    %select_n3A_60 = arith.select %eq3A_53, %concatenate3A_56, %concatenate3A_59 : vector<8x2048xi1>, vector<8x2048xf32>
    %iota3A_61 = tpu.iota {dimensions = array<i32: 1>} : vector<8x2048xi32>
    %and3A_62 = arith.constant 2 : i32
    %and3A_63 = vector.broadcast %and3A_62 : i32 to vector<8x2048xi32>
    %and3A_64 = arith.andi %iota3A_61, %and3A_63 : vector<8x2048xi32>
    %eq3A_65 = arith.constant 0 : i32
    %eq3A_66 = vector.broadcast %eq3A_65 : i32 to vector<8x2048xi32>
    %eq3A_67 = arith.cmpi eq, %and3A_64, %eq3A_66 : vector<8x2048xi32>
    %slice3A_68 = vector.extract_strided_slice %select_n3A_46 {offsets = [0, 2], sizes = [8, 2046], strides = [1, 1]} : vector<8x2048xi32> to vector<8x2046xi32>
    %slice3A_69 = vector.extract_strided_slice %select_n3A_46 {offsets = [0, 0], sizes = [8, 2], strides = [1, 1]} : vector<8x2048xi32> to vector<8x2xi32>
    %concatenate3A_70 = tpu.concatenate %slice3A_68, %slice3A_69 in 1 : vector<8x2046xi32>, vector<8x2xi32> -> vector<8x2048xi32>
    %slice3A_71 = vector.extract_strided_slice %select_n3A_46 {offsets = [0, 2046], sizes = [8, 2], strides = [1, 1]} : vector<8x2048xi32> to vector<8x2xi32>
    %slice3A_72 = vector.extract_strided_slice %select_n3A_46 {offsets = [0, 0], sizes = [8, 2046], strides = [1, 1]} : vector<8x2048xi32> to vector<8x2046xi32>
    %concatenate3A_73 = tpu.concatenate %slice3A_71, %slice3A_72 in 1 : vector<8x2xi32>, vector<8x2046xi32> -> vector<8x2048xi32>
    %select_n3A_74 = arith.select %eq3A_67, %concatenate3A_70, %concatenate3A_73 : vector<8x2048xi1>, vector<8x2048xi32>
    %and3A_75 = arith.constant 4 : i32
    %and3A_76 = vector.broadcast %and3A_75 : i32 to vector<8x2048xi32>
    %and3A_77 = arith.andi %iota3A, %and3A_76 : vector<8x2048xi32>
    %eq3A_78 = arith.constant 0 : i32
    %eq3A_79 = vector.broadcast %eq3A_78 : i32 to vector<8x2048xi32>
    %eq3A_80 = arith.cmpi eq, %and3A_77, %eq3A_79 : vector<8x2048xi32>
    %and3A_81 = arith.constant 2 : i32
    %and3A_82 = vector.broadcast %and3A_81 : i32 to vector<8x2048xi32>
    %and3A_83 = arith.andi %iota3A, %and3A_82 : vector<8x2048xi32>
    %eq3A_84 = arith.constant 0 : i32
    %eq3A_85 = vector.broadcast %eq3A_84 : i32 to vector<8x2048xi32>
    %eq3A_86 = arith.cmpi eq, %and3A_83, %eq3A_85 : vector<8x2048xi32>
    %gt3A_87 = arith.cmpf ogt, %select_n3A_45, %select_n3A_60 : vector<8x2048xf32>
    %eq3A_88 = arith.cmpf oeq, %select_n3A_45, %select_n3A_60 : vector<8x2048xf32>
    %lt3A_89 = arith.cmpi slt, %select_n3A_46, %select_n3A_74 : vector<8x2048xi32>
    %and3A_90 = arith.andi %eq3A_88, %lt3A_89 : vector<8x2048xi1>
    %or3A_91 = arith.ori %gt3A_87, %and3A_90 : vector<8x2048xi1>
    %eq3A_92 = arith.xori %eq3A_86, %or3A_91 : vector<8x2048xi1>
    %eq3A_93 = arith.constant dense<true> : vector<8x2048xi1>
    %eq3A_94 = arith.xori %eq3A_92, %eq3A_93 : vector<8x2048xi1>
    %eq3A_95 = arith.xori %eq3A_80, %eq3A_94 : vector<8x2048xi1>
    %eq3A_96 = arith.constant dense<true> : vector<8x2048xi1>
    %eq3A_97 = arith.xori %eq3A_95, %eq3A_96 : vector<8x2048xi1>
    %select_n3A_98 = arith.select %eq3A_97, %select_n3A_45, %select_n3A_60 : vector<8x2048xi1>, vector<8x2048xf32>
    %select_n3A_99 = arith.select %eq3A_97, %select_n3A_46, %select_n3A_74 : vector<8x2048xi1>, vector<8x2048xi32>
    %iota3A_100 = tpu.iota {dimensions = array<i32: 1>} : vector<8x2048xi32>
    %and3A_101 = arith.constant 1 : i32
    %and3A_102 = vector.broadcast %and3A_101 : i32 to vector<8x2048xi32>
    %and3A_103 = arith.andi %iota3A_100, %and3A_102 : vector<8x2048xi32>
    %eq3A_104 = arith.constant 0 : i32
    %eq3A_105 = vector.broadcast %eq3A_104 : i32 to vector<8x2048xi32>
    %eq3A_106 = arith.cmpi eq, %and3A_103, %eq3A_105 : vector<8x2048xi32>
    %slice3A_107 = vector.extract_strided_slice %select_n3A_98 {offsets = [0, 1], sizes = [8, 2047], strides = [1, 1]} : vector<8x2048xf32> to vector<8x2047xf32>
    %slice3A_108 = vector.extract_strided_slice %select_n3A_98 {offsets = [0, 0], sizes = [8, 1], strides = [1, 1]} : vector<8x2048xf32> to vector<8x1xf32>
    %concatenate3A_109 = tpu.concatenate %slice3A_107, %slice3A_108 in 1 : vector<8x2047xf32>, vector<8x1xf32> -> vector<8x2048xf32>
    %slice3A_110 = vector.extract_strided_slice %select_n3A_98 {offsets = [0, 2047], sizes = [8, 1], strides = [1, 1]} : vector<8x2048xf32> to vector<8x1xf32>
    %slice3A_111 = vector.extract_strided_slice %select_n3A_98 {offsets = [0, 0], sizes = [8, 2047], strides = [1, 1]} : vector<8x2048xf32> to vector<8x2047xf32>
    %concatenate3A_112 = tpu.concatenate %slice3A_110, %slice3A_111 in 1 : vector<8x1xf32>, vector<8x2047xf32> -> vector<8x2048xf32>
    %select_n3A_113 = arith.select %eq3A_106, %concatenate3A_109, %concatenate3A_112 : vector<8x2048xi1>, vector<8x2048xf32>
    %iota3A_114 = tpu.iota {dimensions = array<i32: 1>} : vector<8x2048xi32>
    %and3A_115 = arith.constant 1 : i32
    %and3A_116 = vector.broadcast %and3A_115 : i32 to vector<8x2048xi32>
    %and3A_117 = arith.andi %iota3A_114, %and3A_116 : vector<8x2048xi32>
    %eq3A_118 = arith.constant 0 : i32
    %eq3A_119 = vector.broadcast %eq3A_118 : i32 to vector<8x2048xi32>
    %eq3A_120 = arith.cmpi eq, %and3A_117, %eq3A_119 : vector<8x2048xi32>
    %slice3A_121 = vector.extract_strided_slice %select_n3A_99 {offsets = [0, 1], sizes = [8, 2047], strides = [1, 1]} : vector<8x2048xi32> to vector<8x2047xi32>
    %slice3A_122 = vector.extract_strided_slice %select_n3A_99 {offsets = [0, 0], sizes = [8, 1], strides = [1, 1]} : vector<8x2048xi32> to vector<8x1xi32>
    %concatenate3A_123 = tpu.concatenate %slice3A_121, %slice3A_122 in 1 : vector<8x2047xi32>, vector<8x1xi32> -> vector<8x2048xi32>
    %slice3A_124 = vector.extract_strided_slice %select_n3A_99 {offsets = [0, 2047], sizes = [8, 1], strides = [1, 1]} : vector<8x2048xi32> to vector<8x1xi32>
    %slice3A_125 = vector.extract_strided_slice %select_n3A_99 {offsets = [0, 0], sizes = [8, 2047], strides = [1, 1]} : vector<8x2048xi32> to vector<8x2047xi32>
    %concatenate3A_126 = tpu.concatenate %slice3A_124, %slice3A_125 in 1 : vector<8x1xi32>, vector<8x2047xi32> -> vector<8x2048xi32>
    %select_n3A_127 = arith.select %eq3A_120, %concatenate3A_123, %concatenate3A_126 : vector<8x2048xi1>, vector<8x2048xi32>
    %and3A_128 = arith.constant 4 : i32
    %and3A_129 = vector.broadcast %and3A_128 : i32 to vector<8x2048xi32>
    %and3A_130 = arith.andi %iota3A, %and3A_129 : vector<8x2048xi32>
    %eq3A_131 = arith.constant 0 : i32
    %eq3A_132 = vector.broadcast %eq3A_131 : i32 to vector<8x2048xi32>
    %eq3A_133 = arith.cmpi eq, %and3A_130, %eq3A_132 : vector<8x2048xi32>
    %and3A_134 = arith.constant 1 : i32
    %and3A_135 = vector.broadcast %and3A_134 : i32 to vector<8x2048xi32>
    %and3A_136 = arith.andi %iota3A, %and3A_135 : vector<8x2048xi32>
    %eq3A_137 = arith.constant 0 : i32
    %eq3A_138 = vector.broadcast %eq3A_137 : i32 to vector<8x2048xi32>
    %eq3A_139 = arith.cmpi eq, %and3A_136, %eq3A_138 : vector<8x2048xi32>
    %gt3A_140 = arith.cmpf ogt, %select_n3A_98, %select_n3A_113 : vector<8x2048xf32>
    %eq3A_141 = arith.cmpf oeq, %select_n3A_98, %select_n3A_113 : vector<8x2048xf32>
    %lt3A_142 = arith.cmpi slt, %select_n3A_99, %select_n3A_127 : vector<8x2048xi32>
    %and3A_143 = arith.andi %eq3A_141, %lt3A_142 : vector<8x2048xi1>
    %or3A_144 = arith.ori %gt3A_140, %and3A_143 : vector<8x2048xi1>
    %eq3A_145 = arith.xori %eq3A_139, %or3A_144 : vector<8x2048xi1>
    %eq3A_146 = arith.constant dense<true> : vector<8x2048xi1>
    %eq3A_147 = arith.xori %eq3A_145, %eq3A_146 : vector<8x2048xi1>
    %eq3A_148 = arith.xori %eq3A_133, %eq3A_147 : vector<8x2048xi1>
    %eq3A_149 = arith.constant dense<true> : vector<8x2048xi1>
    %eq3A_150 = arith.xori %eq3A_148, %eq3A_149 : vector<8x2048xi1>
    %select_n3A_151 = arith.select %eq3A_150, %select_n3A_98, %select_n3A_113 : vector<8x2048xi1>, vector<8x2048xf32>
    %select_n3A_152 = arith.select %eq3A_150, %select_n3A_99, %select_n3A_127 : vector<8x2048xi1>, vector<8x2048xi32>
    %iota3A_153 = tpu.iota {dimensions = array<i32: 1>} : vector<8x2048xi32>
    %and3A_154 = arith.constant 4 : i32
    %and3A_155 = vector.broadcast %and3A_154 : i32 to vector<8x2048xi32>
    %and3A_156 = arith.andi %iota3A_153, %and3A_155 : vector<8x2048xi32>
    %eq3A_157 = arith.constant 0 : i32
    %eq3A_158 = vector.broadcast %eq3A_157 : i32 to vector<8x2048xi32>
    %eq3A_159 = arith.cmpi eq, %and3A_156, %eq3A_158 : vector<8x2048xi32>
    %slice3A_160 = vector.extract_strided_slice %select_n3A_151 {offsets = [0, 4], sizes = [8, 2044], strides = [1, 1]} : vector<8x2048xf32> to vector<8x2044xf32>
    %slice3A_161 = vector.extract_strided_slice %select_n3A_151 {offsets = [0, 0], sizes = [8, 4], strides = [1, 1]} : vector<8x2048xf32> to vector<8x4xf32>
    %concatenate3A_162 = tpu.concatenate %slice3A_160, %slice3A_161 in 1 : vector<8x2044xf32>, vector<8x4xf32> -> vector<8x2048xf32>
    %slice3A_163 = vector.extract_strided_slice %select_n3A_151 {offsets = [0, 2044], sizes = [8, 4], strides = [1, 1]} : vector<8x2048xf32> to vector<8x4xf32>
    %slice3A_164 = vector.extract_strided_slice %select_n3A_151 {offsets = [0, 0], sizes = [8, 2044], strides = [1, 1]} : vector<8x2048xf32> to vector<8x2044xf32>
    %concatenate3A_165 = tpu.concatenate %slice3A_163, %slice3A_164 in 1 : vector<8x4xf32>, vector<8x2044xf32> -> vector<8x2048xf32>
    %select_n3A_166 = arith.select %eq3A_159, %concatenate3A_162, %concatenate3A_165 : vector<8x2048xi1>, vector<8x2048xf32>
    %iota3A_167 = tpu.iota {dimensions = array<i32: 1>} : vector<8x2048xi32>
    %and3A_168 = arith.constant 4 : i32
    %and3A_169 = vector.broadcast %and3A_168 : i32 to vector<8x2048xi32>
    %and3A_170 = arith.andi %iota3A_167, %and3A_169 : vector<8x2048xi32>
    %eq3A_171 = arith.constant 0 : i32
    %eq3A_172 = vector.broadcast %eq3A_171 : i32 to vector<8x2048xi32>
    %eq3A_173 = arith.cmpi eq, %and3A_170, %eq3A_172 : vector<8x2048xi32>
    %slice3A_174 = vector.extract_strided_slice %select_n3A_152 {offsets = [0, 4], sizes = [8, 2044], strides = [1, 1]} : vector<8x2048xi32> to vector<8x2044xi32>
    %slice3A_175 = vector.extract_strided_slice %select_n3A_152 {offsets = [0, 0], sizes = [8, 4], strides = [1, 1]} : vector<8x2048xi32> to vector<8x4xi32>
    %concatenate3A_176 = tpu.concatenate %slice3A_174, %slice3A_175 in 1 : vector<8x2044xi32>, vector<8x4xi32> -> vector<8x2048xi32>
    %slice3A_177 = vector.extract_strided_slice %select_n3A_152 {offsets = [0, 2044], sizes = [8, 4], strides = [1, 1]} : vector<8x2048xi32> to vector<8x4xi32>
    %slice3A_178 = vector.extract_strided_slice %select_n3A_152 {offsets = [0, 0], sizes = [8, 2044], strides = [1, 1]} : vector<8x2048xi32> to vector<8x2044xi32>
    %concatenate3A_179 = tpu.concatenate %slice3A_177, %slice3A_178 in 1 : vector<8x4xi32>, vector<8x2044xi32> -> vector<8x2048xi32>
    %select_n3A_180 = arith.select %eq3A_173, %concatenate3A_176, %concatenate3A_179 : vector<8x2048xi1>, vector<8x2048xi32>
    %and3A_181 = arith.constant 8 : i32
    %and3A_182 = vector.broadcast %and3A_181 : i32 to vector<8x2048xi32>
    %and3A_183 = arith.andi %iota3A, %and3A_182 : vector<8x2048xi32>
    %eq3A_184 = arith.constant 0 : i32
    %eq3A_185 = vector.broadcast %eq3A_184 : i32 to vector<8x2048xi32>
    %eq3A_186 = arith.cmpi eq, %and3A_183, %eq3A_185 : vector<8x2048xi32>
    %and3A_187 = arith.constant 4 : i32
    %and3A_188 = vector.broadcast %and3A_187 : i32 to vector<8x2048xi32>
    %and3A_189 = arith.andi %iota3A, %and3A_188 : vector<8x2048xi32>
    %eq3A_190 = arith.constant 0 : i32
    %eq3A_191 = vector.broadcast %eq3A_190 : i32 to vector<8x2048xi32>
    %eq3A_192 = arith.cmpi eq, %and3A_189, %eq3A_191 : vector<8x2048xi32>
    %gt3A_193 = arith.cmpf ogt, %select_n3A_151, %select_n3A_166 : vector<8x2048xf32>
    %eq3A_194 = arith.cmpf oeq, %select_n3A_151, %select_n3A_166 : vector<8x2048xf32>
    %lt3A_195 = arith.cmpi slt, %select_n3A_152, %select_n3A_180 : vector<8x2048xi32>
    %and3A_196 = arith.andi %eq3A_194, %lt3A_195 : vector<8x2048xi1>
    %or3A_197 = arith.ori %gt3A_193, %and3A_196 : vector<8x2048xi1>
    %eq3A_198 = arith.xori %eq3A_192, %or3A_197 : vector<8x2048xi1>
    %eq3A_199 = arith.constant dense<true> : vector<8x2048xi1>
    %eq3A_200 = arith.xori %eq3A_198, %eq3A_199 : vector<8x2048xi1>
    %eq3A_201 = arith.xori %eq3A_186, %eq3A_200 : vector<8x2048xi1>
    %eq3A_202 = arith.constant dense<true> : vector<8x2048xi1>
    %eq3A_203 = arith.xori %eq3A_201, %eq3A_202 : vector<8x2048xi1>
    %select_n3A_204 = arith.select %eq3A_203, %select_n3A_151, %select_n3A_166 : vector<8x2048xi1>, vector<8x2048xf32>
    %select_n3A_205 = arith.select %eq3A_203, %select_n3A_152, %select_n3A_180 : vector<8x2048xi1>, vector<8x2048xi32>
    %iota3A_206 = tpu.iota {dimensions = array<i32: 1>} : vector<8x2048xi32>
    %and3A_207 = arith.constant 2 : i32
    %and3A_208 = vector.broadcast %and3A_207 : i32 to vector<8x2048xi32>
    %and3A_209 = arith.andi %iota3A_206, %and3A_208 : vector<8x2048xi32>
    %eq3A_210 = arith.constant 0 : i32
    %eq3A_211 = vector.broadcast %eq3A_210 : i32 to vector<8x2048xi32>
    %eq3A_212 = arith.cmpi eq, %and3A_209, %eq3A_211 : vector<8x2048xi32>
    %slice3A_213 = vector.extract_strided_slice %select_n3A_204 {offsets = [0, 2], sizes = [8, 2046], strides = [1, 1]} : vector<8x2048xf32> to vector<8x2046xf32>
    %slice3A_214 = vector.extract_strided_slice %select_n3A_204 {offsets = [0, 0], sizes = [8, 2], strides = [1, 1]} : vector<8x2048xf32> to vector<8x2xf32>
    %concatenate3A_215 = tpu.concatenate %slice3A_213, %slice3A_214 in 1 : vector<8x2046xf32>, vector<8x2xf32> -> vector<8x2048xf32>
    %slice3A_216 = vector.extract_strided_slice %select_n3A_204 {offsets = [0, 2046], sizes = [8, 2], strides = [1, 1]} : vector<8x2048xf32> to vector<8x2xf32>
    %slice3A_217 = vector.extract_strided_slice %select_n3A_204 {offsets = [0, 0], sizes = [8, 2046], strides = [1, 1]} : vector<8x2048xf32> to vector<8x2046xf32>
    %concatenate3A_218 = tpu.concatenate %slice3A_216, %slice3A_217 in 1 : vector<8x2xf32>, vector<8x2046xf32> -> vector<8x2048xf32>
    %select_n3A_219 = arith.select %eq3A_212, %concatenate3A_215, %concatenate3A_218 : vector<8x2048xi1>, vector<8x2048xf32>
    %iota3A_220 = tpu.iota {dimensions = array<i32: 1>} : vector<8x2048xi32>
    %and3A_221 = arith.constant 2 : i32
    %and3A_222 = vector.broadcast %and3A_221 : i32 to vector<8x2048xi32>
    %and3A_223 = arith.andi %iota3A_220, %and3A_222 : vector<8x2048xi32>
    %eq3A_224 = arith.constant 0 : i32
    %eq3A_225 = vector.broadcast %eq3A_224 : i32 to vector<8x2048xi32>
    %eq3A_226 = arith.cmpi eq, %and3A_223, %eq3A_225 : vector<8x2048xi32>
    %slice3A_227 = vector.extract_strided_slice %select_n3A_205 {offsets = [0, 2], sizes = [8, 2046], strides = [1, 1]} : vector<8x2048xi32> to vector<8x2046xi32>
    %slice3A_228 = vector.extract_strided_slice %select_n3A_205 {offsets = [0, 0], sizes = [8, 2], strides = [1, 1]} : vector<8x2048xi32> to vector<8x2xi32>
    %concatenate3A_229 = tpu.concatenate %slice3A_227, %slice3A_228 in 1 : vector<8x2046xi32>, vector<8x2xi32> -> vector<8x2048xi32>
    %slice3A_230 = vector.extract_strided_slice %select_n3A_205 {offsets = [0, 2046], sizes = [8, 2], strides = [1, 1]} : vector<8x2048xi32> to vector<8x2xi32>
    %slice3A_231 = vector.extract_strided_slice %select_n3A_205 {offsets = [0, 0], sizes = [8, 2046], strides = [1, 1]} : vector<8x2048xi32> to vector<8x2046xi32>
    %concatenate3A_232 = tpu.concatenate %slice3A_230, %slice3A_231 in 1 : vector<8x2xi32>, vector<8x2046xi32> -> vector<8x2048xi32>
    %select_n3A_233 = arith.select %eq3A_226, %concatenate3A_229, %concatenate3A_232 : vector<8x2048xi1>, vector<8x2048xi32>
    %and3A_234 = arith.constant 8 : i32
    %and3A_235 = vector.broadcast %and3A_234 : i32 to vector<8x2048xi32>
    %and3A_236 = arith.andi %iota3A, %and3A_235 : vector<8x2048xi32>
    %eq3A_237 = arith.constant 0 : i32
    %eq3A_238 = vector.broadcast %eq3A_237 : i32 to vector<8x2048xi32>
    %eq3A_239 = arith.cmpi eq, %and3A_236, %eq3A_238 : vector<8x2048xi32>
    %and3A_240 = arith.constant 2 : i32
    %and3A_241 = vector.broadcast %and3A_240 : i32 to vector<8x2048xi32>
    %and3A_242 = arith.andi %iota3A, %and3A_241 : vector<8x2048xi32>
    %eq3A_243 = arith.constant 0 : i32
    %eq3A_244 = vector.broadcast %eq3A_243 : i32 to vector<8x2048xi32>
    %eq3A_245 = arith.cmpi eq, %and3A_242, %eq3A_244 : vector<8x2048xi32>
    %gt3A_246 = arith.cmpf ogt, %select_n3A_204, %select_n3A_219 : vector<8x2048xf32>
    %eq3A_247 = arith.cmpf oeq, %select_n3A_204, %select_n3A_219 : vector<8x2048xf32>
    %lt3A_248 = arith.cmpi slt, %select_n3A_205, %select_n3A_233 : vector<8x2048xi32>
    %and3A_249 = arith.andi %eq3A_247, %lt3A_248 : vector<8x2048xi1>
    %or3A_250 = arith.ori %gt3A_246, %and3A_249 : vector<8x2048xi1>
    %eq3A_251 = arith.xori %eq3A_245, %or3A_250 : vector<8x2048xi1>
    %eq3A_252 = arith.constant dense<true> : vector<8x2048xi1>
    %eq3A_253 = arith.xori %eq3A_251, %eq3A_252 : vector<8x2048xi1>
    %eq3A_254 = arith.xori %eq3A_239, %eq3A_253 : vector<8x2048xi1>
    %eq3A_255 = arith.constant dense<true> : vector<8x2048xi1>
    %eq3A_256 = arith.xori %eq3A_254, %eq3A_255 : vector<8x2048xi1>
    %select_n3A_257 = arith.select %eq3A_256, %select_n3A_204, %select_n3A_219 : vector<8x2048xi1>, vector<8x2048xf32>
    %select_n3A_258 = arith.select %eq3A_256, %select_n3A_205, %select_n3A_233 : vector<8x2048xi1>, vector<8x2048xi32>
    %iota3A_259 = tpu.iota {dimensions = array<i32: 1>} : vector<8x2048xi32>
    %and3A_260 = arith.constant 1 : i32
    %and3A_261 = vector.broadcast %and3A_260 : i32 to vector<8x2048xi32>
    %and3A_262 = arith.andi %iota3A_259, %and3A_261 : vector<8x2048xi32>
    %eq3A_263 = arith.constant 0 : i32
    %eq3A_264 = vector.broadcast %eq3A_263 : i32 to vector<8x2048xi32>
    %eq3A_265 = arith.cmpi eq, %and3A_262, %eq3A_264 : vector<8x2048xi32>
    %slice3A_266 = vector.extract_strided_slice %select_n3A_257 {offsets = [0, 1], sizes = [8, 2047], strides = [1, 1]} : vector<8x2048xf32> to vector<8x2047xf32>
    %slice3A_267 = vector.extract_strided_slice %select_n3A_257 {offsets = [0, 0], sizes = [8, 1], strides = [1, 1]} : vector<8x2048xf32> to vector<8x1xf32>
    %concatenate3A_268 = tpu.concatenate %slice3A_266, %slice3A_267 in 1 : vector<8x2047xf32>, vector<8x1xf32> -> vector<8x2048xf32>
    %slice3A_269 = vector.extract_strided_slice %select_n3A_257 {offsets = [0, 2047], sizes = [8, 1], strides = [1, 1]} : vector<8x2048xf32> to vector<8x1xf32>
    %slice3A_270 = vector.extract_strided_slice %select_n3A_257 {offsets = [0, 0], sizes = [8, 2047], strides = [1, 1]} : vector<8x2048xf32> to vector<8x2047xf32>
    %concatenate3A_271 = tpu.concatenate %slice3A_269, %slice3A_270 in 1 : vector<8x1xf32>, vector<8x2047xf32> -> vector<8x2048xf32>
    %select_n3A_272 = arith.select %eq3A_265, %concatenate3A_268, %concatenate3A_271 : vector<8x2048xi1>, vector<8x2048xf32>
    %iota3A_273 = tpu.iota {dimensions = array<i32: 1>} : vector<8x2048xi32>
    %and3A_274 = arith.constant 1 : i32
    %and3A_275 = vector.broadcast %and3A_274 : i32 to vector<8x2048xi32>
    %and3A_276 = arith.andi %iota3A_273, %and3A_275 : vector<8x2048xi32>
    %eq3A_277 = arith.constant 0 : i32
    %eq3A_278 = vector.broadcast %eq3A_277 : i32 to vector<8x2048xi32>
    %eq3A_279 = arith.cmpi eq, %and3A_276, %eq3A_278 : vector<8x2048xi32>
    %slice3A_280 = vector.extract_strided_slice %select_n3A_258 {offsets = [0, 1], sizes = [8, 2047], strides = [1, 1]} : vector<8x2048xi32> to vector<8x2047xi32>
    %slice3A_281 = vector.extract_strided_slice %select_n3A_258 {offsets = [0, 0], sizes = [8, 1], strides = [1, 1]} : vector<8x2048xi32> to vector<8x1xi32>
    %concatenate3A_282 = tpu.concatenate %slice3A_280, %slice3A_281 in 1 : vector<8x2047xi32>, vector<8x1xi32> -> vector<8x2048xi32>
    %slice3A_283 = vector.extract_strided_slice %select_n3A_258 {offsets = [0, 2047], sizes = [8, 1], strides = [1, 1]} : vector<8x2048xi32> to vector<8x1xi32>
    %slice3A_284 = vector.extract_strided_slice %select_n3A_258 {offsets = [0, 0], sizes = [8, 2047], strides = [1, 1]} : vector<8x2048xi32> to vector<8x2047xi32>
    %concatenate3A_285 = tpu.concatenate %slice3A_283, %slice3A_284 in 1 : vector<8x1xi32>, vector<8x2047xi32> -> vector<8x2048xi32>
    %select_n3A_286 = arith.select %eq3A_279, %concatenate3A_282, %concatenate3A_285 : vector<8x2048xi1>, vector<8x2048xi32>
    %and3A_287 = arith.constant 8 : i32
    %and3A_288 = vector.broadcast %and3A_287 : i32 to vector<8x2048xi32>
    %and3A_289 = arith.andi %iota3A, %and3A_288 : vector<8x2048xi32>
    %eq3A_290 = arith.constant 0 : i32
    %eq3A_291 = vector.broadcast %eq3A_290 : i32 to vector<8x2048xi32>
    %eq3A_292 = arith.cmpi eq, %and3A_289, %eq3A_291 : vector<8x2048xi32>
    %and3A_293 = arith.constant 1 : i32
    %and3A_294 = vector.broadcast %and3A_293 : i32 to vector<8x2048xi32>
    %and3A_295 = arith.andi %iota3A, %and3A_294 : vector<8x2048xi32>
    %eq3A_296 = arith.constant 0 : i32
    %eq3A_297 = vector.broadcast %eq3A_296 : i32 to vector<8x2048xi32>
    %eq3A_298 = arith.cmpi eq, %and3A_295, %eq3A_297 : vector<8x2048xi32>
    %gt3A_299 = arith.cmpf ogt, %select_n3A_257, %select_n3A_272 : vector<8x2048xf32>
    %eq3A_300 = arith.cmpf oeq, %select_n3A_257, %select_n3A_272 : vector<8x2048xf32>
    %lt3A_301 = arith.cmpi slt, %select_n3A_258, %select_n3A_286 : vector<8x2048xi32>
    %and3A_302 = arith.andi %eq3A_300, %lt3A_301 : vector<8x2048xi1>
    %or3A_303 = arith.ori %gt3A_299, %and3A_302 : vector<8x2048xi1>
    %eq3A_304 = arith.xori %eq3A_298, %or3A_303 : vector<8x2048xi1>
    %eq3A_305 = arith.constant dense<true> : vector<8x2048xi1>
    %eq3A_306 = arith.xori %eq3A_304, %eq3A_305 : vector<8x2048xi1>
    %eq3A_307 = arith.xori %eq3A_292, %eq3A_306 : vector<8x2048xi1>
    %eq3A_308 = arith.constant dense<true> : vector<8x2048xi1>
    %eq3A_309 = arith.xori %eq3A_307, %eq3A_308 : vector<8x2048xi1>
    %select_n3A_310 = arith.select %eq3A_309, %select_n3A_257, %select_n3A_272 : vector<8x2048xi1>, vector<8x2048xf32>
    %select_n3A_311 = arith.select %eq3A_309, %select_n3A_258, %select_n3A_286 : vector<8x2048xi1>, vector<8x2048xi32>
    %iota3A_312 = tpu.iota {dimensions = array<i32: 1>} : vector<8x2048xi32>
    %and3A_313 = arith.constant 8 : i32
    %and3A_314 = vector.broadcast %and3A_313 : i32 to vector<8x2048xi32>
    %and3A_315 = arith.andi %iota3A_312, %and3A_314 : vector<8x2048xi32>
    %eq3A_316 = arith.constant 0 : i32
    %eq3A_317 = vector.broadcast %eq3A_316 : i32 to vector<8x2048xi32>
    %eq3A_318 = arith.cmpi eq, %and3A_315, %eq3A_317 : vector<8x2048xi32>
    %slice3A_319 = vector.extract_strided_slice %select_n3A_310 {offsets = [0, 8], sizes = [8, 2040], strides = [1, 1]} : vector<8x2048xf32> to vector<8x2040xf32>
    %slice3A_320 = vector.extract_strided_slice %select_n3A_310 {offsets = [0, 0], sizes = [8, 8], strides = [1, 1]} : vector<8x2048xf32> to vector<8x8xf32>
    %concatenate3A_321 = tpu.concatenate %slice3A_319, %slice3A_320 in 1 : vector<8x2040xf32>, vector<8x8xf32> -> vector<8x2048xf32>
    %slice3A_322 = vector.extract_strided_slice %select_n3A_310 {offsets = [0, 2040], sizes = [8, 8], strides = [1, 1]} : vector<8x2048xf32> to vector<8x8xf32>
    %slice3A_323 = vector.extract_strided_slice %select_n3A_310 {offsets = [0, 0], sizes = [8, 2040], strides = [1, 1]} : vector<8x2048xf32> to vector<8x2040xf32>
    %concatenate3A_324 = tpu.concatenate %slice3A_322, %slice3A_323 in 1 : vector<8x8xf32>, vector<8x2040xf32> -> vector<8x2048xf32>
    %select_n3A_325 = arith.select %eq3A_318, %concatenate3A_321, %concatenate3A_324 : vector<8x2048xi1>, vector<8x2048xf32>
    %iota3A_326 = tpu.iota {dimensions = array<i32: 1>} : vector<8x2048xi32>
    %and3A_327 = arith.constant 8 : i32
    %and3A_328 = vector.broadcast %and3A_327 : i32 to vector<8x2048xi32>
    %and3A_329 = arith.andi %iota3A_326, %and3A_328 : vector<8x2048xi32>
    %eq3A_330 = arith.constant 0 : i32
    %eq3A_331 = vector.broadcast %eq3A_330 : i32 to vector<8x2048xi32>
    %eq3A_332 = arith.cmpi eq, %and3A_329, %eq3A_331 : vector<8x2048xi32>
    %slice3A_333 = vector.extract_strided_slice %select_n3A_311 {offsets = [0, 8], sizes = [8, 2040], strides = [1, 1]} : vector<8x2048xi32> to vector<8x2040xi32>
    %slice3A_334 = vector.extract_strided_slice %select_n3A_311 {offsets = [0, 0], sizes = [8, 8], strides = [1, 1]} : vector<8x2048xi32> to vector<8x8xi32>
    %concatenate3A_335 = tpu.concatenate %slice3A_333, %slice3A_334 in 1 : vector<8x2040xi32>, vector<8x8xi32> -> vector<8x2048xi32>
    %slice3A_336 = vector.extract_strided_slice %select_n3A_311 {offsets = [0, 2040], sizes = [8, 8], strides = [1, 1]} : vector<8x2048xi32> to vector<8x8xi32>
    %slice3A_337 = vector.extract_strided_slice %select_n3A_311 {offsets = [0, 0], sizes = [8, 2040], strides = [1, 1]} : vector<8x2048xi32> to vector<8x2040xi32>
    %concatenate3A_338 = tpu.concatenate %slice3A_336, %slice3A_337 in 1 : vector<8x8xi32>, vector<8x2040xi32> -> vector<8x2048xi32>
    %select_n3A_339 = arith.select %eq3A_332, %concatenate3A_335, %concatenate3A_338 : vector<8x2048xi1>, vector<8x2048xi32>
    %and3A_340 = arith.constant 16 : i32
    %and3A_341 = vector.broadcast %and3A_340 : i32 to vector<8x2048xi32>
    %and3A_342 = arith.andi %iota3A, %and3A_341 : vector<8x2048xi32>
    %eq3A_343 = arith.constant 0 : i32
    %eq3A_344 = vector.broadcast %eq3A_343 : i32 to vector<8x2048xi32>
    %eq3A_345 = arith.cmpi eq, %and3A_342, %eq3A_344 : vector<8x2048xi32>
    %and3A_346 = arith.constant 8 : i32
    %and3A_347 = vector.broadcast %and3A_346 : i32 to vector<8x2048xi32>
    %and3A_348 = arith.andi %iota3A, %and3A_347 : vector<8x2048xi32>
    %eq3A_349 = arith.constant 0 : i32
    %eq3A_350 = vector.broadcast %eq3A_349 : i32 to vector<8x2048xi32>
    %eq3A_351 = arith.cmpi eq, %and3A_348, %eq3A_350 : vector<8x2048xi32>
    %gt3A_352 = arith.cmpf ogt, %select_n3A_310, %select_n3A_325 : vector<8x2048xf32>
    %eq3A_353 = arith.cmpf oeq, %select_n3A_310, %select_n3A_325 : vector<8x2048xf32>
    %lt3A_354 = arith.cmpi slt, %select_n3A_311, %select_n3A_339 : vector<8x2048xi32>
    %and3A_355 = arith.andi %eq3A_353, %lt3A_354 : vector<8x2048xi1>
    %or3A_356 = arith.ori %gt3A_352, %and3A_355 : vector<8x2048xi1>
    %eq3A_357 = arith.xori %eq3A_351, %or3A_356 : vector<8x2048xi1>
    %eq3A_358 = arith.constant dense<true> : vector<8x2048xi1>
    %eq3A_359 = arith.xori %eq3A_357, %eq3A_358 : vector<8x2048xi1>
    %eq3A_360 = arith.xori %eq3A_345, %eq3A_359 : vector<8x2048xi1>
    %eq3A_361 = arith.constant dense<true> : vector<8x2048xi1>
    %eq3A_362 = arith.xori %eq3A_360, %eq3A_361 : vector<8x2048xi1>
    %select_n3A_363 = arith.select %eq3A_362, %select_n3A_310, %select_n3A_325 : vector<8x2048xi1>, vector<8x2048xf32>
    %select_n3A_364 = arith.select %eq3A_362, %select_n3A_311, %select_n3A_339 : vector<8x2048xi1>, vector<8x2048xi32>
    %iota3A_365 = tpu.iota {dimensions = array<i32: 1>} : vector<8x2048xi32>
    %and3A_366 = arith.constant 4 : i32
    %and3A_367 = vector.broadcast %and3A_366 : i32 to vector<8x2048xi32>
    %and3A_368 = arith.andi %iota3A_365, %and3A_367 : vector<8x2048xi32>
    %eq3A_369 = arith.constant 0 : i32
    %eq3A_370 = vector.broadcast %eq3A_369 : i32 to vector<8x2048xi32>
    %eq3A_371 = arith.cmpi eq, %and3A_368, %eq3A_370 : vector<8x2048xi32>
    %slice3A_372 = vector.extract_strided_slice %select_n3A_363 {offsets = [0, 4], sizes = [8, 2044], strides = [1, 1]} : vector<8x2048xf32> to vector<8x2044xf32>
    %slice3A_373 = vector.extract_strided_slice %select_n3A_363 {offsets = [0, 0], sizes = [8, 4], strides = [1, 1]} : vector<8x2048xf32> to vector<8x4xf32>
    %concatenate3A_374 = tpu.concatenate %slice3A_372, %slice3A_373 in 1 : vector<8x2044xf32>, vector<8x4xf32> -> vector<8x2048xf32>
    %slice3A_375 = vector.extract_strided_slice %select_n3A_363 {offsets = [0, 2044], sizes = [8, 4], strides = [1, 1]} : vector<8x2048xf32> to vector<8x4xf32>
    %slice3A_376 = vector.extract_strided_slice %select_n3A_363 {offsets = [0, 0], sizes = [8, 2044], strides = [1, 1]} : vector<8x2048xf32> to vector<8x2044xf32>
    %concatenate3A_377 = tpu.concatenate %slice3A_375, %slice3A_376 in 1 : vector<8x4xf32>, vector<8x2044xf32> -> vector<8x2048xf32>
    %select_n3A_378 = arith.select %eq3A_371, %concatenate3A_374, %concatenate3A_377 : vector<8x2048xi1>, vector<8x2048xf32>
    %iota3A_379 = tpu.iota {dimensions = array<i32: 1>} : vector<8x2048xi32>
    %and3A_380 = arith.constant 4 : i32
    %and3A_381 = vector.broadcast %and3A_380 : i32 to vector<8x2048xi32>
    %and3A_382 = arith.andi %iota3A_379, %and3A_381 : vector<8x2048xi32>
    %eq3A_383 = arith.constant 0 : i32
    %eq3A_384 = vector.broadcast %eq3A_383 : i32 to vector<8x2048xi32>
    %eq3A_385 = arith.cmpi eq, %and3A_382, %eq3A_384 : vector<8x2048xi32>
    %slice3A_386 = vector.extract_strided_slice %select_n3A_364 {offsets = [0, 4], sizes = [8, 2044], strides = [1, 1]} : vector<8x2048xi32> to vector<8x2044xi32>
    %slice3A_387 = vector.extract_strided_slice %select_n3A_364 {offsets = [0, 0], sizes = [8, 4], strides = [1, 1]} : vector<8x2048xi32> to vector<8x4xi32>
    %concatenate3A_388 = tpu.concatenate %slice3A_386, %slice3A_387 in 1 : vector<8x2044xi32>, vector<8x4xi32> -> vector<8x2048xi32>
    %slice3A_389 = vector.extract_strided_slice %select_n3A_364 {offsets = [0, 2044], sizes = [8, 4], strides = [1, 1]} : vector<8x2048xi32> to vector<8x4xi32>
    %slice3A_390 = vector.extract_strided_slice %select_n3A_364 {offsets = [0, 0], sizes = [8, 2044], strides = [1, 1]} : vector<8x2048xi32> to vector<8x2044xi32>
    %concatenate3A_391 = tpu.concatenate %slice3A_389, %slice3A_390 in 1 : vector<8x4xi32>, vector<8x2044xi32> -> vector<8x2048xi32>
    %select_n3A_392 = arith.select %eq3A_385, %concatenate3A_388, %concatenate3A_391 : vector<8x2048xi1>, vector<8x2048xi32>
    %and3A_393 = arith.constant 16 : i32
    %and3A_394 = vector.broadcast %and3A_393 : i32 to vector<8x2048xi32>
    %and3A_395 = arith.andi %iota3A, %and3A_394 : vector<8x2048xi32>
    %eq3A_396 = arith.constant 0 : i32
    %eq3A_397 = vector.broadcast %eq3A_396 : i32 to vector<8x2048xi32>
    %eq3A_398 = arith.cmpi eq, %and3A_395, %eq3A_397 : vector<8x2048xi32>
    %and3A_399 = arith.constant 4 : i32
    %and3A_400 = vector.broadcast %and3A_399 : i32 to vector<8x2048xi32>
    %and3A_401 = arith.andi %iota3A, %and3A_400 : vector<8x2048xi32>
    %eq3A_402 = arith.constant 0 : i32
    %eq3A_403 = vector.broadcast %eq3A_402 : i32 to vector<8x2048xi32>
    %eq3A_404 = arith.cmpi eq, %and3A_401, %eq3A_403 : vector<8x2048xi32>
    %gt3A_405 = arith.cmpf ogt, %select_n3A_363, %select_n3A_378 : vector<8x2048xf32>
    %eq3A_406 = arith.cmpf oeq, %select_n3A_363, %select_n3A_378 : vector<8x2048xf32>
    %lt3A_407 = arith.cmpi slt, %select_n3A_364, %select_n3A_392 : vector<8x2048xi32>
    %and3A_408 = arith.andi %eq3A_406, %lt3A_407 : vector<8x2048xi1>
    %or3A_409 = arith.ori %gt3A_405, %and3A_408 : vector<8x2048xi1>
    %eq3A_410 = arith.xori %eq3A_404, %or3A_409 : vector<8x2048xi1>
    %eq3A_411 = arith.constant dense<true> : vector<8x2048xi1>
    %eq3A_412 = arith.xori %eq3A_410, %eq3A_411 : vector<8x2048xi1>
    %eq3A_413 = arith.xori %eq3A_398, %eq3A_412 : vector<8x2048xi1>
    %eq3A_414 = arith.constant dense<true> : vector<8x2048xi1>
    %eq3A_415 = arith.xori %eq3A_413, %eq3A_414 : vector<8x2048xi1>
    %select_n3A_416 = arith.select %eq3A_415, %select_n3A_363, %select_n3A_378 : vector<8x2048xi1>, vector<8x2048xf32>
    %select_n3A_417 = arith.select %eq3A_415, %select_n3A_364, %select_n3A_392 : vector<8x2048xi1>, vector<8x2048xi32>
    %iota3A_418 = tpu.iota {dimensions = array<i32: 1>} : vector<8x2048xi32>
    %and3A_419 = arith.constant 2 : i32
    %and3A_420 = vector.broadcast %and3A_419 : i32 to vector<8x2048xi32>
    %and3A_421 = arith.andi %iota3A_418, %and3A_420 : vector<8x2048xi32>
    %eq3A_422 = arith.constant 0 : i32
    %eq3A_423 = vector.broadcast %eq3A_422 : i32 to vector<8x2048xi32>
    %eq3A_424 = arith.cmpi eq, %and3A_421, %eq3A_423 : vector<8x2048xi32>
    %slice3A_425 = vector.extract_strided_slice %select_n3A_416 {offsets = [0, 2], sizes = [8, 2046], strides = [1, 1]} : vector<8x2048xf32> to vector<8x2046xf32>
    %slice3A_426 = vector.extract_strided_slice %select_n3A_416 {offsets = [0, 0], sizes = [8, 2], strides = [1, 1]} : vector<8x2048xf32> to vector<8x2xf32>
    %concatenate3A_427 = tpu.concatenate %slice3A_425, %slice3A_426 in 1 : vector<8x2046xf32>, vector<8x2xf32> -> vector<8x2048xf32>
    %slice3A_428 = vector.extract_strided_slice %select_n3A_416 {offsets = [0, 2046], sizes = [8, 2], strides = [1, 1]} : vector<8x2048xf32> to vector<8x2xf32>
    %slice3A_429 = vector.extract_strided_slice %select_n3A_416 {offsets = [0, 0], sizes = [8, 2046], strides = [1, 1]} : vector<8x2048xf32> to vector<8x2046xf32>
    %concatenate3A_430 = tpu.concatenate %slice3A_428, %slice3A_429 in 1 : vector<8x2xf32>, vector<8x2046xf32> -> vector<8x2048xf32>
    %select_n3A_431 = arith.select %eq3A_424, %concatenate3A_427, %concatenate3A_430 : vector<8x2048xi1>, vector<8x2048xf32>
    %iota3A_432 = tpu.iota {dimensions = array<i32: 1>} : vector<8x2048xi32>
    %and3A_433 = arith.constant 2 : i32
    %and3A_434 = vector.broadcast %and3A_433 : i32 to vector<8x2048xi32>
    %and3A_435 = arith.andi %iota3A_432, %and3A_434 : vector<8x2048xi32>
    %eq3A_436 = arith.constant 0 : i32
    %eq3A_437 = vector.broadcast %eq3A_436 : i32 to vector<8x2048xi32>
    %eq3A_438 = arith.cmpi eq, %and3A_435, %eq3A_437 : vector<8x2048xi32>
    %slice3A_439 = vector.extract_strided_slice %select_n3A_417 {offsets = [0, 2], sizes = [8, 2046], strides = [1, 1]} : vector<8x2048xi32> to vector<8x2046xi32>
    %slice3A_440 = vector.extract_strided_slice %select_n3A_417 {offsets = [0, 0], sizes = [8, 2], strides = [1, 1]} : vector<8x2048xi32> to vector<8x2xi32>
    %concatenate3A_441 = tpu.concatenate %slice3A_439, %slice3A_440 in 1 : vector<8x2046xi32>, vector<8x2xi32> -> vector<8x2048xi32>
    %slice3A_442 = vector.extract_strided_slice %select_n3A_417 {offsets = [0, 2046], sizes = [8, 2], strides = [1, 1]} : vector<8x2048xi32> to vector<8x2xi32>
    %slice3A_443 = vector.extract_strided_slice %select_n3A_417 {offsets = [0, 0], sizes = [8, 2046], strides = [1, 1]} : vector<8x2048xi32> to vector<8x2046xi32>
    %concatenate3A_444 = tpu.concatenate %slice3A_442, %slice3A_443 in 1 : vector<8x2xi32>, vector<8x2046xi32> -> vector<8x2048xi32>
    %select_n3A_445 = arith.select %eq3A_438, %concatenate3A_441, %concatenate3A_444 : vector<8x2048xi1>, vector<8x2048xi32>
    %and3A_446 = arith.constant 16 : i32
    %and3A_447 = vector.broadcast %and3A_446 : i32 to vector<8x2048xi32>
    %and3A_448 = arith.andi %iota3A, %and3A_447 : vector<8x2048xi32>
    %eq3A_449 = arith.constant 0 : i32
    %eq3A_450 = vector.broadcast %eq3A_449 : i32 to vector<8x2048xi32>
    %eq3A_451 = arith.cmpi eq, %and3A_448, %eq3A_450 : vector<8x2048xi32>
    %and3A_452 = arith.constant 2 : i32
    %and3A_453 = vector.broadcast %and3A_452 : i32 to vector<8x2048xi32>
    %and3A_454 = arith.andi %iota3A, %and3A_453 : vector<8x2048xi32>
    %eq3A_455 = arith.constant 0 : i32
    %eq3A_456 = vector.broadcast %eq3A_455 : i32 to vector<8x2048xi32>
    %eq3A_457 = arith.cmpi eq, %and3A_454, %eq3A_456 : vector<8x2048xi32>
    %gt3A_458 = arith.cmpf ogt, %select_n3A_416, %select_n3A_431 : vector<8x2048xf32>
    %eq3A_459 = arith.cmpf oeq, %select_n3A_416, %select_n3A_431 : vector<8x2048xf32>
    %lt3A_460 = arith.cmpi slt, %select_n3A_417, %select_n3A_445 : vector<8x2048xi32>
    %and3A_461 = arith.andi %eq3A_459, %lt3A_460 : vector<8x2048xi1>
    %or3A_462 = arith.ori %gt3A_458, %and3A_461 : vector<8x2048xi1>
    %eq3A_463 = arith.xori %eq3A_457, %or3A_462 : vector<8x2048xi1>
    %eq3A_464 = arith.constant dense<true> : vector<8x2048xi1>
    %eq3A_465 = arith.xori %eq3A_463, %eq3A_464 : vector<8x2048xi1>
    %eq3A_466 = arith.xori %eq3A_451, %eq3A_465 : vector<8x2048xi1>
    %eq3A_467 = arith.constant dense<true> : vector<8x2048xi1>
    %eq3A_468 = arith.xori %eq3A_466, %eq3A_467 : vector<8x2048xi1>
    %select_n3A_469 = arith.select %eq3A_468, %select_n3A_416, %select_n3A_431 : vector<8x2048xi1>, vector<8x2048xf32>
    %select_n3A_470 = arith.select %eq3A_468, %select_n3A_417, %select_n3A_445 : vector<8x2048xi1>, vector<8x2048xi32>
    %iota3A_471 = tpu.iota {dimensions = array<i32: 1>} : vector<8x2048xi32>
    %and3A_472 = arith.constant 1 : i32
    %and3A_473 = vector.broadcast %and3A_472 : i32 to vector<8x2048xi32>
    %and3A_474 = arith.andi %iota3A_471, %and3A_473 : vector<8x2048xi32>
    %eq3A_475 = arith.constant 0 : i32
    %eq3A_476 = vector.broadcast %eq3A_475 : i32 to vector<8x2048xi32>
    %eq3A_477 = arith.cmpi eq, %and3A_474, %eq3A_476 : vector<8x2048xi32>
    %slice3A_478 = vector.extract_strided_slice %select_n3A_469 {offsets = [0, 1], sizes = [8, 2047], strides = [1, 1]} : vector<8x2048xf32> to vector<8x2047xf32>
    %slice3A_479 = vector.extract_strided_slice %select_n3A_469 {offsets = [0, 0], sizes = [8, 1], strides = [1, 1]} : vector<8x2048xf32> to vector<8x1xf32>
    %concatenate3A_480 = tpu.concatenate %slice3A_478, %slice3A_479 in 1 : vector<8x2047xf32>, vector<8x1xf32> -> vector<8x2048xf32>
    %slice3A_481 = vector.extract_strided_slice %select_n3A_469 {offsets = [0, 2047], sizes = [8, 1], strides = [1, 1]} : vector<8x2048xf32> to vector<8x1xf32>
    %slice3A_482 = vector.extract_strided_slice %select_n3A_469 {offsets = [0, 0], sizes = [8, 2047], strides = [1, 1]} : vector<8x2048xf32> to vector<8x2047xf32>
    %concatenate3A_483 = tpu.concatenate %slice3A_481, %slice3A_482 in 1 : vector<8x1xf32>, vector<8x2047xf32> -> vector<8x2048xf32>
    %select_n3A_484 = arith.select %eq3A_477, %concatenate3A_480, %concatenate3A_483 : vector<8x2048xi1>, vector<8x2048xf32>
    %iota3A_485 = tpu.iota {dimensions = array<i32: 1>} : vector<8x2048xi32>
    %and3A_486 = arith.constant 1 : i32
    %and3A_487 = vector.broadcast %and3A_486 : i32 to vector<8x2048xi32>
    %and3A_488 = arith.andi %iota3A_485, %and3A_487 : vector<8x2048xi32>
    %eq3A_489 = arith.constant 0 : i32
    %eq3A_490 = vector.broadcast %eq3A_489 : i32 to vector<8x2048xi32>
    %eq3A_491 = arith.cmpi eq, %and3A_488, %eq3A_490 : vector<8x2048xi32>
    %slice3A_492 = vector.extract_strided_slice %select_n3A_470 {offsets = [0, 1], sizes = [8, 2047], strides = [1, 1]} : vector<8x2048xi32> to vector<8x2047xi32>
    %slice3A_493 = vector.extract_strided_slice %select_n3A_470 {offsets = [0, 0], sizes = [8, 1], strides = [1, 1]} : vector<8x2048xi32> to vector<8x1xi32>
    %concatenate3A_494 = tpu.concatenate %slice3A_492, %slice3A_493 in 1 : vector<8x2047xi32>, vector<8x1xi32> -> vector<8x2048xi32>
    %slice3A_495 = vector.extract_strided_slice %select_n3A_470 {offsets = [0, 2047], sizes = [8, 1], strides = [1, 1]} : vector<8x2048xi32> to vector<8x1xi32>
    %slice3A_496 = vector.extract_strided_slice %select_n3A_470 {offsets = [0, 0], sizes = [8, 2047], strides = [1, 1]} : vector<8x2048xi32> to vector<8x2047xi32>
    %concatenate3A_497 = tpu.concatenate %slice3A_495, %slice3A_496 in 1 : vector<8x1xi32>, vector<8x2047xi32> -> vector<8x2048xi32>
    %select_n3A_498 = arith.select %eq3A_491, %concatenate3A_494, %concatenate3A_497 : vector<8x2048xi1>, vector<8x2048xi32>
    %and3A_499 = arith.constant 16 : i32
    %and3A_500 = vector.broadcast %and3A_499 : i32 to vector<8x2048xi32>
    %and3A_501 = arith.andi %iota3A, %and3A_500 : vector<8x2048xi32>
    %eq3A_502 = arith.constant 0 : i32
    %eq3A_503 = vector.broadcast %eq3A_502 : i32 to vector<8x2048xi32>
    %eq3A_504 = arith.cmpi eq, %and3A_501, %eq3A_503 : vector<8x2048xi32>
    %and3A_505 = arith.constant 1 : i32
    %and3A_506 = vector.broadcast %and3A_505 : i32 to vector<8x2048xi32>
    %and3A_507 = arith.andi %iota3A, %and3A_506 : vector<8x2048xi32>
    %eq3A_508 = arith.constant 0 : i32
    %eq3A_509 = vector.broadcast %eq3A_508 : i32 to vector<8x2048xi32>
    %eq3A_510 = arith.cmpi eq, %and3A_507, %eq3A_509 : vector<8x2048xi32>
    %gt3A_511 = arith.cmpf ogt, %select_n3A_469, %select_n3A_484 : vector<8x2048xf32>
    %eq3A_512 = arith.cmpf oeq, %select_n3A_469, %select_n3A_484 : vector<8x2048xf32>
    %lt3A_513 = arith.cmpi slt, %select_n3A_470, %select_n3A_498 : vector<8x2048xi32>
    %and3A_514 = arith.andi %eq3A_512, %lt3A_513 : vector<8x2048xi1>
    %or3A_515 = arith.ori %gt3A_511, %and3A_514 : vector<8x2048xi1>
    %eq3A_516 = arith.xori %eq3A_510, %or3A_515 : vector<8x2048xi1>
    %eq3A_517 = arith.constant dense<true> : vector<8x2048xi1>
    %eq3A_518 = arith.xori %eq3A_516, %eq3A_517 : vector<8x2048xi1>
    %eq3A_519 = arith.xori %eq3A_504, %eq3A_518 : vector<8x2048xi1>
    %eq3A_520 = arith.constant dense<true> : vector<8x2048xi1>
    %eq3A_521 = arith.xori %eq3A_519, %eq3A_520 : vector<8x2048xi1>
    %select_n3A_522 = arith.select %eq3A_521, %select_n3A_469, %select_n3A_484 : vector<8x2048xi1>, vector<8x2048xf32>
    %select_n3A_523 = arith.select %eq3A_521, %select_n3A_470, %select_n3A_498 : vector<8x2048xi1>, vector<8x2048xi32>
    %iota3A_524 = tpu.iota {dimensions = array<i32: 1>} : vector<8x2048xi32>
    %and3A_525 = arith.constant 16 : i32
    %and3A_526 = vector.broadcast %and3A_525 : i32 to vector<8x2048xi32>
    %and3A_527 = arith.andi %iota3A_524, %and3A_526 : vector<8x2048xi32>
    %eq3A_528 = arith.constant 0 : i32
    %eq3A_529 = vector.broadcast %eq3A_528 : i32 to vector<8x2048xi32>
    %eq3A_530 = arith.cmpi eq, %and3A_527, %eq3A_529 : vector<8x2048xi32>
    %slice3A_531 = vector.extract_strided_slice %select_n3A_522 {offsets = [0, 16], sizes = [8, 2032], strides = [1, 1]} : vector<8x2048xf32> to vector<8x2032xf32>
    %slice3A_532 = vector.extract_strided_slice %select_n3A_522 {offsets = [0, 0], sizes = [8, 16], strides = [1, 1]} : vector<8x2048xf32> to vector<8x16xf32>
    %concatenate3A_533 = tpu.concatenate %slice3A_531, %slice3A_532 in 1 : vector<8x2032xf32>, vector<8x16xf32> -> vector<8x2048xf32>
    %slice3A_534 = vector.extract_strided_slice %select_n3A_522 {offsets = [0, 2032], sizes = [8, 16], strides = [1, 1]} : vector<8x2048xf32> to vector<8x16xf32>
    %slice3A_535 = vector.extract_strided_slice %select_n3A_522 {offsets = [0, 0], sizes = [8, 2032], strides = [1, 1]} : vector<8x2048xf32> to vector<8x2032xf32>
    %concatenate3A_536 = tpu.concatenate %slice3A_534, %slice3A_535 in 1 : vector<8x16xf32>, vector<8x2032xf32> -> vector<8x2048xf32>
    %select_n3A_537 = arith.select %eq3A_530, %concatenate3A_533, %concatenate3A_536 : vector<8x2048xi1>, vector<8x2048xf32>
    %iota3A_538 = tpu.iota {dimensions = array<i32: 1>} : vector<8x2048xi32>
    %and3A_539 = arith.constant 16 : i32
    %and3A_540 = vector.broadcast %and3A_539 : i32 to vector<8x2048xi32>
    %and3A_541 = arith.andi %iota3A_538, %and3A_540 : vector<8x2048xi32>
    %eq3A_542 = arith.constant 0 : i32
    %eq3A_543 = vector.broadcast %eq3A_542 : i32 to vector<8x2048xi32>
    %eq3A_544 = arith.cmpi eq, %and3A_541, %eq3A_543 : vector<8x2048xi32>
    %slice3A_545 = vector.extract_strided_slice %select_n3A_523 {offsets = [0, 16], sizes = [8, 2032], strides = [1, 1]} : vector<8x2048xi32> to vector<8x2032xi32>
    %slice3A_546 = vector.extract_strided_slice %select_n3A_523 {offsets = [0, 0], sizes = [8, 16], strides = [1, 1]} : vector<8x2048xi32> to vector<8x16xi32>
    %concatenate3A_547 = tpu.concatenate %slice3A_545, %slice3A_546 in 1 : vector<8x2032xi32>, vector<8x16xi32> -> vector<8x2048xi32>
    %slice3A_548 = vector.extract_strided_slice %select_n3A_523 {offsets = [0, 2032], sizes = [8, 16], strides = [1, 1]} : vector<8x2048xi32> to vector<8x16xi32>
    %slice3A_549 = vector.extract_strided_slice %select_n3A_523 {offsets = [0, 0], sizes = [8, 2032], strides = [1, 1]} : vector<8x2048xi32> to vector<8x2032xi32>
    %concatenate3A_550 = tpu.concatenate %slice3A_548, %slice3A_549 in 1 : vector<8x16xi32>, vector<8x2032xi32> -> vector<8x2048xi32>
    %select_n3A_551 = arith.select %eq3A_544, %concatenate3A_547, %concatenate3A_550 : vector<8x2048xi1>, vector<8x2048xi32>
    %and3A_552 = arith.constant 32 : i32
    %and3A_553 = vector.broadcast %and3A_552 : i32 to vector<8x2048xi32>
    %and3A_554 = arith.andi %iota3A, %and3A_553 : vector<8x2048xi32>
    %eq3A_555 = arith.constant 0 : i32
    %eq3A_556 = vector.broadcast %eq3A_555 : i32 to vector<8x2048xi32>
    %eq3A_557 = arith.cmpi eq, %and3A_554, %eq3A_556 : vector<8x2048xi32>
    %and3A_558 = arith.constant 16 : i32
    %and3A_559 = vector.broadcast %and3A_558 : i32 to vector<8x2048xi32>
    %and3A_560 = arith.andi %iota3A, %and3A_559 : vector<8x2048xi32>
    %eq3A_561 = arith.constant 0 : i32
    %eq3A_562 = vector.broadcast %eq3A_561 : i32 to vector<8x2048xi32>
    %eq3A_563 = arith.cmpi eq, %and3A_560, %eq3A_562 : vector<8x2048xi32>
    %gt3A_564 = arith.cmpf ogt, %select_n3A_522, %select_n3A_537 : vector<8x2048xf32>
    %eq3A_565 = arith.cmpf oeq, %select_n3A_522, %select_n3A_537 : vector<8x2048xf32>
    %lt3A_566 = arith.cmpi slt, %select_n3A_523, %select_n3A_551 : vector<8x2048xi32>
    %and3A_567 = arith.andi %eq3A_565, %lt3A_566 : vector<8x2048xi1>
    %or3A_568 = arith.ori %gt3A_564, %and3A_567 : vector<8x2048xi1>
    %eq3A_569 = arith.xori %eq3A_563, %or3A_568 : vector<8x2048xi1>
    %eq3A_570 = arith.constant dense<true> : vector<8x2048xi1>
    %eq3A_571 = arith.xori %eq3A_569, %eq3A_570 : vector<8x2048xi1>
    %eq3A_572 = arith.xori %eq3A_557, %eq3A_571 : vector<8x2048xi1>
    %eq3A_573 = arith.constant dense<true> : vector<8x2048xi1>
    %eq3A_574 = arith.xori %eq3A_572, %eq3A_573 : vector<8x2048xi1>
    %select_n3A_575 = arith.select %eq3A_574, %select_n3A_522, %select_n3A_537 : vector<8x2048xi1>, vector<8x2048xf32>
    %select_n3A_576 = arith.select %eq3A_574, %select_n3A_523, %select_n3A_551 : vector<8x2048xi1>, vector<8x2048xi32>
    %iota3A_577 = tpu.iota {dimensions = array<i32: 1>} : vector<8x2048xi32>
    %and3A_578 = arith.constant 8 : i32
    %and3A_579 = vector.broadcast %and3A_578 : i32 to vector<8x2048xi32>
    %and3A_580 = arith.andi %iota3A_577, %and3A_579 : vector<8x2048xi32>
    %eq3A_581 = arith.constant 0 : i32
    %eq3A_582 = vector.broadcast %eq3A_581 : i32 to vector<8x2048xi32>
    %eq3A_583 = arith.cmpi eq, %and3A_580, %eq3A_582 : vector<8x2048xi32>
    %slice3A_584 = vector.extract_strided_slice %select_n3A_575 {offsets = [0, 8], sizes = [8, 2040], strides = [1, 1]} : vector<8x2048xf32> to vector<8x2040xf32>
    %slice3A_585 = vector.extract_strided_slice %select_n3A_575 {offsets = [0, 0], sizes = [8, 8], strides = [1, 1]} : vector<8x2048xf32> to vector<8x8xf32>
    %concatenate3A_586 = tpu.concatenate %slice3A_584, %slice3A_585 in 1 : vector<8x2040xf32>, vector<8x8xf32> -> vector<8x2048xf32>
    %slice3A_587 = vector.extract_strided_slice %select_n3A_575 {offsets = [0, 2040], sizes = [8, 8], strides = [1, 1]} : vector<8x2048xf32> to vector<8x8xf32>
    %slice3A_588 = vector.extract_strided_slice %select_n3A_575 {offsets = [0, 0], sizes = [8, 2040], strides = [1, 1]} : vector<8x2048xf32> to vector<8x2040xf32>
    %concatenate3A_589 = tpu.concatenate %slice3A_587, %slice3A_588 in 1 : vector<8x8xf32>, vector<8x2040xf32> -> vector<8x2048xf32>
    %select_n3A_590 = arith.select %eq3A_583, %concatenate3A_586, %concatenate3A_589 : vector<8x2048xi1>, vector<8x2048xf32>
    %iota3A_591 = tpu.iota {dimensions = array<i32: 1>} : vector<8x2048xi32>
    %and3A_592 = arith.constant 8 : i32
    %and3A_593 = vector.broadcast %and3A_592 : i32 to vector<8x2048xi32>
    %and3A_594 = arith.andi %iota3A_591, %and3A_593 : vector<8x2048xi32>
    %eq3A_595 = arith.constant 0 : i32
    %eq3A_596 = vector.broadcast %eq3A_595 : i32 to vector<8x2048xi32>
    %eq3A_597 = arith.cmpi eq, %and3A_594, %eq3A_596 : vector<8x2048xi32>
    %slice3A_598 = vector.extract_strided_slice %select_n3A_576 {offsets = [0, 8], sizes = [8, 2040], strides = [1, 1]} : vector<8x2048xi32> to vector<8x2040xi32>
    %slice3A_599 = vector.extract_strided_slice %select_n3A_576 {offsets = [0, 0], sizes = [8, 8], strides = [1, 1]} : vector<8x2048xi32> to vector<8x8xi32>
    %concatenate3A_600 = tpu.concatenate %slice3A_598, %slice3A_599 in 1 : vector<8x2040xi32>, vector<8x8xi32> -> vector<8x2048xi32>
    %slice3A_601 = vector.extract_strided_slice %select_n3A_576 {offsets = [0, 2040], sizes = [8, 8], strides = [1, 1]} : vector<8x2048xi32> to vector<8x8xi32>
    %slice3A_602 = vector.extract_strided_slice %select_n3A_576 {offsets = [0, 0], sizes = [8, 2040], strides = [1, 1]} : vector<8x2048xi32> to vector<8x2040xi32>
    %concatenate3A_603 = tpu.concatenate %slice3A_601, %slice3A_602 in 1 : vector<8x8xi32>, vector<8x2040xi32> -> vector<8x2048xi32>
    %select_n3A_604 = arith.select %eq3A_597, %concatenate3A_600, %concatenate3A_603 : vector<8x2048xi1>, vector<8x2048xi32>
    %and3A_605 = arith.constant 32 : i32
    %and3A_606 = vector.broadcast %and3A_605 : i32 to vector<8x2048xi32>
    %and3A_607 = arith.andi %iota3A, %and3A_606 : vector<8x2048xi32>
    %eq3A_608 = arith.constant 0 : i32
    %eq3A_609 = vector.broadcast %eq3A_608 : i32 to vector<8x2048xi32>
    %eq3A_610 = arith.cmpi eq, %and3A_607, %eq3A_609 : vector<8x2048xi32>
    %and3A_611 = arith.constant 8 : i32
    %and3A_612 = vector.broadcast %and3A_611 : i32 to vector<8x2048xi32>
    %and3A_613 = arith.andi %iota3A, %and3A_612 : vector<8x2048xi32>
    %eq3A_614 = arith.constant 0 : i32
    %eq3A_615 = vector.broadcast %eq3A_614 : i32 to vector<8x2048xi32>
    %eq3A_616 = arith.cmpi eq, %and3A_613, %eq3A_615 : vector<8x2048xi32>
    %gt3A_617 = arith.cmpf ogt, %select_n3A_575, %select_n3A_590 : vector<8x2048xf32>
    %eq3A_618 = arith.cmpf oeq, %select_n3A_575, %select_n3A_590 : vector<8x2048xf32>
    %lt3A_619 = arith.cmpi slt, %select_n3A_576, %select_n3A_604 : vector<8x2048xi32>
    %and3A_620 = arith.andi %eq3A_618, %lt3A_619 : vector<8x2048xi1>
    %or3A_621 = arith.ori %gt3A_617, %and3A_620 : vector<8x2048xi1>
    %eq3A_622 = arith.xori %eq3A_616, %or3A_621 : vector<8x2048xi1>
    %eq3A_623 = arith.constant dense<true> : vector<8x2048xi1>
    %eq3A_624 = arith.xori %eq3A_622, %eq3A_623 : vector<8x2048xi1>
    %eq3A_625 = arith.xori %eq3A_610, %eq3A_624 : vector<8x2048xi1>
    %eq3A_626 = arith.constant dense<true> : vector<8x2048xi1>
    %eq3A_627 = arith.xori %eq3A_625, %eq3A_626 : vector<8x2048xi1>
    %select_n3A_628 = arith.select %eq3A_627, %select_n3A_575, %select_n3A_590 : vector<8x2048xi1>, vector<8x2048xf32>
    %select_n3A_629 = arith.select %eq3A_627, %select_n3A_576, %select_n3A_604 : vector<8x2048xi1>, vector<8x2048xi32>
    %iota3A_630 = tpu.iota {dimensions = array<i32: 1>} : vector<8x2048xi32>
    %and3A_631 = arith.constant 4 : i32
    %and3A_632 = vector.broadcast %and3A_631 : i32 to vector<8x2048xi32>
    %and3A_633 = arith.andi %iota3A_630, %and3A_632 : vector<8x2048xi32>
    %eq3A_634 = arith.constant 0 : i32
    %eq3A_635 = vector.broadcast %eq3A_634 : i32 to vector<8x2048xi32>
    %eq3A_636 = arith.cmpi eq, %and3A_633, %eq3A_635 : vector<8x2048xi32>
    %slice3A_637 = vector.extract_strided_slice %select_n3A_628 {offsets = [0, 4], sizes = [8, 2044], strides = [1, 1]} : vector<8x2048xf32> to vector<8x2044xf32>
    %slice3A_638 = vector.extract_strided_slice %select_n3A_628 {offsets = [0, 0], sizes = [8, 4], strides = [1, 1]} : vector<8x2048xf32> to vector<8x4xf32>
    %concatenate3A_639 = tpu.concatenate %slice3A_637, %slice3A_638 in 1 : vector<8x2044xf32>, vector<8x4xf32> -> vector<8x2048xf32>
    %slice3A_640 = vector.extract_strided_slice %select_n3A_628 {offsets = [0, 2044], sizes = [8, 4], strides = [1, 1]} : vector<8x2048xf32> to vector<8x4xf32>
    %slice3A_641 = vector.extract_strided_slice %select_n3A_628 {offsets = [0, 0], sizes = [8, 2044], strides = [1, 1]} : vector<8x2048xf32> to vector<8x2044xf32>
    %concatenate3A_642 = tpu.concatenate %slice3A_640, %slice3A_641 in 1 : vector<8x4xf32>, vector<8x2044xf32> -> vector<8x2048xf32>
    %select_n3A_643 = arith.select %eq3A_636, %concatenate3A_639, %concatenate3A_642 : vector<8x2048xi1>, vector<8x2048xf32>
    %iota3A_644 = tpu.iota {dimensions = array<i32: 1>} : vector<8x2048xi32>
    %and3A_645 = arith.constant 4 : i32
    %and3A_646 = vector.broadcast %and3A_645 : i32 to vector<8x2048xi32>
    %and3A_647 = arith.andi %iota3A_644, %and3A_646 : vector<8x2048xi32>
    %eq3A_648 = arith.constant 0 : i32
    %eq3A_649 = vector.broadcast %eq3A_648 : i32 to vector<8x2048xi32>
    %eq3A_650 = arith.cmpi eq, %and3A_647, %eq3A_649 : vector<8x2048xi32>
    %slice3A_651 = vector.extract_strided_slice %select_n3A_629 {offsets = [0, 4], sizes = [8, 2044], strides = [1, 1]} : vector<8x2048xi32> to vector<8x2044xi32>
    %slice3A_652 = vector.extract_strided_slice %select_n3A_629 {offsets = [0, 0], sizes = [8, 4], strides = [1, 1]} : vector<8x2048xi32> to vector<8x4xi32>
    %concatenate3A_653 = tpu.concatenate %slice3A_651, %slice3A_652 in 1 : vector<8x2044xi32>, vector<8x4xi32> -> vector<8x2048xi32>
    %slice3A_654 = vector.extract_strided_slice %select_n3A_629 {offsets = [0, 2044], sizes = [8, 4], strides = [1, 1]} : vector<8x2048xi32> to vector<8x4xi32>
    %slice3A_655 = vector.extract_strided_slice %select_n3A_629 {offsets = [0, 0], sizes = [8, 2044], strides = [1, 1]} : vector<8x2048xi32> to vector<8x2044xi32>
    %concatenate3A_656 = tpu.concatenate %slice3A_654, %slice3A_655 in 1 : vector<8x4xi32>, vector<8x2044xi32> -> vector<8x2048xi32>
    %select_n3A_657 = arith.select %eq3A_650, %concatenate3A_653, %concatenate3A_656 : vector<8x2048xi1>, vector<8x2048xi32>
    %and3A_658 = arith.constant 32 : i32
    %and3A_659 = vector.broadcast %and3A_658 : i32 to vector<8x2048xi32>
    %and3A_660 = arith.andi %iota3A, %and3A_659 : vector<8x2048xi32>
    %eq3A_661 = arith.constant 0 : i32
    %eq3A_662 = vector.broadcast %eq3A_661 : i32 to vector<8x2048xi32>
    %eq3A_663 = arith.cmpi eq, %and3A_660, %eq3A_662 : vector<8x2048xi32>
    %and3A_664 = arith.constant 4 : i32
    %and3A_665 = vector.broadcast %and3A_664 : i32 to vector<8x2048xi32>
    %and3A_666 = arith.andi %iota3A, %and3A_665 : vector<8x2048xi32>
    %eq3A_667 = arith.constant 0 : i32
    %eq3A_668 = vector.broadcast %eq3A_667 : i32 to vector<8x2048xi32>
    %eq3A_669 = arith.cmpi eq, %and3A_666, %eq3A_668 : vector<8x2048xi32>
    %gt3A_670 = arith.cmpf ogt, %select_n3A_628, %select_n3A_643 : vector<8x2048xf32>
    %eq3A_671 = arith.cmpf oeq, %select_n3A_628, %select_n3A_643 : vector<8x2048xf32>
    %lt3A_672 = arith.cmpi slt, %select_n3A_629, %select_n3A_657 : vector<8x2048xi32>
    %and3A_673 = arith.andi %eq3A_671, %lt3A_672 : vector<8x2048xi1>
    %or3A_674 = arith.ori %gt3A_670, %and3A_673 : vector<8x2048xi1>
    %eq3A_675 = arith.xori %eq3A_669, %or3A_674 : vector<8x2048xi1>
    %eq3A_676 = arith.constant dense<true> : vector<8x2048xi1>
    %eq3A_677 = arith.xori %eq3A_675, %eq3A_676 : vector<8x2048xi1>
    %eq3A_678 = arith.xori %eq3A_663, %eq3A_677 : vector<8x2048xi1>
    %eq3A_679 = arith.constant dense<true> : vector<8x2048xi1>
    %eq3A_680 = arith.xori %eq3A_678, %eq3A_679 : vector<8x2048xi1>
    %select_n3A_681 = arith.select %eq3A_680, %select_n3A_628, %select_n3A_643 : vector<8x2048xi1>, vector<8x2048xf32>
    %select_n3A_682 = arith.select %eq3A_680, %select_n3A_629, %select_n3A_657 : vector<8x2048xi1>, vector<8x2048xi32>
    %iota3A_683 = tpu.iota {dimensions = array<i32: 1>} : vector<8x2048xi32>
    %and3A_684 = arith.constant 2 : i32
    %and3A_685 = vector.broadcast %and3A_684 : i32 to vector<8x2048xi32>
    %and3A_686 = arith.andi %iota3A_683, %and3A_685 : vector<8x2048xi32>
    %eq3A_687 = arith.constant 0 : i32
    %eq3A_688 = vector.broadcast %eq3A_687 : i32 to vector<8x2048xi32>
    %eq3A_689 = arith.cmpi eq, %and3A_686, %eq3A_688 : vector<8x2048xi32>
    %slice3A_690 = vector.extract_strided_slice %select_n3A_681 {offsets = [0, 2], sizes = [8, 2046], strides = [1, 1]} : vector<8x2048xf32> to vector<8x2046xf32>
    %slice3A_691 = vector.extract_strided_slice %select_n3A_681 {offsets = [0, 0], sizes = [8, 2], strides = [1, 1]} : vector<8x2048xf32> to vector<8x2xf32>
    %concatenate3A_692 = tpu.concatenate %slice3A_690, %slice3A_691 in 1 : vector<8x2046xf32>, vector<8x2xf32> -> vector<8x2048xf32>
    %slice3A_693 = vector.extract_strided_slice %select_n3A_681 {offsets = [0, 2046], sizes = [8, 2], strides = [1, 1]} : vector<8x2048xf32> to vector<8x2xf32>
    %slice3A_694 = vector.extract_strided_slice %select_n3A_681 {offsets = [0, 0], sizes = [8, 2046], strides = [1, 1]} : vector<8x2048xf32> to vector<8x2046xf32>
    %concatenate3A_695 = tpu.concatenate %slice3A_693, %slice3A_694 in 1 : vector<8x2xf32>, vector<8x2046xf32> -> vector<8x2048xf32>
    %select_n3A_696 = arith.select %eq3A_689, %concatenate3A_692, %concatenate3A_695 : vector<8x2048xi1>, vector<8x2048xf32>
    %iota3A_697 = tpu.iota {dimensions = array<i32: 1>} : vector<8x2048xi32>
    %and3A_698 = arith.constant 2 : i32
    %and3A_699 = vector.broadcast %and3A_698 : i32 to vector<8x2048xi32>
    %and3A_700 = arith.andi %iota3A_697, %and3A_699 : vector<8x2048xi32>
    %eq3A_701 = arith.constant 0 : i32
    %eq3A_702 = vector.broadcast %eq3A_701 : i32 to vector<8x2048xi32>
    %eq3A_703 = arith.cmpi eq, %and3A_700, %eq3A_702 : vector<8x2048xi32>
    %slice3A_704 = vector.extract_strided_slice %select_n3A_682 {offsets = [0, 2], sizes = [8, 2046], strides = [1, 1]} : vector<8x2048xi32> to vector<8x2046xi32>
    %slice3A_705 = vector.extract_strided_slice %select_n3A_682 {offsets = [0, 0], sizes = [8, 2], strides = [1, 1]} : vector<8x2048xi32> to vector<8x2xi32>
    %concatenate3A_706 = tpu.concatenate %slice3A_704, %slice3A_705 in 1 : vector<8x2046xi32>, vector<8x2xi32> -> vector<8x2048xi32>
    %slice3A_707 = vector.extract_strided_slice %select_n3A_682 {offsets = [0, 2046], sizes = [8, 2], strides = [1, 1]} : vector<8x2048xi32> to vector<8x2xi32>
    %slice3A_708 = vector.extract_strided_slice %select_n3A_682 {offsets = [0, 0], sizes = [8, 2046], strides = [1, 1]} : vector<8x2048xi32> to vector<8x2046xi32>
    %concatenate3A_709 = tpu.concatenate %slice3A_707, %slice3A_708 in 1 : vector<8x2xi32>, vector<8x2046xi32> -> vector<8x2048xi32>
    %select_n3A_710 = arith.select %eq3A_703, %concatenate3A_706, %concatenate3A_709 : vector<8x2048xi1>, vector<8x2048xi32>
    %and3A_711 = arith.constant 32 : i32
    %and3A_712 = vector.broadcast %and3A_711 : i32 to vector<8x2048xi32>
    %and3A_713 = arith.andi %iota3A, %and3A_712 : vector<8x2048xi32>
    %eq3A_714 = arith.constant 0 : i32
    %eq3A_715 = vector.broadcast %eq3A_714 : i32 to vector<8x2048xi32>
    %eq3A_716 = arith.cmpi eq, %and3A_713, %eq3A_715 : vector<8x2048xi32>
    %and3A_717 = arith.constant 2 : i32
    %and3A_718 = vector.broadcast %and3A_717 : i32 to vector<8x2048xi32>
    %and3A_719 = arith.andi %iota3A, %and3A_718 : vector<8x2048xi32>
    %eq3A_720 = arith.constant 0 : i32
    %eq3A_721 = vector.broadcast %eq3A_720 : i32 to vector<8x2048xi32>
    %eq3A_722 = arith.cmpi eq, %and3A_719, %eq3A_721 : vector<8x2048xi32>
    %gt3A_723 = arith.cmpf ogt, %select_n3A_681, %select_n3A_696 : vector<8x2048xf32>
    %eq3A_724 = arith.cmpf oeq, %select_n3A_681, %select_n3A_696 : vector<8x2048xf32>
    %lt3A_725 = arith.cmpi slt, %select_n3A_682, %select_n3A_710 : vector<8x2048xi32>
    %and3A_726 = arith.andi %eq3A_724, %lt3A_725 : vector<8x2048xi1>
    %or3A_727 = arith.ori %gt3A_723, %and3A_726 : vector<8x2048xi1>
    %eq3A_728 = arith.xori %eq3A_722, %or3A_727 : vector<8x2048xi1>
    %eq3A_729 = arith.constant dense<true> : vector<8x2048xi1>
    %eq3A_730 = arith.xori %eq3A_728, %eq3A_729 : vector<8x2048xi1>
    %eq3A_731 = arith.xori %eq3A_716, %eq3A_730 : vector<8x2048xi1>
    %eq3A_732 = arith.constant dense<true> : vector<8x2048xi1>
    %eq3A_733 = arith.xori %eq3A_731, %eq3A_732 : vector<8x2048xi1>
    %select_n3A_734 = arith.select %eq3A_733, %select_n3A_681, %select_n3A_696 : vector<8x2048xi1>, vector<8x2048xf32>
    %select_n3A_735 = arith.select %eq3A_733, %select_n3A_682, %select_n3A_710 : vector<8x2048xi1>, vector<8x2048xi32>
    %iota3A_736 = tpu.iota {dimensions = array<i32: 1>} : vector<8x2048xi32>
    %and3A_737 = arith.constant 1 : i32
    %and3A_738 = vector.broadcast %and3A_737 : i32 to vector<8x2048xi32>
    %and3A_739 = arith.andi %iota3A_736, %and3A_738 : vector<8x2048xi32>
    %eq3A_740 = arith.constant 0 : i32
    %eq3A_741 = vector.broadcast %eq3A_740 : i32 to vector<8x2048xi32>
    %eq3A_742 = arith.cmpi eq, %and3A_739, %eq3A_741 : vector<8x2048xi32>
    %slice3A_743 = vector.extract_strided_slice %select_n3A_734 {offsets = [0, 1], sizes = [8, 2047], strides = [1, 1]} : vector<8x2048xf32> to vector<8x2047xf32>
    %slice3A_744 = vector.extract_strided_slice %select_n3A_734 {offsets = [0, 0], sizes = [8, 1], strides = [1, 1]} : vector<8x2048xf32> to vector<8x1xf32>
    %concatenate3A_745 = tpu.concatenate %slice3A_743, %slice3A_744 in 1 : vector<8x2047xf32>, vector<8x1xf32> -> vector<8x2048xf32>
    %slice3A_746 = vector.extract_strided_slice %select_n3A_734 {offsets = [0, 2047], sizes = [8, 1], strides = [1, 1]} : vector<8x2048xf32> to vector<8x1xf32>
    %slice3A_747 = vector.extract_strided_slice %select_n3A_734 {offsets = [0, 0], sizes = [8, 2047], strides = [1, 1]} : vector<8x2048xf32> to vector<8x2047xf32>
    %concatenate3A_748 = tpu.concatenate %slice3A_746, %slice3A_747 in 1 : vector<8x1xf32>, vector<8x2047xf32> -> vector<8x2048xf32>
    %select_n3A_749 = arith.select %eq3A_742, %concatenate3A_745, %concatenate3A_748 : vector<8x2048xi1>, vector<8x2048xf32>
    %iota3A_750 = tpu.iota {dimensions = array<i32: 1>} : vector<8x2048xi32>
    %and3A_751 = arith.constant 1 : i32
    %and3A_752 = vector.broadcast %and3A_751 : i32 to vector<8x2048xi32>
    %and3A_753 = arith.andi %iota3A_750, %and3A_752 : vector<8x2048xi32>
    %eq3A_754 = arith.constant 0 : i32
    %eq3A_755 = vector.broadcast %eq3A_754 : i32 to vector<8x2048xi32>
    %eq3A_756 = arith.cmpi eq, %and3A_753, %eq3A_755 : vector<8x2048xi32>
    %slice3A_757 = vector.extract_strided_slice %select_n3A_735 {offsets = [0, 1], sizes = [8, 2047], strides = [1, 1]} : vector<8x2048xi32> to vector<8x2047xi32>
    %slice3A_758 = vector.extract_strided_slice %select_n3A_735 {offsets = [0, 0], sizes = [8, 1], strides = [1, 1]} : vector<8x2048xi32> to vector<8x1xi32>
    %concatenate3A_759 = tpu.concatenate %slice3A_757, %slice3A_758 in 1 : vector<8x2047xi32>, vector<8x1xi32> -> vector<8x2048xi32>
    %slice3A_760 = vector.extract_strided_slice %select_n3A_735 {offsets = [0, 2047], sizes = [8, 1], strides = [1, 1]} : vector<8x2048xi32> to vector<8x1xi32>
    %slice3A_761 = vector.extract_strided_slice %select_n3A_735 {offsets = [0, 0], sizes = [8, 2047], strides = [1, 1]} : vector<8x2048xi32> to vector<8x2047xi32>
    %concatenate3A_762 = tpu.concatenate %slice3A_760, %slice3A_761 in 1 : vector<8x1xi32>, vector<8x2047xi32> -> vector<8x2048xi32>
    %select_n3A_763 = arith.select %eq3A_756, %concatenate3A_759, %concatenate3A_762 : vector<8x2048xi1>, vector<8x2048xi32>
    %and3A_764 = arith.constant 32 : i32
    %and3A_765 = vector.broadcast %and3A_764 : i32 to vector<8x2048xi32>
    %and3A_766 = arith.andi %iota3A, %and3A_765 : vector<8x2048xi32>
    %eq3A_767 = arith.constant 0 : i32
    %eq3A_768 = vector.broadcast %eq3A_767 : i32 to vector<8x2048xi32>
    %eq3A_769 = arith.cmpi eq, %and3A_766, %eq3A_768 : vector<8x2048xi32>
    %and3A_770 = arith.constant 1 : i32
    %and3A_771 = vector.broadcast %and3A_770 : i32 to vector<8x2048xi32>
    %and3A_772 = arith.andi %iota3A, %and3A_771 : vector<8x2048xi32>
    %eq3A_773 = arith.constant 0 : i32
    %eq3A_774 = vector.broadcast %eq3A_773 : i32 to vector<8x2048xi32>
    %eq3A_775 = arith.cmpi eq, %and3A_772, %eq3A_774 : vector<8x2048xi32>
    %gt3A_776 = arith.cmpf ogt, %select_n3A_734, %select_n3A_749 : vector<8x2048xf32>
    %eq3A_777 = arith.cmpf oeq, %select_n3A_734, %select_n3A_749 : vector<8x2048xf32>
    %lt3A_778 = arith.cmpi slt, %select_n3A_735, %select_n3A_763 : vector<8x2048xi32>
    %and3A_779 = arith.andi %eq3A_777, %lt3A_778 : vector<8x2048xi1>
    %or3A_780 = arith.ori %gt3A_776, %and3A_779 : vector<8x2048xi1>
    %eq3A_781 = arith.xori %eq3A_775, %or3A_780 : vector<8x2048xi1>
    %eq3A_782 = arith.constant dense<true> : vector<8x2048xi1>
    %eq3A_783 = arith.xori %eq3A_781, %eq3A_782 : vector<8x2048xi1>
    %eq3A_784 = arith.xori %eq3A_769, %eq3A_783 : vector<8x2048xi1>
    %eq3A_785 = arith.constant dense<true> : vector<8x2048xi1>
    %eq3A_786 = arith.xori %eq3A_784, %eq3A_785 : vector<8x2048xi1>
    %select_n3A_787 = arith.select %eq3A_786, %select_n3A_734, %select_n3A_749 : vector<8x2048xi1>, vector<8x2048xf32>
    %select_n3A_788 = arith.select %eq3A_786, %select_n3A_735, %select_n3A_763 : vector<8x2048xi1>, vector<8x2048xi32>
    %iota3A_789 = tpu.iota {dimensions = array<i32: 1>} : vector<8x2048xi32>
    %and3A_790 = arith.constant 32 : i32
    %and3A_791 = vector.broadcast %and3A_790 : i32 to vector<8x2048xi32>
    %and3A_792 = arith.andi %iota3A_789, %and3A_791 : vector<8x2048xi32>
    %eq3A_793 = arith.constant 0 : i32
    %eq3A_794 = vector.broadcast %eq3A_793 : i32 to vector<8x2048xi32>
    %eq3A_795 = arith.cmpi eq, %and3A_792, %eq3A_794 : vector<8x2048xi32>
    %slice3A_796 = vector.extract_strided_slice %select_n3A_787 {offsets = [0, 32], sizes = [8, 2016], strides = [1, 1]} : vector<8x2048xf32> to vector<8x2016xf32>
    %slice3A_797 = vector.extract_strided_slice %select_n3A_787 {offsets = [0, 0], sizes = [8, 32], strides = [1, 1]} : vector<8x2048xf32> to vector<8x32xf32>
    %concatenate3A_798 = tpu.concatenate %slice3A_796, %slice3A_797 in 1 : vector<8x2016xf32>, vector<8x32xf32> -> vector<8x2048xf32>
    %slice3A_799 = vector.extract_strided_slice %select_n3A_787 {offsets = [0, 2016], sizes = [8, 32], strides = [1, 1]} : vector<8x2048xf32> to vector<8x32xf32>
    %slice3A_800 = vector.extract_strided_slice %select_n3A_787 {offsets = [0, 0], sizes = [8, 2016], strides = [1, 1]} : vector<8x2048xf32> to vector<8x2016xf32>
    %concatenate3A_801 = tpu.concatenate %slice3A_799, %slice3A_800 in 1 : vector<8x32xf32>, vector<8x2016xf32> -> vector<8x2048xf32>
    %select_n3A_802 = arith.select %eq3A_795, %concatenate3A_798, %concatenate3A_801 : vector<8x2048xi1>, vector<8x2048xf32>
    %iota3A_803 = tpu.iota {dimensions = array<i32: 1>} : vector<8x2048xi32>
    %and3A_804 = arith.constant 32 : i32
    %and3A_805 = vector.broadcast %and3A_804 : i32 to vector<8x2048xi32>
    %and3A_806 = arith.andi %iota3A_803, %and3A_805 : vector<8x2048xi32>
    %eq3A_807 = arith.constant 0 : i32
    %eq3A_808 = vector.broadcast %eq3A_807 : i32 to vector<8x2048xi32>
    %eq3A_809 = arith.cmpi eq, %and3A_806, %eq3A_808 : vector<8x2048xi32>
    %slice3A_810 = vector.extract_strided_slice %select_n3A_788 {offsets = [0, 32], sizes = [8, 2016], strides = [1, 1]} : vector<8x2048xi32> to vector<8x2016xi32>
    %slice3A_811 = vector.extract_strided_slice %select_n3A_788 {offsets = [0, 0], sizes = [8, 32], strides = [1, 1]} : vector<8x2048xi32> to vector<8x32xi32>
    %concatenate3A_812 = tpu.concatenate %slice3A_810, %slice3A_811 in 1 : vector<8x2016xi32>, vector<8x32xi32> -> vector<8x2048xi32>
    %slice3A_813 = vector.extract_strided_slice %select_n3A_788 {offsets = [0, 2016], sizes = [8, 32], strides = [1, 1]} : vector<8x2048xi32> to vector<8x32xi32>
    %slice3A_814 = vector.extract_strided_slice %select_n3A_788 {offsets = [0, 0], sizes = [8, 2016], strides = [1, 1]} : vector<8x2048xi32> to vector<8x2016xi32>
    %concatenate3A_815 = tpu.concatenate %slice3A_813, %slice3A_814 in 1 : vector<8x32xi32>, vector<8x2016xi32> -> vector<8x2048xi32>
    %select_n3A_816 = arith.select %eq3A_809, %concatenate3A_812, %concatenate3A_815 : vector<8x2048xi1>, vector<8x2048xi32>
    %and3A_817 = arith.constant 64 : i32
    %and3A_818 = vector.broadcast %and3A_817 : i32 to vector<8x2048xi32>
    %and3A_819 = arith.andi %iota3A, %and3A_818 : vector<8x2048xi32>
    %eq3A_820 = arith.constant 0 : i32
    %eq3A_821 = vector.broadcast %eq3A_820 : i32 to vector<8x2048xi32>
    %eq3A_822 = arith.cmpi eq, %and3A_819, %eq3A_821 : vector<8x2048xi32>
    %and3A_823 = arith.constant 32 : i32
    %and3A_824 = vector.broadcast %and3A_823 : i32 to vector<8x2048xi32>
    %and3A_825 = arith.andi %iota3A, %and3A_824 : vector<8x2048xi32>
    %eq3A_826 = arith.constant 0 : i32
    %eq3A_827 = vector.broadcast %eq3A_826 : i32 to vector<8x2048xi32>
    %eq3A_828 = arith.cmpi eq, %and3A_825, %eq3A_827 : vector<8x2048xi32>
    %gt3A_829 = arith.cmpf ogt, %select_n3A_787, %select_n3A_802 : vector<8x2048xf32>
    %eq3A_830 = arith.cmpf oeq, %select_n3A_787, %select_n3A_802 : vector<8x2048xf32>
    %lt3A_831 = arith.cmpi slt, %select_n3A_788, %select_n3A_816 : vector<8x2048xi32>
    %and3A_832 = arith.andi %eq3A_830, %lt3A_831 : vector<8x2048xi1>
    %or3A_833 = arith.ori %gt3A_829, %and3A_832 : vector<8x2048xi1>
    %eq3A_834 = arith.xori %eq3A_828, %or3A_833 : vector<8x2048xi1>
    %eq3A_835 = arith.constant dense<true> : vector<8x2048xi1>
    %eq3A_836 = arith.xori %eq3A_834, %eq3A_835 : vector<8x2048xi1>
    %eq3A_837 = arith.xori %eq3A_822, %eq3A_836 : vector<8x2048xi1>
    %eq3A_838 = arith.constant dense<true> : vector<8x2048xi1>
    %eq3A_839 = arith.xori %eq3A_837, %eq3A_838 : vector<8x2048xi1>
    %select_n3A_840 = arith.select %eq3A_839, %select_n3A_787, %select_n3A_802 : vector<8x2048xi1>, vector<8x2048xf32>
    %select_n3A_841 = arith.select %eq3A_839, %select_n3A_788, %select_n3A_816 : vector<8x2048xi1>, vector<8x2048xi32>
    %iota3A_842 = tpu.iota {dimensions = array<i32: 1>} : vector<8x2048xi32>
    %and3A_843 = arith.constant 16 : i32
    %and3A_844 = vector.broadcast %and3A_843 : i32 to vector<8x2048xi32>
    %and3A_845 = arith.andi %iota3A_842, %and3A_844 : vector<8x2048xi32>
    %eq3A_846 = arith.constant 0 : i32
    %eq3A_847 = vector.broadcast %eq3A_846 : i32 to vector<8x2048xi32>
    %eq3A_848 = arith.cmpi eq, %and3A_845, %eq3A_847 : vector<8x2048xi32>
    %slice3A_849 = vector.extract_strided_slice %select_n3A_840 {offsets = [0, 16], sizes = [8, 2032], strides = [1, 1]} : vector<8x2048xf32> to vector<8x2032xf32>
    %slice3A_850 = vector.extract_strided_slice %select_n3A_840 {offsets = [0, 0], sizes = [8, 16], strides = [1, 1]} : vector<8x2048xf32> to vector<8x16xf32>
    %concatenate3A_851 = tpu.concatenate %slice3A_849, %slice3A_850 in 1 : vector<8x2032xf32>, vector<8x16xf32> -> vector<8x2048xf32>
    %slice3A_852 = vector.extract_strided_slice %select_n3A_840 {offsets = [0, 2032], sizes = [8, 16], strides = [1, 1]} : vector<8x2048xf32> to vector<8x16xf32>
    %slice3A_853 = vector.extract_strided_slice %select_n3A_840 {offsets = [0, 0], sizes = [8, 2032], strides = [1, 1]} : vector<8x2048xf32> to vector<8x2032xf32>
    %concatenate3A_854 = tpu.concatenate %slice3A_852, %slice3A_853 in 1 : vector<8x16xf32>, vector<8x2032xf32> -> vector<8x2048xf32>
    %select_n3A_855 = arith.select %eq3A_848, %concatenate3A_851, %concatenate3A_854 : vector<8x2048xi1>, vector<8x2048xf32>
    %iota3A_856 = tpu.iota {dimensions = array<i32: 1>} : vector<8x2048xi32>
    %and3A_857 = arith.constant 16 : i32
    %and3A_858 = vector.broadcast %and3A_857 : i32 to vector<8x2048xi32>
    %and3A_859 = arith.andi %iota3A_856, %and3A_858 : vector<8x2048xi32>
    %eq3A_860 = arith.constant 0 : i32
    %eq3A_861 = vector.broadcast %eq3A_860 : i32 to vector<8x2048xi32>
    %eq3A_862 = arith.cmpi eq, %and3A_859, %eq3A_861 : vector<8x2048xi32>
    %slice3A_863 = vector.extract_strided_slice %select_n3A_841 {offsets = [0, 16], sizes = [8, 2032], strides = [1, 1]} : vector<8x2048xi32> to vector<8x2032xi32>
    %slice3A_864 = vector.extract_strided_slice %select_n3A_841 {offsets = [0, 0], sizes = [8, 16], strides = [1, 1]} : vector<8x2048xi32> to vector<8x16xi32>
    %concatenate3A_865 = tpu.concatenate %slice3A_863, %slice3A_864 in 1 : vector<8x2032xi32>, vector<8x16xi32> -> vector<8x2048xi32>
    %slice3A_866 = vector.extract_strided_slice %select_n3A_841 {offsets = [0, 2032], sizes = [8, 16], strides = [1, 1]} : vector<8x2048xi32> to vector<8x16xi32>
    %slice3A_867 = vector.extract_strided_slice %select_n3A_841 {offsets = [0, 0], sizes = [8, 2032], strides = [1, 1]} : vector<8x2048xi32> to vector<8x2032xi32>
    %concatenate3A_868 = tpu.concatenate %slice3A_866, %slice3A_867 in 1 : vector<8x16xi32>, vector<8x2032xi32> -> vector<8x2048xi32>
    %select_n3A_869 = arith.select %eq3A_862, %concatenate3A_865, %concatenate3A_868 : vector<8x2048xi1>, vector<8x2048xi32>
    %and3A_870 = arith.constant 64 : i32
    %and3A_871 = vector.broadcast %and3A_870 : i32 to vector<8x2048xi32>
    %and3A_872 = arith.andi %iota3A, %and3A_871 : vector<8x2048xi32>
    %eq3A_873 = arith.constant 0 : i32
    %eq3A_874 = vector.broadcast %eq3A_873 : i32 to vector<8x2048xi32>
    %eq3A_875 = arith.cmpi eq, %and3A_872, %eq3A_874 : vector<8x2048xi32>
    %and3A_876 = arith.constant 16 : i32
    %and3A_877 = vector.broadcast %and3A_876 : i32 to vector<8x2048xi32>
    %and3A_878 = arith.andi %iota3A, %and3A_877 : vector<8x2048xi32>
    %eq3A_879 = arith.constant 0 : i32
    %eq3A_880 = vector.broadcast %eq3A_879 : i32 to vector<8x2048xi32>
    %eq3A_881 = arith.cmpi eq, %and3A_878, %eq3A_880 : vector<8x2048xi32>
    %gt3A_882 = arith.cmpf ogt, %select_n3A_840, %select_n3A_855 : vector<8x2048xf32>
    %eq3A_883 = arith.cmpf oeq, %select_n3A_840, %select_n3A_855 : vector<8x2048xf32>
    %lt3A_884 = arith.cmpi slt, %select_n3A_841, %select_n3A_869 : vector<8x2048xi32>
    %and3A_885 = arith.andi %eq3A_883, %lt3A_884 : vector<8x2048xi1>
    %or3A_886 = arith.ori %gt3A_882, %and3A_885 : vector<8x2048xi1>
    %eq3A_887 = arith.xori %eq3A_881, %or3A_886 : vector<8x2048xi1>
    %eq3A_888 = arith.constant dense<true> : vector<8x2048xi1>
    %eq3A_889 = arith.xori %eq3A_887, %eq3A_888 : vector<8x2048xi1>
    %eq3A_890 = arith.xori %eq3A_875, %eq3A_889 : vector<8x2048xi1>
    %eq3A_891 = arith.constant dense<true> : vector<8x2048xi1>
    %eq3A_892 = arith.xori %eq3A_890, %eq3A_891 : vector<8x2048xi1>
    %select_n3A_893 = arith.select %eq3A_892, %select_n3A_840, %select_n3A_855 : vector<8x2048xi1>, vector<8x2048xf32>
    %select_n3A_894 = arith.select %eq3A_892, %select_n3A_841, %select_n3A_869 : vector<8x2048xi1>, vector<8x2048xi32>
    %iota3A_895 = tpu.iota {dimensions = array<i32: 1>} : vector<8x2048xi32>
    %and3A_896 = arith.constant 8 : i32
    %and3A_897 = vector.broadcast %and3A_896 : i32 to vector<8x2048xi32>
    %and3A_898 = arith.andi %iota3A_895, %and3A_897 : vector<8x2048xi32>
    %eq3A_899 = arith.constant 0 : i32
    %eq3A_900 = vector.broadcast %eq3A_899 : i32 to vector<8x2048xi32>
    %eq3A_901 = arith.cmpi eq, %and3A_898, %eq3A_900 : vector<8x2048xi32>
    %slice3A_902 = vector.extract_strided_slice %select_n3A_893 {offsets = [0, 8], sizes = [8, 2040], strides = [1, 1]} : vector<8x2048xf32> to vector<8x2040xf32>
    %slice3A_903 = vector.extract_strided_slice %select_n3A_893 {offsets = [0, 0], sizes = [8, 8], strides = [1, 1]} : vector<8x2048xf32> to vector<8x8xf32>
    %concatenate3A_904 = tpu.concatenate %slice3A_902, %slice3A_903 in 1 : vector<8x2040xf32>, vector<8x8xf32> -> vector<8x2048xf32>
    %slice3A_905 = vector.extract_strided_slice %select_n3A_893 {offsets = [0, 2040], sizes = [8, 8], strides = [1, 1]} : vector<8x2048xf32> to vector<8x8xf32>
    %slice3A_906 = vector.extract_strided_slice %select_n3A_893 {offsets = [0, 0], sizes = [8, 2040], strides = [1, 1]} : vector<8x2048xf32> to vector<8x2040xf32>
    %concatenate3A_907 = tpu.concatenate %slice3A_905, %slice3A_906 in 1 : vector<8x8xf32>, vector<8x2040xf32> -> vector<8x2048xf32>
    %select_n3A_908 = arith.select %eq3A_901, %concatenate3A_904, %concatenate3A_907 : vector<8x2048xi1>, vector<8x2048xf32>
    %iota3A_909 = tpu.iota {dimensions = array<i32: 1>} : vector<8x2048xi32>
    %and3A_910 = arith.constant 8 : i32
    %and3A_911 = vector.broadcast %and3A_910 : i32 to vector<8x2048xi32>
    %and3A_912 = arith.andi %iota3A_909, %and3A_911 : vector<8x2048xi32>
    %eq3A_913 = arith.constant 0 : i32
    %eq3A_914 = vector.broadcast %eq3A_913 : i32 to vector<8x2048xi32>
    %eq3A_915 = arith.cmpi eq, %and3A_912, %eq3A_914 : vector<8x2048xi32>
    %slice3A_916 = vector.extract_strided_slice %select_n3A_894 {offsets = [0, 8], sizes = [8, 2040], strides = [1, 1]} : vector<8x2048xi32> to vector<8x2040xi32>
    %slice3A_917 = vector.extract_strided_slice %select_n3A_894 {offsets = [0, 0], sizes = [8, 8], strides = [1, 1]} : vector<8x2048xi32> to vector<8x8xi32>
    %concatenate3A_918 = tpu.concatenate %slice3A_916, %slice3A_917 in 1 : vector<8x2040xi32>, vector<8x8xi32> -> vector<8x2048xi32>
    %slice3A_919 = vector.extract_strided_slice %select_n3A_894 {offsets = [0, 2040], sizes = [8, 8], strides = [1, 1]} : vector<8x2048xi32> to vector<8x8xi32>
    %slice3A_920 = vector.extract_strided_slice %select_n3A_894 {offsets = [0, 0], sizes = [8, 2040], strides = [1, 1]} : vector<8x2048xi32> to vector<8x2040xi32>
    %concatenate3A_921 = tpu.concatenate %slice3A_919, %slice3A_920 in 1 : vector<8x8xi32>, vector<8x2040xi32> -> vector<8x2048xi32>
    %select_n3A_922 = arith.select %eq3A_915, %concatenate3A_918, %concatenate3A_921 : vector<8x2048xi1>, vector<8x2048xi32>
    %and3A_923 = arith.constant 64 : i32
    %and3A_924 = vector.broadcast %and3A_923 : i32 to vector<8x2048xi32>
    %and3A_925 = arith.andi %iota3A, %and3A_924 : vector<8x2048xi32>
    %eq3A_926 = arith.constant 0 : i32
    %eq3A_927 = vector.broadcast %eq3A_926 : i32 to vector<8x2048xi32>
    %eq3A_928 = arith.cmpi eq, %and3A_925, %eq3A_927 : vector<8x2048xi32>
    %and3A_929 = arith.constant 8 : i32
    %and3A_930 = vector.broadcast %and3A_929 : i32 to vector<8x2048xi32>
    %and3A_931 = arith.andi %iota3A, %and3A_930 : vector<8x2048xi32>
    %eq3A_932 = arith.constant 0 : i32
    %eq3A_933 = vector.broadcast %eq3A_932 : i32 to vector<8x2048xi32>
    %eq3A_934 = arith.cmpi eq, %and3A_931, %eq3A_933 : vector<8x2048xi32>
    %gt3A_935 = arith.cmpf ogt, %select_n3A_893, %select_n3A_908 : vector<8x2048xf32>
    %eq3A_936 = arith.cmpf oeq, %select_n3A_893, %select_n3A_908 : vector<8x2048xf32>
    %lt3A_937 = arith.cmpi slt, %select_n3A_894, %select_n3A_922 : vector<8x2048xi32>
    %and3A_938 = arith.andi %eq3A_936, %lt3A_937 : vector<8x2048xi1>
    %or3A_939 = arith.ori %gt3A_935, %and3A_938 : vector<8x2048xi1>
    %eq3A_940 = arith.xori %eq3A_934, %or3A_939 : vector<8x2048xi1>
    %eq3A_941 = arith.constant dense<true> : vector<8x2048xi1>
    %eq3A_942 = arith.xori %eq3A_940, %eq3A_941 : vector<8x2048xi1>
    %eq3A_943 = arith.xori %eq3A_928, %eq3A_942 : vector<8x2048xi1>
    %eq3A_944 = arith.constant dense<true> : vector<8x2048xi1>
    %eq3A_945 = arith.xori %eq3A_943, %eq3A_944 : vector<8x2048xi1>
    %select_n3A_946 = arith.select %eq3A_945, %select_n3A_893, %select_n3A_908 : vector<8x2048xi1>, vector<8x2048xf32>
    %select_n3A_947 = arith.select %eq3A_945, %select_n3A_894, %select_n3A_922 : vector<8x2048xi1>, vector<8x2048xi32>
    %iota3A_948 = tpu.iota {dimensions = array<i32: 1>} : vector<8x2048xi32>
    %and3A_949 = arith.constant 4 : i32
    %and3A_950 = vector.broadcast %and3A_949 : i32 to vector<8x2048xi32>
    %and3A_951 = arith.andi %iota3A_948, %and3A_950 : vector<8x2048xi32>
    %eq3A_952 = arith.constant 0 : i32
    %eq3A_953 = vector.broadcast %eq3A_952 : i32 to vector<8x2048xi32>
    %eq3A_954 = arith.cmpi eq, %and3A_951, %eq3A_953 : vector<8x2048xi32>
    %slice3A_955 = vector.extract_strided_slice %select_n3A_946 {offsets = [0, 4], sizes = [8, 2044], strides = [1, 1]} : vector<8x2048xf32> to vector<8x2044xf32>
    %slice3A_956 = vector.extract_strided_slice %select_n3A_946 {offsets = [0, 0], sizes = [8, 4], strides = [1, 1]} : vector<8x2048xf32> to vector<8x4xf32>
    %concatenate3A_957 = tpu.concatenate %slice3A_955, %slice3A_956 in 1 : vector<8x2044xf32>, vector<8x4xf32> -> vector<8x2048xf32>
    %slice3A_958 = vector.extract_strided_slice %select_n3A_946 {offsets = [0, 2044], sizes = [8, 4], strides = [1, 1]} : vector<8x2048xf32> to vector<8x4xf32>
    %slice3A_959 = vector.extract_strided_slice %select_n3A_946 {offsets = [0, 0], sizes = [8, 2044], strides = [1, 1]} : vector<8x2048xf32> to vector<8x2044xf32>
    %concatenate3A_960 = tpu.concatenate %slice3A_958, %slice3A_959 in 1 : vector<8x4xf32>, vector<8x2044xf32> -> vector<8x2048xf32>
    %select_n3A_961 = arith.select %eq3A_954, %concatenate3A_957, %concatenate3A_960 : vector<8x2048xi1>, vector<8x2048xf32>
    %iota3A_962 = tpu.iota {dimensions = array<i32: 1>} : vector<8x2048xi32>
    %and3A_963 = arith.constant 4 : i32
    %and3A_964 = vector.broadcast %and3A_963 : i32 to vector<8x2048xi32>
    %and3A_965 = arith.andi %iota3A_962, %and3A_964 : vector<8x2048xi32>
    %eq3A_966 = arith.constant 0 : i32
    %eq3A_967 = vector.broadcast %eq3A_966 : i32 to vector<8x2048xi32>
    %eq3A_968 = arith.cmpi eq, %and3A_965, %eq3A_967 : vector<8x2048xi32>
    %slice3A_969 = vector.extract_strided_slice %select_n3A_947 {offsets = [0, 4], sizes = [8, 2044], strides = [1, 1]} : vector<8x2048xi32> to vector<8x2044xi32>
    %slice3A_970 = vector.extract_strided_slice %select_n3A_947 {offsets = [0, 0], sizes = [8, 4], strides = [1, 1]} : vector<8x2048xi32> to vector<8x4xi32>
    %concatenate3A_971 = tpu.concatenate %slice3A_969, %slice3A_970 in 1 : vector<8x2044xi32>, vector<8x4xi32> -> vector<8x2048xi32>
    %slice3A_972 = vector.extract_strided_slice %select_n3A_947 {offsets = [0, 2044], sizes = [8, 4], strides = [1, 1]} : vector<8x2048xi32> to vector<8x4xi32>
    %slice3A_973 = vector.extract_strided_slice %select_n3A_947 {offsets = [0, 0], sizes = [8, 2044], strides = [1, 1]} : vector<8x2048xi32> to vector<8x2044xi32>
    %concatenate3A_974 = tpu.concatenate %slice3A_972, %slice3A_973 in 1 : vector<8x4xi32>, vector<8x2044xi32> -> vector<8x2048xi32>
    %select_n3A_975 = arith.select %eq3A_968, %concatenate3A_971, %concatenate3A_974 : vector<8x2048xi1>, vector<8x2048xi32>
    %and3A_976 = arith.constant 64 : i32
    %and3A_977 = vector.broadcast %and3A_976 : i32 to vector<8x2048xi32>
    %and3A_978 = arith.andi %iota3A, %and3A_977 : vector<8x2048xi32>
    %eq3A_979 = arith.constant 0 : i32
    %eq3A_980 = vector.broadcast %eq3A_979 : i32 to vector<8x2048xi32>
    %eq3A_981 = arith.cmpi eq, %and3A_978, %eq3A_980 : vector<8x2048xi32>
    %and3A_982 = arith.constant 4 : i32
    %and3A_983 = vector.broadcast %and3A_982 : i32 to vector<8x2048xi32>
    %and3A_984 = arith.andi %iota3A, %and3A_983 : vector<8x2048xi32>
    %eq3A_985 = arith.constant 0 : i32
    %eq3A_986 = vector.broadcast %eq3A_985 : i32 to vector<8x2048xi32>
    %eq3A_987 = arith.cmpi eq, %and3A_984, %eq3A_986 : vector<8x2048xi32>
    %gt3A_988 = arith.cmpf ogt, %select_n3A_946, %select_n3A_961 : vector<8x2048xf32>
    %eq3A_989 = arith.cmpf oeq, %select_n3A_946, %select_n3A_961 : vector<8x2048xf32>
    %lt3A_990 = arith.cmpi slt, %select_n3A_947, %select_n3A_975 : vector<8x2048xi32>
    %and3A_991 = arith.andi %eq3A_989, %lt3A_990 : vector<8x2048xi1>
    %or3A_992 = arith.ori %gt3A_988, %and3A_991 : vector<8x2048xi1>
    %eq3A_993 = arith.xori %eq3A_987, %or3A_992 : vector<8x2048xi1>
    %eq3A_994 = arith.constant dense<true> : vector<8x2048xi1>
    %eq3A_995 = arith.xori %eq3A_993, %eq3A_994 : vector<8x2048xi1>
    %eq3A_996 = arith.xori %eq3A_981, %eq3A_995 : vector<8x2048xi1>
    %eq3A_997 = arith.constant dense<true> : vector<8x2048xi1>
    %eq3A_998 = arith.xori %eq3A_996, %eq3A_997 : vector<8x2048xi1>
    %select_n3A_999 = arith.select %eq3A_998, %select_n3A_946, %select_n3A_961 : vector<8x2048xi1>, vector<8x2048xf32>
    %select_n3A_1000 = arith.select %eq3A_998, %select_n3A_947, %select_n3A_975 : vector<8x2048xi1>, vector<8x2048xi32>
    %iota3A_1001 = tpu.iota {dimensions = array<i32: 1>} : vector<8x2048xi32>
    %and3A_1002 = arith.constant 2 : i32
    %and3A_1003 = vector.broadcast %and3A_1002 : i32 to vector<8x2048xi32>
    %and3A_1004 = arith.andi %iota3A_1001, %and3A_1003 : vector<8x2048xi32>
    %eq3A_1005 = arith.constant 0 : i32
    %eq3A_1006 = vector.broadcast %eq3A_1005 : i32 to vector<8x2048xi32>
    %eq3A_1007 = arith.cmpi eq, %and3A_1004, %eq3A_1006 : vector<8x2048xi32>
    %slice3A_1008 = vector.extract_strided_slice %select_n3A_999 {offsets = [0, 2], sizes = [8, 2046], strides = [1, 1]} : vector<8x2048xf32> to vector<8x2046xf32>
    %slice3A_1009 = vector.extract_strided_slice %select_n3A_999 {offsets = [0, 0], sizes = [8, 2], strides = [1, 1]} : vector<8x2048xf32> to vector<8x2xf32>
    %concatenate3A_1010 = tpu.concatenate %slice3A_1008, %slice3A_1009 in 1 : vector<8x2046xf32>, vector<8x2xf32> -> vector<8x2048xf32>
    %slice3A_1011 = vector.extract_strided_slice %select_n3A_999 {offsets = [0, 2046], sizes = [8, 2], strides = [1, 1]} : vector<8x2048xf32> to vector<8x2xf32>
    %slice3A_1012 = vector.extract_strided_slice %select_n3A_999 {offsets = [0, 0], sizes = [8, 2046], strides = [1, 1]} : vector<8x2048xf32> to vector<8x2046xf32>
    %concatenate3A_1013 = tpu.concatenate %slice3A_1011, %slice3A_1012 in 1 : vector<8x2xf32>, vector<8x2046xf32> -> vector<8x2048xf32>
    %select_n3A_1014 = arith.select %eq3A_1007, %concatenate3A_1010, %concatenate3A_1013 : vector<8x2048xi1>, vector<8x2048xf32>
    %iota3A_1015 = tpu.iota {dimensions = array<i32: 1>} : vector<8x2048xi32>
    %and3A_1016 = arith.constant 2 : i32
    %and3A_1017 = vector.broadcast %and3A_1016 : i32 to vector<8x2048xi32>
    %and3A_1018 = arith.andi %iota3A_1015, %and3A_1017 : vector<8x2048xi32>
    %eq3A_1019 = arith.constant 0 : i32
    %eq3A_1020 = vector.broadcast %eq3A_1019 : i32 to vector<8x2048xi32>
    %eq3A_1021 = arith.cmpi eq, %and3A_1018, %eq3A_1020 : vector<8x2048xi32>
    %slice3A_1022 = vector.extract_strided_slice %select_n3A_1000 {offsets = [0, 2], sizes = [8, 2046], strides = [1, 1]} : vector<8x2048xi32> to vector<8x2046xi32>
    %slice3A_1023 = vector.extract_strided_slice %select_n3A_1000 {offsets = [0, 0], sizes = [8, 2], strides = [1, 1]} : vector<8x2048xi32> to vector<8x2xi32>
    %concatenate3A_1024 = tpu.concatenate %slice3A_1022, %slice3A_1023 in 1 : vector<8x2046xi32>, vector<8x2xi32> -> vector<8x2048xi32>
    %slice3A_1025 = vector.extract_strided_slice %select_n3A_1000 {offsets = [0, 2046], sizes = [8, 2], strides = [1, 1]} : vector<8x2048xi32> to vector<8x2xi32>
    %slice3A_1026 = vector.extract_strided_slice %select_n3A_1000 {offsets = [0, 0], sizes = [8, 2046], strides = [1, 1]} : vector<8x2048xi32> to vector<8x2046xi32>
    %concatenate3A_1027 = tpu.concatenate %slice3A_1025, %slice3A_1026 in 1 : vector<8x2xi32>, vector<8x2046xi32> -> vector<8x2048xi32>
    %select_n3A_1028 = arith.select %eq3A_1021, %concatenate3A_1024, %concatenate3A_1027 : vector<8x2048xi1>, vector<8x2048xi32>
    %and3A_1029 = arith.constant 64 : i32
    %and3A_1030 = vector.broadcast %and3A_1029 : i32 to vector<8x2048xi32>
    %and3A_1031 = arith.andi %iota3A, %and3A_1030 : vector<8x2048xi32>
    %eq3A_1032 = arith.constant 0 : i32
    %eq3A_1033 = vector.broadcast %eq3A_1032 : i32 to vector<8x2048xi32>
    %eq3A_1034 = arith.cmpi eq, %and3A_1031, %eq3A_1033 : vector<8x2048xi32>
    %and3A_1035 = arith.constant 2 : i32
    %and3A_1036 = vector.broadcast %and3A_1035 : i32 to vector<8x2048xi32>
    %and3A_1037 = arith.andi %iota3A, %and3A_1036 : vector<8x2048xi32>
    %eq3A_1038 = arith.constant 0 : i32
    %eq3A_1039 = vector.broadcast %eq3A_1038 : i32 to vector<8x2048xi32>
    %eq3A_1040 = arith.cmpi eq, %and3A_1037, %eq3A_1039 : vector<8x2048xi32>
    %gt3A_1041 = arith.cmpf ogt, %select_n3A_999, %select_n3A_1014 : vector<8x2048xf32>
    %eq3A_1042 = arith.cmpf oeq, %select_n3A_999, %select_n3A_1014 : vector<8x2048xf32>
    %lt3A_1043 = arith.cmpi slt, %select_n3A_1000, %select_n3A_1028 : vector<8x2048xi32>
    %and3A_1044 = arith.andi %eq3A_1042, %lt3A_1043 : vector<8x2048xi1>
    %or3A_1045 = arith.ori %gt3A_1041, %and3A_1044 : vector<8x2048xi1>
    %eq3A_1046 = arith.xori %eq3A_1040, %or3A_1045 : vector<8x2048xi1>
    %eq3A_1047 = arith.constant dense<true> : vector<8x2048xi1>
    %eq3A_1048 = arith.xori %eq3A_1046, %eq3A_1047 : vector<8x2048xi1>
    %eq3A_1049 = arith.xori %eq3A_1034, %eq3A_1048 : vector<8x2048xi1>
    %eq3A_1050 = arith.constant dense<true> : vector<8x2048xi1>
    %eq3A_1051 = arith.xori %eq3A_1049, %eq3A_1050 : vector<8x2048xi1>
    %select_n3A_1052 = arith.select %eq3A_1051, %select_n3A_999, %select_n3A_1014 : vector<8x2048xi1>, vector<8x2048xf32>
    %select_n3A_1053 = arith.select %eq3A_1051, %select_n3A_1000, %select_n3A_1028 : vector<8x2048xi1>, vector<8x2048xi32>
    %iota3A_1054 = tpu.iota {dimensions = array<i32: 1>} : vector<8x2048xi32>
    %and3A_1055 = arith.constant 1 : i32
    %and3A_1056 = vector.broadcast %and3A_1055 : i32 to vector<8x2048xi32>
    %and3A_1057 = arith.andi %iota3A_1054, %and3A_1056 : vector<8x2048xi32>
    %eq3A_1058 = arith.constant 0 : i32
    %eq3A_1059 = vector.broadcast %eq3A_1058 : i32 to vector<8x2048xi32>
    %eq3A_1060 = arith.cmpi eq, %and3A_1057, %eq3A_1059 : vector<8x2048xi32>
    %slice3A_1061 = vector.extract_strided_slice %select_n3A_1052 {offsets = [0, 1], sizes = [8, 2047], strides = [1, 1]} : vector<8x2048xf32> to vector<8x2047xf32>
    %slice3A_1062 = vector.extract_strided_slice %select_n3A_1052 {offsets = [0, 0], sizes = [8, 1], strides = [1, 1]} : vector<8x2048xf32> to vector<8x1xf32>
    %concatenate3A_1063 = tpu.concatenate %slice3A_1061, %slice3A_1062 in 1 : vector<8x2047xf32>, vector<8x1xf32> -> vector<8x2048xf32>
    %slice3A_1064 = vector.extract_strided_slice %select_n3A_1052 {offsets = [0, 2047], sizes = [8, 1], strides = [1, 1]} : vector<8x2048xf32> to vector<8x1xf32>
    %slice3A_1065 = vector.extract_strided_slice %select_n3A_1052 {offsets = [0, 0], sizes = [8, 2047], strides = [1, 1]} : vector<8x2048xf32> to vector<8x2047xf32>
    %concatenate3A_1066 = tpu.concatenate %slice3A_1064, %slice3A_1065 in 1 : vector<8x1xf32>, vector<8x2047xf32> -> vector<8x2048xf32>
    %select_n3A_1067 = arith.select %eq3A_1060, %concatenate3A_1063, %concatenate3A_1066 : vector<8x2048xi1>, vector<8x2048xf32>
    %iota3A_1068 = tpu.iota {dimensions = array<i32: 1>} : vector<8x2048xi32>
    %and3A_1069 = arith.constant 1 : i32
    %and3A_1070 = vector.broadcast %and3A_1069 : i32 to vector<8x2048xi32>
    %and3A_1071 = arith.andi %iota3A_1068, %and3A_1070 : vector<8x2048xi32>
    %eq3A_1072 = arith.constant 0 : i32
    %eq3A_1073 = vector.broadcast %eq3A_1072 : i32 to vector<8x2048xi32>
    %eq3A_1074 = arith.cmpi eq, %and3A_1071, %eq3A_1073 : vector<8x2048xi32>
    %slice3A_1075 = vector.extract_strided_slice %select_n3A_1053 {offsets = [0, 1], sizes = [8, 2047], strides = [1, 1]} : vector<8x2048xi32> to vector<8x2047xi32>
    %slice3A_1076 = vector.extract_strided_slice %select_n3A_1053 {offsets = [0, 0], sizes = [8, 1], strides = [1, 1]} : vector<8x2048xi32> to vector<8x1xi32>
    %concatenate3A_1077 = tpu.concatenate %slice3A_1075, %slice3A_1076 in 1 : vector<8x2047xi32>, vector<8x1xi32> -> vector<8x2048xi32>
    %slice3A_1078 = vector.extract_strided_slice %select_n3A_1053 {offsets = [0, 2047], sizes = [8, 1], strides = [1, 1]} : vector<8x2048xi32> to vector<8x1xi32>
    %slice3A_1079 = vector.extract_strided_slice %select_n3A_1053 {offsets = [0, 0], sizes = [8, 2047], strides = [1, 1]} : vector<8x2048xi32> to vector<8x2047xi32>
    %concatenate3A_1080 = tpu.concatenate %slice3A_1078, %slice3A_1079 in 1 : vector<8x1xi32>, vector<8x2047xi32> -> vector<8x2048xi32>
    %select_n3A_1081 = arith.select %eq3A_1074, %concatenate3A_1077, %concatenate3A_1080 : vector<8x2048xi1>, vector<8x2048xi32>
    %and3A_1082 = arith.constant 64 : i32
    %and3A_1083 = vector.broadcast %and3A_1082 : i32 to vector<8x2048xi32>
    %and3A_1084 = arith.andi %iota3A, %and3A_1083 : vector<8x2048xi32>
    %eq3A_1085 = arith.constant 0 : i32
    %eq3A_1086 = vector.broadcast %eq3A_1085 : i32 to vector<8x2048xi32>
    %eq3A_1087 = arith.cmpi eq, %and3A_1084, %eq3A_1086 : vector<8x2048xi32>
    %and3A_1088 = arith.constant 1 : i32
    %and3A_1089 = vector.broadcast %and3A_1088 : i32 to vector<8x2048xi32>
    %and3A_1090 = arith.andi %iota3A, %and3A_1089 : vector<8x2048xi32>
    %eq3A_1091 = arith.constant 0 : i32
    %eq3A_1092 = vector.broadcast %eq3A_1091 : i32 to vector<8x2048xi32>
    %eq3A_1093 = arith.cmpi eq, %and3A_1090, %eq3A_1092 : vector<8x2048xi32>
    %gt3A_1094 = arith.cmpf ogt, %select_n3A_1052, %select_n3A_1067 : vector<8x2048xf32>
    %eq3A_1095 = arith.cmpf oeq, %select_n3A_1052, %select_n3A_1067 : vector<8x2048xf32>
    %lt3A_1096 = arith.cmpi slt, %select_n3A_1053, %select_n3A_1081 : vector<8x2048xi32>
    %and3A_1097 = arith.andi %eq3A_1095, %lt3A_1096 : vector<8x2048xi1>
    %or3A_1098 = arith.ori %gt3A_1094, %and3A_1097 : vector<8x2048xi1>
    %eq3A_1099 = arith.xori %eq3A_1093, %or3A_1098 : vector<8x2048xi1>
    %eq3A_1100 = arith.constant dense<true> : vector<8x2048xi1>
    %eq3A_1101 = arith.xori %eq3A_1099, %eq3A_1100 : vector<8x2048xi1>
    %eq3A_1102 = arith.xori %eq3A_1087, %eq3A_1101 : vector<8x2048xi1>
    %eq3A_1103 = arith.constant dense<true> : vector<8x2048xi1>
    %eq3A_1104 = arith.xori %eq3A_1102, %eq3A_1103 : vector<8x2048xi1>
    %select_n3A_1105 = arith.select %eq3A_1104, %select_n3A_1052, %select_n3A_1067 : vector<8x2048xi1>, vector<8x2048xf32>
    %select_n3A_1106 = arith.select %eq3A_1104, %select_n3A_1053, %select_n3A_1081 : vector<8x2048xi1>, vector<8x2048xi32>
    %iota3A_1107 = tpu.iota {dimensions = array<i32: 1>} : vector<8x2048xi32>
    %and3A_1108 = arith.constant 64 : i32
    %and3A_1109 = vector.broadcast %and3A_1108 : i32 to vector<8x2048xi32>
    %and3A_1110 = arith.andi %iota3A_1107, %and3A_1109 : vector<8x2048xi32>
    %eq3A_1111 = arith.constant 0 : i32
    %eq3A_1112 = vector.broadcast %eq3A_1111 : i32 to vector<8x2048xi32>
    %eq3A_1113 = arith.cmpi eq, %and3A_1110, %eq3A_1112 : vector<8x2048xi32>
    %slice3A_1114 = vector.extract_strided_slice %select_n3A_1105 {offsets = [0, 64], sizes = [8, 1984], strides = [1, 1]} : vector<8x2048xf32> to vector<8x1984xf32>
    %slice3A_1115 = vector.extract_strided_slice %select_n3A_1105 {offsets = [0, 0], sizes = [8, 64], strides = [1, 1]} : vector<8x2048xf32> to vector<8x64xf32>
    %concatenate3A_1116 = tpu.concatenate %slice3A_1114, %slice3A_1115 in 1 : vector<8x1984xf32>, vector<8x64xf32> -> vector<8x2048xf32>
    %slice3A_1117 = vector.extract_strided_slice %select_n3A_1105 {offsets = [0, 1984], sizes = [8, 64], strides = [1, 1]} : vector<8x2048xf32> to vector<8x64xf32>
    %slice3A_1118 = vector.extract_strided_slice %select_n3A_1105 {offsets = [0, 0], sizes = [8, 1984], strides = [1, 1]} : vector<8x2048xf32> to vector<8x1984xf32>
    %concatenate3A_1119 = tpu.concatenate %slice3A_1117, %slice3A_1118 in 1 : vector<8x64xf32>, vector<8x1984xf32> -> vector<8x2048xf32>
    %select_n3A_1120 = arith.select %eq3A_1113, %concatenate3A_1116, %concatenate3A_1119 : vector<8x2048xi1>, vector<8x2048xf32>
    %iota3A_1121 = tpu.iota {dimensions = array<i32: 1>} : vector<8x2048xi32>
    %and3A_1122 = arith.constant 64 : i32
    %and3A_1123 = vector.broadcast %and3A_1122 : i32 to vector<8x2048xi32>
    %and3A_1124 = arith.andi %iota3A_1121, %and3A_1123 : vector<8x2048xi32>
    %eq3A_1125 = arith.constant 0 : i32
    %eq3A_1126 = vector.broadcast %eq3A_1125 : i32 to vector<8x2048xi32>
    %eq3A_1127 = arith.cmpi eq, %and3A_1124, %eq3A_1126 : vector<8x2048xi32>
    %slice3A_1128 = vector.extract_strided_slice %select_n3A_1106 {offsets = [0, 64], sizes = [8, 1984], strides = [1, 1]} : vector<8x2048xi32> to vector<8x1984xi32>
    %slice3A_1129 = vector.extract_strided_slice %select_n3A_1106 {offsets = [0, 0], sizes = [8, 64], strides = [1, 1]} : vector<8x2048xi32> to vector<8x64xi32>
    %concatenate3A_1130 = tpu.concatenate %slice3A_1128, %slice3A_1129 in 1 : vector<8x1984xi32>, vector<8x64xi32> -> vector<8x2048xi32>
    %slice3A_1131 = vector.extract_strided_slice %select_n3A_1106 {offsets = [0, 1984], sizes = [8, 64], strides = [1, 1]} : vector<8x2048xi32> to vector<8x64xi32>
    %slice3A_1132 = vector.extract_strided_slice %select_n3A_1106 {offsets = [0, 0], sizes = [8, 1984], strides = [1, 1]} : vector<8x2048xi32> to vector<8x1984xi32>
    %concatenate3A_1133 = tpu.concatenate %slice3A_1131, %slice3A_1132 in 1 : vector<8x64xi32>, vector<8x1984xi32> -> vector<8x2048xi32>
    %select_n3A_1134 = arith.select %eq3A_1127, %concatenate3A_1130, %concatenate3A_1133 : vector<8x2048xi1>, vector<8x2048xi32>
    %and3A_1135 = arith.constant 128 : i32
    %and3A_1136 = vector.broadcast %and3A_1135 : i32 to vector<8x2048xi32>
    %and3A_1137 = arith.andi %iota3A, %and3A_1136 : vector<8x2048xi32>
    %eq3A_1138 = arith.constant 0 : i32
    %eq3A_1139 = vector.broadcast %eq3A_1138 : i32 to vector<8x2048xi32>
    %eq3A_1140 = arith.cmpi eq, %and3A_1137, %eq3A_1139 : vector<8x2048xi32>
    %and3A_1141 = arith.constant 64 : i32
    %and3A_1142 = vector.broadcast %and3A_1141 : i32 to vector<8x2048xi32>
    %and3A_1143 = arith.andi %iota3A, %and3A_1142 : vector<8x2048xi32>
    %eq3A_1144 = arith.constant 0 : i32
    %eq3A_1145 = vector.broadcast %eq3A_1144 : i32 to vector<8x2048xi32>
    %eq3A_1146 = arith.cmpi eq, %and3A_1143, %eq3A_1145 : vector<8x2048xi32>
    %gt3A_1147 = arith.cmpf ogt, %select_n3A_1105, %select_n3A_1120 : vector<8x2048xf32>
    %eq3A_1148 = arith.cmpf oeq, %select_n3A_1105, %select_n3A_1120 : vector<8x2048xf32>
    %lt3A_1149 = arith.cmpi slt, %select_n3A_1106, %select_n3A_1134 : vector<8x2048xi32>
    %and3A_1150 = arith.andi %eq3A_1148, %lt3A_1149 : vector<8x2048xi1>
    %or3A_1151 = arith.ori %gt3A_1147, %and3A_1150 : vector<8x2048xi1>
    %eq3A_1152 = arith.xori %eq3A_1146, %or3A_1151 : vector<8x2048xi1>
    %eq3A_1153 = arith.constant dense<true> : vector<8x2048xi1>
    %eq3A_1154 = arith.xori %eq3A_1152, %eq3A_1153 : vector<8x2048xi1>
    %eq3A_1155 = arith.xori %eq3A_1140, %eq3A_1154 : vector<8x2048xi1>
    %eq3A_1156 = arith.constant dense<true> : vector<8x2048xi1>
    %eq3A_1157 = arith.xori %eq3A_1155, %eq3A_1156 : vector<8x2048xi1>
    %select_n3A_1158 = arith.select %eq3A_1157, %select_n3A_1105, %select_n3A_1120 : vector<8x2048xi1>, vector<8x2048xf32>
    %select_n3A_1159 = arith.select %eq3A_1157, %select_n3A_1106, %select_n3A_1134 : vector<8x2048xi1>, vector<8x2048xi32>
    %iota3A_1160 = tpu.iota {dimensions = array<i32: 1>} : vector<8x2048xi32>
    %and3A_1161 = arith.constant 32 : i32
    %and3A_1162 = vector.broadcast %and3A_1161 : i32 to vector<8x2048xi32>
    %and3A_1163 = arith.andi %iota3A_1160, %and3A_1162 : vector<8x2048xi32>
    %eq3A_1164 = arith.constant 0 : i32
    %eq3A_1165 = vector.broadcast %eq3A_1164 : i32 to vector<8x2048xi32>
    %eq3A_1166 = arith.cmpi eq, %and3A_1163, %eq3A_1165 : vector<8x2048xi32>
    %slice3A_1167 = vector.extract_strided_slice %select_n3A_1158 {offsets = [0, 32], sizes = [8, 2016], strides = [1, 1]} : vector<8x2048xf32> to vector<8x2016xf32>
    %slice3A_1168 = vector.extract_strided_slice %select_n3A_1158 {offsets = [0, 0], sizes = [8, 32], strides = [1, 1]} : vector<8x2048xf32> to vector<8x32xf32>
    %concatenate3A_1169 = tpu.concatenate %slice3A_1167, %slice3A_1168 in 1 : vector<8x2016xf32>, vector<8x32xf32> -> vector<8x2048xf32>
    %slice3A_1170 = vector.extract_strided_slice %select_n3A_1158 {offsets = [0, 2016], sizes = [8, 32], strides = [1, 1]} : vector<8x2048xf32> to vector<8x32xf32>
    %slice3A_1171 = vector.extract_strided_slice %select_n3A_1158 {offsets = [0, 0], sizes = [8, 2016], strides = [1, 1]} : vector<8x2048xf32> to vector<8x2016xf32>
    %concatenate3A_1172 = tpu.concatenate %slice3A_1170, %slice3A_1171 in 1 : vector<8x32xf32>, vector<8x2016xf32> -> vector<8x2048xf32>
    %select_n3A_1173 = arith.select %eq3A_1166, %concatenate3A_1169, %concatenate3A_1172 : vector<8x2048xi1>, vector<8x2048xf32>
    %iota3A_1174 = tpu.iota {dimensions = array<i32: 1>} : vector<8x2048xi32>
    %and3A_1175 = arith.constant 32 : i32
    %and3A_1176 = vector.broadcast %and3A_1175 : i32 to vector<8x2048xi32>
    %and3A_1177 = arith.andi %iota3A_1174, %and3A_1176 : vector<8x2048xi32>
    %eq3A_1178 = arith.constant 0 : i32
    %eq3A_1179 = vector.broadcast %eq3A_1178 : i32 to vector<8x2048xi32>
    %eq3A_1180 = arith.cmpi eq, %and3A_1177, %eq3A_1179 : vector<8x2048xi32>
    %slice3A_1181 = vector.extract_strided_slice %select_n3A_1159 {offsets = [0, 32], sizes = [8, 2016], strides = [1, 1]} : vector<8x2048xi32> to vector<8x2016xi32>
    %slice3A_1182 = vector.extract_strided_slice %select_n3A_1159 {offsets = [0, 0], sizes = [8, 32], strides = [1, 1]} : vector<8x2048xi32> to vector<8x32xi32>
    %concatenate3A_1183 = tpu.concatenate %slice3A_1181, %slice3A_1182 in 1 : vector<8x2016xi32>, vector<8x32xi32> -> vector<8x2048xi32>
    %slice3A_1184 = vector.extract_strided_slice %select_n3A_1159 {offsets = [0, 2016], sizes = [8, 32], strides = [1, 1]} : vector<8x2048xi32> to vector<8x32xi32>
    %slice3A_1185 = vector.extract_strided_slice %select_n3A_1159 {offsets = [0, 0], sizes = [8, 2016], strides = [1, 1]} : vector<8x2048xi32> to vector<8x2016xi32>
    %concatenate3A_1186 = tpu.concatenate %slice3A_1184, %slice3A_1185 in 1 : vector<8x32xi32>, vector<8x2016xi32> -> vector<8x2048xi32>
    %select_n3A_1187 = arith.select %eq3A_1180, %concatenate3A_1183, %concatenate3A_1186 : vector<8x2048xi1>, vector<8x2048xi32>
    %and3A_1188 = arith.constant 128 : i32
    %and3A_1189 = vector.broadcast %and3A_1188 : i32 to vector<8x2048xi32>
    %and3A_1190 = arith.andi %iota3A, %and3A_1189 : vector<8x2048xi32>
    %eq3A_1191 = arith.constant 0 : i32
    %eq3A_1192 = vector.broadcast %eq3A_1191 : i32 to vector<8x2048xi32>
    %eq3A_1193 = arith.cmpi eq, %and3A_1190, %eq3A_1192 : vector<8x2048xi32>
    %and3A_1194 = arith.constant 32 : i32
    %and3A_1195 = vector.broadcast %and3A_1194 : i32 to vector<8x2048xi32>
    %and3A_1196 = arith.andi %iota3A, %and3A_1195 : vector<8x2048xi32>
    %eq3A_1197 = arith.constant 0 : i32
    %eq3A_1198 = vector.broadcast %eq3A_1197 : i32 to vector<8x2048xi32>
    %eq3A_1199 = arith.cmpi eq, %and3A_1196, %eq3A_1198 : vector<8x2048xi32>
    %gt3A_1200 = arith.cmpf ogt, %select_n3A_1158, %select_n3A_1173 : vector<8x2048xf32>
    %eq3A_1201 = arith.cmpf oeq, %select_n3A_1158, %select_n3A_1173 : vector<8x2048xf32>
    %lt3A_1202 = arith.cmpi slt, %select_n3A_1159, %select_n3A_1187 : vector<8x2048xi32>
    %and3A_1203 = arith.andi %eq3A_1201, %lt3A_1202 : vector<8x2048xi1>
    %or3A_1204 = arith.ori %gt3A_1200, %and3A_1203 : vector<8x2048xi1>
    %eq3A_1205 = arith.xori %eq3A_1199, %or3A_1204 : vector<8x2048xi1>
    %eq3A_1206 = arith.constant dense<true> : vector<8x2048xi1>
    %eq3A_1207 = arith.xori %eq3A_1205, %eq3A_1206 : vector<8x2048xi1>
    %eq3A_1208 = arith.xori %eq3A_1193, %eq3A_1207 : vector<8x2048xi1>
    %eq3A_1209 = arith.constant dense<true> : vector<8x2048xi1>
    %eq3A_1210 = arith.xori %eq3A_1208, %eq3A_1209 : vector<8x2048xi1>
    %select_n3A_1211 = arith.select %eq3A_1210, %select_n3A_1158, %select_n3A_1173 : vector<8x2048xi1>, vector<8x2048xf32>
    %select_n3A_1212 = arith.select %eq3A_1210, %select_n3A_1159, %select_n3A_1187 : vector<8x2048xi1>, vector<8x2048xi32>
    %iota3A_1213 = tpu.iota {dimensions = array<i32: 1>} : vector<8x2048xi32>
    %and3A_1214 = arith.constant 16 : i32
    %and3A_1215 = vector.broadcast %and3A_1214 : i32 to vector<8x2048xi32>
    %and3A_1216 = arith.andi %iota3A_1213, %and3A_1215 : vector<8x2048xi32>
    %eq3A_1217 = arith.constant 0 : i32
    %eq3A_1218 = vector.broadcast %eq3A_1217 : i32 to vector<8x2048xi32>
    %eq3A_1219 = arith.cmpi eq, %and3A_1216, %eq3A_1218 : vector<8x2048xi32>
    %slice3A_1220 = vector.extract_strided_slice %select_n3A_1211 {offsets = [0, 16], sizes = [8, 2032], strides = [1, 1]} : vector<8x2048xf32> to vector<8x2032xf32>
    %slice3A_1221 = vector.extract_strided_slice %select_n3A_1211 {offsets = [0, 0], sizes = [8, 16], strides = [1, 1]} : vector<8x2048xf32> to vector<8x16xf32>
    %concatenate3A_1222 = tpu.concatenate %slice3A_1220, %slice3A_1221 in 1 : vector<8x2032xf32>, vector<8x16xf32> -> vector<8x2048xf32>
    %slice3A_1223 = vector.extract_strided_slice %select_n3A_1211 {offsets = [0, 2032], sizes = [8, 16], strides = [1, 1]} : vector<8x2048xf32> to vector<8x16xf32>
    %slice3A_1224 = vector.extract_strided_slice %select_n3A_1211 {offsets = [0, 0], sizes = [8, 2032], strides = [1, 1]} : vector<8x2048xf32> to vector<8x2032xf32>
    %concatenate3A_1225 = tpu.concatenate %slice3A_1223, %slice3A_1224 in 1 : vector<8x16xf32>, vector<8x2032xf32> -> vector<8x2048xf32>
    %select_n3A_1226 = arith.select %eq3A_1219, %concatenate3A_1222, %concatenate3A_1225 : vector<8x2048xi1>, vector<8x2048xf32>
    %iota3A_1227 = tpu.iota {dimensions = array<i32: 1>} : vector<8x2048xi32>
    %and3A_1228 = arith.constant 16 : i32
    %and3A_1229 = vector.broadcast %and3A_1228 : i32 to vector<8x2048xi32>
    %and3A_1230 = arith.andi %iota3A_1227, %and3A_1229 : vector<8x2048xi32>
    %eq3A_1231 = arith.constant 0 : i32
    %eq3A_1232 = vector.broadcast %eq3A_1231 : i32 to vector<8x2048xi32>
    %eq3A_1233 = arith.cmpi eq, %and3A_1230, %eq3A_1232 : vector<8x2048xi32>
    %slice3A_1234 = vector.extract_strided_slice %select_n3A_1212 {offsets = [0, 16], sizes = [8, 2032], strides = [1, 1]} : vector<8x2048xi32> to vector<8x2032xi32>
    %slice3A_1235 = vector.extract_strided_slice %select_n3A_1212 {offsets = [0, 0], sizes = [8, 16], strides = [1, 1]} : vector<8x2048xi32> to vector<8x16xi32>
    %concatenate3A_1236 = tpu.concatenate %slice3A_1234, %slice3A_1235 in 1 : vector<8x2032xi32>, vector<8x16xi32> -> vector<8x2048xi32>
    %slice3A_1237 = vector.extract_strided_slice %select_n3A_1212 {offsets = [0, 2032], sizes = [8, 16], strides = [1, 1]} : vector<8x2048xi32> to vector<8x16xi32>
    %slice3A_1238 = vector.extract_strided_slice %select_n3A_1212 {offsets = [0, 0], sizes = [8, 2032], strides = [1, 1]} : vector<8x2048xi32> to vector<8x2032xi32>
    %concatenate3A_1239 = tpu.concatenate %slice3A_1237, %slice3A_1238 in 1 : vector<8x16xi32>, vector<8x2032xi32> -> vector<8x2048xi32>
    %select_n3A_1240 = arith.select %eq3A_1233, %concatenate3A_1236, %concatenate3A_1239 : vector<8x2048xi1>, vector<8x2048xi32>
    %and3A_1241 = arith.constant 128 : i32
    %and3A_1242 = vector.broadcast %and3A_1241 : i32 to vector<8x2048xi32>
    %and3A_1243 = arith.andi %iota3A, %and3A_1242 : vector<8x2048xi32>
    %eq3A_1244 = arith.constant 0 : i32
    %eq3A_1245 = vector.broadcast %eq3A_1244 : i32 to vector<8x2048xi32>
    %eq3A_1246 = arith.cmpi eq, %and3A_1243, %eq3A_1245 : vector<8x2048xi32>
    %and3A_1247 = arith.constant 16 : i32
    %and3A_1248 = vector.broadcast %and3A_1247 : i32 to vector<8x2048xi32>
    %and3A_1249 = arith.andi %iota3A, %and3A_1248 : vector<8x2048xi32>
    %eq3A_1250 = arith.constant 0 : i32
    %eq3A_1251 = vector.broadcast %eq3A_1250 : i32 to vector<8x2048xi32>
    %eq3A_1252 = arith.cmpi eq, %and3A_1249, %eq3A_1251 : vector<8x2048xi32>
    %gt3A_1253 = arith.cmpf ogt, %select_n3A_1211, %select_n3A_1226 : vector<8x2048xf32>
    %eq3A_1254 = arith.cmpf oeq, %select_n3A_1211, %select_n3A_1226 : vector<8x2048xf32>
    %lt3A_1255 = arith.cmpi slt, %select_n3A_1212, %select_n3A_1240 : vector<8x2048xi32>
    %and3A_1256 = arith.andi %eq3A_1254, %lt3A_1255 : vector<8x2048xi1>
    %or3A_1257 = arith.ori %gt3A_1253, %and3A_1256 : vector<8x2048xi1>
    %eq3A_1258 = arith.xori %eq3A_1252, %or3A_1257 : vector<8x2048xi1>
    %eq3A_1259 = arith.constant dense<true> : vector<8x2048xi1>
    %eq3A_1260 = arith.xori %eq3A_1258, %eq3A_1259 : vector<8x2048xi1>
    %eq3A_1261 = arith.xori %eq3A_1246, %eq3A_1260 : vector<8x2048xi1>
    %eq3A_1262 = arith.constant dense<true> : vector<8x2048xi1>
    %eq3A_1263 = arith.xori %eq3A_1261, %eq3A_1262 : vector<8x2048xi1>
    %select_n3A_1264 = arith.select %eq3A_1263, %select_n3A_1211, %select_n3A_1226 : vector<8x2048xi1>, vector<8x2048xf32>
    %select_n3A_1265 = arith.select %eq3A_1263, %select_n3A_1212, %select_n3A_1240 : vector<8x2048xi1>, vector<8x2048xi32>
    %iota3A_1266 = tpu.iota {dimensions = array<i32: 1>} : vector<8x2048xi32>
    %and3A_1267 = arith.constant 8 : i32
    %and3A_1268 = vector.broadcast %and3A_1267 : i32 to vector<8x2048xi32>
    %and3A_1269 = arith.andi %iota3A_1266, %and3A_1268 : vector<8x2048xi32>
    %eq3A_1270 = arith.constant 0 : i32
    %eq3A_1271 = vector.broadcast %eq3A_1270 : i32 to vector<8x2048xi32>
    %eq3A_1272 = arith.cmpi eq, %and3A_1269, %eq3A_1271 : vector<8x2048xi32>
    %slice3A_1273 = vector.extract_strided_slice %select_n3A_1264 {offsets = [0, 8], sizes = [8, 2040], strides = [1, 1]} : vector<8x2048xf32> to vector<8x2040xf32>
    %slice3A_1274 = vector.extract_strided_slice %select_n3A_1264 {offsets = [0, 0], sizes = [8, 8], strides = [1, 1]} : vector<8x2048xf32> to vector<8x8xf32>
    %concatenate3A_1275 = tpu.concatenate %slice3A_1273, %slice3A_1274 in 1 : vector<8x2040xf32>, vector<8x8xf32> -> vector<8x2048xf32>
    %slice3A_1276 = vector.extract_strided_slice %select_n3A_1264 {offsets = [0, 2040], sizes = [8, 8], strides = [1, 1]} : vector<8x2048xf32> to vector<8x8xf32>
    %slice3A_1277 = vector.extract_strided_slice %select_n3A_1264 {offsets = [0, 0], sizes = [8, 2040], strides = [1, 1]} : vector<8x2048xf32> to vector<8x2040xf32>
    %concatenate3A_1278 = tpu.concatenate %slice3A_1276, %slice3A_1277 in 1 : vector<8x8xf32>, vector<8x2040xf32> -> vector<8x2048xf32>
    %select_n3A_1279 = arith.select %eq3A_1272, %concatenate3A_1275, %concatenate3A_1278 : vector<8x2048xi1>, vector<8x2048xf32>
    %iota3A_1280 = tpu.iota {dimensions = array<i32: 1>} : vector<8x2048xi32>
    %and3A_1281 = arith.constant 8 : i32
    %and3A_1282 = vector.broadcast %and3A_1281 : i32 to vector<8x2048xi32>
    %and3A_1283 = arith.andi %iota3A_1280, %and3A_1282 : vector<8x2048xi32>
    %eq3A_1284 = arith.constant 0 : i32
    %eq3A_1285 = vector.broadcast %eq3A_1284 : i32 to vector<8x2048xi32>
    %eq3A_1286 = arith.cmpi eq, %and3A_1283, %eq3A_1285 : vector<8x2048xi32>
    %slice3A_1287 = vector.extract_strided_slice %select_n3A_1265 {offsets = [0, 8], sizes = [8, 2040], strides = [1, 1]} : vector<8x2048xi32> to vector<8x2040xi32>
    %slice3A_1288 = vector.extract_strided_slice %select_n3A_1265 {offsets = [0, 0], sizes = [8, 8], strides = [1, 1]} : vector<8x2048xi32> to vector<8x8xi32>
    %concatenate3A_1289 = tpu.concatenate %slice3A_1287, %slice3A_1288 in 1 : vector<8x2040xi32>, vector<8x8xi32> -> vector<8x2048xi32>
    %slice3A_1290 = vector.extract_strided_slice %select_n3A_1265 {offsets = [0, 2040], sizes = [8, 8], strides = [1, 1]} : vector<8x2048xi32> to vector<8x8xi32>
    %slice3A_1291 = vector.extract_strided_slice %select_n3A_1265 {offsets = [0, 0], sizes = [8, 2040], strides = [1, 1]} : vector<8x2048xi32> to vector<8x2040xi32>
    %concatenate3A_1292 = tpu.concatenate %slice3A_1290, %slice3A_1291 in 1 : vector<8x8xi32>, vector<8x2040xi32> -> vector<8x2048xi32>
    %select_n3A_1293 = arith.select %eq3A_1286, %concatenate3A_1289, %concatenate3A_1292 : vector<8x2048xi1>, vector<8x2048xi32>
    %and3A_1294 = arith.constant 128 : i32
    %and3A_1295 = vector.broadcast %and3A_1294 : i32 to vector<8x2048xi32>
    %and3A_1296 = arith.andi %iota3A, %and3A_1295 : vector<8x2048xi32>
    %eq3A_1297 = arith.constant 0 : i32
    %eq3A_1298 = vector.broadcast %eq3A_1297 : i32 to vector<8x2048xi32>
    %eq3A_1299 = arith.cmpi eq, %and3A_1296, %eq3A_1298 : vector<8x2048xi32>
    %and3A_1300 = arith.constant 8 : i32
    %and3A_1301 = vector.broadcast %and3A_1300 : i32 to vector<8x2048xi32>
    %and3A_1302 = arith.andi %iota3A, %and3A_1301 : vector<8x2048xi32>
    %eq3A_1303 = arith.constant 0 : i32
    %eq3A_1304 = vector.broadcast %eq3A_1303 : i32 to vector<8x2048xi32>
    %eq3A_1305 = arith.cmpi eq, %and3A_1302, %eq3A_1304 : vector<8x2048xi32>
    %gt3A_1306 = arith.cmpf ogt, %select_n3A_1264, %select_n3A_1279 : vector<8x2048xf32>
    %eq3A_1307 = arith.cmpf oeq, %select_n3A_1264, %select_n3A_1279 : vector<8x2048xf32>
    %lt3A_1308 = arith.cmpi slt, %select_n3A_1265, %select_n3A_1293 : vector<8x2048xi32>
    %and3A_1309 = arith.andi %eq3A_1307, %lt3A_1308 : vector<8x2048xi1>
    %or3A_1310 = arith.ori %gt3A_1306, %and3A_1309 : vector<8x2048xi1>
    %eq3A_1311 = arith.xori %eq3A_1305, %or3A_1310 : vector<8x2048xi1>
    %eq3A_1312 = arith.constant dense<true> : vector<8x2048xi1>
    %eq3A_1313 = arith.xori %eq3A_1311, %eq3A_1312 : vector<8x2048xi1>
    %eq3A_1314 = arith.xori %eq3A_1299, %eq3A_1313 : vector<8x2048xi1>
    %eq3A_1315 = arith.constant dense<true> : vector<8x2048xi1>
    %eq3A_1316 = arith.xori %eq3A_1314, %eq3A_1315 : vector<8x2048xi1>
    %select_n3A_1317 = arith.select %eq3A_1316, %select_n3A_1264, %select_n3A_1279 : vector<8x2048xi1>, vector<8x2048xf32>
    %select_n3A_1318 = arith.select %eq3A_1316, %select_n3A_1265, %select_n3A_1293 : vector<8x2048xi1>, vector<8x2048xi32>
    %iota3A_1319 = tpu.iota {dimensions = array<i32: 1>} : vector<8x2048xi32>
    %and3A_1320 = arith.constant 4 : i32
    %and3A_1321 = vector.broadcast %and3A_1320 : i32 to vector<8x2048xi32>
    %and3A_1322 = arith.andi %iota3A_1319, %and3A_1321 : vector<8x2048xi32>
    %eq3A_1323 = arith.constant 0 : i32
    %eq3A_1324 = vector.broadcast %eq3A_1323 : i32 to vector<8x2048xi32>
    %eq3A_1325 = arith.cmpi eq, %and3A_1322, %eq3A_1324 : vector<8x2048xi32>
    %slice3A_1326 = vector.extract_strided_slice %select_n3A_1317 {offsets = [0, 4], sizes = [8, 2044], strides = [1, 1]} : vector<8x2048xf32> to vector<8x2044xf32>
    %slice3A_1327 = vector.extract_strided_slice %select_n3A_1317 {offsets = [0, 0], sizes = [8, 4], strides = [1, 1]} : vector<8x2048xf32> to vector<8x4xf32>
    %concatenate3A_1328 = tpu.concatenate %slice3A_1326, %slice3A_1327 in 1 : vector<8x2044xf32>, vector<8x4xf32> -> vector<8x2048xf32>
    %slice3A_1329 = vector.extract_strided_slice %select_n3A_1317 {offsets = [0, 2044], sizes = [8, 4], strides = [1, 1]} : vector<8x2048xf32> to vector<8x4xf32>
    %slice3A_1330 = vector.extract_strided_slice %select_n3A_1317 {offsets = [0, 0], sizes = [8, 2044], strides = [1, 1]} : vector<8x2048xf32> to vector<8x2044xf32>
    %concatenate3A_1331 = tpu.concatenate %slice3A_1329, %slice3A_1330 in 1 : vector<8x4xf32>, vector<8x2044xf32> -> vector<8x2048xf32>
    %select_n3A_1332 = arith.select %eq3A_1325, %concatenate3A_1328, %concatenate3A_1331 : vector<8x2048xi1>, vector<8x2048xf32>
    %iota3A_1333 = tpu.iota {dimensions = array<i32: 1>} : vector<8x2048xi32>
    %and3A_1334 = arith.constant 4 : i32
    %and3A_1335 = vector.broadcast %and3A_1334 : i32 to vector<8x2048xi32>
    %and3A_1336 = arith.andi %iota3A_1333, %and3A_1335 : vector<8x2048xi32>
    %eq3A_1337 = arith.constant 0 : i32
    %eq3A_1338 = vector.broadcast %eq3A_1337 : i32 to vector<8x2048xi32>
    %eq3A_1339 = arith.cmpi eq, %and3A_1336, %eq3A_1338 : vector<8x2048xi32>
    %slice3A_1340 = vector.extract_strided_slice %select_n3A_1318 {offsets = [0, 4], sizes = [8, 2044], strides = [1, 1]} : vector<8x2048xi32> to vector<8x2044xi32>
    %slice3A_1341 = vector.extract_strided_slice %select_n3A_1318 {offsets = [0, 0], sizes = [8, 4], strides = [1, 1]} : vector<8x2048xi32> to vector<8x4xi32>
    %concatenate3A_1342 = tpu.concatenate %slice3A_1340, %slice3A_1341 in 1 : vector<8x2044xi32>, vector<8x4xi32> -> vector<8x2048xi32>
    %slice3A_1343 = vector.extract_strided_slice %select_n3A_1318 {offsets = [0, 2044], sizes = [8, 4], strides = [1, 1]} : vector<8x2048xi32> to vector<8x4xi32>
    %slice3A_1344 = vector.extract_strided_slice %select_n3A_1318 {offsets = [0, 0], sizes = [8, 2044], strides = [1, 1]} : vector<8x2048xi32> to vector<8x2044xi32>
    %concatenate3A_1345 = tpu.concatenate %slice3A_1343, %slice3A_1344 in 1 : vector<8x4xi32>, vector<8x2044xi32> -> vector<8x2048xi32>
    %select_n3A_1346 = arith.select %eq3A_1339, %concatenate3A_1342, %concatenate3A_1345 : vector<8x2048xi1>, vector<8x2048xi32>
    %and3A_1347 = arith.constant 128 : i32
    %and3A_1348 = vector.broadcast %and3A_1347 : i32 to vector<8x2048xi32>
    %and3A_1349 = arith.andi %iota3A, %and3A_1348 : vector<8x2048xi32>
    %eq3A_1350 = arith.constant 0 : i32
    %eq3A_1351 = vector.broadcast %eq3A_1350 : i32 to vector<8x2048xi32>
    %eq3A_1352 = arith.cmpi eq, %and3A_1349, %eq3A_1351 : vector<8x2048xi32>
    %and3A_1353 = arith.constant 4 : i32
    %and3A_1354 = vector.broadcast %and3A_1353 : i32 to vector<8x2048xi32>
    %and3A_1355 = arith.andi %iota3A, %and3A_1354 : vector<8x2048xi32>
    %eq3A_1356 = arith.constant 0 : i32
    %eq3A_1357 = vector.broadcast %eq3A_1356 : i32 to vector<8x2048xi32>
    %eq3A_1358 = arith.cmpi eq, %and3A_1355, %eq3A_1357 : vector<8x2048xi32>
    %gt3A_1359 = arith.cmpf ogt, %select_n3A_1317, %select_n3A_1332 : vector<8x2048xf32>
    %eq3A_1360 = arith.cmpf oeq, %select_n3A_1317, %select_n3A_1332 : vector<8x2048xf32>
    %lt3A_1361 = arith.cmpi slt, %select_n3A_1318, %select_n3A_1346 : vector<8x2048xi32>
    %and3A_1362 = arith.andi %eq3A_1360, %lt3A_1361 : vector<8x2048xi1>
    %or3A_1363 = arith.ori %gt3A_1359, %and3A_1362 : vector<8x2048xi1>
    %eq3A_1364 = arith.xori %eq3A_1358, %or3A_1363 : vector<8x2048xi1>
    %eq3A_1365 = arith.constant dense<true> : vector<8x2048xi1>
    %eq3A_1366 = arith.xori %eq3A_1364, %eq3A_1365 : vector<8x2048xi1>
    %eq3A_1367 = arith.xori %eq3A_1352, %eq3A_1366 : vector<8x2048xi1>
    %eq3A_1368 = arith.constant dense<true> : vector<8x2048xi1>
    %eq3A_1369 = arith.xori %eq3A_1367, %eq3A_1368 : vector<8x2048xi1>
    %select_n3A_1370 = arith.select %eq3A_1369, %select_n3A_1317, %select_n3A_1332 : vector<8x2048xi1>, vector<8x2048xf32>
    %select_n3A_1371 = arith.select %eq3A_1369, %select_n3A_1318, %select_n3A_1346 : vector<8x2048xi1>, vector<8x2048xi32>
    %iota3A_1372 = tpu.iota {dimensions = array<i32: 1>} : vector<8x2048xi32>
    %and3A_1373 = arith.constant 2 : i32
    %and3A_1374 = vector.broadcast %and3A_1373 : i32 to vector<8x2048xi32>
    %and3A_1375 = arith.andi %iota3A_1372, %and3A_1374 : vector<8x2048xi32>
    %eq3A_1376 = arith.constant 0 : i32
    %eq3A_1377 = vector.broadcast %eq3A_1376 : i32 to vector<8x2048xi32>
    %eq3A_1378 = arith.cmpi eq, %and3A_1375, %eq3A_1377 : vector<8x2048xi32>
    %slice3A_1379 = vector.extract_strided_slice %select_n3A_1370 {offsets = [0, 2], sizes = [8, 2046], strides = [1, 1]} : vector<8x2048xf32> to vector<8x2046xf32>
    %slice3A_1380 = vector.extract_strided_slice %select_n3A_1370 {offsets = [0, 0], sizes = [8, 2], strides = [1, 1]} : vector<8x2048xf32> to vector<8x2xf32>
    %concatenate3A_1381 = tpu.concatenate %slice3A_1379, %slice3A_1380 in 1 : vector<8x2046xf32>, vector<8x2xf32> -> vector<8x2048xf32>
    %slice3A_1382 = vector.extract_strided_slice %select_n3A_1370 {offsets = [0, 2046], sizes = [8, 2], strides = [1, 1]} : vector<8x2048xf32> to vector<8x2xf32>
    %slice3A_1383 = vector.extract_strided_slice %select_n3A_1370 {offsets = [0, 0], sizes = [8, 2046], strides = [1, 1]} : vector<8x2048xf32> to vector<8x2046xf32>
    %concatenate3A_1384 = tpu.concatenate %slice3A_1382, %slice3A_1383 in 1 : vector<8x2xf32>, vector<8x2046xf32> -> vector<8x2048xf32>
    %select_n3A_1385 = arith.select %eq3A_1378, %concatenate3A_1381, %concatenate3A_1384 : vector<8x2048xi1>, vector<8x2048xf32>
    %iota3A_1386 = tpu.iota {dimensions = array<i32: 1>} : vector<8x2048xi32>
    %and3A_1387 = arith.constant 2 : i32
    %and3A_1388 = vector.broadcast %and3A_1387 : i32 to vector<8x2048xi32>
    %and3A_1389 = arith.andi %iota3A_1386, %and3A_1388 : vector<8x2048xi32>
    %eq3A_1390 = arith.constant 0 : i32
    %eq3A_1391 = vector.broadcast %eq3A_1390 : i32 to vector<8x2048xi32>
    %eq3A_1392 = arith.cmpi eq, %and3A_1389, %eq3A_1391 : vector<8x2048xi32>
    %slice3A_1393 = vector.extract_strided_slice %select_n3A_1371 {offsets = [0, 2], sizes = [8, 2046], strides = [1, 1]} : vector<8x2048xi32> to vector<8x2046xi32>
    %slice3A_1394 = vector.extract_strided_slice %select_n3A_1371 {offsets = [0, 0], sizes = [8, 2], strides = [1, 1]} : vector<8x2048xi32> to vector<8x2xi32>
    %concatenate3A_1395 = tpu.concatenate %slice3A_1393, %slice3A_1394 in 1 : vector<8x2046xi32>, vector<8x2xi32> -> vector<8x2048xi32>
    %slice3A_1396 = vector.extract_strided_slice %select_n3A_1371 {offsets = [0, 2046], sizes = [8, 2], strides = [1, 1]} : vector<8x2048xi32> to vector<8x2xi32>
    %slice3A_1397 = vector.extract_strided_slice %select_n3A_1371 {offsets = [0, 0], sizes = [8, 2046], strides = [1, 1]} : vector<8x2048xi32> to vector<8x2046xi32>
    %concatenate3A_1398 = tpu.concatenate %slice3A_1396, %slice3A_1397 in 1 : vector<8x2xi32>, vector<8x2046xi32> -> vector<8x2048xi32>
    %select_n3A_1399 = arith.select %eq3A_1392, %concatenate3A_1395, %concatenate3A_1398 : vector<8x2048xi1>, vector<8x2048xi32>
    %and3A_1400 = arith.constant 128 : i32
    %and3A_1401 = vector.broadcast %and3A_1400 : i32 to vector<8x2048xi32>
    %and3A_1402 = arith.andi %iota3A, %and3A_1401 : vector<8x2048xi32>
    %eq3A_1403 = arith.constant 0 : i32
    %eq3A_1404 = vector.broadcast %eq3A_1403 : i32 to vector<8x2048xi32>
    %eq3A_1405 = arith.cmpi eq, %and3A_1402, %eq3A_1404 : vector<8x2048xi32>
    %and3A_1406 = arith.constant 2 : i32
    %and3A_1407 = vector.broadcast %and3A_1406 : i32 to vector<8x2048xi32>
    %and3A_1408 = arith.andi %iota3A, %and3A_1407 : vector<8x2048xi32>
    %eq3A_1409 = arith.constant 0 : i32
    %eq3A_1410 = vector.broadcast %eq3A_1409 : i32 to vector<8x2048xi32>
    %eq3A_1411 = arith.cmpi eq, %and3A_1408, %eq3A_1410 : vector<8x2048xi32>
    %gt3A_1412 = arith.cmpf ogt, %select_n3A_1370, %select_n3A_1385 : vector<8x2048xf32>
    %eq3A_1413 = arith.cmpf oeq, %select_n3A_1370, %select_n3A_1385 : vector<8x2048xf32>
    %lt3A_1414 = arith.cmpi slt, %select_n3A_1371, %select_n3A_1399 : vector<8x2048xi32>
    %and3A_1415 = arith.andi %eq3A_1413, %lt3A_1414 : vector<8x2048xi1>
    %or3A_1416 = arith.ori %gt3A_1412, %and3A_1415 : vector<8x2048xi1>
    %eq3A_1417 = arith.xori %eq3A_1411, %or3A_1416 : vector<8x2048xi1>
    %eq3A_1418 = arith.constant dense<true> : vector<8x2048xi1>
    %eq3A_1419 = arith.xori %eq3A_1417, %eq3A_1418 : vector<8x2048xi1>
    %eq3A_1420 = arith.xori %eq3A_1405, %eq3A_1419 : vector<8x2048xi1>
    %eq3A_1421 = arith.constant dense<true> : vector<8x2048xi1>
    %eq3A_1422 = arith.xori %eq3A_1420, %eq3A_1421 : vector<8x2048xi1>
    %select_n3A_1423 = arith.select %eq3A_1422, %select_n3A_1370, %select_n3A_1385 : vector<8x2048xi1>, vector<8x2048xf32>
    %select_n3A_1424 = arith.select %eq3A_1422, %select_n3A_1371, %select_n3A_1399 : vector<8x2048xi1>, vector<8x2048xi32>
    %iota3A_1425 = tpu.iota {dimensions = array<i32: 1>} : vector<8x2048xi32>
    %and3A_1426 = arith.constant 1 : i32
    %and3A_1427 = vector.broadcast %and3A_1426 : i32 to vector<8x2048xi32>
    %and3A_1428 = arith.andi %iota3A_1425, %and3A_1427 : vector<8x2048xi32>
    %eq3A_1429 = arith.constant 0 : i32
    %eq3A_1430 = vector.broadcast %eq3A_1429 : i32 to vector<8x2048xi32>
    %eq3A_1431 = arith.cmpi eq, %and3A_1428, %eq3A_1430 : vector<8x2048xi32>
    %slice3A_1432 = vector.extract_strided_slice %select_n3A_1423 {offsets = [0, 1], sizes = [8, 2047], strides = [1, 1]} : vector<8x2048xf32> to vector<8x2047xf32>
    %slice3A_1433 = vector.extract_strided_slice %select_n3A_1423 {offsets = [0, 0], sizes = [8, 1], strides = [1, 1]} : vector<8x2048xf32> to vector<8x1xf32>
    %concatenate3A_1434 = tpu.concatenate %slice3A_1432, %slice3A_1433 in 1 : vector<8x2047xf32>, vector<8x1xf32> -> vector<8x2048xf32>
    %slice3A_1435 = vector.extract_strided_slice %select_n3A_1423 {offsets = [0, 2047], sizes = [8, 1], strides = [1, 1]} : vector<8x2048xf32> to vector<8x1xf32>
    %slice3A_1436 = vector.extract_strided_slice %select_n3A_1423 {offsets = [0, 0], sizes = [8, 2047], strides = [1, 1]} : vector<8x2048xf32> to vector<8x2047xf32>
    %concatenate3A_1437 = tpu.concatenate %slice3A_1435, %slice3A_1436 in 1 : vector<8x1xf32>, vector<8x2047xf32> -> vector<8x2048xf32>
    %select_n3A_1438 = arith.select %eq3A_1431, %concatenate3A_1434, %concatenate3A_1437 : vector<8x2048xi1>, vector<8x2048xf32>
    %iota3A_1439 = tpu.iota {dimensions = array<i32: 1>} : vector<8x2048xi32>
    %and3A_1440 = arith.constant 1 : i32
    %and3A_1441 = vector.broadcast %and3A_1440 : i32 to vector<8x2048xi32>
    %and3A_1442 = arith.andi %iota3A_1439, %and3A_1441 : vector<8x2048xi32>
    %eq3A_1443 = arith.constant 0 : i32
    %eq3A_1444 = vector.broadcast %eq3A_1443 : i32 to vector<8x2048xi32>
    %eq3A_1445 = arith.cmpi eq, %and3A_1442, %eq3A_1444 : vector<8x2048xi32>
    %slice3A_1446 = vector.extract_strided_slice %select_n3A_1424 {offsets = [0, 1], sizes = [8, 2047], strides = [1, 1]} : vector<8x2048xi32> to vector<8x2047xi32>
    %slice3A_1447 = vector.extract_strided_slice %select_n3A_1424 {offsets = [0, 0], sizes = [8, 1], strides = [1, 1]} : vector<8x2048xi32> to vector<8x1xi32>
    %concatenate3A_1448 = tpu.concatenate %slice3A_1446, %slice3A_1447 in 1 : vector<8x2047xi32>, vector<8x1xi32> -> vector<8x2048xi32>
    %slice3A_1449 = vector.extract_strided_slice %select_n3A_1424 {offsets = [0, 2047], sizes = [8, 1], strides = [1, 1]} : vector<8x2048xi32> to vector<8x1xi32>
    %slice3A_1450 = vector.extract_strided_slice %select_n3A_1424 {offsets = [0, 0], sizes = [8, 2047], strides = [1, 1]} : vector<8x2048xi32> to vector<8x2047xi32>
    %concatenate3A_1451 = tpu.concatenate %slice3A_1449, %slice3A_1450 in 1 : vector<8x1xi32>, vector<8x2047xi32> -> vector<8x2048xi32>
    %select_n3A_1452 = arith.select %eq3A_1445, %concatenate3A_1448, %concatenate3A_1451 : vector<8x2048xi1>, vector<8x2048xi32>
    %and3A_1453 = arith.constant 128 : i32
    %and3A_1454 = vector.broadcast %and3A_1453 : i32 to vector<8x2048xi32>
    %and3A_1455 = arith.andi %iota3A, %and3A_1454 : vector<8x2048xi32>
    %eq3A_1456 = arith.constant 0 : i32
    %eq3A_1457 = vector.broadcast %eq3A_1456 : i32 to vector<8x2048xi32>
    %eq3A_1458 = arith.cmpi eq, %and3A_1455, %eq3A_1457 : vector<8x2048xi32>
    %and3A_1459 = arith.constant 1 : i32
    %and3A_1460 = vector.broadcast %and3A_1459 : i32 to vector<8x2048xi32>
    %and3A_1461 = arith.andi %iota3A, %and3A_1460 : vector<8x2048xi32>
    %eq3A_1462 = arith.constant 0 : i32
    %eq3A_1463 = vector.broadcast %eq3A_1462 : i32 to vector<8x2048xi32>
    %eq3A_1464 = arith.cmpi eq, %and3A_1461, %eq3A_1463 : vector<8x2048xi32>
    %gt3A_1465 = arith.cmpf ogt, %select_n3A_1423, %select_n3A_1438 : vector<8x2048xf32>
    %eq3A_1466 = arith.cmpf oeq, %select_n3A_1423, %select_n3A_1438 : vector<8x2048xf32>
    %lt3A_1467 = arith.cmpi slt, %select_n3A_1424, %select_n3A_1452 : vector<8x2048xi32>
    %and3A_1468 = arith.andi %eq3A_1466, %lt3A_1467 : vector<8x2048xi1>
    %or3A_1469 = arith.ori %gt3A_1465, %and3A_1468 : vector<8x2048xi1>
    %eq3A_1470 = arith.xori %eq3A_1464, %or3A_1469 : vector<8x2048xi1>
    %eq3A_1471 = arith.constant dense<true> : vector<8x2048xi1>
    %eq3A_1472 = arith.xori %eq3A_1470, %eq3A_1471 : vector<8x2048xi1>
    %eq3A_1473 = arith.xori %eq3A_1458, %eq3A_1472 : vector<8x2048xi1>
    %eq3A_1474 = arith.constant dense<true> : vector<8x2048xi1>
    %eq3A_1475 = arith.xori %eq3A_1473, %eq3A_1474 : vector<8x2048xi1>
    %select_n3A_1476 = arith.select %eq3A_1475, %select_n3A_1423, %select_n3A_1438 : vector<8x2048xi1>, vector<8x2048xf32>
    %select_n3A_1477 = arith.select %eq3A_1475, %select_n3A_1424, %select_n3A_1452 : vector<8x2048xi1>, vector<8x2048xi32>
    %iota3A_1478 = tpu.iota {dimensions = array<i32: 1>} : vector<8x2048xi32>
    %and3A_1479 = arith.constant 128 : i32
    %and3A_1480 = vector.broadcast %and3A_1479 : i32 to vector<8x2048xi32>
    %and3A_1481 = arith.andi %iota3A_1478, %and3A_1480 : vector<8x2048xi32>
    %eq3A_1482 = arith.constant 0 : i32
    %eq3A_1483 = vector.broadcast %eq3A_1482 : i32 to vector<8x2048xi32>
    %eq3A_1484 = arith.cmpi eq, %and3A_1481, %eq3A_1483 : vector<8x2048xi32>
    %slice3A_1485 = vector.extract_strided_slice %select_n3A_1476 {offsets = [0, 128], sizes = [8, 1920], strides = [1, 1]} : vector<8x2048xf32> to vector<8x1920xf32>
    %slice3A_1486 = vector.extract_strided_slice %select_n3A_1476 {offsets = [0, 0], sizes = [8, 128], strides = [1, 1]} : vector<8x2048xf32> to vector<8x128xf32>
    %concatenate3A_1487 = tpu.concatenate %slice3A_1485, %slice3A_1486 in 1 : vector<8x1920xf32>, vector<8x128xf32> -> vector<8x2048xf32>
    %slice3A_1488 = vector.extract_strided_slice %select_n3A_1476 {offsets = [0, 1920], sizes = [8, 128], strides = [1, 1]} : vector<8x2048xf32> to vector<8x128xf32>
    %slice3A_1489 = vector.extract_strided_slice %select_n3A_1476 {offsets = [0, 0], sizes = [8, 1920], strides = [1, 1]} : vector<8x2048xf32> to vector<8x1920xf32>
    %concatenate3A_1490 = tpu.concatenate %slice3A_1488, %slice3A_1489 in 1 : vector<8x128xf32>, vector<8x1920xf32> -> vector<8x2048xf32>
    %select_n3A_1491 = arith.select %eq3A_1484, %concatenate3A_1487, %concatenate3A_1490 : vector<8x2048xi1>, vector<8x2048xf32>
    %iota3A_1492 = tpu.iota {dimensions = array<i32: 1>} : vector<8x2048xi32>
    %and3A_1493 = arith.constant 128 : i32
    %and3A_1494 = vector.broadcast %and3A_1493 : i32 to vector<8x2048xi32>
    %and3A_1495 = arith.andi %iota3A_1492, %and3A_1494 : vector<8x2048xi32>
    %eq3A_1496 = arith.constant 0 : i32
    %eq3A_1497 = vector.broadcast %eq3A_1496 : i32 to vector<8x2048xi32>
    %eq3A_1498 = arith.cmpi eq, %and3A_1495, %eq3A_1497 : vector<8x2048xi32>
    %slice3A_1499 = vector.extract_strided_slice %select_n3A_1477 {offsets = [0, 128], sizes = [8, 1920], strides = [1, 1]} : vector<8x2048xi32> to vector<8x1920xi32>
    %slice3A_1500 = vector.extract_strided_slice %select_n3A_1477 {offsets = [0, 0], sizes = [8, 128], strides = [1, 1]} : vector<8x2048xi32> to vector<8x128xi32>
    %concatenate3A_1501 = tpu.concatenate %slice3A_1499, %slice3A_1500 in 1 : vector<8x1920xi32>, vector<8x128xi32> -> vector<8x2048xi32>
    %slice3A_1502 = vector.extract_strided_slice %select_n3A_1477 {offsets = [0, 1920], sizes = [8, 128], strides = [1, 1]} : vector<8x2048xi32> to vector<8x128xi32>
    %slice3A_1503 = vector.extract_strided_slice %select_n3A_1477 {offsets = [0, 0], sizes = [8, 1920], strides = [1, 1]} : vector<8x2048xi32> to vector<8x1920xi32>
    %concatenate3A_1504 = tpu.concatenate %slice3A_1502, %slice3A_1503 in 1 : vector<8x128xi32>, vector<8x1920xi32> -> vector<8x2048xi32>
    %select_n3A_1505 = arith.select %eq3A_1498, %concatenate3A_1501, %concatenate3A_1504 : vector<8x2048xi1>, vector<8x2048xi32>
    %and3A_1506 = arith.constant 256 : i32
    %and3A_1507 = vector.broadcast %and3A_1506 : i32 to vector<8x2048xi32>
    %and3A_1508 = arith.andi %iota3A, %and3A_1507 : vector<8x2048xi32>
    %eq3A_1509 = arith.constant 0 : i32
    %eq3A_1510 = vector.broadcast %eq3A_1509 : i32 to vector<8x2048xi32>
    %eq3A_1511 = arith.cmpi eq, %and3A_1508, %eq3A_1510 : vector<8x2048xi32>
    %and3A_1512 = arith.constant 128 : i32
    %and3A_1513 = vector.broadcast %and3A_1512 : i32 to vector<8x2048xi32>
    %and3A_1514 = arith.andi %iota3A, %and3A_1513 : vector<8x2048xi32>
    %eq3A_1515 = arith.constant 0 : i32
    %eq3A_1516 = vector.broadcast %eq3A_1515 : i32 to vector<8x2048xi32>
    %eq3A_1517 = arith.cmpi eq, %and3A_1514, %eq3A_1516 : vector<8x2048xi32>
    %gt3A_1518 = arith.cmpf ogt, %select_n3A_1476, %select_n3A_1491 : vector<8x2048xf32>
    %eq3A_1519 = arith.cmpf oeq, %select_n3A_1476, %select_n3A_1491 : vector<8x2048xf32>
    %lt3A_1520 = arith.cmpi slt, %select_n3A_1477, %select_n3A_1505 : vector<8x2048xi32>
    %and3A_1521 = arith.andi %eq3A_1519, %lt3A_1520 : vector<8x2048xi1>
    %or3A_1522 = arith.ori %gt3A_1518, %and3A_1521 : vector<8x2048xi1>
    %eq3A_1523 = arith.xori %eq3A_1517, %or3A_1522 : vector<8x2048xi1>
    %eq3A_1524 = arith.constant dense<true> : vector<8x2048xi1>
    %eq3A_1525 = arith.xori %eq3A_1523, %eq3A_1524 : vector<8x2048xi1>
    %eq3A_1526 = arith.xori %eq3A_1511, %eq3A_1525 : vector<8x2048xi1>
    %eq3A_1527 = arith.constant dense<true> : vector<8x2048xi1>
    %eq3A_1528 = arith.xori %eq3A_1526, %eq3A_1527 : vector<8x2048xi1>
    %select_n3A_1529 = arith.select %eq3A_1528, %select_n3A_1476, %select_n3A_1491 : vector<8x2048xi1>, vector<8x2048xf32>
    %select_n3A_1530 = arith.select %eq3A_1528, %select_n3A_1477, %select_n3A_1505 : vector<8x2048xi1>, vector<8x2048xi32>
    %iota3A_1531 = tpu.iota {dimensions = array<i32: 1>} : vector<8x2048xi32>
    %and3A_1532 = arith.constant 64 : i32
    %and3A_1533 = vector.broadcast %and3A_1532 : i32 to vector<8x2048xi32>
    %and3A_1534 = arith.andi %iota3A_1531, %and3A_1533 : vector<8x2048xi32>
    %eq3A_1535 = arith.constant 0 : i32
    %eq3A_1536 = vector.broadcast %eq3A_1535 : i32 to vector<8x2048xi32>
    %eq3A_1537 = arith.cmpi eq, %and3A_1534, %eq3A_1536 : vector<8x2048xi32>
    %slice3A_1538 = vector.extract_strided_slice %select_n3A_1529 {offsets = [0, 64], sizes = [8, 1984], strides = [1, 1]} : vector<8x2048xf32> to vector<8x1984xf32>
    %slice3A_1539 = vector.extract_strided_slice %select_n3A_1529 {offsets = [0, 0], sizes = [8, 64], strides = [1, 1]} : vector<8x2048xf32> to vector<8x64xf32>
    %concatenate3A_1540 = tpu.concatenate %slice3A_1538, %slice3A_1539 in 1 : vector<8x1984xf32>, vector<8x64xf32> -> vector<8x2048xf32>
    %slice3A_1541 = vector.extract_strided_slice %select_n3A_1529 {offsets = [0, 1984], sizes = [8, 64], strides = [1, 1]} : vector<8x2048xf32> to vector<8x64xf32>
    %slice3A_1542 = vector.extract_strided_slice %select_n3A_1529 {offsets = [0, 0], sizes = [8, 1984], strides = [1, 1]} : vector<8x2048xf32> to vector<8x1984xf32>
    %concatenate3A_1543 = tpu.concatenate %slice3A_1541, %slice3A_1542 in 1 : vector<8x64xf32>, vector<8x1984xf32> -> vector<8x2048xf32>
    %select_n3A_1544 = arith.select %eq3A_1537, %concatenate3A_1540, %concatenate3A_1543 : vector<8x2048xi1>, vector<8x2048xf32>
    %iota3A_1545 = tpu.iota {dimensions = array<i32: 1>} : vector<8x2048xi32>
    %and3A_1546 = arith.constant 64 : i32
    %and3A_1547 = vector.broadcast %and3A_1546 : i32 to vector<8x2048xi32>
    %and3A_1548 = arith.andi %iota3A_1545, %and3A_1547 : vector<8x2048xi32>
    %eq3A_1549 = arith.constant 0 : i32
    %eq3A_1550 = vector.broadcast %eq3A_1549 : i32 to vector<8x2048xi32>
    %eq3A_1551 = arith.cmpi eq, %and3A_1548, %eq3A_1550 : vector<8x2048xi32>
    %slice3A_1552 = vector.extract_strided_slice %select_n3A_1530 {offsets = [0, 64], sizes = [8, 1984], strides = [1, 1]} : vector<8x2048xi32> to vector<8x1984xi32>
    %slice3A_1553 = vector.extract_strided_slice %select_n3A_1530 {offsets = [0, 0], sizes = [8, 64], strides = [1, 1]} : vector<8x2048xi32> to vector<8x64xi32>
    %concatenate3A_1554 = tpu.concatenate %slice3A_1552, %slice3A_1553 in 1 : vector<8x1984xi32>, vector<8x64xi32> -> vector<8x2048xi32>
    %slice3A_1555 = vector.extract_strided_slice %select_n3A_1530 {offsets = [0, 1984], sizes = [8, 64], strides = [1, 1]} : vector<8x2048xi32> to vector<8x64xi32>
    %slice3A_1556 = vector.extract_strided_slice %select_n3A_1530 {offsets = [0, 0], sizes = [8, 1984], strides = [1, 1]} : vector<8x2048xi32> to vector<8x1984xi32>
    %concatenate3A_1557 = tpu.concatenate %slice3A_1555, %slice3A_1556 in 1 : vector<8x64xi32>, vector<8x1984xi32> -> vector<8x2048xi32>
    %select_n3A_1558 = arith.select %eq3A_1551, %concatenate3A_1554, %concatenate3A_1557 : vector<8x2048xi1>, vector<8x2048xi32>
    %and3A_1559 = arith.constant 256 : i32
    %and3A_1560 = vector.broadcast %and3A_1559 : i32 to vector<8x2048xi32>
    %and3A_1561 = arith.andi %iota3A, %and3A_1560 : vector<8x2048xi32>
    %eq3A_1562 = arith.constant 0 : i32
    %eq3A_1563 = vector.broadcast %eq3A_1562 : i32 to vector<8x2048xi32>
    %eq3A_1564 = arith.cmpi eq, %and3A_1561, %eq3A_1563 : vector<8x2048xi32>
    %and3A_1565 = arith.constant 64 : i32
    %and3A_1566 = vector.broadcast %and3A_1565 : i32 to vector<8x2048xi32>
    %and3A_1567 = arith.andi %iota3A, %and3A_1566 : vector<8x2048xi32>
    %eq3A_1568 = arith.constant 0 : i32
    %eq3A_1569 = vector.broadcast %eq3A_1568 : i32 to vector<8x2048xi32>
    %eq3A_1570 = arith.cmpi eq, %and3A_1567, %eq3A_1569 : vector<8x2048xi32>
    %gt3A_1571 = arith.cmpf ogt, %select_n3A_1529, %select_n3A_1544 : vector<8x2048xf32>
    %eq3A_1572 = arith.cmpf oeq, %select_n3A_1529, %select_n3A_1544 : vector<8x2048xf32>
    %lt3A_1573 = arith.cmpi slt, %select_n3A_1530, %select_n3A_1558 : vector<8x2048xi32>
    %and3A_1574 = arith.andi %eq3A_1572, %lt3A_1573 : vector<8x2048xi1>
    %or3A_1575 = arith.ori %gt3A_1571, %and3A_1574 : vector<8x2048xi1>
    %eq3A_1576 = arith.xori %eq3A_1570, %or3A_1575 : vector<8x2048xi1>
    %eq3A_1577 = arith.constant dense<true> : vector<8x2048xi1>
    %eq3A_1578 = arith.xori %eq3A_1576, %eq3A_1577 : vector<8x2048xi1>
    %eq3A_1579 = arith.xori %eq3A_1564, %eq3A_1578 : vector<8x2048xi1>
    %eq3A_1580 = arith.constant dense<true> : vector<8x2048xi1>
    %eq3A_1581 = arith.xori %eq3A_1579, %eq3A_1580 : vector<8x2048xi1>
    %select_n3A_1582 = arith.select %eq3A_1581, %select_n3A_1529, %select_n3A_1544 : vector<8x2048xi1>, vector<8x2048xf32>
    %select_n3A_1583 = arith.select %eq3A_1581, %select_n3A_1530, %select_n3A_1558 : vector<8x2048xi1>, vector<8x2048xi32>
    %iota3A_1584 = tpu.iota {dimensions = array<i32: 1>} : vector<8x2048xi32>
    %and3A_1585 = arith.constant 32 : i32
    %and3A_1586 = vector.broadcast %and3A_1585 : i32 to vector<8x2048xi32>
    %and3A_1587 = arith.andi %iota3A_1584, %and3A_1586 : vector<8x2048xi32>
    %eq3A_1588 = arith.constant 0 : i32
    %eq3A_1589 = vector.broadcast %eq3A_1588 : i32 to vector<8x2048xi32>
    %eq3A_1590 = arith.cmpi eq, %and3A_1587, %eq3A_1589 : vector<8x2048xi32>
    %slice3A_1591 = vector.extract_strided_slice %select_n3A_1582 {offsets = [0, 32], sizes = [8, 2016], strides = [1, 1]} : vector<8x2048xf32> to vector<8x2016xf32>
    %slice3A_1592 = vector.extract_strided_slice %select_n3A_1582 {offsets = [0, 0], sizes = [8, 32], strides = [1, 1]} : vector<8x2048xf32> to vector<8x32xf32>
    %concatenate3A_1593 = tpu.concatenate %slice3A_1591, %slice3A_1592 in 1 : vector<8x2016xf32>, vector<8x32xf32> -> vector<8x2048xf32>
    %slice3A_1594 = vector.extract_strided_slice %select_n3A_1582 {offsets = [0, 2016], sizes = [8, 32], strides = [1, 1]} : vector<8x2048xf32> to vector<8x32xf32>
    %slice3A_1595 = vector.extract_strided_slice %select_n3A_1582 {offsets = [0, 0], sizes = [8, 2016], strides = [1, 1]} : vector<8x2048xf32> to vector<8x2016xf32>
    %concatenate3A_1596 = tpu.concatenate %slice3A_1594, %slice3A_1595 in 1 : vector<8x32xf32>, vector<8x2016xf32> -> vector<8x2048xf32>
    %select_n3A_1597 = arith.select %eq3A_1590, %concatenate3A_1593, %concatenate3A_1596 : vector<8x2048xi1>, vector<8x2048xf32>
    %iota3A_1598 = tpu.iota {dimensions = array<i32: 1>} : vector<8x2048xi32>
    %and3A_1599 = arith.constant 32 : i32
    %and3A_1600 = vector.broadcast %and3A_1599 : i32 to vector<8x2048xi32>
    %and3A_1601 = arith.andi %iota3A_1598, %and3A_1600 : vector<8x2048xi32>
    %eq3A_1602 = arith.constant 0 : i32
    %eq3A_1603 = vector.broadcast %eq3A_1602 : i32 to vector<8x2048xi32>
    %eq3A_1604 = arith.cmpi eq, %and3A_1601, %eq3A_1603 : vector<8x2048xi32>
    %slice3A_1605 = vector.extract_strided_slice %select_n3A_1583 {offsets = [0, 32], sizes = [8, 2016], strides = [1, 1]} : vector<8x2048xi32> to vector<8x2016xi32>
    %slice3A_1606 = vector.extract_strided_slice %select_n3A_1583 {offsets = [0, 0], sizes = [8, 32], strides = [1, 1]} : vector<8x2048xi32> to vector<8x32xi32>
    %concatenate3A_1607 = tpu.concatenate %slice3A_1605, %slice3A_1606 in 1 : vector<8x2016xi32>, vector<8x32xi32> -> vector<8x2048xi32>
    %slice3A_1608 = vector.extract_strided_slice %select_n3A_1583 {offsets = [0, 2016], sizes = [8, 32], strides = [1, 1]} : vector<8x2048xi32> to vector<8x32xi32>
    %slice3A_1609 = vector.extract_strided_slice %select_n3A_1583 {offsets = [0, 0], sizes = [8, 2016], strides = [1, 1]} : vector<8x2048xi32> to vector<8x2016xi32>
    %concatenate3A_1610 = tpu.concatenate %slice3A_1608, %slice3A_1609 in 1 : vector<8x32xi32>, vector<8x2016xi32> -> vector<8x2048xi32>
    %select_n3A_1611 = arith.select %eq3A_1604, %concatenate3A_1607, %concatenate3A_1610 : vector<8x2048xi1>, vector<8x2048xi32>
    %and3A_1612 = arith.constant 256 : i32
    %and3A_1613 = vector.broadcast %and3A_1612 : i32 to vector<8x2048xi32>
    %and3A_1614 = arith.andi %iota3A, %and3A_1613 : vector<8x2048xi32>
    %eq3A_1615 = arith.constant 0 : i32
    %eq3A_1616 = vector.broadcast %eq3A_1615 : i32 to vector<8x2048xi32>
    %eq3A_1617 = arith.cmpi eq, %and3A_1614, %eq3A_1616 : vector<8x2048xi32>
    %and3A_1618 = arith.constant 32 : i32
    %and3A_1619 = vector.broadcast %and3A_1618 : i32 to vector<8x2048xi32>
    %and3A_1620 = arith.andi %iota3A, %and3A_1619 : vector<8x2048xi32>
    %eq3A_1621 = arith.constant 0 : i32
    %eq3A_1622 = vector.broadcast %eq3A_1621 : i32 to vector<8x2048xi32>
    %eq3A_1623 = arith.cmpi eq, %and3A_1620, %eq3A_1622 : vector<8x2048xi32>
    %gt3A_1624 = arith.cmpf ogt, %select_n3A_1582, %select_n3A_1597 : vector<8x2048xf32>
    %eq3A_1625 = arith.cmpf oeq, %select_n3A_1582, %select_n3A_1597 : vector<8x2048xf32>
    %lt3A_1626 = arith.cmpi slt, %select_n3A_1583, %select_n3A_1611 : vector<8x2048xi32>
    %and3A_1627 = arith.andi %eq3A_1625, %lt3A_1626 : vector<8x2048xi1>
    %or3A_1628 = arith.ori %gt3A_1624, %and3A_1627 : vector<8x2048xi1>
    %eq3A_1629 = arith.xori %eq3A_1623, %or3A_1628 : vector<8x2048xi1>
    %eq3A_1630 = arith.constant dense<true> : vector<8x2048xi1>
    %eq3A_1631 = arith.xori %eq3A_1629, %eq3A_1630 : vector<8x2048xi1>
    %eq3A_1632 = arith.xori %eq3A_1617, %eq3A_1631 : vector<8x2048xi1>
    %eq3A_1633 = arith.constant dense<true> : vector<8x2048xi1>
    %eq3A_1634 = arith.xori %eq3A_1632, %eq3A_1633 : vector<8x2048xi1>
    %select_n3A_1635 = arith.select %eq3A_1634, %select_n3A_1582, %select_n3A_1597 : vector<8x2048xi1>, vector<8x2048xf32>
    %select_n3A_1636 = arith.select %eq3A_1634, %select_n3A_1583, %select_n3A_1611 : vector<8x2048xi1>, vector<8x2048xi32>
    %iota3A_1637 = tpu.iota {dimensions = array<i32: 1>} : vector<8x2048xi32>
    %and3A_1638 = arith.constant 16 : i32
    %and3A_1639 = vector.broadcast %and3A_1638 : i32 to vector<8x2048xi32>
    %and3A_1640 = arith.andi %iota3A_1637, %and3A_1639 : vector<8x2048xi32>
    %eq3A_1641 = arith.constant 0 : i32
    %eq3A_1642 = vector.broadcast %eq3A_1641 : i32 to vector<8x2048xi32>
    %eq3A_1643 = arith.cmpi eq, %and3A_1640, %eq3A_1642 : vector<8x2048xi32>
    %slice3A_1644 = vector.extract_strided_slice %select_n3A_1635 {offsets = [0, 16], sizes = [8, 2032], strides = [1, 1]} : vector<8x2048xf32> to vector<8x2032xf32>
    %slice3A_1645 = vector.extract_strided_slice %select_n3A_1635 {offsets = [0, 0], sizes = [8, 16], strides = [1, 1]} : vector<8x2048xf32> to vector<8x16xf32>
    %concatenate3A_1646 = tpu.concatenate %slice3A_1644, %slice3A_1645 in 1 : vector<8x2032xf32>, vector<8x16xf32> -> vector<8x2048xf32>
    %slice3A_1647 = vector.extract_strided_slice %select_n3A_1635 {offsets = [0, 2032], sizes = [8, 16], strides = [1, 1]} : vector<8x2048xf32> to vector<8x16xf32>
    %slice3A_1648 = vector.extract_strided_slice %select_n3A_1635 {offsets = [0, 0], sizes = [8, 2032], strides = [1, 1]} : vector<8x2048xf32> to vector<8x2032xf32>
    %concatenate3A_1649 = tpu.concatenate %slice3A_1647, %slice3A_1648 in 1 : vector<8x16xf32>, vector<8x2032xf32> -> vector<8x2048xf32>
    %select_n3A_1650 = arith.select %eq3A_1643, %concatenate3A_1646, %concatenate3A_1649 : vector<8x2048xi1>, vector<8x2048xf32>
    %iota3A_1651 = tpu.iota {dimensions = array<i32: 1>} : vector<8x2048xi32>
    %and3A_1652 = arith.constant 16 : i32
    %and3A_1653 = vector.broadcast %and3A_1652 : i32 to vector<8x2048xi32>
    %and3A_1654 = arith.andi %iota3A_1651, %and3A_1653 : vector<8x2048xi32>
    %eq3A_1655 = arith.constant 0 : i32
    %eq3A_1656 = vector.broadcast %eq3A_1655 : i32 to vector<8x2048xi32>
    %eq3A_1657 = arith.cmpi eq, %and3A_1654, %eq3A_1656 : vector<8x2048xi32>
    %slice3A_1658 = vector.extract_strided_slice %select_n3A_1636 {offsets = [0, 16], sizes = [8, 2032], strides = [1, 1]} : vector<8x2048xi32> to vector<8x2032xi32>
    %slice3A_1659 = vector.extract_strided_slice %select_n3A_1636 {offsets = [0, 0], sizes = [8, 16], strides = [1, 1]} : vector<8x2048xi32> to vector<8x16xi32>
    %concatenate3A_1660 = tpu.concatenate %slice3A_1658, %slice3A_1659 in 1 : vector<8x2032xi32>, vector<8x16xi32> -> vector<8x2048xi32>
    %slice3A_1661 = vector.extract_strided_slice %select_n3A_1636 {offsets = [0, 2032], sizes = [8, 16], strides = [1, 1]} : vector<8x2048xi32> to vector<8x16xi32>
    %slice3A_1662 = vector.extract_strided_slice %select_n3A_1636 {offsets = [0, 0], sizes = [8, 2032], strides = [1, 1]} : vector<8x2048xi32> to vector<8x2032xi32>
    %concatenate3A_1663 = tpu.concatenate %slice3A_1661, %slice3A_1662 in 1 : vector<8x16xi32>, vector<8x2032xi32> -> vector<8x2048xi32>
    %select_n3A_1664 = arith.select %eq3A_1657, %concatenate3A_1660, %concatenate3A_1663 : vector<8x2048xi1>, vector<8x2048xi32>
    %and3A_1665 = arith.constant 256 : i32
    %and3A_1666 = vector.broadcast %and3A_1665 : i32 to vector<8x2048xi32>
    %and3A_1667 = arith.andi %iota3A, %and3A_1666 : vector<8x2048xi32>
    %eq3A_1668 = arith.constant 0 : i32
    %eq3A_1669 = vector.broadcast %eq3A_1668 : i32 to vector<8x2048xi32>
    %eq3A_1670 = arith.cmpi eq, %and3A_1667, %eq3A_1669 : vector<8x2048xi32>
    %and3A_1671 = arith.constant 16 : i32
    %and3A_1672 = vector.broadcast %and3A_1671 : i32 to vector<8x2048xi32>
    %and3A_1673 = arith.andi %iota3A, %and3A_1672 : vector<8x2048xi32>
    %eq3A_1674 = arith.constant 0 : i32
    %eq3A_1675 = vector.broadcast %eq3A_1674 : i32 to vector<8x2048xi32>
    %eq3A_1676 = arith.cmpi eq, %and3A_1673, %eq3A_1675 : vector<8x2048xi32>
    %gt3A_1677 = arith.cmpf ogt, %select_n3A_1635, %select_n3A_1650 : vector<8x2048xf32>
    %eq3A_1678 = arith.cmpf oeq, %select_n3A_1635, %select_n3A_1650 : vector<8x2048xf32>
    %lt3A_1679 = arith.cmpi slt, %select_n3A_1636, %select_n3A_1664 : vector<8x2048xi32>
    %and3A_1680 = arith.andi %eq3A_1678, %lt3A_1679 : vector<8x2048xi1>
    %or3A_1681 = arith.ori %gt3A_1677, %and3A_1680 : vector<8x2048xi1>
    %eq3A_1682 = arith.xori %eq3A_1676, %or3A_1681 : vector<8x2048xi1>
    %eq3A_1683 = arith.constant dense<true> : vector<8x2048xi1>
    %eq3A_1684 = arith.xori %eq3A_1682, %eq3A_1683 : vector<8x2048xi1>
    %eq3A_1685 = arith.xori %eq3A_1670, %eq3A_1684 : vector<8x2048xi1>
    %eq3A_1686 = arith.constant dense<true> : vector<8x2048xi1>
    %eq3A_1687 = arith.xori %eq3A_1685, %eq3A_1686 : vector<8x2048xi1>
    %select_n3A_1688 = arith.select %eq3A_1687, %select_n3A_1635, %select_n3A_1650 : vector<8x2048xi1>, vector<8x2048xf32>
    %select_n3A_1689 = arith.select %eq3A_1687, %select_n3A_1636, %select_n3A_1664 : vector<8x2048xi1>, vector<8x2048xi32>
    %iota3A_1690 = tpu.iota {dimensions = array<i32: 1>} : vector<8x2048xi32>
    %and3A_1691 = arith.constant 8 : i32
    %and3A_1692 = vector.broadcast %and3A_1691 : i32 to vector<8x2048xi32>
    %and3A_1693 = arith.andi %iota3A_1690, %and3A_1692 : vector<8x2048xi32>
    %eq3A_1694 = arith.constant 0 : i32
    %eq3A_1695 = vector.broadcast %eq3A_1694 : i32 to vector<8x2048xi32>
    %eq3A_1696 = arith.cmpi eq, %and3A_1693, %eq3A_1695 : vector<8x2048xi32>
    %slice3A_1697 = vector.extract_strided_slice %select_n3A_1688 {offsets = [0, 8], sizes = [8, 2040], strides = [1, 1]} : vector<8x2048xf32> to vector<8x2040xf32>
    %slice3A_1698 = vector.extract_strided_slice %select_n3A_1688 {offsets = [0, 0], sizes = [8, 8], strides = [1, 1]} : vector<8x2048xf32> to vector<8x8xf32>
    %concatenate3A_1699 = tpu.concatenate %slice3A_1697, %slice3A_1698 in 1 : vector<8x2040xf32>, vector<8x8xf32> -> vector<8x2048xf32>
    %slice3A_1700 = vector.extract_strided_slice %select_n3A_1688 {offsets = [0, 2040], sizes = [8, 8], strides = [1, 1]} : vector<8x2048xf32> to vector<8x8xf32>
    %slice3A_1701 = vector.extract_strided_slice %select_n3A_1688 {offsets = [0, 0], sizes = [8, 2040], strides = [1, 1]} : vector<8x2048xf32> to vector<8x2040xf32>
    %concatenate3A_1702 = tpu.concatenate %slice3A_1700, %slice3A_1701 in 1 : vector<8x8xf32>, vector<8x2040xf32> -> vector<8x2048xf32>
    %select_n3A_1703 = arith.select %eq3A_1696, %concatenate3A_1699, %concatenate3A_1702 : vector<8x2048xi1>, vector<8x2048xf32>
    %iota3A_1704 = tpu.iota {dimensions = array<i32: 1>} : vector<8x2048xi32>
    %and3A_1705 = arith.constant 8 : i32
    %and3A_1706 = vector.broadcast %and3A_1705 : i32 to vector<8x2048xi32>
    %and3A_1707 = arith.andi %iota3A_1704, %and3A_1706 : vector<8x2048xi32>
    %eq3A_1708 = arith.constant 0 : i32
    %eq3A_1709 = vector.broadcast %eq3A_1708 : i32 to vector<8x2048xi32>
    %eq3A_1710 = arith.cmpi eq, %and3A_1707, %eq3A_1709 : vector<8x2048xi32>
    %slice3A_1711 = vector.extract_strided_slice %select_n3A_1689 {offsets = [0, 8], sizes = [8, 2040], strides = [1, 1]} : vector<8x2048xi32> to vector<8x2040xi32>
    %slice3A_1712 = vector.extract_strided_slice %select_n3A_1689 {offsets = [0, 0], sizes = [8, 8], strides = [1, 1]} : vector<8x2048xi32> to vector<8x8xi32>
    %concatenate3A_1713 = tpu.concatenate %slice3A_1711, %slice3A_1712 in 1 : vector<8x2040xi32>, vector<8x8xi32> -> vector<8x2048xi32>
    %slice3A_1714 = vector.extract_strided_slice %select_n3A_1689 {offsets = [0, 2040], sizes = [8, 8], strides = [1, 1]} : vector<8x2048xi32> to vector<8x8xi32>
    %slice3A_1715 = vector.extract_strided_slice %select_n3A_1689 {offsets = [0, 0], sizes = [8, 2040], strides = [1, 1]} : vector<8x2048xi32> to vector<8x2040xi32>
    %concatenate3A_1716 = tpu.concatenate %slice3A_1714, %slice3A_1715 in 1 : vector<8x8xi32>, vector<8x2040xi32> -> vector<8x2048xi32>
    %select_n3A_1717 = arith.select %eq3A_1710, %concatenate3A_1713, %concatenate3A_1716 : vector<8x2048xi1>, vector<8x2048xi32>
    %and3A_1718 = arith.constant 256 : i32
    %and3A_1719 = vector.broadcast %and3A_1718 : i32 to vector<8x2048xi32>
    %and3A_1720 = arith.andi %iota3A, %and3A_1719 : vector<8x2048xi32>
    %eq3A_1721 = arith.constant 0 : i32
    %eq3A_1722 = vector.broadcast %eq3A_1721 : i32 to vector<8x2048xi32>
    %eq3A_1723 = arith.cmpi eq, %and3A_1720, %eq3A_1722 : vector<8x2048xi32>
    %and3A_1724 = arith.constant 8 : i32
    %and3A_1725 = vector.broadcast %and3A_1724 : i32 to vector<8x2048xi32>
    %and3A_1726 = arith.andi %iota3A, %and3A_1725 : vector<8x2048xi32>
    %eq3A_1727 = arith.constant 0 : i32
    %eq3A_1728 = vector.broadcast %eq3A_1727 : i32 to vector<8x2048xi32>
    %eq3A_1729 = arith.cmpi eq, %and3A_1726, %eq3A_1728 : vector<8x2048xi32>
    %gt3A_1730 = arith.cmpf ogt, %select_n3A_1688, %select_n3A_1703 : vector<8x2048xf32>
    %eq3A_1731 = arith.cmpf oeq, %select_n3A_1688, %select_n3A_1703 : vector<8x2048xf32>
    %lt3A_1732 = arith.cmpi slt, %select_n3A_1689, %select_n3A_1717 : vector<8x2048xi32>
    %and3A_1733 = arith.andi %eq3A_1731, %lt3A_1732 : vector<8x2048xi1>
    %or3A_1734 = arith.ori %gt3A_1730, %and3A_1733 : vector<8x2048xi1>
    %eq3A_1735 = arith.xori %eq3A_1729, %or3A_1734 : vector<8x2048xi1>
    %eq3A_1736 = arith.constant dense<true> : vector<8x2048xi1>
    %eq3A_1737 = arith.xori %eq3A_1735, %eq3A_1736 : vector<8x2048xi1>
    %eq3A_1738 = arith.xori %eq3A_1723, %eq3A_1737 : vector<8x2048xi1>
    %eq3A_1739 = arith.constant dense<true> : vector<8x2048xi1>
    %eq3A_1740 = arith.xori %eq3A_1738, %eq3A_1739 : vector<8x2048xi1>
    %select_n3A_1741 = arith.select %eq3A_1740, %select_n3A_1688, %select_n3A_1703 : vector<8x2048xi1>, vector<8x2048xf32>
    %select_n3A_1742 = arith.select %eq3A_1740, %select_n3A_1689, %select_n3A_1717 : vector<8x2048xi1>, vector<8x2048xi32>
    %iota3A_1743 = tpu.iota {dimensions = array<i32: 1>} : vector<8x2048xi32>
    %and3A_1744 = arith.constant 4 : i32
    %and3A_1745 = vector.broadcast %and3A_1744 : i32 to vector<8x2048xi32>
    %and3A_1746 = arith.andi %iota3A_1743, %and3A_1745 : vector<8x2048xi32>
    %eq3A_1747 = arith.constant 0 : i32
    %eq3A_1748 = vector.broadcast %eq3A_1747 : i32 to vector<8x2048xi32>
    %eq3A_1749 = arith.cmpi eq, %and3A_1746, %eq3A_1748 : vector<8x2048xi32>
    %slice3A_1750 = vector.extract_strided_slice %select_n3A_1741 {offsets = [0, 4], sizes = [8, 2044], strides = [1, 1]} : vector<8x2048xf32> to vector<8x2044xf32>
    %slice3A_1751 = vector.extract_strided_slice %select_n3A_1741 {offsets = [0, 0], sizes = [8, 4], strides = [1, 1]} : vector<8x2048xf32> to vector<8x4xf32>
    %concatenate3A_1752 = tpu.concatenate %slice3A_1750, %slice3A_1751 in 1 : vector<8x2044xf32>, vector<8x4xf32> -> vector<8x2048xf32>
    %slice3A_1753 = vector.extract_strided_slice %select_n3A_1741 {offsets = [0, 2044], sizes = [8, 4], strides = [1, 1]} : vector<8x2048xf32> to vector<8x4xf32>
    %slice3A_1754 = vector.extract_strided_slice %select_n3A_1741 {offsets = [0, 0], sizes = [8, 2044], strides = [1, 1]} : vector<8x2048xf32> to vector<8x2044xf32>
    %concatenate3A_1755 = tpu.concatenate %slice3A_1753, %slice3A_1754 in 1 : vector<8x4xf32>, vector<8x2044xf32> -> vector<8x2048xf32>
    %select_n3A_1756 = arith.select %eq3A_1749, %concatenate3A_1752, %concatenate3A_1755 : vector<8x2048xi1>, vector<8x2048xf32>
    %iota3A_1757 = tpu.iota {dimensions = array<i32: 1>} : vector<8x2048xi32>
    %and3A_1758 = arith.constant 4 : i32
    %and3A_1759 = vector.broadcast %and3A_1758 : i32 to vector<8x2048xi32>
    %and3A_1760 = arith.andi %iota3A_1757, %and3A_1759 : vector<8x2048xi32>
    %eq3A_1761 = arith.constant 0 : i32
    %eq3A_1762 = vector.broadcast %eq3A_1761 : i32 to vector<8x2048xi32>
    %eq3A_1763 = arith.cmpi eq, %and3A_1760, %eq3A_1762 : vector<8x2048xi32>
    %slice3A_1764 = vector.extract_strided_slice %select_n3A_1742 {offsets = [0, 4], sizes = [8, 2044], strides = [1, 1]} : vector<8x2048xi32> to vector<8x2044xi32>
    %slice3A_1765 = vector.extract_strided_slice %select_n3A_1742 {offsets = [0, 0], sizes = [8, 4], strides = [1, 1]} : vector<8x2048xi32> to vector<8x4xi32>
    %concatenate3A_1766 = tpu.concatenate %slice3A_1764, %slice3A_1765 in 1 : vector<8x2044xi32>, vector<8x4xi32> -> vector<8x2048xi32>
    %slice3A_1767 = vector.extract_strided_slice %select_n3A_1742 {offsets = [0, 2044], sizes = [8, 4], strides = [1, 1]} : vector<8x2048xi32> to vector<8x4xi32>
    %slice3A_1768 = vector.extract_strided_slice %select_n3A_1742 {offsets = [0, 0], sizes = [8, 2044], strides = [1, 1]} : vector<8x2048xi32> to vector<8x2044xi32>
    %concatenate3A_1769 = tpu.concatenate %slice3A_1767, %slice3A_1768 in 1 : vector<8x4xi32>, vector<8x2044xi32> -> vector<8x2048xi32>
    %select_n3A_1770 = arith.select %eq3A_1763, %concatenate3A_1766, %concatenate3A_1769 : vector<8x2048xi1>, vector<8x2048xi32>
    %and3A_1771 = arith.constant 256 : i32
    %and3A_1772 = vector.broadcast %and3A_1771 : i32 to vector<8x2048xi32>
    %and3A_1773 = arith.andi %iota3A, %and3A_1772 : vector<8x2048xi32>
    %eq3A_1774 = arith.constant 0 : i32
    %eq3A_1775 = vector.broadcast %eq3A_1774 : i32 to vector<8x2048xi32>
    %eq3A_1776 = arith.cmpi eq, %and3A_1773, %eq3A_1775 : vector<8x2048xi32>
    %and3A_1777 = arith.constant 4 : i32
    %and3A_1778 = vector.broadcast %and3A_1777 : i32 to vector<8x2048xi32>
    %and3A_1779 = arith.andi %iota3A, %and3A_1778 : vector<8x2048xi32>
    %eq3A_1780 = arith.constant 0 : i32
    %eq3A_1781 = vector.broadcast %eq3A_1780 : i32 to vector<8x2048xi32>
    %eq3A_1782 = arith.cmpi eq, %and3A_1779, %eq3A_1781 : vector<8x2048xi32>
    %gt3A_1783 = arith.cmpf ogt, %select_n3A_1741, %select_n3A_1756 : vector<8x2048xf32>
    %eq3A_1784 = arith.cmpf oeq, %select_n3A_1741, %select_n3A_1756 : vector<8x2048xf32>
    %lt3A_1785 = arith.cmpi slt, %select_n3A_1742, %select_n3A_1770 : vector<8x2048xi32>
    %and3A_1786 = arith.andi %eq3A_1784, %lt3A_1785 : vector<8x2048xi1>
    %or3A_1787 = arith.ori %gt3A_1783, %and3A_1786 : vector<8x2048xi1>
    %eq3A_1788 = arith.xori %eq3A_1782, %or3A_1787 : vector<8x2048xi1>
    %eq3A_1789 = arith.constant dense<true> : vector<8x2048xi1>
    %eq3A_1790 = arith.xori %eq3A_1788, %eq3A_1789 : vector<8x2048xi1>
    %eq3A_1791 = arith.xori %eq3A_1776, %eq3A_1790 : vector<8x2048xi1>
    %eq3A_1792 = arith.constant dense<true> : vector<8x2048xi1>
    %eq3A_1793 = arith.xori %eq3A_1791, %eq3A_1792 : vector<8x2048xi1>
    %select_n3A_1794 = arith.select %eq3A_1793, %select_n3A_1741, %select_n3A_1756 : vector<8x2048xi1>, vector<8x2048xf32>
    %select_n3A_1795 = arith.select %eq3A_1793, %select_n3A_1742, %select_n3A_1770 : vector<8x2048xi1>, vector<8x2048xi32>
    %iota3A_1796 = tpu.iota {dimensions = array<i32: 1>} : vector<8x2048xi32>
    %and3A_1797 = arith.constant 2 : i32
    %and3A_1798 = vector.broadcast %and3A_1797 : i32 to vector<8x2048xi32>
    %and3A_1799 = arith.andi %iota3A_1796, %and3A_1798 : vector<8x2048xi32>
    %eq3A_1800 = arith.constant 0 : i32
    %eq3A_1801 = vector.broadcast %eq3A_1800 : i32 to vector<8x2048xi32>
    %eq3A_1802 = arith.cmpi eq, %and3A_1799, %eq3A_1801 : vector<8x2048xi32>
    %slice3A_1803 = vector.extract_strided_slice %select_n3A_1794 {offsets = [0, 2], sizes = [8, 2046], strides = [1, 1]} : vector<8x2048xf32> to vector<8x2046xf32>
    %slice3A_1804 = vector.extract_strided_slice %select_n3A_1794 {offsets = [0, 0], sizes = [8, 2], strides = [1, 1]} : vector<8x2048xf32> to vector<8x2xf32>
    %concatenate3A_1805 = tpu.concatenate %slice3A_1803, %slice3A_1804 in 1 : vector<8x2046xf32>, vector<8x2xf32> -> vector<8x2048xf32>
    %slice3A_1806 = vector.extract_strided_slice %select_n3A_1794 {offsets = [0, 2046], sizes = [8, 2], strides = [1, 1]} : vector<8x2048xf32> to vector<8x2xf32>
    %slice3A_1807 = vector.extract_strided_slice %select_n3A_1794 {offsets = [0, 0], sizes = [8, 2046], strides = [1, 1]} : vector<8x2048xf32> to vector<8x2046xf32>
    %concatenate3A_1808 = tpu.concatenate %slice3A_1806, %slice3A_1807 in 1 : vector<8x2xf32>, vector<8x2046xf32> -> vector<8x2048xf32>
    %select_n3A_1809 = arith.select %eq3A_1802, %concatenate3A_1805, %concatenate3A_1808 : vector<8x2048xi1>, vector<8x2048xf32>
    %iota3A_1810 = tpu.iota {dimensions = array<i32: 1>} : vector<8x2048xi32>
    %and3A_1811 = arith.constant 2 : i32
    %and3A_1812 = vector.broadcast %and3A_1811 : i32 to vector<8x2048xi32>
    %and3A_1813 = arith.andi %iota3A_1810, %and3A_1812 : vector<8x2048xi32>
    %eq3A_1814 = arith.constant 0 : i32
    %eq3A_1815 = vector.broadcast %eq3A_1814 : i32 to vector<8x2048xi32>
    %eq3A_1816 = arith.cmpi eq, %and3A_1813, %eq3A_1815 : vector<8x2048xi32>
    %slice3A_1817 = vector.extract_strided_slice %select_n3A_1795 {offsets = [0, 2], sizes = [8, 2046], strides = [1, 1]} : vector<8x2048xi32> to vector<8x2046xi32>
    %slice3A_1818 = vector.extract_strided_slice %select_n3A_1795 {offsets = [0, 0], sizes = [8, 2], strides = [1, 1]} : vector<8x2048xi32> to vector<8x2xi32>
    %concatenate3A_1819 = tpu.concatenate %slice3A_1817, %slice3A_1818 in 1 : vector<8x2046xi32>, vector<8x2xi32> -> vector<8x2048xi32>
    %slice3A_1820 = vector.extract_strided_slice %select_n3A_1795 {offsets = [0, 2046], sizes = [8, 2], strides = [1, 1]} : vector<8x2048xi32> to vector<8x2xi32>
    %slice3A_1821 = vector.extract_strided_slice %select_n3A_1795 {offsets = [0, 0], sizes = [8, 2046], strides = [1, 1]} : vector<8x2048xi32> to vector<8x2046xi32>
    %concatenate3A_1822 = tpu.concatenate %slice3A_1820, %slice3A_1821 in 1 : vector<8x2xi32>, vector<8x2046xi32> -> vector<8x2048xi32>
    %select_n3A_1823 = arith.select %eq3A_1816, %concatenate3A_1819, %concatenate3A_1822 : vector<8x2048xi1>, vector<8x2048xi32>
    %and3A_1824 = arith.constant 256 : i32
    %and3A_1825 = vector.broadcast %and3A_1824 : i32 to vector<8x2048xi32>
    %and3A_1826 = arith.andi %iota3A, %and3A_1825 : vector<8x2048xi32>
    %eq3A_1827 = arith.constant 0 : i32
    %eq3A_1828 = vector.broadcast %eq3A_1827 : i32 to vector<8x2048xi32>
    %eq3A_1829 = arith.cmpi eq, %and3A_1826, %eq3A_1828 : vector<8x2048xi32>
    %and3A_1830 = arith.constant 2 : i32
    %and3A_1831 = vector.broadcast %and3A_1830 : i32 to vector<8x2048xi32>
    %and3A_1832 = arith.andi %iota3A, %and3A_1831 : vector<8x2048xi32>
    %eq3A_1833 = arith.constant 0 : i32
    %eq3A_1834 = vector.broadcast %eq3A_1833 : i32 to vector<8x2048xi32>
    %eq3A_1835 = arith.cmpi eq, %and3A_1832, %eq3A_1834 : vector<8x2048xi32>
    %gt3A_1836 = arith.cmpf ogt, %select_n3A_1794, %select_n3A_1809 : vector<8x2048xf32>
    %eq3A_1837 = arith.cmpf oeq, %select_n3A_1794, %select_n3A_1809 : vector<8x2048xf32>
    %lt3A_1838 = arith.cmpi slt, %select_n3A_1795, %select_n3A_1823 : vector<8x2048xi32>
    %and3A_1839 = arith.andi %eq3A_1837, %lt3A_1838 : vector<8x2048xi1>
    %or3A_1840 = arith.ori %gt3A_1836, %and3A_1839 : vector<8x2048xi1>
    %eq3A_1841 = arith.xori %eq3A_1835, %or3A_1840 : vector<8x2048xi1>
    %eq3A_1842 = arith.constant dense<true> : vector<8x2048xi1>
    %eq3A_1843 = arith.xori %eq3A_1841, %eq3A_1842 : vector<8x2048xi1>
    %eq3A_1844 = arith.xori %eq3A_1829, %eq3A_1843 : vector<8x2048xi1>
    %eq3A_1845 = arith.constant dense<true> : vector<8x2048xi1>
    %eq3A_1846 = arith.xori %eq3A_1844, %eq3A_1845 : vector<8x2048xi1>
    %select_n3A_1847 = arith.select %eq3A_1846, %select_n3A_1794, %select_n3A_1809 : vector<8x2048xi1>, vector<8x2048xf32>
    %select_n3A_1848 = arith.select %eq3A_1846, %select_n3A_1795, %select_n3A_1823 : vector<8x2048xi1>, vector<8x2048xi32>
    %iota3A_1849 = tpu.iota {dimensions = array<i32: 1>} : vector<8x2048xi32>
    %and3A_1850 = arith.constant 1 : i32
    %and3A_1851 = vector.broadcast %and3A_1850 : i32 to vector<8x2048xi32>
    %and3A_1852 = arith.andi %iota3A_1849, %and3A_1851 : vector<8x2048xi32>
    %eq3A_1853 = arith.constant 0 : i32
    %eq3A_1854 = vector.broadcast %eq3A_1853 : i32 to vector<8x2048xi32>
    %eq3A_1855 = arith.cmpi eq, %and3A_1852, %eq3A_1854 : vector<8x2048xi32>
    %slice3A_1856 = vector.extract_strided_slice %select_n3A_1847 {offsets = [0, 1], sizes = [8, 2047], strides = [1, 1]} : vector<8x2048xf32> to vector<8x2047xf32>
    %slice3A_1857 = vector.extract_strided_slice %select_n3A_1847 {offsets = [0, 0], sizes = [8, 1], strides = [1, 1]} : vector<8x2048xf32> to vector<8x1xf32>
    %concatenate3A_1858 = tpu.concatenate %slice3A_1856, %slice3A_1857 in 1 : vector<8x2047xf32>, vector<8x1xf32> -> vector<8x2048xf32>
    %slice3A_1859 = vector.extract_strided_slice %select_n3A_1847 {offsets = [0, 2047], sizes = [8, 1], strides = [1, 1]} : vector<8x2048xf32> to vector<8x1xf32>
    %slice3A_1860 = vector.extract_strided_slice %select_n3A_1847 {offsets = [0, 0], sizes = [8, 2047], strides = [1, 1]} : vector<8x2048xf32> to vector<8x2047xf32>
    %concatenate3A_1861 = tpu.concatenate %slice3A_1859, %slice3A_1860 in 1 : vector<8x1xf32>, vector<8x2047xf32> -> vector<8x2048xf32>
    %select_n3A_1862 = arith.select %eq3A_1855, %concatenate3A_1858, %concatenate3A_1861 : vector<8x2048xi1>, vector<8x2048xf32>
    %iota3A_1863 = tpu.iota {dimensions = array<i32: 1>} : vector<8x2048xi32>
    %and3A_1864 = arith.constant 1 : i32
    %and3A_1865 = vector.broadcast %and3A_1864 : i32 to vector<8x2048xi32>
    %and3A_1866 = arith.andi %iota3A_1863, %and3A_1865 : vector<8x2048xi32>
    %eq3A_1867 = arith.constant 0 : i32
    %eq3A_1868 = vector.broadcast %eq3A_1867 : i32 to vector<8x2048xi32>
    %eq3A_1869 = arith.cmpi eq, %and3A_1866, %eq3A_1868 : vector<8x2048xi32>
    %slice3A_1870 = vector.extract_strided_slice %select_n3A_1848 {offsets = [0, 1], sizes = [8, 2047], strides = [1, 1]} : vector<8x2048xi32> to vector<8x2047xi32>
    %slice3A_1871 = vector.extract_strided_slice %select_n3A_1848 {offsets = [0, 0], sizes = [8, 1], strides = [1, 1]} : vector<8x2048xi32> to vector<8x1xi32>
    %concatenate3A_1872 = tpu.concatenate %slice3A_1870, %slice3A_1871 in 1 : vector<8x2047xi32>, vector<8x1xi32> -> vector<8x2048xi32>
    %slice3A_1873 = vector.extract_strided_slice %select_n3A_1848 {offsets = [0, 2047], sizes = [8, 1], strides = [1, 1]} : vector<8x2048xi32> to vector<8x1xi32>
    %slice3A_1874 = vector.extract_strided_slice %select_n3A_1848 {offsets = [0, 0], sizes = [8, 2047], strides = [1, 1]} : vector<8x2048xi32> to vector<8x2047xi32>
    %concatenate3A_1875 = tpu.concatenate %slice3A_1873, %slice3A_1874 in 1 : vector<8x1xi32>, vector<8x2047xi32> -> vector<8x2048xi32>
    %select_n3A_1876 = arith.select %eq3A_1869, %concatenate3A_1872, %concatenate3A_1875 : vector<8x2048xi1>, vector<8x2048xi32>
    %and3A_1877 = arith.constant 256 : i32
    %and3A_1878 = vector.broadcast %and3A_1877 : i32 to vector<8x2048xi32>
    %and3A_1879 = arith.andi %iota3A, %and3A_1878 : vector<8x2048xi32>
    %eq3A_1880 = arith.constant 0 : i32
    %eq3A_1881 = vector.broadcast %eq3A_1880 : i32 to vector<8x2048xi32>
    %eq3A_1882 = arith.cmpi eq, %and3A_1879, %eq3A_1881 : vector<8x2048xi32>
    %and3A_1883 = arith.constant 1 : i32
    %and3A_1884 = vector.broadcast %and3A_1883 : i32 to vector<8x2048xi32>
    %and3A_1885 = arith.andi %iota3A, %and3A_1884 : vector<8x2048xi32>
    %eq3A_1886 = arith.constant 0 : i32
    %eq3A_1887 = vector.broadcast %eq3A_1886 : i32 to vector<8x2048xi32>
    %eq3A_1888 = arith.cmpi eq, %and3A_1885, %eq3A_1887 : vector<8x2048xi32>
    %gt3A_1889 = arith.cmpf ogt, %select_n3A_1847, %select_n3A_1862 : vector<8x2048xf32>
    %eq3A_1890 = arith.cmpf oeq, %select_n3A_1847, %select_n3A_1862 : vector<8x2048xf32>
    %lt3A_1891 = arith.cmpi slt, %select_n3A_1848, %select_n3A_1876 : vector<8x2048xi32>
    %and3A_1892 = arith.andi %eq3A_1890, %lt3A_1891 : vector<8x2048xi1>
    %or3A_1893 = arith.ori %gt3A_1889, %and3A_1892 : vector<8x2048xi1>
    %eq3A_1894 = arith.xori %eq3A_1888, %or3A_1893 : vector<8x2048xi1>
    %eq3A_1895 = arith.constant dense<true> : vector<8x2048xi1>
    %eq3A_1896 = arith.xori %eq3A_1894, %eq3A_1895 : vector<8x2048xi1>
    %eq3A_1897 = arith.xori %eq3A_1882, %eq3A_1896 : vector<8x2048xi1>
    %eq3A_1898 = arith.constant dense<true> : vector<8x2048xi1>
    %eq3A_1899 = arith.xori %eq3A_1897, %eq3A_1898 : vector<8x2048xi1>
    %select_n3A_1900 = arith.select %eq3A_1899, %select_n3A_1847, %select_n3A_1862 : vector<8x2048xi1>, vector<8x2048xf32>
    %select_n3A_1901 = arith.select %eq3A_1899, %select_n3A_1848, %select_n3A_1876 : vector<8x2048xi1>, vector<8x2048xi32>
    %iota3A_1902 = tpu.iota {dimensions = array<i32: 1>} : vector<8x2048xi32>
    %and3A_1903 = arith.constant 256 : i32
    %and3A_1904 = vector.broadcast %and3A_1903 : i32 to vector<8x2048xi32>
    %and3A_1905 = arith.andi %iota3A_1902, %and3A_1904 : vector<8x2048xi32>
    %eq3A_1906 = arith.constant 0 : i32
    %eq3A_1907 = vector.broadcast %eq3A_1906 : i32 to vector<8x2048xi32>
    %eq3A_1908 = arith.cmpi eq, %and3A_1905, %eq3A_1907 : vector<8x2048xi32>
    %slice3A_1909 = vector.extract_strided_slice %select_n3A_1900 {offsets = [0, 256], sizes = [8, 1792], strides = [1, 1]} : vector<8x2048xf32> to vector<8x1792xf32>
    %slice3A_1910 = vector.extract_strided_slice %select_n3A_1900 {offsets = [0, 0], sizes = [8, 256], strides = [1, 1]} : vector<8x2048xf32> to vector<8x256xf32>
    %concatenate3A_1911 = tpu.concatenate %slice3A_1909, %slice3A_1910 in 1 : vector<8x1792xf32>, vector<8x256xf32> -> vector<8x2048xf32>
    %slice3A_1912 = vector.extract_strided_slice %select_n3A_1900 {offsets = [0, 1792], sizes = [8, 256], strides = [1, 1]} : vector<8x2048xf32> to vector<8x256xf32>
    %slice3A_1913 = vector.extract_strided_slice %select_n3A_1900 {offsets = [0, 0], sizes = [8, 1792], strides = [1, 1]} : vector<8x2048xf32> to vector<8x1792xf32>
    %concatenate3A_1914 = tpu.concatenate %slice3A_1912, %slice3A_1913 in 1 : vector<8x256xf32>, vector<8x1792xf32> -> vector<8x2048xf32>
    %select_n3A_1915 = arith.select %eq3A_1908, %concatenate3A_1911, %concatenate3A_1914 : vector<8x2048xi1>, vector<8x2048xf32>
    %iota3A_1916 = tpu.iota {dimensions = array<i32: 1>} : vector<8x2048xi32>
    %and3A_1917 = arith.constant 256 : i32
    %and3A_1918 = vector.broadcast %and3A_1917 : i32 to vector<8x2048xi32>
    %and3A_1919 = arith.andi %iota3A_1916, %and3A_1918 : vector<8x2048xi32>
    %eq3A_1920 = arith.constant 0 : i32
    %eq3A_1921 = vector.broadcast %eq3A_1920 : i32 to vector<8x2048xi32>
    %eq3A_1922 = arith.cmpi eq, %and3A_1919, %eq3A_1921 : vector<8x2048xi32>
    %slice3A_1923 = vector.extract_strided_slice %select_n3A_1901 {offsets = [0, 256], sizes = [8, 1792], strides = [1, 1]} : vector<8x2048xi32> to vector<8x1792xi32>
    %slice3A_1924 = vector.extract_strided_slice %select_n3A_1901 {offsets = [0, 0], sizes = [8, 256], strides = [1, 1]} : vector<8x2048xi32> to vector<8x256xi32>
    %concatenate3A_1925 = tpu.concatenate %slice3A_1923, %slice3A_1924 in 1 : vector<8x1792xi32>, vector<8x256xi32> -> vector<8x2048xi32>
    %slice3A_1926 = vector.extract_strided_slice %select_n3A_1901 {offsets = [0, 1792], sizes = [8, 256], strides = [1, 1]} : vector<8x2048xi32> to vector<8x256xi32>
    %slice3A_1927 = vector.extract_strided_slice %select_n3A_1901 {offsets = [0, 0], sizes = [8, 1792], strides = [1, 1]} : vector<8x2048xi32> to vector<8x1792xi32>
    %concatenate3A_1928 = tpu.concatenate %slice3A_1926, %slice3A_1927 in 1 : vector<8x256xi32>, vector<8x1792xi32> -> vector<8x2048xi32>
    %select_n3A_1929 = arith.select %eq3A_1922, %concatenate3A_1925, %concatenate3A_1928 : vector<8x2048xi1>, vector<8x2048xi32>
    %and3A_1930 = arith.constant 512 : i32
    %and3A_1931 = vector.broadcast %and3A_1930 : i32 to vector<8x2048xi32>
    %and3A_1932 = arith.andi %iota3A, %and3A_1931 : vector<8x2048xi32>
    %eq3A_1933 = arith.constant 0 : i32
    %eq3A_1934 = vector.broadcast %eq3A_1933 : i32 to vector<8x2048xi32>
    %eq3A_1935 = arith.cmpi eq, %and3A_1932, %eq3A_1934 : vector<8x2048xi32>
    %and3A_1936 = arith.constant 256 : i32
    %and3A_1937 = vector.broadcast %and3A_1936 : i32 to vector<8x2048xi32>
    %and3A_1938 = arith.andi %iota3A, %and3A_1937 : vector<8x2048xi32>
    %eq3A_1939 = arith.constant 0 : i32
    %eq3A_1940 = vector.broadcast %eq3A_1939 : i32 to vector<8x2048xi32>
    %eq3A_1941 = arith.cmpi eq, %and3A_1938, %eq3A_1940 : vector<8x2048xi32>
    %gt3A_1942 = arith.cmpf ogt, %select_n3A_1900, %select_n3A_1915 : vector<8x2048xf32>
    %eq3A_1943 = arith.cmpf oeq, %select_n3A_1900, %select_n3A_1915 : vector<8x2048xf32>
    %lt3A_1944 = arith.cmpi slt, %select_n3A_1901, %select_n3A_1929 : vector<8x2048xi32>
    %and3A_1945 = arith.andi %eq3A_1943, %lt3A_1944 : vector<8x2048xi1>
    %or3A_1946 = arith.ori %gt3A_1942, %and3A_1945 : vector<8x2048xi1>
    %eq3A_1947 = arith.xori %eq3A_1941, %or3A_1946 : vector<8x2048xi1>
    %eq3A_1948 = arith.constant dense<true> : vector<8x2048xi1>
    %eq3A_1949 = arith.xori %eq3A_1947, %eq3A_1948 : vector<8x2048xi1>
    %eq3A_1950 = arith.xori %eq3A_1935, %eq3A_1949 : vector<8x2048xi1>
    %eq3A_1951 = arith.constant dense<true> : vector<8x2048xi1>
    %eq3A_1952 = arith.xori %eq3A_1950, %eq3A_1951 : vector<8x2048xi1>
    %select_n3A_1953 = arith.select %eq3A_1952, %select_n3A_1900, %select_n3A_1915 : vector<8x2048xi1>, vector<8x2048xf32>
    %select_n3A_1954 = arith.select %eq3A_1952, %select_n3A_1901, %select_n3A_1929 : vector<8x2048xi1>, vector<8x2048xi32>
    %iota3A_1955 = tpu.iota {dimensions = array<i32: 1>} : vector<8x2048xi32>
    %and3A_1956 = arith.constant 128 : i32
    %and3A_1957 = vector.broadcast %and3A_1956 : i32 to vector<8x2048xi32>
    %and3A_1958 = arith.andi %iota3A_1955, %and3A_1957 : vector<8x2048xi32>
    %eq3A_1959 = arith.constant 0 : i32
    %eq3A_1960 = vector.broadcast %eq3A_1959 : i32 to vector<8x2048xi32>
    %eq3A_1961 = arith.cmpi eq, %and3A_1958, %eq3A_1960 : vector<8x2048xi32>
    %slice3A_1962 = vector.extract_strided_slice %select_n3A_1953 {offsets = [0, 128], sizes = [8, 1920], strides = [1, 1]} : vector<8x2048xf32> to vector<8x1920xf32>
    %slice3A_1963 = vector.extract_strided_slice %select_n3A_1953 {offsets = [0, 0], sizes = [8, 128], strides = [1, 1]} : vector<8x2048xf32> to vector<8x128xf32>
    %concatenate3A_1964 = tpu.concatenate %slice3A_1962, %slice3A_1963 in 1 : vector<8x1920xf32>, vector<8x128xf32> -> vector<8x2048xf32>
    %slice3A_1965 = vector.extract_strided_slice %select_n3A_1953 {offsets = [0, 1920], sizes = [8, 128], strides = [1, 1]} : vector<8x2048xf32> to vector<8x128xf32>
    %slice3A_1966 = vector.extract_strided_slice %select_n3A_1953 {offsets = [0, 0], sizes = [8, 1920], strides = [1, 1]} : vector<8x2048xf32> to vector<8x1920xf32>
    %concatenate3A_1967 = tpu.concatenate %slice3A_1965, %slice3A_1966 in 1 : vector<8x128xf32>, vector<8x1920xf32> -> vector<8x2048xf32>
    %select_n3A_1968 = arith.select %eq3A_1961, %concatenate3A_1964, %concatenate3A_1967 : vector<8x2048xi1>, vector<8x2048xf32>
    %iota3A_1969 = tpu.iota {dimensions = array<i32: 1>} : vector<8x2048xi32>
    %and3A_1970 = arith.constant 128 : i32
    %and3A_1971 = vector.broadcast %and3A_1970 : i32 to vector<8x2048xi32>
    %and3A_1972 = arith.andi %iota3A_1969, %and3A_1971 : vector<8x2048xi32>
    %eq3A_1973 = arith.constant 0 : i32
    %eq3A_1974 = vector.broadcast %eq3A_1973 : i32 to vector<8x2048xi32>
    %eq3A_1975 = arith.cmpi eq, %and3A_1972, %eq3A_1974 : vector<8x2048xi32>
    %slice3A_1976 = vector.extract_strided_slice %select_n3A_1954 {offsets = [0, 128], sizes = [8, 1920], strides = [1, 1]} : vector<8x2048xi32> to vector<8x1920xi32>
    %slice3A_1977 = vector.extract_strided_slice %select_n3A_1954 {offsets = [0, 0], sizes = [8, 128], strides = [1, 1]} : vector<8x2048xi32> to vector<8x128xi32>
    %concatenate3A_1978 = tpu.concatenate %slice3A_1976, %slice3A_1977 in 1 : vector<8x1920xi32>, vector<8x128xi32> -> vector<8x2048xi32>
    %slice3A_1979 = vector.extract_strided_slice %select_n3A_1954 {offsets = [0, 1920], sizes = [8, 128], strides = [1, 1]} : vector<8x2048xi32> to vector<8x128xi32>
    %slice3A_1980 = vector.extract_strided_slice %select_n3A_1954 {offsets = [0, 0], sizes = [8, 1920], strides = [1, 1]} : vector<8x2048xi32> to vector<8x1920xi32>
    %concatenate3A_1981 = tpu.concatenate %slice3A_1979, %slice3A_1980 in 1 : vector<8x128xi32>, vector<8x1920xi32> -> vector<8x2048xi32>
    %select_n3A_1982 = arith.select %eq3A_1975, %concatenate3A_1978, %concatenate3A_1981 : vector<8x2048xi1>, vector<8x2048xi32>
    %and3A_1983 = arith.constant 512 : i32
    %and3A_1984 = vector.broadcast %and3A_1983 : i32 to vector<8x2048xi32>
    %and3A_1985 = arith.andi %iota3A, %and3A_1984 : vector<8x2048xi32>
    %eq3A_1986 = arith.constant 0 : i32
    %eq3A_1987 = vector.broadcast %eq3A_1986 : i32 to vector<8x2048xi32>
    %eq3A_1988 = arith.cmpi eq, %and3A_1985, %eq3A_1987 : vector<8x2048xi32>
    %and3A_1989 = arith.constant 128 : i32
    %and3A_1990 = vector.broadcast %and3A_1989 : i32 to vector<8x2048xi32>
    %and3A_1991 = arith.andi %iota3A, %and3A_1990 : vector<8x2048xi32>
    %eq3A_1992 = arith.constant 0 : i32
    %eq3A_1993 = vector.broadcast %eq3A_1992 : i32 to vector<8x2048xi32>
    %eq3A_1994 = arith.cmpi eq, %and3A_1991, %eq3A_1993 : vector<8x2048xi32>
    %gt3A_1995 = arith.cmpf ogt, %select_n3A_1953, %select_n3A_1968 : vector<8x2048xf32>
    %eq3A_1996 = arith.cmpf oeq, %select_n3A_1953, %select_n3A_1968 : vector<8x2048xf32>
    %lt3A_1997 = arith.cmpi slt, %select_n3A_1954, %select_n3A_1982 : vector<8x2048xi32>
    %and3A_1998 = arith.andi %eq3A_1996, %lt3A_1997 : vector<8x2048xi1>
    %or3A_1999 = arith.ori %gt3A_1995, %and3A_1998 : vector<8x2048xi1>
    %eq3A_2000 = arith.xori %eq3A_1994, %or3A_1999 : vector<8x2048xi1>
    %eq3A_2001 = arith.constant dense<true> : vector<8x2048xi1>
    %eq3A_2002 = arith.xori %eq3A_2000, %eq3A_2001 : vector<8x2048xi1>
    %eq3A_2003 = arith.xori %eq3A_1988, %eq3A_2002 : vector<8x2048xi1>
    %eq3A_2004 = arith.constant dense<true> : vector<8x2048xi1>
    %eq3A_2005 = arith.xori %eq3A_2003, %eq3A_2004 : vector<8x2048xi1>
    %select_n3A_2006 = arith.select %eq3A_2005, %select_n3A_1953, %select_n3A_1968 : vector<8x2048xi1>, vector<8x2048xf32>
    %select_n3A_2007 = arith.select %eq3A_2005, %select_n3A_1954, %select_n3A_1982 : vector<8x2048xi1>, vector<8x2048xi32>
    %iota3A_2008 = tpu.iota {dimensions = array<i32: 1>} : vector<8x2048xi32>
    %and3A_2009 = arith.constant 64 : i32
    %and3A_2010 = vector.broadcast %and3A_2009 : i32 to vector<8x2048xi32>
    %and3A_2011 = arith.andi %iota3A_2008, %and3A_2010 : vector<8x2048xi32>
    %eq3A_2012 = arith.constant 0 : i32
    %eq3A_2013 = vector.broadcast %eq3A_2012 : i32 to vector<8x2048xi32>
    %eq3A_2014 = arith.cmpi eq, %and3A_2011, %eq3A_2013 : vector<8x2048xi32>
    %slice3A_2015 = vector.extract_strided_slice %select_n3A_2006 {offsets = [0, 64], sizes = [8, 1984], strides = [1, 1]} : vector<8x2048xf32> to vector<8x1984xf32>
    %slice3A_2016 = vector.extract_strided_slice %select_n3A_2006 {offsets = [0, 0], sizes = [8, 64], strides = [1, 1]} : vector<8x2048xf32> to vector<8x64xf32>
    %concatenate3A_2017 = tpu.concatenate %slice3A_2015, %slice3A_2016 in 1 : vector<8x1984xf32>, vector<8x64xf32> -> vector<8x2048xf32>
    %slice3A_2018 = vector.extract_strided_slice %select_n3A_2006 {offsets = [0, 1984], sizes = [8, 64], strides = [1, 1]} : vector<8x2048xf32> to vector<8x64xf32>
    %slice3A_2019 = vector.extract_strided_slice %select_n3A_2006 {offsets = [0, 0], sizes = [8, 1984], strides = [1, 1]} : vector<8x2048xf32> to vector<8x1984xf32>
    %concatenate3A_2020 = tpu.concatenate %slice3A_2018, %slice3A_2019 in 1 : vector<8x64xf32>, vector<8x1984xf32> -> vector<8x2048xf32>
    %select_n3A_2021 = arith.select %eq3A_2014, %concatenate3A_2017, %concatenate3A_2020 : vector<8x2048xi1>, vector<8x2048xf32>
    %iota3A_2022 = tpu.iota {dimensions = array<i32: 1>} : vector<8x2048xi32>
    %and3A_2023 = arith.constant 64 : i32
    %and3A_2024 = vector.broadcast %and3A_2023 : i32 to vector<8x2048xi32>
    %and3A_2025 = arith.andi %iota3A_2022, %and3A_2024 : vector<8x2048xi32>
    %eq3A_2026 = arith.constant 0 : i32
    %eq3A_2027 = vector.broadcast %eq3A_2026 : i32 to vector<8x2048xi32>
    %eq3A_2028 = arith.cmpi eq, %and3A_2025, %eq3A_2027 : vector<8x2048xi32>
    %slice3A_2029 = vector.extract_strided_slice %select_n3A_2007 {offsets = [0, 64], sizes = [8, 1984], strides = [1, 1]} : vector<8x2048xi32> to vector<8x1984xi32>
    %slice3A_2030 = vector.extract_strided_slice %select_n3A_2007 {offsets = [0, 0], sizes = [8, 64], strides = [1, 1]} : vector<8x2048xi32> to vector<8x64xi32>
    %concatenate3A_2031 = tpu.concatenate %slice3A_2029, %slice3A_2030 in 1 : vector<8x1984xi32>, vector<8x64xi32> -> vector<8x2048xi32>
    %slice3A_2032 = vector.extract_strided_slice %select_n3A_2007 {offsets = [0, 1984], sizes = [8, 64], strides = [1, 1]} : vector<8x2048xi32> to vector<8x64xi32>
    %slice3A_2033 = vector.extract_strided_slice %select_n3A_2007 {offsets = [0, 0], sizes = [8, 1984], strides = [1, 1]} : vector<8x2048xi32> to vector<8x1984xi32>
    %concatenate3A_2034 = tpu.concatenate %slice3A_2032, %slice3A_2033 in 1 : vector<8x64xi32>, vector<8x1984xi32> -> vector<8x2048xi32>
    %select_n3A_2035 = arith.select %eq3A_2028, %concatenate3A_2031, %concatenate3A_2034 : vector<8x2048xi1>, vector<8x2048xi32>
    %and3A_2036 = arith.constant 512 : i32
    %and3A_2037 = vector.broadcast %and3A_2036 : i32 to vector<8x2048xi32>
    %and3A_2038 = arith.andi %iota3A, %and3A_2037 : vector<8x2048xi32>
    %eq3A_2039 = arith.constant 0 : i32
    %eq3A_2040 = vector.broadcast %eq3A_2039 : i32 to vector<8x2048xi32>
    %eq3A_2041 = arith.cmpi eq, %and3A_2038, %eq3A_2040 : vector<8x2048xi32>
    %and3A_2042 = arith.constant 64 : i32
    %and3A_2043 = vector.broadcast %and3A_2042 : i32 to vector<8x2048xi32>
    %and3A_2044 = arith.andi %iota3A, %and3A_2043 : vector<8x2048xi32>
    %eq3A_2045 = arith.constant 0 : i32
    %eq3A_2046 = vector.broadcast %eq3A_2045 : i32 to vector<8x2048xi32>
    %eq3A_2047 = arith.cmpi eq, %and3A_2044, %eq3A_2046 : vector<8x2048xi32>
    %gt3A_2048 = arith.cmpf ogt, %select_n3A_2006, %select_n3A_2021 : vector<8x2048xf32>
    %eq3A_2049 = arith.cmpf oeq, %select_n3A_2006, %select_n3A_2021 : vector<8x2048xf32>
    %lt3A_2050 = arith.cmpi slt, %select_n3A_2007, %select_n3A_2035 : vector<8x2048xi32>
    %and3A_2051 = arith.andi %eq3A_2049, %lt3A_2050 : vector<8x2048xi1>
    %or3A_2052 = arith.ori %gt3A_2048, %and3A_2051 : vector<8x2048xi1>
    %eq3A_2053 = arith.xori %eq3A_2047, %or3A_2052 : vector<8x2048xi1>
    %eq3A_2054 = arith.constant dense<true> : vector<8x2048xi1>
    %eq3A_2055 = arith.xori %eq3A_2053, %eq3A_2054 : vector<8x2048xi1>
    %eq3A_2056 = arith.xori %eq3A_2041, %eq3A_2055 : vector<8x2048xi1>
    %eq3A_2057 = arith.constant dense<true> : vector<8x2048xi1>
    %eq3A_2058 = arith.xori %eq3A_2056, %eq3A_2057 : vector<8x2048xi1>
    %select_n3A_2059 = arith.select %eq3A_2058, %select_n3A_2006, %select_n3A_2021 : vector<8x2048xi1>, vector<8x2048xf32>
    %select_n3A_2060 = arith.select %eq3A_2058, %select_n3A_2007, %select_n3A_2035 : vector<8x2048xi1>, vector<8x2048xi32>
    %iota3A_2061 = tpu.iota {dimensions = array<i32: 1>} : vector<8x2048xi32>
    %and3A_2062 = arith.constant 32 : i32
    %and3A_2063 = vector.broadcast %and3A_2062 : i32 to vector<8x2048xi32>
    %and3A_2064 = arith.andi %iota3A_2061, %and3A_2063 : vector<8x2048xi32>
    %eq3A_2065 = arith.constant 0 : i32
    %eq3A_2066 = vector.broadcast %eq3A_2065 : i32 to vector<8x2048xi32>
    %eq3A_2067 = arith.cmpi eq, %and3A_2064, %eq3A_2066 : vector<8x2048xi32>
    %slice3A_2068 = vector.extract_strided_slice %select_n3A_2059 {offsets = [0, 32], sizes = [8, 2016], strides = [1, 1]} : vector<8x2048xf32> to vector<8x2016xf32>
    %slice3A_2069 = vector.extract_strided_slice %select_n3A_2059 {offsets = [0, 0], sizes = [8, 32], strides = [1, 1]} : vector<8x2048xf32> to vector<8x32xf32>
    %concatenate3A_2070 = tpu.concatenate %slice3A_2068, %slice3A_2069 in 1 : vector<8x2016xf32>, vector<8x32xf32> -> vector<8x2048xf32>
    %slice3A_2071 = vector.extract_strided_slice %select_n3A_2059 {offsets = [0, 2016], sizes = [8, 32], strides = [1, 1]} : vector<8x2048xf32> to vector<8x32xf32>
    %slice3A_2072 = vector.extract_strided_slice %select_n3A_2059 {offsets = [0, 0], sizes = [8, 2016], strides = [1, 1]} : vector<8x2048xf32> to vector<8x2016xf32>
    %concatenate3A_2073 = tpu.concatenate %slice3A_2071, %slice3A_2072 in 1 : vector<8x32xf32>, vector<8x2016xf32> -> vector<8x2048xf32>
    %select_n3A_2074 = arith.select %eq3A_2067, %concatenate3A_2070, %concatenate3A_2073 : vector<8x2048xi1>, vector<8x2048xf32>
    %iota3A_2075 = tpu.iota {dimensions = array<i32: 1>} : vector<8x2048xi32>
    %and3A_2076 = arith.constant 32 : i32
    %and3A_2077 = vector.broadcast %and3A_2076 : i32 to vector<8x2048xi32>
    %and3A_2078 = arith.andi %iota3A_2075, %and3A_2077 : vector<8x2048xi32>
    %eq3A_2079 = arith.constant 0 : i32
    %eq3A_2080 = vector.broadcast %eq3A_2079 : i32 to vector<8x2048xi32>
    %eq3A_2081 = arith.cmpi eq, %and3A_2078, %eq3A_2080 : vector<8x2048xi32>
    %slice3A_2082 = vector.extract_strided_slice %select_n3A_2060 {offsets = [0, 32], sizes = [8, 2016], strides = [1, 1]} : vector<8x2048xi32> to vector<8x2016xi32>
    %slice3A_2083 = vector.extract_strided_slice %select_n3A_2060 {offsets = [0, 0], sizes = [8, 32], strides = [1, 1]} : vector<8x2048xi32> to vector<8x32xi32>
    %concatenate3A_2084 = tpu.concatenate %slice3A_2082, %slice3A_2083 in 1 : vector<8x2016xi32>, vector<8x32xi32> -> vector<8x2048xi32>
    %slice3A_2085 = vector.extract_strided_slice %select_n3A_2060 {offsets = [0, 2016], sizes = [8, 32], strides = [1, 1]} : vector<8x2048xi32> to vector<8x32xi32>
    %slice3A_2086 = vector.extract_strided_slice %select_n3A_2060 {offsets = [0, 0], sizes = [8, 2016], strides = [1, 1]} : vector<8x2048xi32> to vector<8x2016xi32>
    %concatenate3A_2087 = tpu.concatenate %slice3A_2085, %slice3A_2086 in 1 : vector<8x32xi32>, vector<8x2016xi32> -> vector<8x2048xi32>
    %select_n3A_2088 = arith.select %eq3A_2081, %concatenate3A_2084, %concatenate3A_2087 : vector<8x2048xi1>, vector<8x2048xi32>
    %and3A_2089 = arith.constant 512 : i32
    %and3A_2090 = vector.broadcast %and3A_2089 : i32 to vector<8x2048xi32>
    %and3A_2091 = arith.andi %iota3A, %and3A_2090 : vector<8x2048xi32>
    %eq3A_2092 = arith.constant 0 : i32
    %eq3A_2093 = vector.broadcast %eq3A_2092 : i32 to vector<8x2048xi32>
    %eq3A_2094 = arith.cmpi eq, %and3A_2091, %eq3A_2093 : vector<8x2048xi32>
    %and3A_2095 = arith.constant 32 : i32
    %and3A_2096 = vector.broadcast %and3A_2095 : i32 to vector<8x2048xi32>
    %and3A_2097 = arith.andi %iota3A, %and3A_2096 : vector<8x2048xi32>
    %eq3A_2098 = arith.constant 0 : i32
    %eq3A_2099 = vector.broadcast %eq3A_2098 : i32 to vector<8x2048xi32>
    %eq3A_2100 = arith.cmpi eq, %and3A_2097, %eq3A_2099 : vector<8x2048xi32>
    %gt3A_2101 = arith.cmpf ogt, %select_n3A_2059, %select_n3A_2074 : vector<8x2048xf32>
    %eq3A_2102 = arith.cmpf oeq, %select_n3A_2059, %select_n3A_2074 : vector<8x2048xf32>
    %lt3A_2103 = arith.cmpi slt, %select_n3A_2060, %select_n3A_2088 : vector<8x2048xi32>
    %and3A_2104 = arith.andi %eq3A_2102, %lt3A_2103 : vector<8x2048xi1>
    %or3A_2105 = arith.ori %gt3A_2101, %and3A_2104 : vector<8x2048xi1>
    %eq3A_2106 = arith.xori %eq3A_2100, %or3A_2105 : vector<8x2048xi1>
    %eq3A_2107 = arith.constant dense<true> : vector<8x2048xi1>
    %eq3A_2108 = arith.xori %eq3A_2106, %eq3A_2107 : vector<8x2048xi1>
    %eq3A_2109 = arith.xori %eq3A_2094, %eq3A_2108 : vector<8x2048xi1>
    %eq3A_2110 = arith.constant dense<true> : vector<8x2048xi1>
    %eq3A_2111 = arith.xori %eq3A_2109, %eq3A_2110 : vector<8x2048xi1>
    %select_n3A_2112 = arith.select %eq3A_2111, %select_n3A_2059, %select_n3A_2074 : vector<8x2048xi1>, vector<8x2048xf32>
    %select_n3A_2113 = arith.select %eq3A_2111, %select_n3A_2060, %select_n3A_2088 : vector<8x2048xi1>, vector<8x2048xi32>
    %iota3A_2114 = tpu.iota {dimensions = array<i32: 1>} : vector<8x2048xi32>
    %and3A_2115 = arith.constant 16 : i32
    %and3A_2116 = vector.broadcast %and3A_2115 : i32 to vector<8x2048xi32>
    %and3A_2117 = arith.andi %iota3A_2114, %and3A_2116 : vector<8x2048xi32>
    %eq3A_2118 = arith.constant 0 : i32
    %eq3A_2119 = vector.broadcast %eq3A_2118 : i32 to vector<8x2048xi32>
    %eq3A_2120 = arith.cmpi eq, %and3A_2117, %eq3A_2119 : vector<8x2048xi32>
    %slice3A_2121 = vector.extract_strided_slice %select_n3A_2112 {offsets = [0, 16], sizes = [8, 2032], strides = [1, 1]} : vector<8x2048xf32> to vector<8x2032xf32>
    %slice3A_2122 = vector.extract_strided_slice %select_n3A_2112 {offsets = [0, 0], sizes = [8, 16], strides = [1, 1]} : vector<8x2048xf32> to vector<8x16xf32>
    %concatenate3A_2123 = tpu.concatenate %slice3A_2121, %slice3A_2122 in 1 : vector<8x2032xf32>, vector<8x16xf32> -> vector<8x2048xf32>
    %slice3A_2124 = vector.extract_strided_slice %select_n3A_2112 {offsets = [0, 2032], sizes = [8, 16], strides = [1, 1]} : vector<8x2048xf32> to vector<8x16xf32>
    %slice3A_2125 = vector.extract_strided_slice %select_n3A_2112 {offsets = [0, 0], sizes = [8, 2032], strides = [1, 1]} : vector<8x2048xf32> to vector<8x2032xf32>
    %concatenate3A_2126 = tpu.concatenate %slice3A_2124, %slice3A_2125 in 1 : vector<8x16xf32>, vector<8x2032xf32> -> vector<8x2048xf32>
    %select_n3A_2127 = arith.select %eq3A_2120, %concatenate3A_2123, %concatenate3A_2126 : vector<8x2048xi1>, vector<8x2048xf32>
    %iota3A_2128 = tpu.iota {dimensions = array<i32: 1>} : vector<8x2048xi32>
    %and3A_2129 = arith.constant 16 : i32
    %and3A_2130 = vector.broadcast %and3A_2129 : i32 to vector<8x2048xi32>
    %and3A_2131 = arith.andi %iota3A_2128, %and3A_2130 : vector<8x2048xi32>
    %eq3A_2132 = arith.constant 0 : i32
    %eq3A_2133 = vector.broadcast %eq3A_2132 : i32 to vector<8x2048xi32>
    %eq3A_2134 = arith.cmpi eq, %and3A_2131, %eq3A_2133 : vector<8x2048xi32>
    %slice3A_2135 = vector.extract_strided_slice %select_n3A_2113 {offsets = [0, 16], sizes = [8, 2032], strides = [1, 1]} : vector<8x2048xi32> to vector<8x2032xi32>
    %slice3A_2136 = vector.extract_strided_slice %select_n3A_2113 {offsets = [0, 0], sizes = [8, 16], strides = [1, 1]} : vector<8x2048xi32> to vector<8x16xi32>
    %concatenate3A_2137 = tpu.concatenate %slice3A_2135, %slice3A_2136 in 1 : vector<8x2032xi32>, vector<8x16xi32> -> vector<8x2048xi32>
    %slice3A_2138 = vector.extract_strided_slice %select_n3A_2113 {offsets = [0, 2032], sizes = [8, 16], strides = [1, 1]} : vector<8x2048xi32> to vector<8x16xi32>
    %slice3A_2139 = vector.extract_strided_slice %select_n3A_2113 {offsets = [0, 0], sizes = [8, 2032], strides = [1, 1]} : vector<8x2048xi32> to vector<8x2032xi32>
    %concatenate3A_2140 = tpu.concatenate %slice3A_2138, %slice3A_2139 in 1 : vector<8x16xi32>, vector<8x2032xi32> -> vector<8x2048xi32>
    %select_n3A_2141 = arith.select %eq3A_2134, %concatenate3A_2137, %concatenate3A_2140 : vector<8x2048xi1>, vector<8x2048xi32>
    %and3A_2142 = arith.constant 512 : i32
    %and3A_2143 = vector.broadcast %and3A_2142 : i32 to vector<8x2048xi32>
    %and3A_2144 = arith.andi %iota3A, %and3A_2143 : vector<8x2048xi32>
    %eq3A_2145 = arith.constant 0 : i32
    %eq3A_2146 = vector.broadcast %eq3A_2145 : i32 to vector<8x2048xi32>
    %eq3A_2147 = arith.cmpi eq, %and3A_2144, %eq3A_2146 : vector<8x2048xi32>
    %and3A_2148 = arith.constant 16 : i32
    %and3A_2149 = vector.broadcast %and3A_2148 : i32 to vector<8x2048xi32>
    %and3A_2150 = arith.andi %iota3A, %and3A_2149 : vector<8x2048xi32>
    %eq3A_2151 = arith.constant 0 : i32
    %eq3A_2152 = vector.broadcast %eq3A_2151 : i32 to vector<8x2048xi32>
    %eq3A_2153 = arith.cmpi eq, %and3A_2150, %eq3A_2152 : vector<8x2048xi32>
    %gt3A_2154 = arith.cmpf ogt, %select_n3A_2112, %select_n3A_2127 : vector<8x2048xf32>
    %eq3A_2155 = arith.cmpf oeq, %select_n3A_2112, %select_n3A_2127 : vector<8x2048xf32>
    %lt3A_2156 = arith.cmpi slt, %select_n3A_2113, %select_n3A_2141 : vector<8x2048xi32>
    %and3A_2157 = arith.andi %eq3A_2155, %lt3A_2156 : vector<8x2048xi1>
    %or3A_2158 = arith.ori %gt3A_2154, %and3A_2157 : vector<8x2048xi1>
    %eq3A_2159 = arith.xori %eq3A_2153, %or3A_2158 : vector<8x2048xi1>
    %eq3A_2160 = arith.constant dense<true> : vector<8x2048xi1>
    %eq3A_2161 = arith.xori %eq3A_2159, %eq3A_2160 : vector<8x2048xi1>
    %eq3A_2162 = arith.xori %eq3A_2147, %eq3A_2161 : vector<8x2048xi1>
    %eq3A_2163 = arith.constant dense<true> : vector<8x2048xi1>
    %eq3A_2164 = arith.xori %eq3A_2162, %eq3A_2163 : vector<8x2048xi1>
    %select_n3A_2165 = arith.select %eq3A_2164, %select_n3A_2112, %select_n3A_2127 : vector<8x2048xi1>, vector<8x2048xf32>
    %select_n3A_2166 = arith.select %eq3A_2164, %select_n3A_2113, %select_n3A_2141 : vector<8x2048xi1>, vector<8x2048xi32>
    %iota3A_2167 = tpu.iota {dimensions = array<i32: 1>} : vector<8x2048xi32>
    %and3A_2168 = arith.constant 8 : i32
    %and3A_2169 = vector.broadcast %and3A_2168 : i32 to vector<8x2048xi32>
    %and3A_2170 = arith.andi %iota3A_2167, %and3A_2169 : vector<8x2048xi32>
    %eq3A_2171 = arith.constant 0 : i32
    %eq3A_2172 = vector.broadcast %eq3A_2171 : i32 to vector<8x2048xi32>
    %eq3A_2173 = arith.cmpi eq, %and3A_2170, %eq3A_2172 : vector<8x2048xi32>
    %slice3A_2174 = vector.extract_strided_slice %select_n3A_2165 {offsets = [0, 8], sizes = [8, 2040], strides = [1, 1]} : vector<8x2048xf32> to vector<8x2040xf32>
    %slice3A_2175 = vector.extract_strided_slice %select_n3A_2165 {offsets = [0, 0], sizes = [8, 8], strides = [1, 1]} : vector<8x2048xf32> to vector<8x8xf32>
    %concatenate3A_2176 = tpu.concatenate %slice3A_2174, %slice3A_2175 in 1 : vector<8x2040xf32>, vector<8x8xf32> -> vector<8x2048xf32>
    %slice3A_2177 = vector.extract_strided_slice %select_n3A_2165 {offsets = [0, 2040], sizes = [8, 8], strides = [1, 1]} : vector<8x2048xf32> to vector<8x8xf32>
    %slice3A_2178 = vector.extract_strided_slice %select_n3A_2165 {offsets = [0, 0], sizes = [8, 2040], strides = [1, 1]} : vector<8x2048xf32> to vector<8x2040xf32>
    %concatenate3A_2179 = tpu.concatenate %slice3A_2177, %slice3A_2178 in 1 : vector<8x8xf32>, vector<8x2040xf32> -> vector<8x2048xf32>
    %select_n3A_2180 = arith.select %eq3A_2173, %concatenate3A_2176, %concatenate3A_2179 : vector<8x2048xi1>, vector<8x2048xf32>
    %iota3A_2181 = tpu.iota {dimensions = array<i32: 1>} : vector<8x2048xi32>
    %and3A_2182 = arith.constant 8 : i32
    %and3A_2183 = vector.broadcast %and3A_2182 : i32 to vector<8x2048xi32>
    %and3A_2184 = arith.andi %iota3A_2181, %and3A_2183 : vector<8x2048xi32>
    %eq3A_2185 = arith.constant 0 : i32
    %eq3A_2186 = vector.broadcast %eq3A_2185 : i32 to vector<8x2048xi32>
    %eq3A_2187 = arith.cmpi eq, %and3A_2184, %eq3A_2186 : vector<8x2048xi32>
    %slice3A_2188 = vector.extract_strided_slice %select_n3A_2166 {offsets = [0, 8], sizes = [8, 2040], strides = [1, 1]} : vector<8x2048xi32> to vector<8x2040xi32>
    %slice3A_2189 = vector.extract_strided_slice %select_n3A_2166 {offsets = [0, 0], sizes = [8, 8], strides = [1, 1]} : vector<8x2048xi32> to vector<8x8xi32>
    %concatenate3A_2190 = tpu.concatenate %slice3A_2188, %slice3A_2189 in 1 : vector<8x2040xi32>, vector<8x8xi32> -> vector<8x2048xi32>
    %slice3A_2191 = vector.extract_strided_slice %select_n3A_2166 {offsets = [0, 2040], sizes = [8, 8], strides = [1, 1]} : vector<8x2048xi32> to vector<8x8xi32>
    %slice3A_2192 = vector.extract_strided_slice %select_n3A_2166 {offsets = [0, 0], sizes = [8, 2040], strides = [1, 1]} : vector<8x2048xi32> to vector<8x2040xi32>
    %concatenate3A_2193 = tpu.concatenate %slice3A_2191, %slice3A_2192 in 1 : vector<8x8xi32>, vector<8x2040xi32> -> vector<8x2048xi32>
    %select_n3A_2194 = arith.select %eq3A_2187, %concatenate3A_2190, %concatenate3A_2193 : vector<8x2048xi1>, vector<8x2048xi32>
    %and3A_2195 = arith.constant 512 : i32
    %and3A_2196 = vector.broadcast %and3A_2195 : i32 to vector<8x2048xi32>
    %and3A_2197 = arith.andi %iota3A, %and3A_2196 : vector<8x2048xi32>
    %eq3A_2198 = arith.constant 0 : i32
    %eq3A_2199 = vector.broadcast %eq3A_2198 : i32 to vector<8x2048xi32>
    %eq3A_2200 = arith.cmpi eq, %and3A_2197, %eq3A_2199 : vector<8x2048xi32>
    %and3A_2201 = arith.constant 8 : i32
    %and3A_2202 = vector.broadcast %and3A_2201 : i32 to vector<8x2048xi32>
    %and3A_2203 = arith.andi %iota3A, %and3A_2202 : vector<8x2048xi32>
    %eq3A_2204 = arith.constant 0 : i32
    %eq3A_2205 = vector.broadcast %eq3A_2204 : i32 to vector<8x2048xi32>
    %eq3A_2206 = arith.cmpi eq, %and3A_2203, %eq3A_2205 : vector<8x2048xi32>
    %gt3A_2207 = arith.cmpf ogt, %select_n3A_2165, %select_n3A_2180 : vector<8x2048xf32>
    %eq3A_2208 = arith.cmpf oeq, %select_n3A_2165, %select_n3A_2180 : vector<8x2048xf32>
    %lt3A_2209 = arith.cmpi slt, %select_n3A_2166, %select_n3A_2194 : vector<8x2048xi32>
    %and3A_2210 = arith.andi %eq3A_2208, %lt3A_2209 : vector<8x2048xi1>
    %or3A_2211 = arith.ori %gt3A_2207, %and3A_2210 : vector<8x2048xi1>
    %eq3A_2212 = arith.xori %eq3A_2206, %or3A_2211 : vector<8x2048xi1>
    %eq3A_2213 = arith.constant dense<true> : vector<8x2048xi1>
    %eq3A_2214 = arith.xori %eq3A_2212, %eq3A_2213 : vector<8x2048xi1>
    %eq3A_2215 = arith.xori %eq3A_2200, %eq3A_2214 : vector<8x2048xi1>
    %eq3A_2216 = arith.constant dense<true> : vector<8x2048xi1>
    %eq3A_2217 = arith.xori %eq3A_2215, %eq3A_2216 : vector<8x2048xi1>
    %select_n3A_2218 = arith.select %eq3A_2217, %select_n3A_2165, %select_n3A_2180 : vector<8x2048xi1>, vector<8x2048xf32>
    %select_n3A_2219 = arith.select %eq3A_2217, %select_n3A_2166, %select_n3A_2194 : vector<8x2048xi1>, vector<8x2048xi32>
    %iota3A_2220 = tpu.iota {dimensions = array<i32: 1>} : vector<8x2048xi32>
    %and3A_2221 = arith.constant 4 : i32
    %and3A_2222 = vector.broadcast %and3A_2221 : i32 to vector<8x2048xi32>
    %and3A_2223 = arith.andi %iota3A_2220, %and3A_2222 : vector<8x2048xi32>
    %eq3A_2224 = arith.constant 0 : i32
    %eq3A_2225 = vector.broadcast %eq3A_2224 : i32 to vector<8x2048xi32>
    %eq3A_2226 = arith.cmpi eq, %and3A_2223, %eq3A_2225 : vector<8x2048xi32>
    %slice3A_2227 = vector.extract_strided_slice %select_n3A_2218 {offsets = [0, 4], sizes = [8, 2044], strides = [1, 1]} : vector<8x2048xf32> to vector<8x2044xf32>
    %slice3A_2228 = vector.extract_strided_slice %select_n3A_2218 {offsets = [0, 0], sizes = [8, 4], strides = [1, 1]} : vector<8x2048xf32> to vector<8x4xf32>
    %concatenate3A_2229 = tpu.concatenate %slice3A_2227, %slice3A_2228 in 1 : vector<8x2044xf32>, vector<8x4xf32> -> vector<8x2048xf32>
    %slice3A_2230 = vector.extract_strided_slice %select_n3A_2218 {offsets = [0, 2044], sizes = [8, 4], strides = [1, 1]} : vector<8x2048xf32> to vector<8x4xf32>
    %slice3A_2231 = vector.extract_strided_slice %select_n3A_2218 {offsets = [0, 0], sizes = [8, 2044], strides = [1, 1]} : vector<8x2048xf32> to vector<8x2044xf32>
    %concatenate3A_2232 = tpu.concatenate %slice3A_2230, %slice3A_2231 in 1 : vector<8x4xf32>, vector<8x2044xf32> -> vector<8x2048xf32>
    %select_n3A_2233 = arith.select %eq3A_2226, %concatenate3A_2229, %concatenate3A_2232 : vector<8x2048xi1>, vector<8x2048xf32>
    %iota3A_2234 = tpu.iota {dimensions = array<i32: 1>} : vector<8x2048xi32>
    %and3A_2235 = arith.constant 4 : i32
    %and3A_2236 = vector.broadcast %and3A_2235 : i32 to vector<8x2048xi32>
    %and3A_2237 = arith.andi %iota3A_2234, %and3A_2236 : vector<8x2048xi32>
    %eq3A_2238 = arith.constant 0 : i32
    %eq3A_2239 = vector.broadcast %eq3A_2238 : i32 to vector<8x2048xi32>
    %eq3A_2240 = arith.cmpi eq, %and3A_2237, %eq3A_2239 : vector<8x2048xi32>
    %slice3A_2241 = vector.extract_strided_slice %select_n3A_2219 {offsets = [0, 4], sizes = [8, 2044], strides = [1, 1]} : vector<8x2048xi32> to vector<8x2044xi32>
    %slice3A_2242 = vector.extract_strided_slice %select_n3A_2219 {offsets = [0, 0], sizes = [8, 4], strides = [1, 1]} : vector<8x2048xi32> to vector<8x4xi32>
    %concatenate3A_2243 = tpu.concatenate %slice3A_2241, %slice3A_2242 in 1 : vector<8x2044xi32>, vector<8x4xi32> -> vector<8x2048xi32>
    %slice3A_2244 = vector.extract_strided_slice %select_n3A_2219 {offsets = [0, 2044], sizes = [8, 4], strides = [1, 1]} : vector<8x2048xi32> to vector<8x4xi32>
    %slice3A_2245 = vector.extract_strided_slice %select_n3A_2219 {offsets = [0, 0], sizes = [8, 2044], strides = [1, 1]} : vector<8x2048xi32> to vector<8x2044xi32>
    %concatenate3A_2246 = tpu.concatenate %slice3A_2244, %slice3A_2245 in 1 : vector<8x4xi32>, vector<8x2044xi32> -> vector<8x2048xi32>
    %select_n3A_2247 = arith.select %eq3A_2240, %concatenate3A_2243, %concatenate3A_2246 : vector<8x2048xi1>, vector<8x2048xi32>
    %and3A_2248 = arith.constant 512 : i32
    %and3A_2249 = vector.broadcast %and3A_2248 : i32 to vector<8x2048xi32>
    %and3A_2250 = arith.andi %iota3A, %and3A_2249 : vector<8x2048xi32>
    %eq3A_2251 = arith.constant 0 : i32
    %eq3A_2252 = vector.broadcast %eq3A_2251 : i32 to vector<8x2048xi32>
    %eq3A_2253 = arith.cmpi eq, %and3A_2250, %eq3A_2252 : vector<8x2048xi32>
    %and3A_2254 = arith.constant 4 : i32
    %and3A_2255 = vector.broadcast %and3A_2254 : i32 to vector<8x2048xi32>
    %and3A_2256 = arith.andi %iota3A, %and3A_2255 : vector<8x2048xi32>
    %eq3A_2257 = arith.constant 0 : i32
    %eq3A_2258 = vector.broadcast %eq3A_2257 : i32 to vector<8x2048xi32>
    %eq3A_2259 = arith.cmpi eq, %and3A_2256, %eq3A_2258 : vector<8x2048xi32>
    %gt3A_2260 = arith.cmpf ogt, %select_n3A_2218, %select_n3A_2233 : vector<8x2048xf32>
    %eq3A_2261 = arith.cmpf oeq, %select_n3A_2218, %select_n3A_2233 : vector<8x2048xf32>
    %lt3A_2262 = arith.cmpi slt, %select_n3A_2219, %select_n3A_2247 : vector<8x2048xi32>
    %and3A_2263 = arith.andi %eq3A_2261, %lt3A_2262 : vector<8x2048xi1>
    %or3A_2264 = arith.ori %gt3A_2260, %and3A_2263 : vector<8x2048xi1>
    %eq3A_2265 = arith.xori %eq3A_2259, %or3A_2264 : vector<8x2048xi1>
    %eq3A_2266 = arith.constant dense<true> : vector<8x2048xi1>
    %eq3A_2267 = arith.xori %eq3A_2265, %eq3A_2266 : vector<8x2048xi1>
    %eq3A_2268 = arith.xori %eq3A_2253, %eq3A_2267 : vector<8x2048xi1>
    %eq3A_2269 = arith.constant dense<true> : vector<8x2048xi1>
    %eq3A_2270 = arith.xori %eq3A_2268, %eq3A_2269 : vector<8x2048xi1>
    %select_n3A_2271 = arith.select %eq3A_2270, %select_n3A_2218, %select_n3A_2233 : vector<8x2048xi1>, vector<8x2048xf32>
    %select_n3A_2272 = arith.select %eq3A_2270, %select_n3A_2219, %select_n3A_2247 : vector<8x2048xi1>, vector<8x2048xi32>
    %iota3A_2273 = tpu.iota {dimensions = array<i32: 1>} : vector<8x2048xi32>
    %and3A_2274 = arith.constant 2 : i32
    %and3A_2275 = vector.broadcast %and3A_2274 : i32 to vector<8x2048xi32>
    %and3A_2276 = arith.andi %iota3A_2273, %and3A_2275 : vector<8x2048xi32>
    %eq3A_2277 = arith.constant 0 : i32
    %eq3A_2278 = vector.broadcast %eq3A_2277 : i32 to vector<8x2048xi32>
    %eq3A_2279 = arith.cmpi eq, %and3A_2276, %eq3A_2278 : vector<8x2048xi32>
    %slice3A_2280 = vector.extract_strided_slice %select_n3A_2271 {offsets = [0, 2], sizes = [8, 2046], strides = [1, 1]} : vector<8x2048xf32> to vector<8x2046xf32>
    %slice3A_2281 = vector.extract_strided_slice %select_n3A_2271 {offsets = [0, 0], sizes = [8, 2], strides = [1, 1]} : vector<8x2048xf32> to vector<8x2xf32>
    %concatenate3A_2282 = tpu.concatenate %slice3A_2280, %slice3A_2281 in 1 : vector<8x2046xf32>, vector<8x2xf32> -> vector<8x2048xf32>
    %slice3A_2283 = vector.extract_strided_slice %select_n3A_2271 {offsets = [0, 2046], sizes = [8, 2], strides = [1, 1]} : vector<8x2048xf32> to vector<8x2xf32>
    %slice3A_2284 = vector.extract_strided_slice %select_n3A_2271 {offsets = [0, 0], sizes = [8, 2046], strides = [1, 1]} : vector<8x2048xf32> to vector<8x2046xf32>
    %concatenate3A_2285 = tpu.concatenate %slice3A_2283, %slice3A_2284 in 1 : vector<8x2xf32>, vector<8x2046xf32> -> vector<8x2048xf32>
    %select_n3A_2286 = arith.select %eq3A_2279, %concatenate3A_2282, %concatenate3A_2285 : vector<8x2048xi1>, vector<8x2048xf32>
    %iota3A_2287 = tpu.iota {dimensions = array<i32: 1>} : vector<8x2048xi32>
    %and3A_2288 = arith.constant 2 : i32
    %and3A_2289 = vector.broadcast %and3A_2288 : i32 to vector<8x2048xi32>
    %and3A_2290 = arith.andi %iota3A_2287, %and3A_2289 : vector<8x2048xi32>
    %eq3A_2291 = arith.constant 0 : i32
    %eq3A_2292 = vector.broadcast %eq3A_2291 : i32 to vector<8x2048xi32>
    %eq3A_2293 = arith.cmpi eq, %and3A_2290, %eq3A_2292 : vector<8x2048xi32>
    %slice3A_2294 = vector.extract_strided_slice %select_n3A_2272 {offsets = [0, 2], sizes = [8, 2046], strides = [1, 1]} : vector<8x2048xi32> to vector<8x2046xi32>
    %slice3A_2295 = vector.extract_strided_slice %select_n3A_2272 {offsets = [0, 0], sizes = [8, 2], strides = [1, 1]} : vector<8x2048xi32> to vector<8x2xi32>
    %concatenate3A_2296 = tpu.concatenate %slice3A_2294, %slice3A_2295 in 1 : vector<8x2046xi32>, vector<8x2xi32> -> vector<8x2048xi32>
    %slice3A_2297 = vector.extract_strided_slice %select_n3A_2272 {offsets = [0, 2046], sizes = [8, 2], strides = [1, 1]} : vector<8x2048xi32> to vector<8x2xi32>
    %slice3A_2298 = vector.extract_strided_slice %select_n3A_2272 {offsets = [0, 0], sizes = [8, 2046], strides = [1, 1]} : vector<8x2048xi32> to vector<8x2046xi32>
    %concatenate3A_2299 = tpu.concatenate %slice3A_2297, %slice3A_2298 in 1 : vector<8x2xi32>, vector<8x2046xi32> -> vector<8x2048xi32>
    %select_n3A_2300 = arith.select %eq3A_2293, %concatenate3A_2296, %concatenate3A_2299 : vector<8x2048xi1>, vector<8x2048xi32>
    %and3A_2301 = arith.constant 512 : i32
    %and3A_2302 = vector.broadcast %and3A_2301 : i32 to vector<8x2048xi32>
    %and3A_2303 = arith.andi %iota3A, %and3A_2302 : vector<8x2048xi32>
    %eq3A_2304 = arith.constant 0 : i32
    %eq3A_2305 = vector.broadcast %eq3A_2304 : i32 to vector<8x2048xi32>
    %eq3A_2306 = arith.cmpi eq, %and3A_2303, %eq3A_2305 : vector<8x2048xi32>
    %and3A_2307 = arith.constant 2 : i32
    %and3A_2308 = vector.broadcast %and3A_2307 : i32 to vector<8x2048xi32>
    %and3A_2309 = arith.andi %iota3A, %and3A_2308 : vector<8x2048xi32>
    %eq3A_2310 = arith.constant 0 : i32
    %eq3A_2311 = vector.broadcast %eq3A_2310 : i32 to vector<8x2048xi32>
    %eq3A_2312 = arith.cmpi eq, %and3A_2309, %eq3A_2311 : vector<8x2048xi32>
    %gt3A_2313 = arith.cmpf ogt, %select_n3A_2271, %select_n3A_2286 : vector<8x2048xf32>
    %eq3A_2314 = arith.cmpf oeq, %select_n3A_2271, %select_n3A_2286 : vector<8x2048xf32>
    %lt3A_2315 = arith.cmpi slt, %select_n3A_2272, %select_n3A_2300 : vector<8x2048xi32>
    %and3A_2316 = arith.andi %eq3A_2314, %lt3A_2315 : vector<8x2048xi1>
    %or3A_2317 = arith.ori %gt3A_2313, %and3A_2316 : vector<8x2048xi1>
    %eq3A_2318 = arith.xori %eq3A_2312, %or3A_2317 : vector<8x2048xi1>
    %eq3A_2319 = arith.constant dense<true> : vector<8x2048xi1>
    %eq3A_2320 = arith.xori %eq3A_2318, %eq3A_2319 : vector<8x2048xi1>
    %eq3A_2321 = arith.xori %eq3A_2306, %eq3A_2320 : vector<8x2048xi1>
    %eq3A_2322 = arith.constant dense<true> : vector<8x2048xi1>
    %eq3A_2323 = arith.xori %eq3A_2321, %eq3A_2322 : vector<8x2048xi1>
    %select_n3A_2324 = arith.select %eq3A_2323, %select_n3A_2271, %select_n3A_2286 : vector<8x2048xi1>, vector<8x2048xf32>
    %select_n3A_2325 = arith.select %eq3A_2323, %select_n3A_2272, %select_n3A_2300 : vector<8x2048xi1>, vector<8x2048xi32>
    %iota3A_2326 = tpu.iota {dimensions = array<i32: 1>} : vector<8x2048xi32>
    %and3A_2327 = arith.constant 1 : i32
    %and3A_2328 = vector.broadcast %and3A_2327 : i32 to vector<8x2048xi32>
    %and3A_2329 = arith.andi %iota3A_2326, %and3A_2328 : vector<8x2048xi32>
    %eq3A_2330 = arith.constant 0 : i32
    %eq3A_2331 = vector.broadcast %eq3A_2330 : i32 to vector<8x2048xi32>
    %eq3A_2332 = arith.cmpi eq, %and3A_2329, %eq3A_2331 : vector<8x2048xi32>
    %slice3A_2333 = vector.extract_strided_slice %select_n3A_2324 {offsets = [0, 1], sizes = [8, 2047], strides = [1, 1]} : vector<8x2048xf32> to vector<8x2047xf32>
    %slice3A_2334 = vector.extract_strided_slice %select_n3A_2324 {offsets = [0, 0], sizes = [8, 1], strides = [1, 1]} : vector<8x2048xf32> to vector<8x1xf32>
    %concatenate3A_2335 = tpu.concatenate %slice3A_2333, %slice3A_2334 in 1 : vector<8x2047xf32>, vector<8x1xf32> -> vector<8x2048xf32>
    %slice3A_2336 = vector.extract_strided_slice %select_n3A_2324 {offsets = [0, 2047], sizes = [8, 1], strides = [1, 1]} : vector<8x2048xf32> to vector<8x1xf32>
    %slice3A_2337 = vector.extract_strided_slice %select_n3A_2324 {offsets = [0, 0], sizes = [8, 2047], strides = [1, 1]} : vector<8x2048xf32> to vector<8x2047xf32>
    %concatenate3A_2338 = tpu.concatenate %slice3A_2336, %slice3A_2337 in 1 : vector<8x1xf32>, vector<8x2047xf32> -> vector<8x2048xf32>
    %select_n3A_2339 = arith.select %eq3A_2332, %concatenate3A_2335, %concatenate3A_2338 : vector<8x2048xi1>, vector<8x2048xf32>
    %iota3A_2340 = tpu.iota {dimensions = array<i32: 1>} : vector<8x2048xi32>
    %and3A_2341 = arith.constant 1 : i32
    %and3A_2342 = vector.broadcast %and3A_2341 : i32 to vector<8x2048xi32>
    %and3A_2343 = arith.andi %iota3A_2340, %and3A_2342 : vector<8x2048xi32>
    %eq3A_2344 = arith.constant 0 : i32
    %eq3A_2345 = vector.broadcast %eq3A_2344 : i32 to vector<8x2048xi32>
    %eq3A_2346 = arith.cmpi eq, %and3A_2343, %eq3A_2345 : vector<8x2048xi32>
    %slice3A_2347 = vector.extract_strided_slice %select_n3A_2325 {offsets = [0, 1], sizes = [8, 2047], strides = [1, 1]} : vector<8x2048xi32> to vector<8x2047xi32>
    %slice3A_2348 = vector.extract_strided_slice %select_n3A_2325 {offsets = [0, 0], sizes = [8, 1], strides = [1, 1]} : vector<8x2048xi32> to vector<8x1xi32>
    %concatenate3A_2349 = tpu.concatenate %slice3A_2347, %slice3A_2348 in 1 : vector<8x2047xi32>, vector<8x1xi32> -> vector<8x2048xi32>
    %slice3A_2350 = vector.extract_strided_slice %select_n3A_2325 {offsets = [0, 2047], sizes = [8, 1], strides = [1, 1]} : vector<8x2048xi32> to vector<8x1xi32>
    %slice3A_2351 = vector.extract_strided_slice %select_n3A_2325 {offsets = [0, 0], sizes = [8, 2047], strides = [1, 1]} : vector<8x2048xi32> to vector<8x2047xi32>
    %concatenate3A_2352 = tpu.concatenate %slice3A_2350, %slice3A_2351 in 1 : vector<8x1xi32>, vector<8x2047xi32> -> vector<8x2048xi32>
    %select_n3A_2353 = arith.select %eq3A_2346, %concatenate3A_2349, %concatenate3A_2352 : vector<8x2048xi1>, vector<8x2048xi32>
    %and3A_2354 = arith.constant 512 : i32
    %and3A_2355 = vector.broadcast %and3A_2354 : i32 to vector<8x2048xi32>
    %and3A_2356 = arith.andi %iota3A, %and3A_2355 : vector<8x2048xi32>
    %eq3A_2357 = arith.constant 0 : i32
    %eq3A_2358 = vector.broadcast %eq3A_2357 : i32 to vector<8x2048xi32>
    %eq3A_2359 = arith.cmpi eq, %and3A_2356, %eq3A_2358 : vector<8x2048xi32>
    %and3A_2360 = arith.constant 1 : i32
    %and3A_2361 = vector.broadcast %and3A_2360 : i32 to vector<8x2048xi32>
    %and3A_2362 = arith.andi %iota3A, %and3A_2361 : vector<8x2048xi32>
    %eq3A_2363 = arith.constant 0 : i32
    %eq3A_2364 = vector.broadcast %eq3A_2363 : i32 to vector<8x2048xi32>
    %eq3A_2365 = arith.cmpi eq, %and3A_2362, %eq3A_2364 : vector<8x2048xi32>
    %gt3A_2366 = arith.cmpf ogt, %select_n3A_2324, %select_n3A_2339 : vector<8x2048xf32>
    %eq3A_2367 = arith.cmpf oeq, %select_n3A_2324, %select_n3A_2339 : vector<8x2048xf32>
    %lt3A_2368 = arith.cmpi slt, %select_n3A_2325, %select_n3A_2353 : vector<8x2048xi32>
    %and3A_2369 = arith.andi %eq3A_2367, %lt3A_2368 : vector<8x2048xi1>
    %or3A_2370 = arith.ori %gt3A_2366, %and3A_2369 : vector<8x2048xi1>
    %eq3A_2371 = arith.xori %eq3A_2365, %or3A_2370 : vector<8x2048xi1>
    %eq3A_2372 = arith.constant dense<true> : vector<8x2048xi1>
    %eq3A_2373 = arith.xori %eq3A_2371, %eq3A_2372 : vector<8x2048xi1>
    %eq3A_2374 = arith.xori %eq3A_2359, %eq3A_2373 : vector<8x2048xi1>
    %eq3A_2375 = arith.constant dense<true> : vector<8x2048xi1>
    %eq3A_2376 = arith.xori %eq3A_2374, %eq3A_2375 : vector<8x2048xi1>
    %select_n3A_2377 = arith.select %eq3A_2376, %select_n3A_2324, %select_n3A_2339 : vector<8x2048xi1>, vector<8x2048xf32>
    %select_n3A_2378 = arith.select %eq3A_2376, %select_n3A_2325, %select_n3A_2353 : vector<8x2048xi1>, vector<8x2048xi32>
    %iota3A_2379 = tpu.iota {dimensions = array<i32: 1>} : vector<8x2048xi32>
    %and3A_2380 = arith.constant 512 : i32
    %and3A_2381 = vector.broadcast %and3A_2380 : i32 to vector<8x2048xi32>
    %and3A_2382 = arith.andi %iota3A_2379, %and3A_2381 : vector<8x2048xi32>
    %eq3A_2383 = arith.constant 0 : i32
    %eq3A_2384 = vector.broadcast %eq3A_2383 : i32 to vector<8x2048xi32>
    %eq3A_2385 = arith.cmpi eq, %and3A_2382, %eq3A_2384 : vector<8x2048xi32>
    %slice3A_2386 = vector.extract_strided_slice %select_n3A_2377 {offsets = [0, 512], sizes = [8, 1536], strides = [1, 1]} : vector<8x2048xf32> to vector<8x1536xf32>
    %slice3A_2387 = vector.extract_strided_slice %select_n3A_2377 {offsets = [0, 0], sizes = [8, 512], strides = [1, 1]} : vector<8x2048xf32> to vector<8x512xf32>
    %concatenate3A_2388 = tpu.concatenate %slice3A_2386, %slice3A_2387 in 1 : vector<8x1536xf32>, vector<8x512xf32> -> vector<8x2048xf32>
    %slice3A_2389 = vector.extract_strided_slice %select_n3A_2377 {offsets = [0, 1536], sizes = [8, 512], strides = [1, 1]} : vector<8x2048xf32> to vector<8x512xf32>
    %slice3A_2390 = vector.extract_strided_slice %select_n3A_2377 {offsets = [0, 0], sizes = [8, 1536], strides = [1, 1]} : vector<8x2048xf32> to vector<8x1536xf32>
    %concatenate3A_2391 = tpu.concatenate %slice3A_2389, %slice3A_2390 in 1 : vector<8x512xf32>, vector<8x1536xf32> -> vector<8x2048xf32>
    %select_n3A_2392 = arith.select %eq3A_2385, %concatenate3A_2388, %concatenate3A_2391 : vector<8x2048xi1>, vector<8x2048xf32>
    %iota3A_2393 = tpu.iota {dimensions = array<i32: 1>} : vector<8x2048xi32>
    %and3A_2394 = arith.constant 512 : i32
    %and3A_2395 = vector.broadcast %and3A_2394 : i32 to vector<8x2048xi32>
    %and3A_2396 = arith.andi %iota3A_2393, %and3A_2395 : vector<8x2048xi32>
    %eq3A_2397 = arith.constant 0 : i32
    %eq3A_2398 = vector.broadcast %eq3A_2397 : i32 to vector<8x2048xi32>
    %eq3A_2399 = arith.cmpi eq, %and3A_2396, %eq3A_2398 : vector<8x2048xi32>
    %slice3A_2400 = vector.extract_strided_slice %select_n3A_2378 {offsets = [0, 512], sizes = [8, 1536], strides = [1, 1]} : vector<8x2048xi32> to vector<8x1536xi32>
    %slice3A_2401 = vector.extract_strided_slice %select_n3A_2378 {offsets = [0, 0], sizes = [8, 512], strides = [1, 1]} : vector<8x2048xi32> to vector<8x512xi32>
    %concatenate3A_2402 = tpu.concatenate %slice3A_2400, %slice3A_2401 in 1 : vector<8x1536xi32>, vector<8x512xi32> -> vector<8x2048xi32>
    %slice3A_2403 = vector.extract_strided_slice %select_n3A_2378 {offsets = [0, 1536], sizes = [8, 512], strides = [1, 1]} : vector<8x2048xi32> to vector<8x512xi32>
    %slice3A_2404 = vector.extract_strided_slice %select_n3A_2378 {offsets = [0, 0], sizes = [8, 1536], strides = [1, 1]} : vector<8x2048xi32> to vector<8x1536xi32>
    %concatenate3A_2405 = tpu.concatenate %slice3A_2403, %slice3A_2404 in 1 : vector<8x512xi32>, vector<8x1536xi32> -> vector<8x2048xi32>
    %select_n3A_2406 = arith.select %eq3A_2399, %concatenate3A_2402, %concatenate3A_2405 : vector<8x2048xi1>, vector<8x2048xi32>
    %and3A_2407 = arith.constant 1024 : i32
    %and3A_2408 = vector.broadcast %and3A_2407 : i32 to vector<8x2048xi32>
    %and3A_2409 = arith.andi %iota3A, %and3A_2408 : vector<8x2048xi32>
    %eq3A_2410 = arith.constant 0 : i32
    %eq3A_2411 = vector.broadcast %eq3A_2410 : i32 to vector<8x2048xi32>
    %eq3A_2412 = arith.cmpi eq, %and3A_2409, %eq3A_2411 : vector<8x2048xi32>
    %and3A_2413 = arith.constant 512 : i32
    %and3A_2414 = vector.broadcast %and3A_2413 : i32 to vector<8x2048xi32>
    %and3A_2415 = arith.andi %iota3A, %and3A_2414 : vector<8x2048xi32>
    %eq3A_2416 = arith.constant 0 : i32
    %eq3A_2417 = vector.broadcast %eq3A_2416 : i32 to vector<8x2048xi32>
    %eq3A_2418 = arith.cmpi eq, %and3A_2415, %eq3A_2417 : vector<8x2048xi32>
    %gt3A_2419 = arith.cmpf ogt, %select_n3A_2377, %select_n3A_2392 : vector<8x2048xf32>
    %eq3A_2420 = arith.cmpf oeq, %select_n3A_2377, %select_n3A_2392 : vector<8x2048xf32>
    %lt3A_2421 = arith.cmpi slt, %select_n3A_2378, %select_n3A_2406 : vector<8x2048xi32>
    %and3A_2422 = arith.andi %eq3A_2420, %lt3A_2421 : vector<8x2048xi1>
    %or3A_2423 = arith.ori %gt3A_2419, %and3A_2422 : vector<8x2048xi1>
    %eq3A_2424 = arith.xori %eq3A_2418, %or3A_2423 : vector<8x2048xi1>
    %eq3A_2425 = arith.constant dense<true> : vector<8x2048xi1>
    %eq3A_2426 = arith.xori %eq3A_2424, %eq3A_2425 : vector<8x2048xi1>
    %eq3A_2427 = arith.xori %eq3A_2412, %eq3A_2426 : vector<8x2048xi1>
    %eq3A_2428 = arith.constant dense<true> : vector<8x2048xi1>
    %eq3A_2429 = arith.xori %eq3A_2427, %eq3A_2428 : vector<8x2048xi1>
    %select_n3A_2430 = arith.select %eq3A_2429, %select_n3A_2377, %select_n3A_2392 : vector<8x2048xi1>, vector<8x2048xf32>
    %select_n3A_2431 = arith.select %eq3A_2429, %select_n3A_2378, %select_n3A_2406 : vector<8x2048xi1>, vector<8x2048xi32>
    %iota3A_2432 = tpu.iota {dimensions = array<i32: 1>} : vector<8x2048xi32>
    %and3A_2433 = arith.constant 256 : i32
    %and3A_2434 = vector.broadcast %and3A_2433 : i32 to vector<8x2048xi32>
    %and3A_2435 = arith.andi %iota3A_2432, %and3A_2434 : vector<8x2048xi32>
    %eq3A_2436 = arith.constant 0 : i32
    %eq3A_2437 = vector.broadcast %eq3A_2436 : i32 to vector<8x2048xi32>
    %eq3A_2438 = arith.cmpi eq, %and3A_2435, %eq3A_2437 : vector<8x2048xi32>
    %slice3A_2439 = vector.extract_strided_slice %select_n3A_2430 {offsets = [0, 256], sizes = [8, 1792], strides = [1, 1]} : vector<8x2048xf32> to vector<8x1792xf32>
    %slice3A_2440 = vector.extract_strided_slice %select_n3A_2430 {offsets = [0, 0], sizes = [8, 256], strides = [1, 1]} : vector<8x2048xf32> to vector<8x256xf32>
    %concatenate3A_2441 = tpu.concatenate %slice3A_2439, %slice3A_2440 in 1 : vector<8x1792xf32>, vector<8x256xf32> -> vector<8x2048xf32>
    %slice3A_2442 = vector.extract_strided_slice %select_n3A_2430 {offsets = [0, 1792], sizes = [8, 256], strides = [1, 1]} : vector<8x2048xf32> to vector<8x256xf32>
    %slice3A_2443 = vector.extract_strided_slice %select_n3A_2430 {offsets = [0, 0], sizes = [8, 1792], strides = [1, 1]} : vector<8x2048xf32> to vector<8x1792xf32>
    %concatenate3A_2444 = tpu.concatenate %slice3A_2442, %slice3A_2443 in 1 : vector<8x256xf32>, vector<8x1792xf32> -> vector<8x2048xf32>
    %select_n3A_2445 = arith.select %eq3A_2438, %concatenate3A_2441, %concatenate3A_2444 : vector<8x2048xi1>, vector<8x2048xf32>
    %iota3A_2446 = tpu.iota {dimensions = array<i32: 1>} : vector<8x2048xi32>
    %and3A_2447 = arith.constant 256 : i32
    %and3A_2448 = vector.broadcast %and3A_2447 : i32 to vector<8x2048xi32>
    %and3A_2449 = arith.andi %iota3A_2446, %and3A_2448 : vector<8x2048xi32>
    %eq3A_2450 = arith.constant 0 : i32
    %eq3A_2451 = vector.broadcast %eq3A_2450 : i32 to vector<8x2048xi32>
    %eq3A_2452 = arith.cmpi eq, %and3A_2449, %eq3A_2451 : vector<8x2048xi32>
    %slice3A_2453 = vector.extract_strided_slice %select_n3A_2431 {offsets = [0, 256], sizes = [8, 1792], strides = [1, 1]} : vector<8x2048xi32> to vector<8x1792xi32>
    %slice3A_2454 = vector.extract_strided_slice %select_n3A_2431 {offsets = [0, 0], sizes = [8, 256], strides = [1, 1]} : vector<8x2048xi32> to vector<8x256xi32>
    %concatenate3A_2455 = tpu.concatenate %slice3A_2453, %slice3A_2454 in 1 : vector<8x1792xi32>, vector<8x256xi32> -> vector<8x2048xi32>
    %slice3A_2456 = vector.extract_strided_slice %select_n3A_2431 {offsets = [0, 1792], sizes = [8, 256], strides = [1, 1]} : vector<8x2048xi32> to vector<8x256xi32>
    %slice3A_2457 = vector.extract_strided_slice %select_n3A_2431 {offsets = [0, 0], sizes = [8, 1792], strides = [1, 1]} : vector<8x2048xi32> to vector<8x1792xi32>
    %concatenate3A_2458 = tpu.concatenate %slice3A_2456, %slice3A_2457 in 1 : vector<8x256xi32>, vector<8x1792xi32> -> vector<8x2048xi32>
    %select_n3A_2459 = arith.select %eq3A_2452, %concatenate3A_2455, %concatenate3A_2458 : vector<8x2048xi1>, vector<8x2048xi32>
    %and3A_2460 = arith.constant 1024 : i32
    %and3A_2461 = vector.broadcast %and3A_2460 : i32 to vector<8x2048xi32>
    %and3A_2462 = arith.andi %iota3A, %and3A_2461 : vector<8x2048xi32>
    %eq3A_2463 = arith.constant 0 : i32
    %eq3A_2464 = vector.broadcast %eq3A_2463 : i32 to vector<8x2048xi32>
    %eq3A_2465 = arith.cmpi eq, %and3A_2462, %eq3A_2464 : vector<8x2048xi32>
    %and3A_2466 = arith.constant 256 : i32
    %and3A_2467 = vector.broadcast %and3A_2466 : i32 to vector<8x2048xi32>
    %and3A_2468 = arith.andi %iota3A, %and3A_2467 : vector<8x2048xi32>
    %eq3A_2469 = arith.constant 0 : i32
    %eq3A_2470 = vector.broadcast %eq3A_2469 : i32 to vector<8x2048xi32>
    %eq3A_2471 = arith.cmpi eq, %and3A_2468, %eq3A_2470 : vector<8x2048xi32>
    %gt3A_2472 = arith.cmpf ogt, %select_n3A_2430, %select_n3A_2445 : vector<8x2048xf32>
    %eq3A_2473 = arith.cmpf oeq, %select_n3A_2430, %select_n3A_2445 : vector<8x2048xf32>
    %lt3A_2474 = arith.cmpi slt, %select_n3A_2431, %select_n3A_2459 : vector<8x2048xi32>
    %and3A_2475 = arith.andi %eq3A_2473, %lt3A_2474 : vector<8x2048xi1>
    %or3A_2476 = arith.ori %gt3A_2472, %and3A_2475 : vector<8x2048xi1>
    %eq3A_2477 = arith.xori %eq3A_2471, %or3A_2476 : vector<8x2048xi1>
    %eq3A_2478 = arith.constant dense<true> : vector<8x2048xi1>
    %eq3A_2479 = arith.xori %eq3A_2477, %eq3A_2478 : vector<8x2048xi1>
    %eq3A_2480 = arith.xori %eq3A_2465, %eq3A_2479 : vector<8x2048xi1>
    %eq3A_2481 = arith.constant dense<true> : vector<8x2048xi1>
    %eq3A_2482 = arith.xori %eq3A_2480, %eq3A_2481 : vector<8x2048xi1>
    %select_n3A_2483 = arith.select %eq3A_2482, %select_n3A_2430, %select_n3A_2445 : vector<8x2048xi1>, vector<8x2048xf32>
    %select_n3A_2484 = arith.select %eq3A_2482, %select_n3A_2431, %select_n3A_2459 : vector<8x2048xi1>, vector<8x2048xi32>
    %iota3A_2485 = tpu.iota {dimensions = array<i32: 1>} : vector<8x2048xi32>
    %and3A_2486 = arith.constant 128 : i32
    %and3A_2487 = vector.broadcast %and3A_2486 : i32 to vector<8x2048xi32>
    %and3A_2488 = arith.andi %iota3A_2485, %and3A_2487 : vector<8x2048xi32>
    %eq3A_2489 = arith.constant 0 : i32
    %eq3A_2490 = vector.broadcast %eq3A_2489 : i32 to vector<8x2048xi32>
    %eq3A_2491 = arith.cmpi eq, %and3A_2488, %eq3A_2490 : vector<8x2048xi32>
    %slice3A_2492 = vector.extract_strided_slice %select_n3A_2483 {offsets = [0, 128], sizes = [8, 1920], strides = [1, 1]} : vector<8x2048xf32> to vector<8x1920xf32>
    %slice3A_2493 = vector.extract_strided_slice %select_n3A_2483 {offsets = [0, 0], sizes = [8, 128], strides = [1, 1]} : vector<8x2048xf32> to vector<8x128xf32>
    %concatenate3A_2494 = tpu.concatenate %slice3A_2492, %slice3A_2493 in 1 : vector<8x1920xf32>, vector<8x128xf32> -> vector<8x2048xf32>
    %slice3A_2495 = vector.extract_strided_slice %select_n3A_2483 {offsets = [0, 1920], sizes = [8, 128], strides = [1, 1]} : vector<8x2048xf32> to vector<8x128xf32>
    %slice3A_2496 = vector.extract_strided_slice %select_n3A_2483 {offsets = [0, 0], sizes = [8, 1920], strides = [1, 1]} : vector<8x2048xf32> to vector<8x1920xf32>
    %concatenate3A_2497 = tpu.concatenate %slice3A_2495, %slice3A_2496 in 1 : vector<8x128xf32>, vector<8x1920xf32> -> vector<8x2048xf32>
    %select_n3A_2498 = arith.select %eq3A_2491, %concatenate3A_2494, %concatenate3A_2497 : vector<8x2048xi1>, vector<8x2048xf32>
    %iota3A_2499 = tpu.iota {dimensions = array<i32: 1>} : vector<8x2048xi32>
    %and3A_2500 = arith.constant 128 : i32
    %and3A_2501 = vector.broadcast %and3A_2500 : i32 to vector<8x2048xi32>
    %and3A_2502 = arith.andi %iota3A_2499, %and3A_2501 : vector<8x2048xi32>
    %eq3A_2503 = arith.constant 0 : i32
    %eq3A_2504 = vector.broadcast %eq3A_2503 : i32 to vector<8x2048xi32>
    %eq3A_2505 = arith.cmpi eq, %and3A_2502, %eq3A_2504 : vector<8x2048xi32>
    %slice3A_2506 = vector.extract_strided_slice %select_n3A_2484 {offsets = [0, 128], sizes = [8, 1920], strides = [1, 1]} : vector<8x2048xi32> to vector<8x1920xi32>
    %slice3A_2507 = vector.extract_strided_slice %select_n3A_2484 {offsets = [0, 0], sizes = [8, 128], strides = [1, 1]} : vector<8x2048xi32> to vector<8x128xi32>
    %concatenate3A_2508 = tpu.concatenate %slice3A_2506, %slice3A_2507 in 1 : vector<8x1920xi32>, vector<8x128xi32> -> vector<8x2048xi32>
    %slice3A_2509 = vector.extract_strided_slice %select_n3A_2484 {offsets = [0, 1920], sizes = [8, 128], strides = [1, 1]} : vector<8x2048xi32> to vector<8x128xi32>
    %slice3A_2510 = vector.extract_strided_slice %select_n3A_2484 {offsets = [0, 0], sizes = [8, 1920], strides = [1, 1]} : vector<8x2048xi32> to vector<8x1920xi32>
    %concatenate3A_2511 = tpu.concatenate %slice3A_2509, %slice3A_2510 in 1 : vector<8x128xi32>, vector<8x1920xi32> -> vector<8x2048xi32>
    %select_n3A_2512 = arith.select %eq3A_2505, %concatenate3A_2508, %concatenate3A_2511 : vector<8x2048xi1>, vector<8x2048xi32>
    %and3A_2513 = arith.constant 1024 : i32
    %and3A_2514 = vector.broadcast %and3A_2513 : i32 to vector<8x2048xi32>
    %and3A_2515 = arith.andi %iota3A, %and3A_2514 : vector<8x2048xi32>
    %eq3A_2516 = arith.constant 0 : i32
    %eq3A_2517 = vector.broadcast %eq3A_2516 : i32 to vector<8x2048xi32>
    %eq3A_2518 = arith.cmpi eq, %and3A_2515, %eq3A_2517 : vector<8x2048xi32>
    %and3A_2519 = arith.constant 128 : i32
    %and3A_2520 = vector.broadcast %and3A_2519 : i32 to vector<8x2048xi32>
    %and3A_2521 = arith.andi %iota3A, %and3A_2520 : vector<8x2048xi32>
    %eq3A_2522 = arith.constant 0 : i32
    %eq3A_2523 = vector.broadcast %eq3A_2522 : i32 to vector<8x2048xi32>
    %eq3A_2524 = arith.cmpi eq, %and3A_2521, %eq3A_2523 : vector<8x2048xi32>
    %gt3A_2525 = arith.cmpf ogt, %select_n3A_2483, %select_n3A_2498 : vector<8x2048xf32>
    %eq3A_2526 = arith.cmpf oeq, %select_n3A_2483, %select_n3A_2498 : vector<8x2048xf32>
    %lt3A_2527 = arith.cmpi slt, %select_n3A_2484, %select_n3A_2512 : vector<8x2048xi32>
    %and3A_2528 = arith.andi %eq3A_2526, %lt3A_2527 : vector<8x2048xi1>
    %or3A_2529 = arith.ori %gt3A_2525, %and3A_2528 : vector<8x2048xi1>
    %eq3A_2530 = arith.xori %eq3A_2524, %or3A_2529 : vector<8x2048xi1>
    %eq3A_2531 = arith.constant dense<true> : vector<8x2048xi1>
    %eq3A_2532 = arith.xori %eq3A_2530, %eq3A_2531 : vector<8x2048xi1>
    %eq3A_2533 = arith.xori %eq3A_2518, %eq3A_2532 : vector<8x2048xi1>
    %eq3A_2534 = arith.constant dense<true> : vector<8x2048xi1>
    %eq3A_2535 = arith.xori %eq3A_2533, %eq3A_2534 : vector<8x2048xi1>
    %select_n3A_2536 = arith.select %eq3A_2535, %select_n3A_2483, %select_n3A_2498 : vector<8x2048xi1>, vector<8x2048xf32>
    %select_n3A_2537 = arith.select %eq3A_2535, %select_n3A_2484, %select_n3A_2512 : vector<8x2048xi1>, vector<8x2048xi32>
    %iota3A_2538 = tpu.iota {dimensions = array<i32: 1>} : vector<8x2048xi32>
    %and3A_2539 = arith.constant 64 : i32
    %and3A_2540 = vector.broadcast %and3A_2539 : i32 to vector<8x2048xi32>
    %and3A_2541 = arith.andi %iota3A_2538, %and3A_2540 : vector<8x2048xi32>
    %eq3A_2542 = arith.constant 0 : i32
    %eq3A_2543 = vector.broadcast %eq3A_2542 : i32 to vector<8x2048xi32>
    %eq3A_2544 = arith.cmpi eq, %and3A_2541, %eq3A_2543 : vector<8x2048xi32>
    %slice3A_2545 = vector.extract_strided_slice %select_n3A_2536 {offsets = [0, 64], sizes = [8, 1984], strides = [1, 1]} : vector<8x2048xf32> to vector<8x1984xf32>
    %slice3A_2546 = vector.extract_strided_slice %select_n3A_2536 {offsets = [0, 0], sizes = [8, 64], strides = [1, 1]} : vector<8x2048xf32> to vector<8x64xf32>
    %concatenate3A_2547 = tpu.concatenate %slice3A_2545, %slice3A_2546 in 1 : vector<8x1984xf32>, vector<8x64xf32> -> vector<8x2048xf32>
    %slice3A_2548 = vector.extract_strided_slice %select_n3A_2536 {offsets = [0, 1984], sizes = [8, 64], strides = [1, 1]} : vector<8x2048xf32> to vector<8x64xf32>
    %slice3A_2549 = vector.extract_strided_slice %select_n3A_2536 {offsets = [0, 0], sizes = [8, 1984], strides = [1, 1]} : vector<8x2048xf32> to vector<8x1984xf32>
    %concatenate3A_2550 = tpu.concatenate %slice3A_2548, %slice3A_2549 in 1 : vector<8x64xf32>, vector<8x1984xf32> -> vector<8x2048xf32>
    %select_n3A_2551 = arith.select %eq3A_2544, %concatenate3A_2547, %concatenate3A_2550 : vector<8x2048xi1>, vector<8x2048xf32>
    %iota3A_2552 = tpu.iota {dimensions = array<i32: 1>} : vector<8x2048xi32>
    %and3A_2553 = arith.constant 64 : i32
    %and3A_2554 = vector.broadcast %and3A_2553 : i32 to vector<8x2048xi32>
    %and3A_2555 = arith.andi %iota3A_2552, %and3A_2554 : vector<8x2048xi32>
    %eq3A_2556 = arith.constant 0 : i32
    %eq3A_2557 = vector.broadcast %eq3A_2556 : i32 to vector<8x2048xi32>
    %eq3A_2558 = arith.cmpi eq, %and3A_2555, %eq3A_2557 : vector<8x2048xi32>
    %slice3A_2559 = vector.extract_strided_slice %select_n3A_2537 {offsets = [0, 64], sizes = [8, 1984], strides = [1, 1]} : vector<8x2048xi32> to vector<8x1984xi32>
    %slice3A_2560 = vector.extract_strided_slice %select_n3A_2537 {offsets = [0, 0], sizes = [8, 64], strides = [1, 1]} : vector<8x2048xi32> to vector<8x64xi32>
    %concatenate3A_2561 = tpu.concatenate %slice3A_2559, %slice3A_2560 in 1 : vector<8x1984xi32>, vector<8x64xi32> -> vector<8x2048xi32>
    %slice3A_2562 = vector.extract_strided_slice %select_n3A_2537 {offsets = [0, 1984], sizes = [8, 64], strides = [1, 1]} : vector<8x2048xi32> to vector<8x64xi32>
    %slice3A_2563 = vector.extract_strided_slice %select_n3A_2537 {offsets = [0, 0], sizes = [8, 1984], strides = [1, 1]} : vector<8x2048xi32> to vector<8x1984xi32>
    %concatenate3A_2564 = tpu.concatenate %slice3A_2562, %slice3A_2563 in 1 : vector<8x64xi32>, vector<8x1984xi32> -> vector<8x2048xi32>
    %select_n3A_2565 = arith.select %eq3A_2558, %concatenate3A_2561, %concatenate3A_2564 : vector<8x2048xi1>, vector<8x2048xi32>
    %and3A_2566 = arith.constant 1024 : i32
    %and3A_2567 = vector.broadcast %and3A_2566 : i32 to vector<8x2048xi32>
    %and3A_2568 = arith.andi %iota3A, %and3A_2567 : vector<8x2048xi32>
    %eq3A_2569 = arith.constant 0 : i32
    %eq3A_2570 = vector.broadcast %eq3A_2569 : i32 to vector<8x2048xi32>
    %eq3A_2571 = arith.cmpi eq, %and3A_2568, %eq3A_2570 : vector<8x2048xi32>
    %and3A_2572 = arith.constant 64 : i32
    %and3A_2573 = vector.broadcast %and3A_2572 : i32 to vector<8x2048xi32>
    %and3A_2574 = arith.andi %iota3A, %and3A_2573 : vector<8x2048xi32>
    %eq3A_2575 = arith.constant 0 : i32
    %eq3A_2576 = vector.broadcast %eq3A_2575 : i32 to vector<8x2048xi32>
    %eq3A_2577 = arith.cmpi eq, %and3A_2574, %eq3A_2576 : vector<8x2048xi32>
    %gt3A_2578 = arith.cmpf ogt, %select_n3A_2536, %select_n3A_2551 : vector<8x2048xf32>
    %eq3A_2579 = arith.cmpf oeq, %select_n3A_2536, %select_n3A_2551 : vector<8x2048xf32>
    %lt3A_2580 = arith.cmpi slt, %select_n3A_2537, %select_n3A_2565 : vector<8x2048xi32>
    %and3A_2581 = arith.andi %eq3A_2579, %lt3A_2580 : vector<8x2048xi1>
    %or3A_2582 = arith.ori %gt3A_2578, %and3A_2581 : vector<8x2048xi1>
    %eq3A_2583 = arith.xori %eq3A_2577, %or3A_2582 : vector<8x2048xi1>
    %eq3A_2584 = arith.constant dense<true> : vector<8x2048xi1>
    %eq3A_2585 = arith.xori %eq3A_2583, %eq3A_2584 : vector<8x2048xi1>
    %eq3A_2586 = arith.xori %eq3A_2571, %eq3A_2585 : vector<8x2048xi1>
    %eq3A_2587 = arith.constant dense<true> : vector<8x2048xi1>
    %eq3A_2588 = arith.xori %eq3A_2586, %eq3A_2587 : vector<8x2048xi1>
    %select_n3A_2589 = arith.select %eq3A_2588, %select_n3A_2536, %select_n3A_2551 : vector<8x2048xi1>, vector<8x2048xf32>
    %select_n3A_2590 = arith.select %eq3A_2588, %select_n3A_2537, %select_n3A_2565 : vector<8x2048xi1>, vector<8x2048xi32>
    %iota3A_2591 = tpu.iota {dimensions = array<i32: 1>} : vector<8x2048xi32>
    %and3A_2592 = arith.constant 32 : i32
    %and3A_2593 = vector.broadcast %and3A_2592 : i32 to vector<8x2048xi32>
    %and3A_2594 = arith.andi %iota3A_2591, %and3A_2593 : vector<8x2048xi32>
    %eq3A_2595 = arith.constant 0 : i32
    %eq3A_2596 = vector.broadcast %eq3A_2595 : i32 to vector<8x2048xi32>
    %eq3A_2597 = arith.cmpi eq, %and3A_2594, %eq3A_2596 : vector<8x2048xi32>
    %slice3A_2598 = vector.extract_strided_slice %select_n3A_2589 {offsets = [0, 32], sizes = [8, 2016], strides = [1, 1]} : vector<8x2048xf32> to vector<8x2016xf32>
    %slice3A_2599 = vector.extract_strided_slice %select_n3A_2589 {offsets = [0, 0], sizes = [8, 32], strides = [1, 1]} : vector<8x2048xf32> to vector<8x32xf32>
    %concatenate3A_2600 = tpu.concatenate %slice3A_2598, %slice3A_2599 in 1 : vector<8x2016xf32>, vector<8x32xf32> -> vector<8x2048xf32>
    %slice3A_2601 = vector.extract_strided_slice %select_n3A_2589 {offsets = [0, 2016], sizes = [8, 32], strides = [1, 1]} : vector<8x2048xf32> to vector<8x32xf32>
    %slice3A_2602 = vector.extract_strided_slice %select_n3A_2589 {offsets = [0, 0], sizes = [8, 2016], strides = [1, 1]} : vector<8x2048xf32> to vector<8x2016xf32>
    %concatenate3A_2603 = tpu.concatenate %slice3A_2601, %slice3A_2602 in 1 : vector<8x32xf32>, vector<8x2016xf32> -> vector<8x2048xf32>
    %select_n3A_2604 = arith.select %eq3A_2597, %concatenate3A_2600, %concatenate3A_2603 : vector<8x2048xi1>, vector<8x2048xf32>
    %iota3A_2605 = tpu.iota {dimensions = array<i32: 1>} : vector<8x2048xi32>
    %and3A_2606 = arith.constant 32 : i32
    %and3A_2607 = vector.broadcast %and3A_2606 : i32 to vector<8x2048xi32>
    %and3A_2608 = arith.andi %iota3A_2605, %and3A_2607 : vector<8x2048xi32>
    %eq3A_2609 = arith.constant 0 : i32
    %eq3A_2610 = vector.broadcast %eq3A_2609 : i32 to vector<8x2048xi32>
    %eq3A_2611 = arith.cmpi eq, %and3A_2608, %eq3A_2610 : vector<8x2048xi32>
    %slice3A_2612 = vector.extract_strided_slice %select_n3A_2590 {offsets = [0, 32], sizes = [8, 2016], strides = [1, 1]} : vector<8x2048xi32> to vector<8x2016xi32>
    %slice3A_2613 = vector.extract_strided_slice %select_n3A_2590 {offsets = [0, 0], sizes = [8, 32], strides = [1, 1]} : vector<8x2048xi32> to vector<8x32xi32>
    %concatenate3A_2614 = tpu.concatenate %slice3A_2612, %slice3A_2613 in 1 : vector<8x2016xi32>, vector<8x32xi32> -> vector<8x2048xi32>
    %slice3A_2615 = vector.extract_strided_slice %select_n3A_2590 {offsets = [0, 2016], sizes = [8, 32], strides = [1, 1]} : vector<8x2048xi32> to vector<8x32xi32>
    %slice3A_2616 = vector.extract_strided_slice %select_n3A_2590 {offsets = [0, 0], sizes = [8, 2016], strides = [1, 1]} : vector<8x2048xi32> to vector<8x2016xi32>
    %concatenate3A_2617 = tpu.concatenate %slice3A_2615, %slice3A_2616 in 1 : vector<8x32xi32>, vector<8x2016xi32> -> vector<8x2048xi32>
    %select_n3A_2618 = arith.select %eq3A_2611, %concatenate3A_2614, %concatenate3A_2617 : vector<8x2048xi1>, vector<8x2048xi32>
    %and3A_2619 = arith.constant 1024 : i32
    %and3A_2620 = vector.broadcast %and3A_2619 : i32 to vector<8x2048xi32>
    %and3A_2621 = arith.andi %iota3A, %and3A_2620 : vector<8x2048xi32>
    %eq3A_2622 = arith.constant 0 : i32
    %eq3A_2623 = vector.broadcast %eq3A_2622 : i32 to vector<8x2048xi32>
    %eq3A_2624 = arith.cmpi eq, %and3A_2621, %eq3A_2623 : vector<8x2048xi32>
    %and3A_2625 = arith.constant 32 : i32
    %and3A_2626 = vector.broadcast %and3A_2625 : i32 to vector<8x2048xi32>
    %and3A_2627 = arith.andi %iota3A, %and3A_2626 : vector<8x2048xi32>
    %eq3A_2628 = arith.constant 0 : i32
    %eq3A_2629 = vector.broadcast %eq3A_2628 : i32 to vector<8x2048xi32>
    %eq3A_2630 = arith.cmpi eq, %and3A_2627, %eq3A_2629 : vector<8x2048xi32>
    %gt3A_2631 = arith.cmpf ogt, %select_n3A_2589, %select_n3A_2604 : vector<8x2048xf32>
    %eq3A_2632 = arith.cmpf oeq, %select_n3A_2589, %select_n3A_2604 : vector<8x2048xf32>
    %lt3A_2633 = arith.cmpi slt, %select_n3A_2590, %select_n3A_2618 : vector<8x2048xi32>
    %and3A_2634 = arith.andi %eq3A_2632, %lt3A_2633 : vector<8x2048xi1>
    %or3A_2635 = arith.ori %gt3A_2631, %and3A_2634 : vector<8x2048xi1>
    %eq3A_2636 = arith.xori %eq3A_2630, %or3A_2635 : vector<8x2048xi1>
    %eq3A_2637 = arith.constant dense<true> : vector<8x2048xi1>
    %eq3A_2638 = arith.xori %eq3A_2636, %eq3A_2637 : vector<8x2048xi1>
    %eq3A_2639 = arith.xori %eq3A_2624, %eq3A_2638 : vector<8x2048xi1>
    %eq3A_2640 = arith.constant dense<true> : vector<8x2048xi1>
    %eq3A_2641 = arith.xori %eq3A_2639, %eq3A_2640 : vector<8x2048xi1>
    %select_n3A_2642 = arith.select %eq3A_2641, %select_n3A_2589, %select_n3A_2604 : vector<8x2048xi1>, vector<8x2048xf32>
    %select_n3A_2643 = arith.select %eq3A_2641, %select_n3A_2590, %select_n3A_2618 : vector<8x2048xi1>, vector<8x2048xi32>
    %iota3A_2644 = tpu.iota {dimensions = array<i32: 1>} : vector<8x2048xi32>
    %and3A_2645 = arith.constant 16 : i32
    %and3A_2646 = vector.broadcast %and3A_2645 : i32 to vector<8x2048xi32>
    %and3A_2647 = arith.andi %iota3A_2644, %and3A_2646 : vector<8x2048xi32>
    %eq3A_2648 = arith.constant 0 : i32
    %eq3A_2649 = vector.broadcast %eq3A_2648 : i32 to vector<8x2048xi32>
    %eq3A_2650 = arith.cmpi eq, %and3A_2647, %eq3A_2649 : vector<8x2048xi32>
    %slice3A_2651 = vector.extract_strided_slice %select_n3A_2642 {offsets = [0, 16], sizes = [8, 2032], strides = [1, 1]} : vector<8x2048xf32> to vector<8x2032xf32>
    %slice3A_2652 = vector.extract_strided_slice %select_n3A_2642 {offsets = [0, 0], sizes = [8, 16], strides = [1, 1]} : vector<8x2048xf32> to vector<8x16xf32>
    %concatenate3A_2653 = tpu.concatenate %slice3A_2651, %slice3A_2652 in 1 : vector<8x2032xf32>, vector<8x16xf32> -> vector<8x2048xf32>
    %slice3A_2654 = vector.extract_strided_slice %select_n3A_2642 {offsets = [0, 2032], sizes = [8, 16], strides = [1, 1]} : vector<8x2048xf32> to vector<8x16xf32>
    %slice3A_2655 = vector.extract_strided_slice %select_n3A_2642 {offsets = [0, 0], sizes = [8, 2032], strides = [1, 1]} : vector<8x2048xf32> to vector<8x2032xf32>
    %concatenate3A_2656 = tpu.concatenate %slice3A_2654, %slice3A_2655 in 1 : vector<8x16xf32>, vector<8x2032xf32> -> vector<8x2048xf32>
    %select_n3A_2657 = arith.select %eq3A_2650, %concatenate3A_2653, %concatenate3A_2656 : vector<8x2048xi1>, vector<8x2048xf32>
    %iota3A_2658 = tpu.iota {dimensions = array<i32: 1>} : vector<8x2048xi32>
    %and3A_2659 = arith.constant 16 : i32
    %and3A_2660 = vector.broadcast %and3A_2659 : i32 to vector<8x2048xi32>
    %and3A_2661 = arith.andi %iota3A_2658, %and3A_2660 : vector<8x2048xi32>
    %eq3A_2662 = arith.constant 0 : i32
    %eq3A_2663 = vector.broadcast %eq3A_2662 : i32 to vector<8x2048xi32>
    %eq3A_2664 = arith.cmpi eq, %and3A_2661, %eq3A_2663 : vector<8x2048xi32>
    %slice3A_2665 = vector.extract_strided_slice %select_n3A_2643 {offsets = [0, 16], sizes = [8, 2032], strides = [1, 1]} : vector<8x2048xi32> to vector<8x2032xi32>
    %slice3A_2666 = vector.extract_strided_slice %select_n3A_2643 {offsets = [0, 0], sizes = [8, 16], strides = [1, 1]} : vector<8x2048xi32> to vector<8x16xi32>
    %concatenate3A_2667 = tpu.concatenate %slice3A_2665, %slice3A_2666 in 1 : vector<8x2032xi32>, vector<8x16xi32> -> vector<8x2048xi32>
    %slice3A_2668 = vector.extract_strided_slice %select_n3A_2643 {offsets = [0, 2032], sizes = [8, 16], strides = [1, 1]} : vector<8x2048xi32> to vector<8x16xi32>
    %slice3A_2669 = vector.extract_strided_slice %select_n3A_2643 {offsets = [0, 0], sizes = [8, 2032], strides = [1, 1]} : vector<8x2048xi32> to vector<8x2032xi32>
    %concatenate3A_2670 = tpu.concatenate %slice3A_2668, %slice3A_2669 in 1 : vector<8x16xi32>, vector<8x2032xi32> -> vector<8x2048xi32>
    %select_n3A_2671 = arith.select %eq3A_2664, %concatenate3A_2667, %concatenate3A_2670 : vector<8x2048xi1>, vector<8x2048xi32>
    %and3A_2672 = arith.constant 1024 : i32
    %and3A_2673 = vector.broadcast %and3A_2672 : i32 to vector<8x2048xi32>
    %and3A_2674 = arith.andi %iota3A, %and3A_2673 : vector<8x2048xi32>
    %eq3A_2675 = arith.constant 0 : i32
    %eq3A_2676 = vector.broadcast %eq3A_2675 : i32 to vector<8x2048xi32>
    %eq3A_2677 = arith.cmpi eq, %and3A_2674, %eq3A_2676 : vector<8x2048xi32>
    %and3A_2678 = arith.constant 16 : i32
    %and3A_2679 = vector.broadcast %and3A_2678 : i32 to vector<8x2048xi32>
    %and3A_2680 = arith.andi %iota3A, %and3A_2679 : vector<8x2048xi32>
    %eq3A_2681 = arith.constant 0 : i32
    %eq3A_2682 = vector.broadcast %eq3A_2681 : i32 to vector<8x2048xi32>
    %eq3A_2683 = arith.cmpi eq, %and3A_2680, %eq3A_2682 : vector<8x2048xi32>
    %gt3A_2684 = arith.cmpf ogt, %select_n3A_2642, %select_n3A_2657 : vector<8x2048xf32>
    %eq3A_2685 = arith.cmpf oeq, %select_n3A_2642, %select_n3A_2657 : vector<8x2048xf32>
    %lt3A_2686 = arith.cmpi slt, %select_n3A_2643, %select_n3A_2671 : vector<8x2048xi32>
    %and3A_2687 = arith.andi %eq3A_2685, %lt3A_2686 : vector<8x2048xi1>
    %or3A_2688 = arith.ori %gt3A_2684, %and3A_2687 : vector<8x2048xi1>
    %eq3A_2689 = arith.xori %eq3A_2683, %or3A_2688 : vector<8x2048xi1>
    %eq3A_2690 = arith.constant dense<true> : vector<8x2048xi1>
    %eq3A_2691 = arith.xori %eq3A_2689, %eq3A_2690 : vector<8x2048xi1>
    %eq3A_2692 = arith.xori %eq3A_2677, %eq3A_2691 : vector<8x2048xi1>
    %eq3A_2693 = arith.constant dense<true> : vector<8x2048xi1>
    %eq3A_2694 = arith.xori %eq3A_2692, %eq3A_2693 : vector<8x2048xi1>
    %select_n3A_2695 = arith.select %eq3A_2694, %select_n3A_2642, %select_n3A_2657 : vector<8x2048xi1>, vector<8x2048xf32>
    %select_n3A_2696 = arith.select %eq3A_2694, %select_n3A_2643, %select_n3A_2671 : vector<8x2048xi1>, vector<8x2048xi32>
    %iota3A_2697 = tpu.iota {dimensions = array<i32: 1>} : vector<8x2048xi32>
    %and3A_2698 = arith.constant 8 : i32
    %and3A_2699 = vector.broadcast %and3A_2698 : i32 to vector<8x2048xi32>
    %and3A_2700 = arith.andi %iota3A_2697, %and3A_2699 : vector<8x2048xi32>
    %eq3A_2701 = arith.constant 0 : i32
    %eq3A_2702 = vector.broadcast %eq3A_2701 : i32 to vector<8x2048xi32>
    %eq3A_2703 = arith.cmpi eq, %and3A_2700, %eq3A_2702 : vector<8x2048xi32>
    %slice3A_2704 = vector.extract_strided_slice %select_n3A_2695 {offsets = [0, 8], sizes = [8, 2040], strides = [1, 1]} : vector<8x2048xf32> to vector<8x2040xf32>
    %slice3A_2705 = vector.extract_strided_slice %select_n3A_2695 {offsets = [0, 0], sizes = [8, 8], strides = [1, 1]} : vector<8x2048xf32> to vector<8x8xf32>
    %concatenate3A_2706 = tpu.concatenate %slice3A_2704, %slice3A_2705 in 1 : vector<8x2040xf32>, vector<8x8xf32> -> vector<8x2048xf32>
    %slice3A_2707 = vector.extract_strided_slice %select_n3A_2695 {offsets = [0, 2040], sizes = [8, 8], strides = [1, 1]} : vector<8x2048xf32> to vector<8x8xf32>
    %slice3A_2708 = vector.extract_strided_slice %select_n3A_2695 {offsets = [0, 0], sizes = [8, 2040], strides = [1, 1]} : vector<8x2048xf32> to vector<8x2040xf32>
    %concatenate3A_2709 = tpu.concatenate %slice3A_2707, %slice3A_2708 in 1 : vector<8x8xf32>, vector<8x2040xf32> -> vector<8x2048xf32>
    %select_n3A_2710 = arith.select %eq3A_2703, %concatenate3A_2706, %concatenate3A_2709 : vector<8x2048xi1>, vector<8x2048xf32>
    %iota3A_2711 = tpu.iota {dimensions = array<i32: 1>} : vector<8x2048xi32>
    %and3A_2712 = arith.constant 8 : i32
    %and3A_2713 = vector.broadcast %and3A_2712 : i32 to vector<8x2048xi32>
    %and3A_2714 = arith.andi %iota3A_2711, %and3A_2713 : vector<8x2048xi32>
    %eq3A_2715 = arith.constant 0 : i32
    %eq3A_2716 = vector.broadcast %eq3A_2715 : i32 to vector<8x2048xi32>
    %eq3A_2717 = arith.cmpi eq, %and3A_2714, %eq3A_2716 : vector<8x2048xi32>
    %slice3A_2718 = vector.extract_strided_slice %select_n3A_2696 {offsets = [0, 8], sizes = [8, 2040], strides = [1, 1]} : vector<8x2048xi32> to vector<8x2040xi32>
    %slice3A_2719 = vector.extract_strided_slice %select_n3A_2696 {offsets = [0, 0], sizes = [8, 8], strides = [1, 1]} : vector<8x2048xi32> to vector<8x8xi32>
    %concatenate3A_2720 = tpu.concatenate %slice3A_2718, %slice3A_2719 in 1 : vector<8x2040xi32>, vector<8x8xi32> -> vector<8x2048xi32>
    %slice3A_2721 = vector.extract_strided_slice %select_n3A_2696 {offsets = [0, 2040], sizes = [8, 8], strides = [1, 1]} : vector<8x2048xi32> to vector<8x8xi32>
    %slice3A_2722 = vector.extract_strided_slice %select_n3A_2696 {offsets = [0, 0], sizes = [8, 2040], strides = [1, 1]} : vector<8x2048xi32> to vector<8x2040xi32>
    %concatenate3A_2723 = tpu.concatenate %slice3A_2721, %slice3A_2722 in 1 : vector<8x8xi32>, vector<8x2040xi32> -> vector<8x2048xi32>
    %select_n3A_2724 = arith.select %eq3A_2717, %concatenate3A_2720, %concatenate3A_2723 : vector<8x2048xi1>, vector<8x2048xi32>
    %and3A_2725 = arith.constant 1024 : i32
    %and3A_2726 = vector.broadcast %and3A_2725 : i32 to vector<8x2048xi32>
    %and3A_2727 = arith.andi %iota3A, %and3A_2726 : vector<8x2048xi32>
    %eq3A_2728 = arith.constant 0 : i32
    %eq3A_2729 = vector.broadcast %eq3A_2728 : i32 to vector<8x2048xi32>
    %eq3A_2730 = arith.cmpi eq, %and3A_2727, %eq3A_2729 : vector<8x2048xi32>
    %and3A_2731 = arith.constant 8 : i32
    %and3A_2732 = vector.broadcast %and3A_2731 : i32 to vector<8x2048xi32>
    %and3A_2733 = arith.andi %iota3A, %and3A_2732 : vector<8x2048xi32>
    %eq3A_2734 = arith.constant 0 : i32
    %eq3A_2735 = vector.broadcast %eq3A_2734 : i32 to vector<8x2048xi32>
    %eq3A_2736 = arith.cmpi eq, %and3A_2733, %eq3A_2735 : vector<8x2048xi32>
    %gt3A_2737 = arith.cmpf ogt, %select_n3A_2695, %select_n3A_2710 : vector<8x2048xf32>
    %eq3A_2738 = arith.cmpf oeq, %select_n3A_2695, %select_n3A_2710 : vector<8x2048xf32>
    %lt3A_2739 = arith.cmpi slt, %select_n3A_2696, %select_n3A_2724 : vector<8x2048xi32>
    %and3A_2740 = arith.andi %eq3A_2738, %lt3A_2739 : vector<8x2048xi1>
    %or3A_2741 = arith.ori %gt3A_2737, %and3A_2740 : vector<8x2048xi1>
    %eq3A_2742 = arith.xori %eq3A_2736, %or3A_2741 : vector<8x2048xi1>
    %eq3A_2743 = arith.constant dense<true> : vector<8x2048xi1>
    %eq3A_2744 = arith.xori %eq3A_2742, %eq3A_2743 : vector<8x2048xi1>
    %eq3A_2745 = arith.xori %eq3A_2730, %eq3A_2744 : vector<8x2048xi1>
    %eq3A_2746 = arith.constant dense<true> : vector<8x2048xi1>
    %eq3A_2747 = arith.xori %eq3A_2745, %eq3A_2746 : vector<8x2048xi1>
    %select_n3A_2748 = arith.select %eq3A_2747, %select_n3A_2695, %select_n3A_2710 : vector<8x2048xi1>, vector<8x2048xf32>
    %select_n3A_2749 = arith.select %eq3A_2747, %select_n3A_2696, %select_n3A_2724 : vector<8x2048xi1>, vector<8x2048xi32>
    %iota3A_2750 = tpu.iota {dimensions = array<i32: 1>} : vector<8x2048xi32>
    %and3A_2751 = arith.constant 4 : i32
    %and3A_2752 = vector.broadcast %and3A_2751 : i32 to vector<8x2048xi32>
    %and3A_2753 = arith.andi %iota3A_2750, %and3A_2752 : vector<8x2048xi32>
    %eq3A_2754 = arith.constant 0 : i32
    %eq3A_2755 = vector.broadcast %eq3A_2754 : i32 to vector<8x2048xi32>
    %eq3A_2756 = arith.cmpi eq, %and3A_2753, %eq3A_2755 : vector<8x2048xi32>
    %slice3A_2757 = vector.extract_strided_slice %select_n3A_2748 {offsets = [0, 4], sizes = [8, 2044], strides = [1, 1]} : vector<8x2048xf32> to vector<8x2044xf32>
    %slice3A_2758 = vector.extract_strided_slice %select_n3A_2748 {offsets = [0, 0], sizes = [8, 4], strides = [1, 1]} : vector<8x2048xf32> to vector<8x4xf32>
    %concatenate3A_2759 = tpu.concatenate %slice3A_2757, %slice3A_2758 in 1 : vector<8x2044xf32>, vector<8x4xf32> -> vector<8x2048xf32>
    %slice3A_2760 = vector.extract_strided_slice %select_n3A_2748 {offsets = [0, 2044], sizes = [8, 4], strides = [1, 1]} : vector<8x2048xf32> to vector<8x4xf32>
    %slice3A_2761 = vector.extract_strided_slice %select_n3A_2748 {offsets = [0, 0], sizes = [8, 2044], strides = [1, 1]} : vector<8x2048xf32> to vector<8x2044xf32>
    %concatenate3A_2762 = tpu.concatenate %slice3A_2760, %slice3A_2761 in 1 : vector<8x4xf32>, vector<8x2044xf32> -> vector<8x2048xf32>
    %select_n3A_2763 = arith.select %eq3A_2756, %concatenate3A_2759, %concatenate3A_2762 : vector<8x2048xi1>, vector<8x2048xf32>
    %iota3A_2764 = tpu.iota {dimensions = array<i32: 1>} : vector<8x2048xi32>
    %and3A_2765 = arith.constant 4 : i32
    %and3A_2766 = vector.broadcast %and3A_2765 : i32 to vector<8x2048xi32>
    %and3A_2767 = arith.andi %iota3A_2764, %and3A_2766 : vector<8x2048xi32>
    %eq3A_2768 = arith.constant 0 : i32
    %eq3A_2769 = vector.broadcast %eq3A_2768 : i32 to vector<8x2048xi32>
    %eq3A_2770 = arith.cmpi eq, %and3A_2767, %eq3A_2769 : vector<8x2048xi32>
    %slice3A_2771 = vector.extract_strided_slice %select_n3A_2749 {offsets = [0, 4], sizes = [8, 2044], strides = [1, 1]} : vector<8x2048xi32> to vector<8x2044xi32>
    %slice3A_2772 = vector.extract_strided_slice %select_n3A_2749 {offsets = [0, 0], sizes = [8, 4], strides = [1, 1]} : vector<8x2048xi32> to vector<8x4xi32>
    %concatenate3A_2773 = tpu.concatenate %slice3A_2771, %slice3A_2772 in 1 : vector<8x2044xi32>, vector<8x4xi32> -> vector<8x2048xi32>
    %slice3A_2774 = vector.extract_strided_slice %select_n3A_2749 {offsets = [0, 2044], sizes = [8, 4], strides = [1, 1]} : vector<8x2048xi32> to vector<8x4xi32>
    %slice3A_2775 = vector.extract_strided_slice %select_n3A_2749 {offsets = [0, 0], sizes = [8, 2044], strides = [1, 1]} : vector<8x2048xi32> to vector<8x2044xi32>
    %concatenate3A_2776 = tpu.concatenate %slice3A_2774, %slice3A_2775 in 1 : vector<8x4xi32>, vector<8x2044xi32> -> vector<8x2048xi32>
    %select_n3A_2777 = arith.select %eq3A_2770, %concatenate3A_2773, %concatenate3A_2776 : vector<8x2048xi1>, vector<8x2048xi32>
    %and3A_2778 = arith.constant 1024 : i32
    %and3A_2779 = vector.broadcast %and3A_2778 : i32 to vector<8x2048xi32>
    %and3A_2780 = arith.andi %iota3A, %and3A_2779 : vector<8x2048xi32>
    %eq3A_2781 = arith.constant 0 : i32
    %eq3A_2782 = vector.broadcast %eq3A_2781 : i32 to vector<8x2048xi32>
    %eq3A_2783 = arith.cmpi eq, %and3A_2780, %eq3A_2782 : vector<8x2048xi32>
    %and3A_2784 = arith.constant 4 : i32
    %and3A_2785 = vector.broadcast %and3A_2784 : i32 to vector<8x2048xi32>
    %and3A_2786 = arith.andi %iota3A, %and3A_2785 : vector<8x2048xi32>
    %eq3A_2787 = arith.constant 0 : i32
    %eq3A_2788 = vector.broadcast %eq3A_2787 : i32 to vector<8x2048xi32>
    %eq3A_2789 = arith.cmpi eq, %and3A_2786, %eq3A_2788 : vector<8x2048xi32>
    %gt3A_2790 = arith.cmpf ogt, %select_n3A_2748, %select_n3A_2763 : vector<8x2048xf32>
    %eq3A_2791 = arith.cmpf oeq, %select_n3A_2748, %select_n3A_2763 : vector<8x2048xf32>
    %lt3A_2792 = arith.cmpi slt, %select_n3A_2749, %select_n3A_2777 : vector<8x2048xi32>
    %and3A_2793 = arith.andi %eq3A_2791, %lt3A_2792 : vector<8x2048xi1>
    %or3A_2794 = arith.ori %gt3A_2790, %and3A_2793 : vector<8x2048xi1>
    %eq3A_2795 = arith.xori %eq3A_2789, %or3A_2794 : vector<8x2048xi1>
    %eq3A_2796 = arith.constant dense<true> : vector<8x2048xi1>
    %eq3A_2797 = arith.xori %eq3A_2795, %eq3A_2796 : vector<8x2048xi1>
    %eq3A_2798 = arith.xori %eq3A_2783, %eq3A_2797 : vector<8x2048xi1>
    %eq3A_2799 = arith.constant dense<true> : vector<8x2048xi1>
    %eq3A_2800 = arith.xori %eq3A_2798, %eq3A_2799 : vector<8x2048xi1>
    %select_n3A_2801 = arith.select %eq3A_2800, %select_n3A_2748, %select_n3A_2763 : vector<8x2048xi1>, vector<8x2048xf32>
    %select_n3A_2802 = arith.select %eq3A_2800, %select_n3A_2749, %select_n3A_2777 : vector<8x2048xi1>, vector<8x2048xi32>
    %iota3A_2803 = tpu.iota {dimensions = array<i32: 1>} : vector<8x2048xi32>
    %and3A_2804 = arith.constant 2 : i32
    %and3A_2805 = vector.broadcast %and3A_2804 : i32 to vector<8x2048xi32>
    %and3A_2806 = arith.andi %iota3A_2803, %and3A_2805 : vector<8x2048xi32>
    %eq3A_2807 = arith.constant 0 : i32
    %eq3A_2808 = vector.broadcast %eq3A_2807 : i32 to vector<8x2048xi32>
    %eq3A_2809 = arith.cmpi eq, %and3A_2806, %eq3A_2808 : vector<8x2048xi32>
    %slice3A_2810 = vector.extract_strided_slice %select_n3A_2801 {offsets = [0, 2], sizes = [8, 2046], strides = [1, 1]} : vector<8x2048xf32> to vector<8x2046xf32>
    %slice3A_2811 = vector.extract_strided_slice %select_n3A_2801 {offsets = [0, 0], sizes = [8, 2], strides = [1, 1]} : vector<8x2048xf32> to vector<8x2xf32>
    %concatenate3A_2812 = tpu.concatenate %slice3A_2810, %slice3A_2811 in 1 : vector<8x2046xf32>, vector<8x2xf32> -> vector<8x2048xf32>
    %slice3A_2813 = vector.extract_strided_slice %select_n3A_2801 {offsets = [0, 2046], sizes = [8, 2], strides = [1, 1]} : vector<8x2048xf32> to vector<8x2xf32>
    %slice3A_2814 = vector.extract_strided_slice %select_n3A_2801 {offsets = [0, 0], sizes = [8, 2046], strides = [1, 1]} : vector<8x2048xf32> to vector<8x2046xf32>
    %concatenate3A_2815 = tpu.concatenate %slice3A_2813, %slice3A_2814 in 1 : vector<8x2xf32>, vector<8x2046xf32> -> vector<8x2048xf32>
    %select_n3A_2816 = arith.select %eq3A_2809, %concatenate3A_2812, %concatenate3A_2815 : vector<8x2048xi1>, vector<8x2048xf32>
    %iota3A_2817 = tpu.iota {dimensions = array<i32: 1>} : vector<8x2048xi32>
    %and3A_2818 = arith.constant 2 : i32
    %and3A_2819 = vector.broadcast %and3A_2818 : i32 to vector<8x2048xi32>
    %and3A_2820 = arith.andi %iota3A_2817, %and3A_2819 : vector<8x2048xi32>
    %eq3A_2821 = arith.constant 0 : i32
    %eq3A_2822 = vector.broadcast %eq3A_2821 : i32 to vector<8x2048xi32>
    %eq3A_2823 = arith.cmpi eq, %and3A_2820, %eq3A_2822 : vector<8x2048xi32>
    %slice3A_2824 = vector.extract_strided_slice %select_n3A_2802 {offsets = [0, 2], sizes = [8, 2046], strides = [1, 1]} : vector<8x2048xi32> to vector<8x2046xi32>
    %slice3A_2825 = vector.extract_strided_slice %select_n3A_2802 {offsets = [0, 0], sizes = [8, 2], strides = [1, 1]} : vector<8x2048xi32> to vector<8x2xi32>
    %concatenate3A_2826 = tpu.concatenate %slice3A_2824, %slice3A_2825 in 1 : vector<8x2046xi32>, vector<8x2xi32> -> vector<8x2048xi32>
    %slice3A_2827 = vector.extract_strided_slice %select_n3A_2802 {offsets = [0, 2046], sizes = [8, 2], strides = [1, 1]} : vector<8x2048xi32> to vector<8x2xi32>
    %slice3A_2828 = vector.extract_strided_slice %select_n3A_2802 {offsets = [0, 0], sizes = [8, 2046], strides = [1, 1]} : vector<8x2048xi32> to vector<8x2046xi32>
    %concatenate3A_2829 = tpu.concatenate %slice3A_2827, %slice3A_2828 in 1 : vector<8x2xi32>, vector<8x2046xi32> -> vector<8x2048xi32>
    %select_n3A_2830 = arith.select %eq3A_2823, %concatenate3A_2826, %concatenate3A_2829 : vector<8x2048xi1>, vector<8x2048xi32>
    %and3A_2831 = arith.constant 1024 : i32
    %and3A_2832 = vector.broadcast %and3A_2831 : i32 to vector<8x2048xi32>
    %and3A_2833 = arith.andi %iota3A, %and3A_2832 : vector<8x2048xi32>
    %eq3A_2834 = arith.constant 0 : i32
    %eq3A_2835 = vector.broadcast %eq3A_2834 : i32 to vector<8x2048xi32>
    %eq3A_2836 = arith.cmpi eq, %and3A_2833, %eq3A_2835 : vector<8x2048xi32>
    %and3A_2837 = arith.constant 2 : i32
    %and3A_2838 = vector.broadcast %and3A_2837 : i32 to vector<8x2048xi32>
    %and3A_2839 = arith.andi %iota3A, %and3A_2838 : vector<8x2048xi32>
    %eq3A_2840 = arith.constant 0 : i32
    %eq3A_2841 = vector.broadcast %eq3A_2840 : i32 to vector<8x2048xi32>
    %eq3A_2842 = arith.cmpi eq, %and3A_2839, %eq3A_2841 : vector<8x2048xi32>
    %gt3A_2843 = arith.cmpf ogt, %select_n3A_2801, %select_n3A_2816 : vector<8x2048xf32>
    %eq3A_2844 = arith.cmpf oeq, %select_n3A_2801, %select_n3A_2816 : vector<8x2048xf32>
    %lt3A_2845 = arith.cmpi slt, %select_n3A_2802, %select_n3A_2830 : vector<8x2048xi32>
    %and3A_2846 = arith.andi %eq3A_2844, %lt3A_2845 : vector<8x2048xi1>
    %or3A_2847 = arith.ori %gt3A_2843, %and3A_2846 : vector<8x2048xi1>
    %eq3A_2848 = arith.xori %eq3A_2842, %or3A_2847 : vector<8x2048xi1>
    %eq3A_2849 = arith.constant dense<true> : vector<8x2048xi1>
    %eq3A_2850 = arith.xori %eq3A_2848, %eq3A_2849 : vector<8x2048xi1>
    %eq3A_2851 = arith.xori %eq3A_2836, %eq3A_2850 : vector<8x2048xi1>
    %eq3A_2852 = arith.constant dense<true> : vector<8x2048xi1>
    %eq3A_2853 = arith.xori %eq3A_2851, %eq3A_2852 : vector<8x2048xi1>
    %select_n3A_2854 = arith.select %eq3A_2853, %select_n3A_2801, %select_n3A_2816 : vector<8x2048xi1>, vector<8x2048xf32>
    %select_n3A_2855 = arith.select %eq3A_2853, %select_n3A_2802, %select_n3A_2830 : vector<8x2048xi1>, vector<8x2048xi32>
    %iota3A_2856 = tpu.iota {dimensions = array<i32: 1>} : vector<8x2048xi32>
    %and3A_2857 = arith.constant 1 : i32
    %and3A_2858 = vector.broadcast %and3A_2857 : i32 to vector<8x2048xi32>
    %and3A_2859 = arith.andi %iota3A_2856, %and3A_2858 : vector<8x2048xi32>
    %eq3A_2860 = arith.constant 0 : i32
    %eq3A_2861 = vector.broadcast %eq3A_2860 : i32 to vector<8x2048xi32>
    %eq3A_2862 = arith.cmpi eq, %and3A_2859, %eq3A_2861 : vector<8x2048xi32>
    %slice3A_2863 = vector.extract_strided_slice %select_n3A_2854 {offsets = [0, 1], sizes = [8, 2047], strides = [1, 1]} : vector<8x2048xf32> to vector<8x2047xf32>
    %slice3A_2864 = vector.extract_strided_slice %select_n3A_2854 {offsets = [0, 0], sizes = [8, 1], strides = [1, 1]} : vector<8x2048xf32> to vector<8x1xf32>
    %concatenate3A_2865 = tpu.concatenate %slice3A_2863, %slice3A_2864 in 1 : vector<8x2047xf32>, vector<8x1xf32> -> vector<8x2048xf32>
    %slice3A_2866 = vector.extract_strided_slice %select_n3A_2854 {offsets = [0, 2047], sizes = [8, 1], strides = [1, 1]} : vector<8x2048xf32> to vector<8x1xf32>
    %slice3A_2867 = vector.extract_strided_slice %select_n3A_2854 {offsets = [0, 0], sizes = [8, 2047], strides = [1, 1]} : vector<8x2048xf32> to vector<8x2047xf32>
    %concatenate3A_2868 = tpu.concatenate %slice3A_2866, %slice3A_2867 in 1 : vector<8x1xf32>, vector<8x2047xf32> -> vector<8x2048xf32>
    %select_n3A_2869 = arith.select %eq3A_2862, %concatenate3A_2865, %concatenate3A_2868 : vector<8x2048xi1>, vector<8x2048xf32>
    %iota3A_2870 = tpu.iota {dimensions = array<i32: 1>} : vector<8x2048xi32>
    %and3A_2871 = arith.constant 1 : i32
    %and3A_2872 = vector.broadcast %and3A_2871 : i32 to vector<8x2048xi32>
    %and3A_2873 = arith.andi %iota3A_2870, %and3A_2872 : vector<8x2048xi32>
    %eq3A_2874 = arith.constant 0 : i32
    %eq3A_2875 = vector.broadcast %eq3A_2874 : i32 to vector<8x2048xi32>
    %eq3A_2876 = arith.cmpi eq, %and3A_2873, %eq3A_2875 : vector<8x2048xi32>
    %slice3A_2877 = vector.extract_strided_slice %select_n3A_2855 {offsets = [0, 1], sizes = [8, 2047], strides = [1, 1]} : vector<8x2048xi32> to vector<8x2047xi32>
    %slice3A_2878 = vector.extract_strided_slice %select_n3A_2855 {offsets = [0, 0], sizes = [8, 1], strides = [1, 1]} : vector<8x2048xi32> to vector<8x1xi32>
    %concatenate3A_2879 = tpu.concatenate %slice3A_2877, %slice3A_2878 in 1 : vector<8x2047xi32>, vector<8x1xi32> -> vector<8x2048xi32>
    %slice3A_2880 = vector.extract_strided_slice %select_n3A_2855 {offsets = [0, 2047], sizes = [8, 1], strides = [1, 1]} : vector<8x2048xi32> to vector<8x1xi32>
    %slice3A_2881 = vector.extract_strided_slice %select_n3A_2855 {offsets = [0, 0], sizes = [8, 2047], strides = [1, 1]} : vector<8x2048xi32> to vector<8x2047xi32>
    %concatenate3A_2882 = tpu.concatenate %slice3A_2880, %slice3A_2881 in 1 : vector<8x1xi32>, vector<8x2047xi32> -> vector<8x2048xi32>
    %select_n3A_2883 = arith.select %eq3A_2876, %concatenate3A_2879, %concatenate3A_2882 : vector<8x2048xi1>, vector<8x2048xi32>
    %and3A_2884 = arith.constant 1024 : i32
    %and3A_2885 = vector.broadcast %and3A_2884 : i32 to vector<8x2048xi32>
    %and3A_2886 = arith.andi %iota3A, %and3A_2885 : vector<8x2048xi32>
    %eq3A_2887 = arith.constant 0 : i32
    %eq3A_2888 = vector.broadcast %eq3A_2887 : i32 to vector<8x2048xi32>
    %eq3A_2889 = arith.cmpi eq, %and3A_2886, %eq3A_2888 : vector<8x2048xi32>
    %and3A_2890 = arith.constant 1 : i32
    %and3A_2891 = vector.broadcast %and3A_2890 : i32 to vector<8x2048xi32>
    %and3A_2892 = arith.andi %iota3A, %and3A_2891 : vector<8x2048xi32>
    %eq3A_2893 = arith.constant 0 : i32
    %eq3A_2894 = vector.broadcast %eq3A_2893 : i32 to vector<8x2048xi32>
    %eq3A_2895 = arith.cmpi eq, %and3A_2892, %eq3A_2894 : vector<8x2048xi32>
    %gt3A_2896 = arith.cmpf ogt, %select_n3A_2854, %select_n3A_2869 : vector<8x2048xf32>
    %eq3A_2897 = arith.cmpf oeq, %select_n3A_2854, %select_n3A_2869 : vector<8x2048xf32>
    %lt3A_2898 = arith.cmpi slt, %select_n3A_2855, %select_n3A_2883 : vector<8x2048xi32>
    %and3A_2899 = arith.andi %eq3A_2897, %lt3A_2898 : vector<8x2048xi1>
    %or3A_2900 = arith.ori %gt3A_2896, %and3A_2899 : vector<8x2048xi1>
    %eq3A_2901 = arith.xori %eq3A_2895, %or3A_2900 : vector<8x2048xi1>
    %eq3A_2902 = arith.constant dense<true> : vector<8x2048xi1>
    %eq3A_2903 = arith.xori %eq3A_2901, %eq3A_2902 : vector<8x2048xi1>
    %eq3A_2904 = arith.xori %eq3A_2889, %eq3A_2903 : vector<8x2048xi1>
    %eq3A_2905 = arith.constant dense<true> : vector<8x2048xi1>
    %eq3A_2906 = arith.xori %eq3A_2904, %eq3A_2905 : vector<8x2048xi1>
    %select_n3A_2907 = arith.select %eq3A_2906, %select_n3A_2854, %select_n3A_2869 : vector<8x2048xi1>, vector<8x2048xf32>
    %select_n3A_2908 = arith.select %eq3A_2906, %select_n3A_2855, %select_n3A_2883 : vector<8x2048xi1>, vector<8x2048xi32>
    %iota3A_2909 = tpu.iota {dimensions = array<i32: 1>} : vector<8x2048xi32>
    %and3A_2910 = arith.constant 1024 : i32
    %and3A_2911 = vector.broadcast %and3A_2910 : i32 to vector<8x2048xi32>
    %and3A_2912 = arith.andi %iota3A_2909, %and3A_2911 : vector<8x2048xi32>
    %eq3A_2913 = arith.constant 0 : i32
    %eq3A_2914 = vector.broadcast %eq3A_2913 : i32 to vector<8x2048xi32>
    %eq3A_2915 = arith.cmpi eq, %and3A_2912, %eq3A_2914 : vector<8x2048xi32>
    %slice3A_2916 = vector.extract_strided_slice %select_n3A_2907 {offsets = [0, 1024], sizes = [8, 1024], strides = [1, 1]} : vector<8x2048xf32> to vector<8x1024xf32>
    %slice3A_2917 = vector.extract_strided_slice %select_n3A_2907 {offsets = [0, 0], sizes = [8, 1024], strides = [1, 1]} : vector<8x2048xf32> to vector<8x1024xf32>
    %concatenate3A_2918 = tpu.concatenate %slice3A_2916, %slice3A_2917 in 1 : vector<8x1024xf32>, vector<8x1024xf32> -> vector<8x2048xf32>
    %slice3A_2919 = vector.extract_strided_slice %select_n3A_2907 {offsets = [0, 1024], sizes = [8, 1024], strides = [1, 1]} : vector<8x2048xf32> to vector<8x1024xf32>
    %slice3A_2920 = vector.extract_strided_slice %select_n3A_2907 {offsets = [0, 0], sizes = [8, 1024], strides = [1, 1]} : vector<8x2048xf32> to vector<8x1024xf32>
    %concatenate3A_2921 = tpu.concatenate %slice3A_2919, %slice3A_2920 in 1 : vector<8x1024xf32>, vector<8x1024xf32> -> vector<8x2048xf32>
    %select_n3A_2922 = arith.select %eq3A_2915, %concatenate3A_2918, %concatenate3A_2921 : vector<8x2048xi1>, vector<8x2048xf32>
    %iota3A_2923 = tpu.iota {dimensions = array<i32: 1>} : vector<8x2048xi32>
    %and3A_2924 = arith.constant 1024 : i32
    %and3A_2925 = vector.broadcast %and3A_2924 : i32 to vector<8x2048xi32>
    %and3A_2926 = arith.andi %iota3A_2923, %and3A_2925 : vector<8x2048xi32>
    %eq3A_2927 = arith.constant 0 : i32
    %eq3A_2928 = vector.broadcast %eq3A_2927 : i32 to vector<8x2048xi32>
    %eq3A_2929 = arith.cmpi eq, %and3A_2926, %eq3A_2928 : vector<8x2048xi32>
    %slice3A_2930 = vector.extract_strided_slice %select_n3A_2908 {offsets = [0, 1024], sizes = [8, 1024], strides = [1, 1]} : vector<8x2048xi32> to vector<8x1024xi32>
    %slice3A_2931 = vector.extract_strided_slice %select_n3A_2908 {offsets = [0, 0], sizes = [8, 1024], strides = [1, 1]} : vector<8x2048xi32> to vector<8x1024xi32>
    %concatenate3A_2932 = tpu.concatenate %slice3A_2930, %slice3A_2931 in 1 : vector<8x1024xi32>, vector<8x1024xi32> -> vector<8x2048xi32>
    %slice3A_2933 = vector.extract_strided_slice %select_n3A_2908 {offsets = [0, 1024], sizes = [8, 1024], strides = [1, 1]} : vector<8x2048xi32> to vector<8x1024xi32>
    %slice3A_2934 = vector.extract_strided_slice %select_n3A_2908 {offsets = [0, 0], sizes = [8, 1024], strides = [1, 1]} : vector<8x2048xi32> to vector<8x1024xi32>
    %concatenate3A_2935 = tpu.concatenate %slice3A_2933, %slice3A_2934 in 1 : vector<8x1024xi32>, vector<8x1024xi32> -> vector<8x2048xi32>
    %select_n3A_2936 = arith.select %eq3A_2929, %concatenate3A_2932, %concatenate3A_2935 : vector<8x2048xi1>, vector<8x2048xi32>
    %and3A_2937 = arith.constant 2048 : i32
    %and3A_2938 = vector.broadcast %and3A_2937 : i32 to vector<8x2048xi32>
    %and3A_2939 = arith.andi %iota3A, %and3A_2938 : vector<8x2048xi32>
    %eq3A_2940 = arith.constant 0 : i32
    %eq3A_2941 = vector.broadcast %eq3A_2940 : i32 to vector<8x2048xi32>
    %eq3A_2942 = arith.cmpi eq, %and3A_2939, %eq3A_2941 : vector<8x2048xi32>
    %and3A_2943 = arith.constant 1024 : i32
    %and3A_2944 = vector.broadcast %and3A_2943 : i32 to vector<8x2048xi32>
    %and3A_2945 = arith.andi %iota3A, %and3A_2944 : vector<8x2048xi32>
    %eq3A_2946 = arith.constant 0 : i32
    %eq3A_2947 = vector.broadcast %eq3A_2946 : i32 to vector<8x2048xi32>
    %eq3A_2948 = arith.cmpi eq, %and3A_2945, %eq3A_2947 : vector<8x2048xi32>
    %gt3A_2949 = arith.cmpf ogt, %select_n3A_2907, %select_n3A_2922 : vector<8x2048xf32>
    %eq3A_2950 = arith.cmpf oeq, %select_n3A_2907, %select_n3A_2922 : vector<8x2048xf32>
    %lt3A_2951 = arith.cmpi slt, %select_n3A_2908, %select_n3A_2936 : vector<8x2048xi32>
    %and3A_2952 = arith.andi %eq3A_2950, %lt3A_2951 : vector<8x2048xi1>
    %or3A_2953 = arith.ori %gt3A_2949, %and3A_2952 : vector<8x2048xi1>
    %eq3A_2954 = arith.xori %eq3A_2948, %or3A_2953 : vector<8x2048xi1>
    %eq3A_2955 = arith.constant dense<true> : vector<8x2048xi1>
    %eq3A_2956 = arith.xori %eq3A_2954, %eq3A_2955 : vector<8x2048xi1>
    %eq3A_2957 = arith.xori %eq3A_2942, %eq3A_2956 : vector<8x2048xi1>
    %eq3A_2958 = arith.constant dense<true> : vector<8x2048xi1>
    %eq3A_2959 = arith.xori %eq3A_2957, %eq3A_2958 : vector<8x2048xi1>
    %select_n3A_2960 = arith.select %eq3A_2959, %select_n3A_2907, %select_n3A_2922 : vector<8x2048xi1>, vector<8x2048xf32>
    %select_n3A_2961 = arith.select %eq3A_2959, %select_n3A_2908, %select_n3A_2936 : vector<8x2048xi1>, vector<8x2048xi32>
    %iota3A_2962 = tpu.iota {dimensions = array<i32: 1>} : vector<8x2048xi32>
    %and3A_2963 = arith.constant 512 : i32
    %and3A_2964 = vector.broadcast %and3A_2963 : i32 to vector<8x2048xi32>
    %and3A_2965 = arith.andi %iota3A_2962, %and3A_2964 : vector<8x2048xi32>
    %eq3A_2966 = arith.constant 0 : i32
    %eq3A_2967 = vector.broadcast %eq3A_2966 : i32 to vector<8x2048xi32>
    %eq3A_2968 = arith.cmpi eq, %and3A_2965, %eq3A_2967 : vector<8x2048xi32>
    %slice3A_2969 = vector.extract_strided_slice %select_n3A_2960 {offsets = [0, 512], sizes = [8, 1536], strides = [1, 1]} : vector<8x2048xf32> to vector<8x1536xf32>
    %slice3A_2970 = vector.extract_strided_slice %select_n3A_2960 {offsets = [0, 0], sizes = [8, 512], strides = [1, 1]} : vector<8x2048xf32> to vector<8x512xf32>
    %concatenate3A_2971 = tpu.concatenate %slice3A_2969, %slice3A_2970 in 1 : vector<8x1536xf32>, vector<8x512xf32> -> vector<8x2048xf32>
    %slice3A_2972 = vector.extract_strided_slice %select_n3A_2960 {offsets = [0, 1536], sizes = [8, 512], strides = [1, 1]} : vector<8x2048xf32> to vector<8x512xf32>
    %slice3A_2973 = vector.extract_strided_slice %select_n3A_2960 {offsets = [0, 0], sizes = [8, 1536], strides = [1, 1]} : vector<8x2048xf32> to vector<8x1536xf32>
    %concatenate3A_2974 = tpu.concatenate %slice3A_2972, %slice3A_2973 in 1 : vector<8x512xf32>, vector<8x1536xf32> -> vector<8x2048xf32>
    %select_n3A_2975 = arith.select %eq3A_2968, %concatenate3A_2971, %concatenate3A_2974 : vector<8x2048xi1>, vector<8x2048xf32>
    %iota3A_2976 = tpu.iota {dimensions = array<i32: 1>} : vector<8x2048xi32>
    %and3A_2977 = arith.constant 512 : i32
    %and3A_2978 = vector.broadcast %and3A_2977 : i32 to vector<8x2048xi32>
    %and3A_2979 = arith.andi %iota3A_2976, %and3A_2978 : vector<8x2048xi32>
    %eq3A_2980 = arith.constant 0 : i32
    %eq3A_2981 = vector.broadcast %eq3A_2980 : i32 to vector<8x2048xi32>
    %eq3A_2982 = arith.cmpi eq, %and3A_2979, %eq3A_2981 : vector<8x2048xi32>
    %slice3A_2983 = vector.extract_strided_slice %select_n3A_2961 {offsets = [0, 512], sizes = [8, 1536], strides = [1, 1]} : vector<8x2048xi32> to vector<8x1536xi32>
    %slice3A_2984 = vector.extract_strided_slice %select_n3A_2961 {offsets = [0, 0], sizes = [8, 512], strides = [1, 1]} : vector<8x2048xi32> to vector<8x512xi32>
    %concatenate3A_2985 = tpu.concatenate %slice3A_2983, %slice3A_2984 in 1 : vector<8x1536xi32>, vector<8x512xi32> -> vector<8x2048xi32>
    %slice3A_2986 = vector.extract_strided_slice %select_n3A_2961 {offsets = [0, 1536], sizes = [8, 512], strides = [1, 1]} : vector<8x2048xi32> to vector<8x512xi32>
    %slice3A_2987 = vector.extract_strided_slice %select_n3A_2961 {offsets = [0, 0], sizes = [8, 1536], strides = [1, 1]} : vector<8x2048xi32> to vector<8x1536xi32>
    %concatenate3A_2988 = tpu.concatenate %slice3A_2986, %slice3A_2987 in 1 : vector<8x512xi32>, vector<8x1536xi32> -> vector<8x2048xi32>
    %select_n3A_2989 = arith.select %eq3A_2982, %concatenate3A_2985, %concatenate3A_2988 : vector<8x2048xi1>, vector<8x2048xi32>
    %and3A_2990 = arith.constant 2048 : i32
    %and3A_2991 = vector.broadcast %and3A_2990 : i32 to vector<8x2048xi32>
    %and3A_2992 = arith.andi %iota3A, %and3A_2991 : vector<8x2048xi32>
    %eq3A_2993 = arith.constant 0 : i32
    %eq3A_2994 = vector.broadcast %eq3A_2993 : i32 to vector<8x2048xi32>
    %eq3A_2995 = arith.cmpi eq, %and3A_2992, %eq3A_2994 : vector<8x2048xi32>
    %and3A_2996 = arith.constant 512 : i32
    %and3A_2997 = vector.broadcast %and3A_2996 : i32 to vector<8x2048xi32>
    %and3A_2998 = arith.andi %iota3A, %and3A_2997 : vector<8x2048xi32>
    %eq3A_2999 = arith.constant 0 : i32
    %eq3A_3000 = vector.broadcast %eq3A_2999 : i32 to vector<8x2048xi32>
    %eq3A_3001 = arith.cmpi eq, %and3A_2998, %eq3A_3000 : vector<8x2048xi32>
    %gt3A_3002 = arith.cmpf ogt, %select_n3A_2960, %select_n3A_2975 : vector<8x2048xf32>
    %eq3A_3003 = arith.cmpf oeq, %select_n3A_2960, %select_n3A_2975 : vector<8x2048xf32>
    %lt3A_3004 = arith.cmpi slt, %select_n3A_2961, %select_n3A_2989 : vector<8x2048xi32>
    %and3A_3005 = arith.andi %eq3A_3003, %lt3A_3004 : vector<8x2048xi1>
    %or3A_3006 = arith.ori %gt3A_3002, %and3A_3005 : vector<8x2048xi1>
    %eq3A_3007 = arith.xori %eq3A_3001, %or3A_3006 : vector<8x2048xi1>
    %eq3A_3008 = arith.constant dense<true> : vector<8x2048xi1>
    %eq3A_3009 = arith.xori %eq3A_3007, %eq3A_3008 : vector<8x2048xi1>
    %eq3A_3010 = arith.xori %eq3A_2995, %eq3A_3009 : vector<8x2048xi1>
    %eq3A_3011 = arith.constant dense<true> : vector<8x2048xi1>
    %eq3A_3012 = arith.xori %eq3A_3010, %eq3A_3011 : vector<8x2048xi1>
    %select_n3A_3013 = arith.select %eq3A_3012, %select_n3A_2960, %select_n3A_2975 : vector<8x2048xi1>, vector<8x2048xf32>
    %select_n3A_3014 = arith.select %eq3A_3012, %select_n3A_2961, %select_n3A_2989 : vector<8x2048xi1>, vector<8x2048xi32>
    %iota3A_3015 = tpu.iota {dimensions = array<i32: 1>} : vector<8x2048xi32>
    %and3A_3016 = arith.constant 256 : i32
    %and3A_3017 = vector.broadcast %and3A_3016 : i32 to vector<8x2048xi32>
    %and3A_3018 = arith.andi %iota3A_3015, %and3A_3017 : vector<8x2048xi32>
    %eq3A_3019 = arith.constant 0 : i32
    %eq3A_3020 = vector.broadcast %eq3A_3019 : i32 to vector<8x2048xi32>
    %eq3A_3021 = arith.cmpi eq, %and3A_3018, %eq3A_3020 : vector<8x2048xi32>
    %slice3A_3022 = vector.extract_strided_slice %select_n3A_3013 {offsets = [0, 256], sizes = [8, 1792], strides = [1, 1]} : vector<8x2048xf32> to vector<8x1792xf32>
    %slice3A_3023 = vector.extract_strided_slice %select_n3A_3013 {offsets = [0, 0], sizes = [8, 256], strides = [1, 1]} : vector<8x2048xf32> to vector<8x256xf32>
    %concatenate3A_3024 = tpu.concatenate %slice3A_3022, %slice3A_3023 in 1 : vector<8x1792xf32>, vector<8x256xf32> -> vector<8x2048xf32>
    %slice3A_3025 = vector.extract_strided_slice %select_n3A_3013 {offsets = [0, 1792], sizes = [8, 256], strides = [1, 1]} : vector<8x2048xf32> to vector<8x256xf32>
    %slice3A_3026 = vector.extract_strided_slice %select_n3A_3013 {offsets = [0, 0], sizes = [8, 1792], strides = [1, 1]} : vector<8x2048xf32> to vector<8x1792xf32>
    %concatenate3A_3027 = tpu.concatenate %slice3A_3025, %slice3A_3026 in 1 : vector<8x256xf32>, vector<8x1792xf32> -> vector<8x2048xf32>
    %select_n3A_3028 = arith.select %eq3A_3021, %concatenate3A_3024, %concatenate3A_3027 : vector<8x2048xi1>, vector<8x2048xf32>
    %iota3A_3029 = tpu.iota {dimensions = array<i32: 1>} : vector<8x2048xi32>
    %and3A_3030 = arith.constant 256 : i32
    %and3A_3031 = vector.broadcast %and3A_3030 : i32 to vector<8x2048xi32>
    %and3A_3032 = arith.andi %iota3A_3029, %and3A_3031 : vector<8x2048xi32>
    %eq3A_3033 = arith.constant 0 : i32
    %eq3A_3034 = vector.broadcast %eq3A_3033 : i32 to vector<8x2048xi32>
    %eq3A_3035 = arith.cmpi eq, %and3A_3032, %eq3A_3034 : vector<8x2048xi32>
    %slice3A_3036 = vector.extract_strided_slice %select_n3A_3014 {offsets = [0, 256], sizes = [8, 1792], strides = [1, 1]} : vector<8x2048xi32> to vector<8x1792xi32>
    %slice3A_3037 = vector.extract_strided_slice %select_n3A_3014 {offsets = [0, 0], sizes = [8, 256], strides = [1, 1]} : vector<8x2048xi32> to vector<8x256xi32>
    %concatenate3A_3038 = tpu.concatenate %slice3A_3036, %slice3A_3037 in 1 : vector<8x1792xi32>, vector<8x256xi32> -> vector<8x2048xi32>
    %slice3A_3039 = vector.extract_strided_slice %select_n3A_3014 {offsets = [0, 1792], sizes = [8, 256], strides = [1, 1]} : vector<8x2048xi32> to vector<8x256xi32>
    %slice3A_3040 = vector.extract_strided_slice %select_n3A_3014 {offsets = [0, 0], sizes = [8, 1792], strides = [1, 1]} : vector<8x2048xi32> to vector<8x1792xi32>
    %concatenate3A_3041 = tpu.concatenate %slice3A_3039, %slice3A_3040 in 1 : vector<8x256xi32>, vector<8x1792xi32> -> vector<8x2048xi32>
    %select_n3A_3042 = arith.select %eq3A_3035, %concatenate3A_3038, %concatenate3A_3041 : vector<8x2048xi1>, vector<8x2048xi32>
    %and3A_3043 = arith.constant 2048 : i32
    %and3A_3044 = vector.broadcast %and3A_3043 : i32 to vector<8x2048xi32>
    %and3A_3045 = arith.andi %iota3A, %and3A_3044 : vector<8x2048xi32>
    %eq3A_3046 = arith.constant 0 : i32
    %eq3A_3047 = vector.broadcast %eq3A_3046 : i32 to vector<8x2048xi32>
    %eq3A_3048 = arith.cmpi eq, %and3A_3045, %eq3A_3047 : vector<8x2048xi32>
    %and3A_3049 = arith.constant 256 : i32
    %and3A_3050 = vector.broadcast %and3A_3049 : i32 to vector<8x2048xi32>
    %and3A_3051 = arith.andi %iota3A, %and3A_3050 : vector<8x2048xi32>
    %eq3A_3052 = arith.constant 0 : i32
    %eq3A_3053 = vector.broadcast %eq3A_3052 : i32 to vector<8x2048xi32>
    %eq3A_3054 = arith.cmpi eq, %and3A_3051, %eq3A_3053 : vector<8x2048xi32>
    %gt3A_3055 = arith.cmpf ogt, %select_n3A_3013, %select_n3A_3028 : vector<8x2048xf32>
    %eq3A_3056 = arith.cmpf oeq, %select_n3A_3013, %select_n3A_3028 : vector<8x2048xf32>
    %lt3A_3057 = arith.cmpi slt, %select_n3A_3014, %select_n3A_3042 : vector<8x2048xi32>
    %and3A_3058 = arith.andi %eq3A_3056, %lt3A_3057 : vector<8x2048xi1>
    %or3A_3059 = arith.ori %gt3A_3055, %and3A_3058 : vector<8x2048xi1>
    %eq3A_3060 = arith.xori %eq3A_3054, %or3A_3059 : vector<8x2048xi1>
    %eq3A_3061 = arith.constant dense<true> : vector<8x2048xi1>
    %eq3A_3062 = arith.xori %eq3A_3060, %eq3A_3061 : vector<8x2048xi1>
    %eq3A_3063 = arith.xori %eq3A_3048, %eq3A_3062 : vector<8x2048xi1>
    %eq3A_3064 = arith.constant dense<true> : vector<8x2048xi1>
    %eq3A_3065 = arith.xori %eq3A_3063, %eq3A_3064 : vector<8x2048xi1>
    %select_n3A_3066 = arith.select %eq3A_3065, %select_n3A_3013, %select_n3A_3028 : vector<8x2048xi1>, vector<8x2048xf32>
    %select_n3A_3067 = arith.select %eq3A_3065, %select_n3A_3014, %select_n3A_3042 : vector<8x2048xi1>, vector<8x2048xi32>
    %iota3A_3068 = tpu.iota {dimensions = array<i32: 1>} : vector<8x2048xi32>
    %and3A_3069 = arith.constant 128 : i32
    %and3A_3070 = vector.broadcast %and3A_3069 : i32 to vector<8x2048xi32>
    %and3A_3071 = arith.andi %iota3A_3068, %and3A_3070 : vector<8x2048xi32>
    %eq3A_3072 = arith.constant 0 : i32
    %eq3A_3073 = vector.broadcast %eq3A_3072 : i32 to vector<8x2048xi32>
    %eq3A_3074 = arith.cmpi eq, %and3A_3071, %eq3A_3073 : vector<8x2048xi32>
    %slice3A_3075 = vector.extract_strided_slice %select_n3A_3066 {offsets = [0, 128], sizes = [8, 1920], strides = [1, 1]} : vector<8x2048xf32> to vector<8x1920xf32>
    %slice3A_3076 = vector.extract_strided_slice %select_n3A_3066 {offsets = [0, 0], sizes = [8, 128], strides = [1, 1]} : vector<8x2048xf32> to vector<8x128xf32>
    %concatenate3A_3077 = tpu.concatenate %slice3A_3075, %slice3A_3076 in 1 : vector<8x1920xf32>, vector<8x128xf32> -> vector<8x2048xf32>
    %slice3A_3078 = vector.extract_strided_slice %select_n3A_3066 {offsets = [0, 1920], sizes = [8, 128], strides = [1, 1]} : vector<8x2048xf32> to vector<8x128xf32>
    %slice3A_3079 = vector.extract_strided_slice %select_n3A_3066 {offsets = [0, 0], sizes = [8, 1920], strides = [1, 1]} : vector<8x2048xf32> to vector<8x1920xf32>
    %concatenate3A_3080 = tpu.concatenate %slice3A_3078, %slice3A_3079 in 1 : vector<8x128xf32>, vector<8x1920xf32> -> vector<8x2048xf32>
    %select_n3A_3081 = arith.select %eq3A_3074, %concatenate3A_3077, %concatenate3A_3080 : vector<8x2048xi1>, vector<8x2048xf32>
    %iota3A_3082 = tpu.iota {dimensions = array<i32: 1>} : vector<8x2048xi32>
    %and3A_3083 = arith.constant 128 : i32
    %and3A_3084 = vector.broadcast %and3A_3083 : i32 to vector<8x2048xi32>
    %and3A_3085 = arith.andi %iota3A_3082, %and3A_3084 : vector<8x2048xi32>
    %eq3A_3086 = arith.constant 0 : i32
    %eq3A_3087 = vector.broadcast %eq3A_3086 : i32 to vector<8x2048xi32>
    %eq3A_3088 = arith.cmpi eq, %and3A_3085, %eq3A_3087 : vector<8x2048xi32>
    %slice3A_3089 = vector.extract_strided_slice %select_n3A_3067 {offsets = [0, 128], sizes = [8, 1920], strides = [1, 1]} : vector<8x2048xi32> to vector<8x1920xi32>
    %slice3A_3090 = vector.extract_strided_slice %select_n3A_3067 {offsets = [0, 0], sizes = [8, 128], strides = [1, 1]} : vector<8x2048xi32> to vector<8x128xi32>
    %concatenate3A_3091 = tpu.concatenate %slice3A_3089, %slice3A_3090 in 1 : vector<8x1920xi32>, vector<8x128xi32> -> vector<8x2048xi32>
    %slice3A_3092 = vector.extract_strided_slice %select_n3A_3067 {offsets = [0, 1920], sizes = [8, 128], strides = [1, 1]} : vector<8x2048xi32> to vector<8x128xi32>
    %slice3A_3093 = vector.extract_strided_slice %select_n3A_3067 {offsets = [0, 0], sizes = [8, 1920], strides = [1, 1]} : vector<8x2048xi32> to vector<8x1920xi32>
    %concatenate3A_3094 = tpu.concatenate %slice3A_3092, %slice3A_3093 in 1 : vector<8x128xi32>, vector<8x1920xi32> -> vector<8x2048xi32>
    %select_n3A_3095 = arith.select %eq3A_3088, %concatenate3A_3091, %concatenate3A_3094 : vector<8x2048xi1>, vector<8x2048xi32>
    %and3A_3096 = arith.constant 2048 : i32
    %and3A_3097 = vector.broadcast %and3A_3096 : i32 to vector<8x2048xi32>
    %and3A_3098 = arith.andi %iota3A, %and3A_3097 : vector<8x2048xi32>
    %eq3A_3099 = arith.constant 0 : i32
    %eq3A_3100 = vector.broadcast %eq3A_3099 : i32 to vector<8x2048xi32>
    %eq3A_3101 = arith.cmpi eq, %and3A_3098, %eq3A_3100 : vector<8x2048xi32>
    %and3A_3102 = arith.constant 128 : i32
    %and3A_3103 = vector.broadcast %and3A_3102 : i32 to vector<8x2048xi32>
    %and3A_3104 = arith.andi %iota3A, %and3A_3103 : vector<8x2048xi32>
    %eq3A_3105 = arith.constant 0 : i32
    %eq3A_3106 = vector.broadcast %eq3A_3105 : i32 to vector<8x2048xi32>
    %eq3A_3107 = arith.cmpi eq, %and3A_3104, %eq3A_3106 : vector<8x2048xi32>
    %gt3A_3108 = arith.cmpf ogt, %select_n3A_3066, %select_n3A_3081 : vector<8x2048xf32>
    %eq3A_3109 = arith.cmpf oeq, %select_n3A_3066, %select_n3A_3081 : vector<8x2048xf32>
    %lt3A_3110 = arith.cmpi slt, %select_n3A_3067, %select_n3A_3095 : vector<8x2048xi32>
    %and3A_3111 = arith.andi %eq3A_3109, %lt3A_3110 : vector<8x2048xi1>
    %or3A_3112 = arith.ori %gt3A_3108, %and3A_3111 : vector<8x2048xi1>
    %eq3A_3113 = arith.xori %eq3A_3107, %or3A_3112 : vector<8x2048xi1>
    %eq3A_3114 = arith.constant dense<true> : vector<8x2048xi1>
    %eq3A_3115 = arith.xori %eq3A_3113, %eq3A_3114 : vector<8x2048xi1>
    %eq3A_3116 = arith.xori %eq3A_3101, %eq3A_3115 : vector<8x2048xi1>
    %eq3A_3117 = arith.constant dense<true> : vector<8x2048xi1>
    %eq3A_3118 = arith.xori %eq3A_3116, %eq3A_3117 : vector<8x2048xi1>
    %select_n3A_3119 = arith.select %eq3A_3118, %select_n3A_3066, %select_n3A_3081 : vector<8x2048xi1>, vector<8x2048xf32>
    %select_n3A_3120 = arith.select %eq3A_3118, %select_n3A_3067, %select_n3A_3095 : vector<8x2048xi1>, vector<8x2048xi32>
    %iota3A_3121 = tpu.iota {dimensions = array<i32: 1>} : vector<8x2048xi32>
    %and3A_3122 = arith.constant 64 : i32
    %and3A_3123 = vector.broadcast %and3A_3122 : i32 to vector<8x2048xi32>
    %and3A_3124 = arith.andi %iota3A_3121, %and3A_3123 : vector<8x2048xi32>
    %eq3A_3125 = arith.constant 0 : i32
    %eq3A_3126 = vector.broadcast %eq3A_3125 : i32 to vector<8x2048xi32>
    %eq3A_3127 = arith.cmpi eq, %and3A_3124, %eq3A_3126 : vector<8x2048xi32>
    %slice3A_3128 = vector.extract_strided_slice %select_n3A_3119 {offsets = [0, 64], sizes = [8, 1984], strides = [1, 1]} : vector<8x2048xf32> to vector<8x1984xf32>
    %slice3A_3129 = vector.extract_strided_slice %select_n3A_3119 {offsets = [0, 0], sizes = [8, 64], strides = [1, 1]} : vector<8x2048xf32> to vector<8x64xf32>
    %concatenate3A_3130 = tpu.concatenate %slice3A_3128, %slice3A_3129 in 1 : vector<8x1984xf32>, vector<8x64xf32> -> vector<8x2048xf32>
    %slice3A_3131 = vector.extract_strided_slice %select_n3A_3119 {offsets = [0, 1984], sizes = [8, 64], strides = [1, 1]} : vector<8x2048xf32> to vector<8x64xf32>
    %slice3A_3132 = vector.extract_strided_slice %select_n3A_3119 {offsets = [0, 0], sizes = [8, 1984], strides = [1, 1]} : vector<8x2048xf32> to vector<8x1984xf32>
    %concatenate3A_3133 = tpu.concatenate %slice3A_3131, %slice3A_3132 in 1 : vector<8x64xf32>, vector<8x1984xf32> -> vector<8x2048xf32>
    %select_n3A_3134 = arith.select %eq3A_3127, %concatenate3A_3130, %concatenate3A_3133 : vector<8x2048xi1>, vector<8x2048xf32>
    %iota3A_3135 = tpu.iota {dimensions = array<i32: 1>} : vector<8x2048xi32>
    %and3A_3136 = arith.constant 64 : i32
    %and3A_3137 = vector.broadcast %and3A_3136 : i32 to vector<8x2048xi32>
    %and3A_3138 = arith.andi %iota3A_3135, %and3A_3137 : vector<8x2048xi32>
    %eq3A_3139 = arith.constant 0 : i32
    %eq3A_3140 = vector.broadcast %eq3A_3139 : i32 to vector<8x2048xi32>
    %eq3A_3141 = arith.cmpi eq, %and3A_3138, %eq3A_3140 : vector<8x2048xi32>
    %slice3A_3142 = vector.extract_strided_slice %select_n3A_3120 {offsets = [0, 64], sizes = [8, 1984], strides = [1, 1]} : vector<8x2048xi32> to vector<8x1984xi32>
    %slice3A_3143 = vector.extract_strided_slice %select_n3A_3120 {offsets = [0, 0], sizes = [8, 64], strides = [1, 1]} : vector<8x2048xi32> to vector<8x64xi32>
    %concatenate3A_3144 = tpu.concatenate %slice3A_3142, %slice3A_3143 in 1 : vector<8x1984xi32>, vector<8x64xi32> -> vector<8x2048xi32>
    %slice3A_3145 = vector.extract_strided_slice %select_n3A_3120 {offsets = [0, 1984], sizes = [8, 64], strides = [1, 1]} : vector<8x2048xi32> to vector<8x64xi32>
    %slice3A_3146 = vector.extract_strided_slice %select_n3A_3120 {offsets = [0, 0], sizes = [8, 1984], strides = [1, 1]} : vector<8x2048xi32> to vector<8x1984xi32>
    %concatenate3A_3147 = tpu.concatenate %slice3A_3145, %slice3A_3146 in 1 : vector<8x64xi32>, vector<8x1984xi32> -> vector<8x2048xi32>
    %select_n3A_3148 = arith.select %eq3A_3141, %concatenate3A_3144, %concatenate3A_3147 : vector<8x2048xi1>, vector<8x2048xi32>
    %and3A_3149 = arith.constant 2048 : i32
    %and3A_3150 = vector.broadcast %and3A_3149 : i32 to vector<8x2048xi32>
    %and3A_3151 = arith.andi %iota3A, %and3A_3150 : vector<8x2048xi32>
    %eq3A_3152 = arith.constant 0 : i32
    %eq3A_3153 = vector.broadcast %eq3A_3152 : i32 to vector<8x2048xi32>
    %eq3A_3154 = arith.cmpi eq, %and3A_3151, %eq3A_3153 : vector<8x2048xi32>
    %and3A_3155 = arith.constant 64 : i32
    %and3A_3156 = vector.broadcast %and3A_3155 : i32 to vector<8x2048xi32>
    %and3A_3157 = arith.andi %iota3A, %and3A_3156 : vector<8x2048xi32>
    %eq3A_3158 = arith.constant 0 : i32
    %eq3A_3159 = vector.broadcast %eq3A_3158 : i32 to vector<8x2048xi32>
    %eq3A_3160 = arith.cmpi eq, %and3A_3157, %eq3A_3159 : vector<8x2048xi32>
    %gt3A_3161 = arith.cmpf ogt, %select_n3A_3119, %select_n3A_3134 : vector<8x2048xf32>
    %eq3A_3162 = arith.cmpf oeq, %select_n3A_3119, %select_n3A_3134 : vector<8x2048xf32>
    %lt3A_3163 = arith.cmpi slt, %select_n3A_3120, %select_n3A_3148 : vector<8x2048xi32>
    %and3A_3164 = arith.andi %eq3A_3162, %lt3A_3163 : vector<8x2048xi1>
    %or3A_3165 = arith.ori %gt3A_3161, %and3A_3164 : vector<8x2048xi1>
    %eq3A_3166 = arith.xori %eq3A_3160, %or3A_3165 : vector<8x2048xi1>
    %eq3A_3167 = arith.constant dense<true> : vector<8x2048xi1>
    %eq3A_3168 = arith.xori %eq3A_3166, %eq3A_3167 : vector<8x2048xi1>
    %eq3A_3169 = arith.xori %eq3A_3154, %eq3A_3168 : vector<8x2048xi1>
    %eq3A_3170 = arith.constant dense<true> : vector<8x2048xi1>
    %eq3A_3171 = arith.xori %eq3A_3169, %eq3A_3170 : vector<8x2048xi1>
    %select_n3A_3172 = arith.select %eq3A_3171, %select_n3A_3119, %select_n3A_3134 : vector<8x2048xi1>, vector<8x2048xf32>
    %select_n3A_3173 = arith.select %eq3A_3171, %select_n3A_3120, %select_n3A_3148 : vector<8x2048xi1>, vector<8x2048xi32>
    %iota3A_3174 = tpu.iota {dimensions = array<i32: 1>} : vector<8x2048xi32>
    %and3A_3175 = arith.constant 32 : i32
    %and3A_3176 = vector.broadcast %and3A_3175 : i32 to vector<8x2048xi32>
    %and3A_3177 = arith.andi %iota3A_3174, %and3A_3176 : vector<8x2048xi32>
    %eq3A_3178 = arith.constant 0 : i32
    %eq3A_3179 = vector.broadcast %eq3A_3178 : i32 to vector<8x2048xi32>
    %eq3A_3180 = arith.cmpi eq, %and3A_3177, %eq3A_3179 : vector<8x2048xi32>
    %slice3A_3181 = vector.extract_strided_slice %select_n3A_3172 {offsets = [0, 32], sizes = [8, 2016], strides = [1, 1]} : vector<8x2048xf32> to vector<8x2016xf32>
    %slice3A_3182 = vector.extract_strided_slice %select_n3A_3172 {offsets = [0, 0], sizes = [8, 32], strides = [1, 1]} : vector<8x2048xf32> to vector<8x32xf32>
    %concatenate3A_3183 = tpu.concatenate %slice3A_3181, %slice3A_3182 in 1 : vector<8x2016xf32>, vector<8x32xf32> -> vector<8x2048xf32>
    %slice3A_3184 = vector.extract_strided_slice %select_n3A_3172 {offsets = [0, 2016], sizes = [8, 32], strides = [1, 1]} : vector<8x2048xf32> to vector<8x32xf32>
    %slice3A_3185 = vector.extract_strided_slice %select_n3A_3172 {offsets = [0, 0], sizes = [8, 2016], strides = [1, 1]} : vector<8x2048xf32> to vector<8x2016xf32>
    %concatenate3A_3186 = tpu.concatenate %slice3A_3184, %slice3A_3185 in 1 : vector<8x32xf32>, vector<8x2016xf32> -> vector<8x2048xf32>
    %select_n3A_3187 = arith.select %eq3A_3180, %concatenate3A_3183, %concatenate3A_3186 : vector<8x2048xi1>, vector<8x2048xf32>
    %iota3A_3188 = tpu.iota {dimensions = array<i32: 1>} : vector<8x2048xi32>
    %and3A_3189 = arith.constant 32 : i32
    %and3A_3190 = vector.broadcast %and3A_3189 : i32 to vector<8x2048xi32>
    %and3A_3191 = arith.andi %iota3A_3188, %and3A_3190 : vector<8x2048xi32>
    %eq3A_3192 = arith.constant 0 : i32
    %eq3A_3193 = vector.broadcast %eq3A_3192 : i32 to vector<8x2048xi32>
    %eq3A_3194 = arith.cmpi eq, %and3A_3191, %eq3A_3193 : vector<8x2048xi32>
    %slice3A_3195 = vector.extract_strided_slice %select_n3A_3173 {offsets = [0, 32], sizes = [8, 2016], strides = [1, 1]} : vector<8x2048xi32> to vector<8x2016xi32>
    %slice3A_3196 = vector.extract_strided_slice %select_n3A_3173 {offsets = [0, 0], sizes = [8, 32], strides = [1, 1]} : vector<8x2048xi32> to vector<8x32xi32>
    %concatenate3A_3197 = tpu.concatenate %slice3A_3195, %slice3A_3196 in 1 : vector<8x2016xi32>, vector<8x32xi32> -> vector<8x2048xi32>
    %slice3A_3198 = vector.extract_strided_slice %select_n3A_3173 {offsets = [0, 2016], sizes = [8, 32], strides = [1, 1]} : vector<8x2048xi32> to vector<8x32xi32>
    %slice3A_3199 = vector.extract_strided_slice %select_n3A_3173 {offsets = [0, 0], sizes = [8, 2016], strides = [1, 1]} : vector<8x2048xi32> to vector<8x2016xi32>
    %concatenate3A_3200 = tpu.concatenate %slice3A_3198, %slice3A_3199 in 1 : vector<8x32xi32>, vector<8x2016xi32> -> vector<8x2048xi32>
    %select_n3A_3201 = arith.select %eq3A_3194, %concatenate3A_3197, %concatenate3A_3200 : vector<8x2048xi1>, vector<8x2048xi32>
    %and3A_3202 = arith.constant 2048 : i32
    %and3A_3203 = vector.broadcast %and3A_3202 : i32 to vector<8x2048xi32>
    %and3A_3204 = arith.andi %iota3A, %and3A_3203 : vector<8x2048xi32>
    %eq3A_3205 = arith.constant 0 : i32
    %eq3A_3206 = vector.broadcast %eq3A_3205 : i32 to vector<8x2048xi32>
    %eq3A_3207 = arith.cmpi eq, %and3A_3204, %eq3A_3206 : vector<8x2048xi32>
    %and3A_3208 = arith.constant 32 : i32
    %and3A_3209 = vector.broadcast %and3A_3208 : i32 to vector<8x2048xi32>
    %and3A_3210 = arith.andi %iota3A, %and3A_3209 : vector<8x2048xi32>
    %eq3A_3211 = arith.constant 0 : i32
    %eq3A_3212 = vector.broadcast %eq3A_3211 : i32 to vector<8x2048xi32>
    %eq3A_3213 = arith.cmpi eq, %and3A_3210, %eq3A_3212 : vector<8x2048xi32>
    %gt3A_3214 = arith.cmpf ogt, %select_n3A_3172, %select_n3A_3187 : vector<8x2048xf32>
    %eq3A_3215 = arith.cmpf oeq, %select_n3A_3172, %select_n3A_3187 : vector<8x2048xf32>
    %lt3A_3216 = arith.cmpi slt, %select_n3A_3173, %select_n3A_3201 : vector<8x2048xi32>
    %and3A_3217 = arith.andi %eq3A_3215, %lt3A_3216 : vector<8x2048xi1>
    %or3A_3218 = arith.ori %gt3A_3214, %and3A_3217 : vector<8x2048xi1>
    %eq3A_3219 = arith.xori %eq3A_3213, %or3A_3218 : vector<8x2048xi1>
    %eq3A_3220 = arith.constant dense<true> : vector<8x2048xi1>
    %eq3A_3221 = arith.xori %eq3A_3219, %eq3A_3220 : vector<8x2048xi1>
    %eq3A_3222 = arith.xori %eq3A_3207, %eq3A_3221 : vector<8x2048xi1>
    %eq3A_3223 = arith.constant dense<true> : vector<8x2048xi1>
    %eq3A_3224 = arith.xori %eq3A_3222, %eq3A_3223 : vector<8x2048xi1>
    %select_n3A_3225 = arith.select %eq3A_3224, %select_n3A_3172, %select_n3A_3187 : vector<8x2048xi1>, vector<8x2048xf32>
    %select_n3A_3226 = arith.select %eq3A_3224, %select_n3A_3173, %select_n3A_3201 : vector<8x2048xi1>, vector<8x2048xi32>
    %iota3A_3227 = tpu.iota {dimensions = array<i32: 1>} : vector<8x2048xi32>
    %and3A_3228 = arith.constant 16 : i32
    %and3A_3229 = vector.broadcast %and3A_3228 : i32 to vector<8x2048xi32>
    %and3A_3230 = arith.andi %iota3A_3227, %and3A_3229 : vector<8x2048xi32>
    %eq3A_3231 = arith.constant 0 : i32
    %eq3A_3232 = vector.broadcast %eq3A_3231 : i32 to vector<8x2048xi32>
    %eq3A_3233 = arith.cmpi eq, %and3A_3230, %eq3A_3232 : vector<8x2048xi32>
    %slice3A_3234 = vector.extract_strided_slice %select_n3A_3225 {offsets = [0, 16], sizes = [8, 2032], strides = [1, 1]} : vector<8x2048xf32> to vector<8x2032xf32>
    %slice3A_3235 = vector.extract_strided_slice %select_n3A_3225 {offsets = [0, 0], sizes = [8, 16], strides = [1, 1]} : vector<8x2048xf32> to vector<8x16xf32>
    %concatenate3A_3236 = tpu.concatenate %slice3A_3234, %slice3A_3235 in 1 : vector<8x2032xf32>, vector<8x16xf32> -> vector<8x2048xf32>
    %slice3A_3237 = vector.extract_strided_slice %select_n3A_3225 {offsets = [0, 2032], sizes = [8, 16], strides = [1, 1]} : vector<8x2048xf32> to vector<8x16xf32>
    %slice3A_3238 = vector.extract_strided_slice %select_n3A_3225 {offsets = [0, 0], sizes = [8, 2032], strides = [1, 1]} : vector<8x2048xf32> to vector<8x2032xf32>
    %concatenate3A_3239 = tpu.concatenate %slice3A_3237, %slice3A_3238 in 1 : vector<8x16xf32>, vector<8x2032xf32> -> vector<8x2048xf32>
    %select_n3A_3240 = arith.select %eq3A_3233, %concatenate3A_3236, %concatenate3A_3239 : vector<8x2048xi1>, vector<8x2048xf32>
    %iota3A_3241 = tpu.iota {dimensions = array<i32: 1>} : vector<8x2048xi32>
    %and3A_3242 = arith.constant 16 : i32
    %and3A_3243 = vector.broadcast %and3A_3242 : i32 to vector<8x2048xi32>
    %and3A_3244 = arith.andi %iota3A_3241, %and3A_3243 : vector<8x2048xi32>
    %eq3A_3245 = arith.constant 0 : i32
    %eq3A_3246 = vector.broadcast %eq3A_3245 : i32 to vector<8x2048xi32>
    %eq3A_3247 = arith.cmpi eq, %and3A_3244, %eq3A_3246 : vector<8x2048xi32>
    %slice3A_3248 = vector.extract_strided_slice %select_n3A_3226 {offsets = [0, 16], sizes = [8, 2032], strides = [1, 1]} : vector<8x2048xi32> to vector<8x2032xi32>
    %slice3A_3249 = vector.extract_strided_slice %select_n3A_3226 {offsets = [0, 0], sizes = [8, 16], strides = [1, 1]} : vector<8x2048xi32> to vector<8x16xi32>
    %concatenate3A_3250 = tpu.concatenate %slice3A_3248, %slice3A_3249 in 1 : vector<8x2032xi32>, vector<8x16xi32> -> vector<8x2048xi32>
    %slice3A_3251 = vector.extract_strided_slice %select_n3A_3226 {offsets = [0, 2032], sizes = [8, 16], strides = [1, 1]} : vector<8x2048xi32> to vector<8x16xi32>
    %slice3A_3252 = vector.extract_strided_slice %select_n3A_3226 {offsets = [0, 0], sizes = [8, 2032], strides = [1, 1]} : vector<8x2048xi32> to vector<8x2032xi32>
    %concatenate3A_3253 = tpu.concatenate %slice3A_3251, %slice3A_3252 in 1 : vector<8x16xi32>, vector<8x2032xi32> -> vector<8x2048xi32>
    %select_n3A_3254 = arith.select %eq3A_3247, %concatenate3A_3250, %concatenate3A_3253 : vector<8x2048xi1>, vector<8x2048xi32>
    %and3A_3255 = arith.constant 2048 : i32
    %and3A_3256 = vector.broadcast %and3A_3255 : i32 to vector<8x2048xi32>
    %and3A_3257 = arith.andi %iota3A, %and3A_3256 : vector<8x2048xi32>
    %eq3A_3258 = arith.constant 0 : i32
    %eq3A_3259 = vector.broadcast %eq3A_3258 : i32 to vector<8x2048xi32>
    %eq3A_3260 = arith.cmpi eq, %and3A_3257, %eq3A_3259 : vector<8x2048xi32>
    %and3A_3261 = arith.constant 16 : i32
    %and3A_3262 = vector.broadcast %and3A_3261 : i32 to vector<8x2048xi32>
    %and3A_3263 = arith.andi %iota3A, %and3A_3262 : vector<8x2048xi32>
    %eq3A_3264 = arith.constant 0 : i32
    %eq3A_3265 = vector.broadcast %eq3A_3264 : i32 to vector<8x2048xi32>
    %eq3A_3266 = arith.cmpi eq, %and3A_3263, %eq3A_3265 : vector<8x2048xi32>
    %gt3A_3267 = arith.cmpf ogt, %select_n3A_3225, %select_n3A_3240 : vector<8x2048xf32>
    %eq3A_3268 = arith.cmpf oeq, %select_n3A_3225, %select_n3A_3240 : vector<8x2048xf32>
    %lt3A_3269 = arith.cmpi slt, %select_n3A_3226, %select_n3A_3254 : vector<8x2048xi32>
    %and3A_3270 = arith.andi %eq3A_3268, %lt3A_3269 : vector<8x2048xi1>
    %or3A_3271 = arith.ori %gt3A_3267, %and3A_3270 : vector<8x2048xi1>
    %eq3A_3272 = arith.xori %eq3A_3266, %or3A_3271 : vector<8x2048xi1>
    %eq3A_3273 = arith.constant dense<true> : vector<8x2048xi1>
    %eq3A_3274 = arith.xori %eq3A_3272, %eq3A_3273 : vector<8x2048xi1>
    %eq3A_3275 = arith.xori %eq3A_3260, %eq3A_3274 : vector<8x2048xi1>
    %eq3A_3276 = arith.constant dense<true> : vector<8x2048xi1>
    %eq3A_3277 = arith.xori %eq3A_3275, %eq3A_3276 : vector<8x2048xi1>
    %select_n3A_3278 = arith.select %eq3A_3277, %select_n3A_3225, %select_n3A_3240 : vector<8x2048xi1>, vector<8x2048xf32>
    %select_n3A_3279 = arith.select %eq3A_3277, %select_n3A_3226, %select_n3A_3254 : vector<8x2048xi1>, vector<8x2048xi32>
    %iota3A_3280 = tpu.iota {dimensions = array<i32: 1>} : vector<8x2048xi32>
    %and3A_3281 = arith.constant 8 : i32
    %and3A_3282 = vector.broadcast %and3A_3281 : i32 to vector<8x2048xi32>
    %and3A_3283 = arith.andi %iota3A_3280, %and3A_3282 : vector<8x2048xi32>
    %eq3A_3284 = arith.constant 0 : i32
    %eq3A_3285 = vector.broadcast %eq3A_3284 : i32 to vector<8x2048xi32>
    %eq3A_3286 = arith.cmpi eq, %and3A_3283, %eq3A_3285 : vector<8x2048xi32>
    %slice3A_3287 = vector.extract_strided_slice %select_n3A_3278 {offsets = [0, 8], sizes = [8, 2040], strides = [1, 1]} : vector<8x2048xf32> to vector<8x2040xf32>
    %slice3A_3288 = vector.extract_strided_slice %select_n3A_3278 {offsets = [0, 0], sizes = [8, 8], strides = [1, 1]} : vector<8x2048xf32> to vector<8x8xf32>
    %concatenate3A_3289 = tpu.concatenate %slice3A_3287, %slice3A_3288 in 1 : vector<8x2040xf32>, vector<8x8xf32> -> vector<8x2048xf32>
    %slice3A_3290 = vector.extract_strided_slice %select_n3A_3278 {offsets = [0, 2040], sizes = [8, 8], strides = [1, 1]} : vector<8x2048xf32> to vector<8x8xf32>
    %slice3A_3291 = vector.extract_strided_slice %select_n3A_3278 {offsets = [0, 0], sizes = [8, 2040], strides = [1, 1]} : vector<8x2048xf32> to vector<8x2040xf32>
    %concatenate3A_3292 = tpu.concatenate %slice3A_3290, %slice3A_3291 in 1 : vector<8x8xf32>, vector<8x2040xf32> -> vector<8x2048xf32>
    %select_n3A_3293 = arith.select %eq3A_3286, %concatenate3A_3289, %concatenate3A_3292 : vector<8x2048xi1>, vector<8x2048xf32>
    %iota3A_3294 = tpu.iota {dimensions = array<i32: 1>} : vector<8x2048xi32>
    %and3A_3295 = arith.constant 8 : i32
    %and3A_3296 = vector.broadcast %and3A_3295 : i32 to vector<8x2048xi32>
    %and3A_3297 = arith.andi %iota3A_3294, %and3A_3296 : vector<8x2048xi32>
    %eq3A_3298 = arith.constant 0 : i32
    %eq3A_3299 = vector.broadcast %eq3A_3298 : i32 to vector<8x2048xi32>
    %eq3A_3300 = arith.cmpi eq, %and3A_3297, %eq3A_3299 : vector<8x2048xi32>
    %slice3A_3301 = vector.extract_strided_slice %select_n3A_3279 {offsets = [0, 8], sizes = [8, 2040], strides = [1, 1]} : vector<8x2048xi32> to vector<8x2040xi32>
    %slice3A_3302 = vector.extract_strided_slice %select_n3A_3279 {offsets = [0, 0], sizes = [8, 8], strides = [1, 1]} : vector<8x2048xi32> to vector<8x8xi32>
    %concatenate3A_3303 = tpu.concatenate %slice3A_3301, %slice3A_3302 in 1 : vector<8x2040xi32>, vector<8x8xi32> -> vector<8x2048xi32>
    %slice3A_3304 = vector.extract_strided_slice %select_n3A_3279 {offsets = [0, 2040], sizes = [8, 8], strides = [1, 1]} : vector<8x2048xi32> to vector<8x8xi32>
    %slice3A_3305 = vector.extract_strided_slice %select_n3A_3279 {offsets = [0, 0], sizes = [8, 2040], strides = [1, 1]} : vector<8x2048xi32> to vector<8x2040xi32>
    %concatenate3A_3306 = tpu.concatenate %slice3A_3304, %slice3A_3305 in 1 : vector<8x8xi32>, vector<8x2040xi32> -> vector<8x2048xi32>
    %select_n3A_3307 = arith.select %eq3A_3300, %concatenate3A_3303, %concatenate3A_3306 : vector<8x2048xi1>, vector<8x2048xi32>
    %and3A_3308 = arith.constant 2048 : i32
    %and3A_3309 = vector.broadcast %and3A_3308 : i32 to vector<8x2048xi32>
    %and3A_3310 = arith.andi %iota3A, %and3A_3309 : vector<8x2048xi32>
    %eq3A_3311 = arith.constant 0 : i32
    %eq3A_3312 = vector.broadcast %eq3A_3311 : i32 to vector<8x2048xi32>
    %eq3A_3313 = arith.cmpi eq, %and3A_3310, %eq3A_3312 : vector<8x2048xi32>
    %and3A_3314 = arith.constant 8 : i32
    %and3A_3315 = vector.broadcast %and3A_3314 : i32 to vector<8x2048xi32>
    %and3A_3316 = arith.andi %iota3A, %and3A_3315 : vector<8x2048xi32>
    %eq3A_3317 = arith.constant 0 : i32
    %eq3A_3318 = vector.broadcast %eq3A_3317 : i32 to vector<8x2048xi32>
    %eq3A_3319 = arith.cmpi eq, %and3A_3316, %eq3A_3318 : vector<8x2048xi32>
    %gt3A_3320 = arith.cmpf ogt, %select_n3A_3278, %select_n3A_3293 : vector<8x2048xf32>
    %eq3A_3321 = arith.cmpf oeq, %select_n3A_3278, %select_n3A_3293 : vector<8x2048xf32>
    %lt3A_3322 = arith.cmpi slt, %select_n3A_3279, %select_n3A_3307 : vector<8x2048xi32>
    %and3A_3323 = arith.andi %eq3A_3321, %lt3A_3322 : vector<8x2048xi1>
    %or3A_3324 = arith.ori %gt3A_3320, %and3A_3323 : vector<8x2048xi1>
    %eq3A_3325 = arith.xori %eq3A_3319, %or3A_3324 : vector<8x2048xi1>
    %eq3A_3326 = arith.constant dense<true> : vector<8x2048xi1>
    %eq3A_3327 = arith.xori %eq3A_3325, %eq3A_3326 : vector<8x2048xi1>
    %eq3A_3328 = arith.xori %eq3A_3313, %eq3A_3327 : vector<8x2048xi1>
    %eq3A_3329 = arith.constant dense<true> : vector<8x2048xi1>
    %eq3A_3330 = arith.xori %eq3A_3328, %eq3A_3329 : vector<8x2048xi1>
    %select_n3A_3331 = arith.select %eq3A_3330, %select_n3A_3278, %select_n3A_3293 : vector<8x2048xi1>, vector<8x2048xf32>
    %select_n3A_3332 = arith.select %eq3A_3330, %select_n3A_3279, %select_n3A_3307 : vector<8x2048xi1>, vector<8x2048xi32>
    %iota3A_3333 = tpu.iota {dimensions = array<i32: 1>} : vector<8x2048xi32>
    %and3A_3334 = arith.constant 4 : i32
    %and3A_3335 = vector.broadcast %and3A_3334 : i32 to vector<8x2048xi32>
    %and3A_3336 = arith.andi %iota3A_3333, %and3A_3335 : vector<8x2048xi32>
    %eq3A_3337 = arith.constant 0 : i32
    %eq3A_3338 = vector.broadcast %eq3A_3337 : i32 to vector<8x2048xi32>
    %eq3A_3339 = arith.cmpi eq, %and3A_3336, %eq3A_3338 : vector<8x2048xi32>
    %slice3A_3340 = vector.extract_strided_slice %select_n3A_3331 {offsets = [0, 4], sizes = [8, 2044], strides = [1, 1]} : vector<8x2048xf32> to vector<8x2044xf32>
    %slice3A_3341 = vector.extract_strided_slice %select_n3A_3331 {offsets = [0, 0], sizes = [8, 4], strides = [1, 1]} : vector<8x2048xf32> to vector<8x4xf32>
    %concatenate3A_3342 = tpu.concatenate %slice3A_3340, %slice3A_3341 in 1 : vector<8x2044xf32>, vector<8x4xf32> -> vector<8x2048xf32>
    %slice3A_3343 = vector.extract_strided_slice %select_n3A_3331 {offsets = [0, 2044], sizes = [8, 4], strides = [1, 1]} : vector<8x2048xf32> to vector<8x4xf32>
    %slice3A_3344 = vector.extract_strided_slice %select_n3A_3331 {offsets = [0, 0], sizes = [8, 2044], strides = [1, 1]} : vector<8x2048xf32> to vector<8x2044xf32>
    %concatenate3A_3345 = tpu.concatenate %slice3A_3343, %slice3A_3344 in 1 : vector<8x4xf32>, vector<8x2044xf32> -> vector<8x2048xf32>
    %select_n3A_3346 = arith.select %eq3A_3339, %concatenate3A_3342, %concatenate3A_3345 : vector<8x2048xi1>, vector<8x2048xf32>
    %iota3A_3347 = tpu.iota {dimensions = array<i32: 1>} : vector<8x2048xi32>
    %and3A_3348 = arith.constant 4 : i32
    %and3A_3349 = vector.broadcast %and3A_3348 : i32 to vector<8x2048xi32>
    %and3A_3350 = arith.andi %iota3A_3347, %and3A_3349 : vector<8x2048xi32>
    %eq3A_3351 = arith.constant 0 : i32
    %eq3A_3352 = vector.broadcast %eq3A_3351 : i32 to vector<8x2048xi32>
    %eq3A_3353 = arith.cmpi eq, %and3A_3350, %eq3A_3352 : vector<8x2048xi32>
    %slice3A_3354 = vector.extract_strided_slice %select_n3A_3332 {offsets = [0, 4], sizes = [8, 2044], strides = [1, 1]} : vector<8x2048xi32> to vector<8x2044xi32>
    %slice3A_3355 = vector.extract_strided_slice %select_n3A_3332 {offsets = [0, 0], sizes = [8, 4], strides = [1, 1]} : vector<8x2048xi32> to vector<8x4xi32>
    %concatenate3A_3356 = tpu.concatenate %slice3A_3354, %slice3A_3355 in 1 : vector<8x2044xi32>, vector<8x4xi32> -> vector<8x2048xi32>
    %slice3A_3357 = vector.extract_strided_slice %select_n3A_3332 {offsets = [0, 2044], sizes = [8, 4], strides = [1, 1]} : vector<8x2048xi32> to vector<8x4xi32>
    %slice3A_3358 = vector.extract_strided_slice %select_n3A_3332 {offsets = [0, 0], sizes = [8, 2044], strides = [1, 1]} : vector<8x2048xi32> to vector<8x2044xi32>
    %concatenate3A_3359 = tpu.concatenate %slice3A_3357, %slice3A_3358 in 1 : vector<8x4xi32>, vector<8x2044xi32> -> vector<8x2048xi32>
    %select_n3A_3360 = arith.select %eq3A_3353, %concatenate3A_3356, %concatenate3A_3359 : vector<8x2048xi1>, vector<8x2048xi32>
    %and3A_3361 = arith.constant 2048 : i32
    %and3A_3362 = vector.broadcast %and3A_3361 : i32 to vector<8x2048xi32>
    %and3A_3363 = arith.andi %iota3A, %and3A_3362 : vector<8x2048xi32>
    %eq3A_3364 = arith.constant 0 : i32
    %eq3A_3365 = vector.broadcast %eq3A_3364 : i32 to vector<8x2048xi32>
    %eq3A_3366 = arith.cmpi eq, %and3A_3363, %eq3A_3365 : vector<8x2048xi32>
    %and3A_3367 = arith.constant 4 : i32
    %and3A_3368 = vector.broadcast %and3A_3367 : i32 to vector<8x2048xi32>
    %and3A_3369 = arith.andi %iota3A, %and3A_3368 : vector<8x2048xi32>
    %eq3A_3370 = arith.constant 0 : i32
    %eq3A_3371 = vector.broadcast %eq3A_3370 : i32 to vector<8x2048xi32>
    %eq3A_3372 = arith.cmpi eq, %and3A_3369, %eq3A_3371 : vector<8x2048xi32>
    %gt3A_3373 = arith.cmpf ogt, %select_n3A_3331, %select_n3A_3346 : vector<8x2048xf32>
    %eq3A_3374 = arith.cmpf oeq, %select_n3A_3331, %select_n3A_3346 : vector<8x2048xf32>
    %lt3A_3375 = arith.cmpi slt, %select_n3A_3332, %select_n3A_3360 : vector<8x2048xi32>
    %and3A_3376 = arith.andi %eq3A_3374, %lt3A_3375 : vector<8x2048xi1>
    %or3A_3377 = arith.ori %gt3A_3373, %and3A_3376 : vector<8x2048xi1>
    %eq3A_3378 = arith.xori %eq3A_3372, %or3A_3377 : vector<8x2048xi1>
    %eq3A_3379 = arith.constant dense<true> : vector<8x2048xi1>
    %eq3A_3380 = arith.xori %eq3A_3378, %eq3A_3379 : vector<8x2048xi1>
    %eq3A_3381 = arith.xori %eq3A_3366, %eq3A_3380 : vector<8x2048xi1>
    %eq3A_3382 = arith.constant dense<true> : vector<8x2048xi1>
    %eq3A_3383 = arith.xori %eq3A_3381, %eq3A_3382 : vector<8x2048xi1>
    %select_n3A_3384 = arith.select %eq3A_3383, %select_n3A_3331, %select_n3A_3346 : vector<8x2048xi1>, vector<8x2048xf32>
    %select_n3A_3385 = arith.select %eq3A_3383, %select_n3A_3332, %select_n3A_3360 : vector<8x2048xi1>, vector<8x2048xi32>
    %iota3A_3386 = tpu.iota {dimensions = array<i32: 1>} : vector<8x2048xi32>
    %and3A_3387 = arith.constant 2 : i32
    %and3A_3388 = vector.broadcast %and3A_3387 : i32 to vector<8x2048xi32>
    %and3A_3389 = arith.andi %iota3A_3386, %and3A_3388 : vector<8x2048xi32>
    %eq3A_3390 = arith.constant 0 : i32
    %eq3A_3391 = vector.broadcast %eq3A_3390 : i32 to vector<8x2048xi32>
    %eq3A_3392 = arith.cmpi eq, %and3A_3389, %eq3A_3391 : vector<8x2048xi32>
    %slice3A_3393 = vector.extract_strided_slice %select_n3A_3384 {offsets = [0, 2], sizes = [8, 2046], strides = [1, 1]} : vector<8x2048xf32> to vector<8x2046xf32>
    %slice3A_3394 = vector.extract_strided_slice %select_n3A_3384 {offsets = [0, 0], sizes = [8, 2], strides = [1, 1]} : vector<8x2048xf32> to vector<8x2xf32>
    %concatenate3A_3395 = tpu.concatenate %slice3A_3393, %slice3A_3394 in 1 : vector<8x2046xf32>, vector<8x2xf32> -> vector<8x2048xf32>
    %slice3A_3396 = vector.extract_strided_slice %select_n3A_3384 {offsets = [0, 2046], sizes = [8, 2], strides = [1, 1]} : vector<8x2048xf32> to vector<8x2xf32>
    %slice3A_3397 = vector.extract_strided_slice %select_n3A_3384 {offsets = [0, 0], sizes = [8, 2046], strides = [1, 1]} : vector<8x2048xf32> to vector<8x2046xf32>
    %concatenate3A_3398 = tpu.concatenate %slice3A_3396, %slice3A_3397 in 1 : vector<8x2xf32>, vector<8x2046xf32> -> vector<8x2048xf32>
    %select_n3A_3399 = arith.select %eq3A_3392, %concatenate3A_3395, %concatenate3A_3398 : vector<8x2048xi1>, vector<8x2048xf32>
    %iota3A_3400 = tpu.iota {dimensions = array<i32: 1>} : vector<8x2048xi32>
    %and3A_3401 = arith.constant 2 : i32
    %and3A_3402 = vector.broadcast %and3A_3401 : i32 to vector<8x2048xi32>
    %and3A_3403 = arith.andi %iota3A_3400, %and3A_3402 : vector<8x2048xi32>
    %eq3A_3404 = arith.constant 0 : i32
    %eq3A_3405 = vector.broadcast %eq3A_3404 : i32 to vector<8x2048xi32>
    %eq3A_3406 = arith.cmpi eq, %and3A_3403, %eq3A_3405 : vector<8x2048xi32>
    %slice3A_3407 = vector.extract_strided_slice %select_n3A_3385 {offsets = [0, 2], sizes = [8, 2046], strides = [1, 1]} : vector<8x2048xi32> to vector<8x2046xi32>
    %slice3A_3408 = vector.extract_strided_slice %select_n3A_3385 {offsets = [0, 0], sizes = [8, 2], strides = [1, 1]} : vector<8x2048xi32> to vector<8x2xi32>
    %concatenate3A_3409 = tpu.concatenate %slice3A_3407, %slice3A_3408 in 1 : vector<8x2046xi32>, vector<8x2xi32> -> vector<8x2048xi32>
    %slice3A_3410 = vector.extract_strided_slice %select_n3A_3385 {offsets = [0, 2046], sizes = [8, 2], strides = [1, 1]} : vector<8x2048xi32> to vector<8x2xi32>
    %slice3A_3411 = vector.extract_strided_slice %select_n3A_3385 {offsets = [0, 0], sizes = [8, 2046], strides = [1, 1]} : vector<8x2048xi32> to vector<8x2046xi32>
    %concatenate3A_3412 = tpu.concatenate %slice3A_3410, %slice3A_3411 in 1 : vector<8x2xi32>, vector<8x2046xi32> -> vector<8x2048xi32>
    %select_n3A_3413 = arith.select %eq3A_3406, %concatenate3A_3409, %concatenate3A_3412 : vector<8x2048xi1>, vector<8x2048xi32>
    %and3A_3414 = arith.constant 2048 : i32
    %and3A_3415 = vector.broadcast %and3A_3414 : i32 to vector<8x2048xi32>
    %and3A_3416 = arith.andi %iota3A, %and3A_3415 : vector<8x2048xi32>
    %eq3A_3417 = arith.constant 0 : i32
    %eq3A_3418 = vector.broadcast %eq3A_3417 : i32 to vector<8x2048xi32>
    %eq3A_3419 = arith.cmpi eq, %and3A_3416, %eq3A_3418 : vector<8x2048xi32>
    %and3A_3420 = arith.constant 2 : i32
    %and3A_3421 = vector.broadcast %and3A_3420 : i32 to vector<8x2048xi32>
    %and3A_3422 = arith.andi %iota3A, %and3A_3421 : vector<8x2048xi32>
    %eq3A_3423 = arith.constant 0 : i32
    %eq3A_3424 = vector.broadcast %eq3A_3423 : i32 to vector<8x2048xi32>
    %eq3A_3425 = arith.cmpi eq, %and3A_3422, %eq3A_3424 : vector<8x2048xi32>
    %gt3A_3426 = arith.cmpf ogt, %select_n3A_3384, %select_n3A_3399 : vector<8x2048xf32>
    %eq3A_3427 = arith.cmpf oeq, %select_n3A_3384, %select_n3A_3399 : vector<8x2048xf32>
    %lt3A_3428 = arith.cmpi slt, %select_n3A_3385, %select_n3A_3413 : vector<8x2048xi32>
    %and3A_3429 = arith.andi %eq3A_3427, %lt3A_3428 : vector<8x2048xi1>
    %or3A_3430 = arith.ori %gt3A_3426, %and3A_3429 : vector<8x2048xi1>
    %eq3A_3431 = arith.xori %eq3A_3425, %or3A_3430 : vector<8x2048xi1>
    %eq3A_3432 = arith.constant dense<true> : vector<8x2048xi1>
    %eq3A_3433 = arith.xori %eq3A_3431, %eq3A_3432 : vector<8x2048xi1>
    %eq3A_3434 = arith.xori %eq3A_3419, %eq3A_3433 : vector<8x2048xi1>
    %eq3A_3435 = arith.constant dense<true> : vector<8x2048xi1>
    %eq3A_3436 = arith.xori %eq3A_3434, %eq3A_3435 : vector<8x2048xi1>
    %select_n3A_3437 = arith.select %eq3A_3436, %select_n3A_3384, %select_n3A_3399 : vector<8x2048xi1>, vector<8x2048xf32>
    %select_n3A_3438 = arith.select %eq3A_3436, %select_n3A_3385, %select_n3A_3413 : vector<8x2048xi1>, vector<8x2048xi32>
    %iota3A_3439 = tpu.iota {dimensions = array<i32: 1>} : vector<8x2048xi32>
    %and3A_3440 = arith.constant 1 : i32
    %and3A_3441 = vector.broadcast %and3A_3440 : i32 to vector<8x2048xi32>
    %and3A_3442 = arith.andi %iota3A_3439, %and3A_3441 : vector<8x2048xi32>
    %eq3A_3443 = arith.constant 0 : i32
    %eq3A_3444 = vector.broadcast %eq3A_3443 : i32 to vector<8x2048xi32>
    %eq3A_3445 = arith.cmpi eq, %and3A_3442, %eq3A_3444 : vector<8x2048xi32>
    %slice3A_3446 = vector.extract_strided_slice %select_n3A_3437 {offsets = [0, 1], sizes = [8, 2047], strides = [1, 1]} : vector<8x2048xf32> to vector<8x2047xf32>
    %slice3A_3447 = vector.extract_strided_slice %select_n3A_3437 {offsets = [0, 0], sizes = [8, 1], strides = [1, 1]} : vector<8x2048xf32> to vector<8x1xf32>
    %concatenate3A_3448 = tpu.concatenate %slice3A_3446, %slice3A_3447 in 1 : vector<8x2047xf32>, vector<8x1xf32> -> vector<8x2048xf32>
    %slice3A_3449 = vector.extract_strided_slice %select_n3A_3437 {offsets = [0, 2047], sizes = [8, 1], strides = [1, 1]} : vector<8x2048xf32> to vector<8x1xf32>
    %slice3A_3450 = vector.extract_strided_slice %select_n3A_3437 {offsets = [0, 0], sizes = [8, 2047], strides = [1, 1]} : vector<8x2048xf32> to vector<8x2047xf32>
    %concatenate3A_3451 = tpu.concatenate %slice3A_3449, %slice3A_3450 in 1 : vector<8x1xf32>, vector<8x2047xf32> -> vector<8x2048xf32>
    %select_n3A_3452 = arith.select %eq3A_3445, %concatenate3A_3448, %concatenate3A_3451 : vector<8x2048xi1>, vector<8x2048xf32>
    %iota3A_3453 = tpu.iota {dimensions = array<i32: 1>} : vector<8x2048xi32>
    %and3A_3454 = arith.constant 1 : i32
    %and3A_3455 = vector.broadcast %and3A_3454 : i32 to vector<8x2048xi32>
    %and3A_3456 = arith.andi %iota3A_3453, %and3A_3455 : vector<8x2048xi32>
    %eq3A_3457 = arith.constant 0 : i32
    %eq3A_3458 = vector.broadcast %eq3A_3457 : i32 to vector<8x2048xi32>
    %eq3A_3459 = arith.cmpi eq, %and3A_3456, %eq3A_3458 : vector<8x2048xi32>
    %slice3A_3460 = vector.extract_strided_slice %select_n3A_3438 {offsets = [0, 1], sizes = [8, 2047], strides = [1, 1]} : vector<8x2048xi32> to vector<8x2047xi32>
    %slice3A_3461 = vector.extract_strided_slice %select_n3A_3438 {offsets = [0, 0], sizes = [8, 1], strides = [1, 1]} : vector<8x2048xi32> to vector<8x1xi32>
    %concatenate3A_3462 = tpu.concatenate %slice3A_3460, %slice3A_3461 in 1 : vector<8x2047xi32>, vector<8x1xi32> -> vector<8x2048xi32>
    %slice3A_3463 = vector.extract_strided_slice %select_n3A_3438 {offsets = [0, 2047], sizes = [8, 1], strides = [1, 1]} : vector<8x2048xi32> to vector<8x1xi32>
    %slice3A_3464 = vector.extract_strided_slice %select_n3A_3438 {offsets = [0, 0], sizes = [8, 2047], strides = [1, 1]} : vector<8x2048xi32> to vector<8x2047xi32>
    %concatenate3A_3465 = tpu.concatenate %slice3A_3463, %slice3A_3464 in 1 : vector<8x1xi32>, vector<8x2047xi32> -> vector<8x2048xi32>
    %select_n3A_3466 = arith.select %eq3A_3459, %concatenate3A_3462, %concatenate3A_3465 : vector<8x2048xi1>, vector<8x2048xi32>
    %and3A_3467 = arith.constant 2048 : i32
    %and3A_3468 = vector.broadcast %and3A_3467 : i32 to vector<8x2048xi32>
    %and3A_3469 = arith.andi %iota3A, %and3A_3468 : vector<8x2048xi32>
    %eq3A_3470 = arith.constant 0 : i32
    %eq3A_3471 = vector.broadcast %eq3A_3470 : i32 to vector<8x2048xi32>
    %eq3A_3472 = arith.cmpi eq, %and3A_3469, %eq3A_3471 : vector<8x2048xi32>
    %and3A_3473 = arith.constant 1 : i32
    %and3A_3474 = vector.broadcast %and3A_3473 : i32 to vector<8x2048xi32>
    %and3A_3475 = arith.andi %iota3A, %and3A_3474 : vector<8x2048xi32>
    %eq3A_3476 = arith.constant 0 : i32
    %eq3A_3477 = vector.broadcast %eq3A_3476 : i32 to vector<8x2048xi32>
    %eq3A_3478 = arith.cmpi eq, %and3A_3475, %eq3A_3477 : vector<8x2048xi32>
    %gt3A_3479 = arith.cmpf ogt, %select_n3A_3437, %select_n3A_3452 : vector<8x2048xf32>
    %eq3A_3480 = arith.cmpf oeq, %select_n3A_3437, %select_n3A_3452 : vector<8x2048xf32>
    %lt3A_3481 = arith.cmpi slt, %select_n3A_3438, %select_n3A_3466 : vector<8x2048xi32>
    %and3A_3482 = arith.andi %eq3A_3480, %lt3A_3481 : vector<8x2048xi1>
    %or3A_3483 = arith.ori %gt3A_3479, %and3A_3482 : vector<8x2048xi1>
    %eq3A_3484 = arith.xori %eq3A_3478, %or3A_3483 : vector<8x2048xi1>
    %eq3A_3485 = arith.constant dense<true> : vector<8x2048xi1>
    %eq3A_3486 = arith.xori %eq3A_3484, %eq3A_3485 : vector<8x2048xi1>
    %eq3A_3487 = arith.xori %eq3A_3472, %eq3A_3486 : vector<8x2048xi1>
    %eq3A_3488 = arith.constant dense<true> : vector<8x2048xi1>
    %eq3A_3489 = arith.xori %eq3A_3487, %eq3A_3488 : vector<8x2048xi1>
    %select_n3A_3490 = arith.select %eq3A_3489, %select_n3A_3438, %select_n3A_3466 : vector<8x2048xi1>, vector<8x2048xi32>
    %swap3A = arith.constant 0 : index
    %swap3A_3491 = arith.constant 0 : index
    %swap3A_3492 = vector.load %arg1[%swap3A, %swap3A_3491] : memref<8x2048xi32, #tpu.memory_space<vmem>>, vector<8x2048xi32>
    tpu.vector_store %arg1[%swap3A, %swap3A_3491], %select_n3A_3490 {strides = array<i32>} : memref<8x2048xi32, #tpu.memory_space<vmem>>, vector<8x2048xi32>,
    return
  }
}

</mosaic_0001>

<sc_bundles>
// kernel: kernel.4.cloned.1.call-start
scs
__scs_entry_jumppad:
0x0: {  	(pc) =	sbr.rel $0x88, $3  }
0x1: {  	(tag) =	ssettag $0x0;
	lr =	simm.s32 $0x1  }
0x2: {  	[smem:$0x3F85] =	sst lr;
	_ =	strace $0xD0000000  }
0x3: {  	_ = 	snop  }
0x4: {  	_ = 	snop  }
0x5: {  	_ = 	snop  }
0x6: {  	_ = 	snop  }
0x7: {  	_ = 	snop  }
__scs_overlays_trampoline_lowered:
0x8: {  	[smem:$0x3F94] =	sst s0  }
0x9: {  	[smem:$0x3F95] =	sst s1  }
0xa: {  	[smem:$0x3F96] =	sst s2  }
0xb: {  	[smem:$0x3F97] =	sst s3  }
0xc: {  	[smem:$0x3F98] =	sst s4  }
0xd: {  	[smem:$0x3F99] =	sst s5  }
0xe: {  	[smem:$0x3F9A] =	sst s6  }
0xf: {  	[smem:$0x3F9B] =	sst s7  }
0x10: {  	[smem:$0x3F9C] =	sst s8  }
0x11: {  	[smem:$0x3F9D] =	sst s9;
	s0 =	simm.s32 @!p0 $0x0  }
0x12: {  	s1 =	sld [smem:$0x3F83];
	s0 =	simm.s32 @p0 $0x1  }
0x13: {  	[smem:$0x3F9E] =	sst s0;
	s0 =	simm.s32 @!p1 $0x0  }
0x14: {  	s2 =	sld [smem:$0x3F82];
	s0 =	simm.s32 @p1 $0x1  }
0x15: {  	[smem:$0x3F9F] =	sst s0;
	s0 =	simm.s32 @!p2 $0x0  }
0x16: {  	s3 =	sld [smem:$0x3FDB];
	s0 =	simm.s32 @p2 $0x1  }
0x17: {  	s4 =	simm.s32 $0x1BF5;
	[smem:$0x3FA1] =	sst s0  }
0x18: {  	s0 =	sld [smem:$0x3F84];
	_ =	swait.ge [sflag:s4], $0x0  }
0x19: {  	s7 =	sld [smem:$0x3F85]  }
0x1a: {  	s8 =	sadd.s32 $0xFFFFE003, lr  }
0x1b: {  	s9 =	sadd.s32 $0xFFFFFEF7, lr;
	s5 =	simm.s32 $0xFFFFFFFF;
	p2 =	slt.u32 s8, $0xFFFFF086  }
0x1c: {  	p1 =	slt.u32 s9, $0xF7A;
	s5 =	simm.s32 @!p2 $0x0  }
0x1d: {  	s5 =	simm.s32 @p1 $0x1;
	p0 =	seq.s32 s7, s2  }
0x1e: {  	s7 =	smul.u32 @!p0 $0xF7A, s2;
	p2 =	seq.s32 @!p0 s5, $0x0  }
0x1f: {  	s9 =	smul.u32 $0xF7A, s1;
	s8 =	simm.s32 @!p0 $0x1BF5;
	p2 =	por !p2, p0  }
0x20: {  	[sflag:s8] =	ssyncset.s32 @!p0 $0xFFFFF086;
	s6 =	sadd.s32 @!p0 s3, s7;
	s7 =	simm.s32 @!p0 $0x108  }
0x21: {  	s3 =	sadd.s32 s3, s9;
	s6 =	sadd.s32 @!p0 $0x88, s6;
	s7 =	simm.s32 @p2 $0x1082  }
0x22: {  	[simem:s7], [sflag:s8] =	dma.local @!p0 [hbm:s6], $0xF7A  }
0x23: {  	s9 =	sor.u32 $0xD0000000, s2;
	s6 =	simm.s32 $0x108;
	_ =	swait.ge @!p0 [sflag:s8], $0x0  }
0x24: {  	s3 =	sadd.s32 $0x88, s3;
	s6 =	simm.s32 @!p1 $0x1082;
	[sflag:s4] =	ssyncset.s32 $0xFFFFF086  }
0x25: {  	[simem:s6], [sflag:s4] =	dma.local [hbm:s3], $0xF7A  }
0x26: {  	[smem:$0x3F85] =	sst s1;
	(tag) =	ssettag s2;
	_ =	strace s9  }
0x27: {  	s1 =	sld [smem:$0x3F95]  }
0x28: {  	s2 =	sld [smem:$0x3F96]  }
0x29: {  	s4 =	sld [smem:$0x3F98]  }
0x2a: {  	p0 =	seq.s32 s5, $0x0;
	s5 =	sld [smem:$0x3F99]  }
0x2b: {  	s6 =	sld [smem:$0x3F9A]  }
0x2c: {  	s7 =	sld [smem:$0x3F9B]  }
0x2d: {  	s3 =	simm.s32 $0x108;
	s8 =	sld [smem:$0x3F9C]  }
0x2e: {  	s3 =	simm.s32 @!p0 $0x1082;
	s9 =	sld [smem:$0x3F9D]  }
0x2f: {  	lr =	sadd.s32 s0, s3;
	s0 =	sld [smem:$0x3F94]  }
0x30: {  	s3 =	sld [smem:$0x3F97]  }
0x31: {  	[smem:$0x3FA0] =	sst s10  }
0x32: {  	s10 =	sld [smem:$0x3F9E];
	_ =	sdelay $0x3  }
0x33: {  	p0 =	seq.s32 s10, $0x1;
	s10 =	sld [smem:$0x3FA0];
	_ =	sdelay $0x3  }
0x34: {  	[smem:$0x3FA0] =	sst s10  }
0x35: {  	s10 =	sld [smem:$0x3F9F];
	_ =	sdelay $0x3  }
0x36: {  	p1 =	seq.s32 s10, $0x1;
	s10 =	sld [smem:$0x3FA0];
	_ =	sdelay $0x3  }
0x37: {  	[smem:$0x3FA0] =	sst s10  }
0x38: {  	s10 =	sld [smem:$0x3FA1]  }
0x39: {  	_ = 	snop;
	(pc) =	sbr.ind lr, $3  }
0x3a: {  	_ = 	snop  }
0x3b: {  	_ = 	snop  }
0x3c: {  	p2 =	seq.s32 s10, $0x1;
	s10 =	sld [smem:$0x3FA0]  }
0x3d: {  	_ =	shalt  }
0x3e: {  	_ =	shalt  }
0x3f: {  	_ =	shalt  }
0x40: {  	_ =	shalt  }
0x41: {  	_ =	shalt  }
0x42: {  	_ =	shalt  }
0x43: {  	_ =	shalt  }
0x44: {  	_ =	shalt  }
0x45: {  	_ =	shalt  }
0x46: {  	_ =	shalt  }
0x47: {  	_ =	shalt  }
0x48: {  	_ =	shalt  }
0x49: {  	_ =	shalt  }
0x4a: {  	_ =	shalt  }
0x4b: {  	_ =	shalt  }
0x4c: {  	_ =	shalt  }
0x4d: {  	_ =	shalt  }
0x4e: {  	_ =	shalt  }
0x4f: {  	_ =	shalt  }
0x50: {  	_ =	shalt  }
0x51: {  	_ =	shalt  }
0x52: {  	_ =	shalt  }
0x53: {  	_ =	shalt  }
0x54: {  	_ =	shalt  }
0x55: {  	_ =	shalt  }
0x56: {  	_ =	shalt  }
0x57: {  	_ =	shalt  }
0x58: {  	_ =	shalt  }
0x59: {  	_ =	shalt  }
0x5a: {  	_ =	shalt  }
0x5b: {  	_ =	shalt  }
0x5c: {  	_ =	shalt  }
0x5d: {  	_ =	shalt  }
0x5e: {  	_ =	shalt  }
0x5f: {  	_ =	shalt  }
0x60: {  	_ =	shalt  }
0x61: {  	_ =	shalt  }
0x62: {  	_ =	shalt  }
0x63: {  	_ =	shalt  }
0x64: {  	_ =	shalt  }
0x65: {  	_ =	shalt  }
0x66: {  	_ =	shalt  }
0x67: {  	_ =	shalt  }
0x68: {  	_ =	shalt  }
0x69: {  	_ =	shalt  }
0x6a: {  	_ =	shalt  }
0x6b: {  	_ =	shalt  }
0x6c: {  	_ =	shalt  }
0x6d: {  	_ =	shalt  }
0x6e: {  	_ =	shalt  }
0x6f: {  	_ =	shalt  }
0x70: {  	_ =	shalt  }
0x71: {  	_ =	shalt  }
0x72: {  	_ =	shalt  }
0x73: {  	_ =	shalt  }
0x74: {  	_ =	shalt  }
0x75: {  	_ =	shalt  }
0x76: {  	_ =	shalt  }
0x77: {  	_ =	shalt  }
0x78: {  	_ =	shalt  }
0x79: {  	_ =	shalt  }
0x7a: {  	_ =	shalt  }
0x7b: {  	_ =	shalt  }
0x7c: {  	_ =	shalt  }
0x7d: {  	_ =	shalt  }
0x7e: {  	_ =	shalt  }
0x7f: {  	_ =	shalt  }
0x80: {  	_ =	shalt  }
0x81: {  	_ =	shalt  }
0x82: {  	_ =	shalt  }
0x83: {  	_ =	shalt  }
0x84: {  	_ =	shalt  }
0x85: {  	_ =	shalt  }
0x86: {  	_ =	shalt  }
0x87: {  	_ =	shalt  }
.Lfunc_end0:
.L_simem_size_0:
called_computation.1_lowered:
.L_overlay_start_0:
0x88: {  	s2 =	sld [smem:$0x3FD9]  }
0x89: {  	s3 =	sld [smem:$0x3FFE];
	_ =	sdelay $0x1  }
0x8a: {  	s1 =	srdreg.scid  }
0x8b: {  	s0 =	sand.u32 $0x1, s1  }
0x8c: {  	s14 =	sshll.u32 s0, $0xA;
	s2 =	sadd.s32 s3, s2  }
0x8d: {  	s2 =	sadd.s32 s2, s14  }
0x8e: {  	[smem:$0x3FAC] =	sst s2  }
0x8f: {  	_ = 	snop  }
0x90: {  	s2 =	sld [smem:$0x3FD0];
	_ =	sdelay $0x2  }
0x91: {  	s15 =	simm.s32 $0xA;
	s4 =	simm.s32 $0x10  }
0x92: {  	[smem:s4], [sflag:s15] =	dma.local [hbm:s2], $0x1  }
0x93: {  	_ =	swait.eq [sflag:s15], $0x1  }
0x94: {  	[sflag:s15] =	ssyncset.done $0x0  }
0x95: {  	[sflag:s15] =	ssyncadd.s32 $0xFFFFFFFF  }
0x96: {  	s16 =	sld [smem:$0x11];
	(tm) =	ssettm $0x1  }
0x97: {  	s17 =	sld [smem:$0x3FFB];
	_ =	sdelay $0x3  }
0x98: {  	_ =	strace s17  }
0x99: {  	s3 =	sld [smem:$0x3FFC];
	_ =	sdelay $0x3  }
0x9a: {  	_ =	strace s3  }
0x9b: {  	s3 =	sld [smem:$0x3FFD];
	_ =	sdelay $0x3  }
0x9c: {  	_ =	strace s3  }
0x9d: {  	_ =	strace $0x8FFFFFFF  }
0x9e: {  	s18 =	sld [smem:$0x3FDB];
	_ =	sdelay $0x1  }
0x9f: {  	s19 =	simm.s32 $_scs_section_size  }
0xa0: {  	s5 =	simm.s32 $_size__tile_overlayer_lowered;
	s6 =	simm.s32 $_tile_overlayer_lowered  }
0xa1: {  	s22 =	simm.s32 $0x1BFF;
	s21 =	sshll.u32 s6, $0x1;
	s3 =	sadd.s32 s19, s18  }
0xa2: {  	s7 =	simm.s32 $0x0;
	s20 =	sshll.u32 s5, $0x1;
	s5 =	sadd.s32 s21, s3  }
0xa3: {  	[timem:s7], [sflag:s22] =	dma.local [hbm:s5], s20  }
0xa4: {  	_ =	swait.ge [sflag:s22], s20  }
0xa5: {  	s4 =	ssub.s32 $0x0, s20;
	[sflag:s22] =	ssyncset.done $0x0  }
0xa6: {  	[sflag:s22] =	ssyncadd.s32 s4;
	_ =	sdelay $0x1  }
0xa7: {  	s23 =	simm.s32 $0x1B8B  }
0xa8: {  	_ =	swait.ge [sflag:s23], $0x1  }
0xa9: {  	[sflag:s23] =	ssyncset.done $0x0  }
0xaa: {  	s25 =	simm.s32 $0x1B8E;
	s24 =	sld [smem:$0x3FFE];
	[sflag:s23] =	ssyncadd.s32 $0xFFFFFFFF  }
0xab: {  	s26 =	simm.s32 $execute0_lowered;
	[smem:$0x3FD2] =	sst s25  }
0xac: {  	s5 =	sshll.u32 s26, $0x1;
	_ =	strace $0x80000049;
	[dreg:$0x1] =	wrdreg $0xFFFFFFFF  }
0xad: {  	s28 =	simm.s32 $_size_execute0_lowered;
	s3 =	sadd.s32 s3, s5;
	[dreg:$0x0] =	wrdreg $0x0  }
0xae: {  	s5 =	sshll.u32 s28, $0x1;
	[dreg:$0x2] =	wrdreg s3  }
0xaf: {  	[dreg:$0x3] =	wrdreg s5  }
0xb0: {  	[dreg:$0x4] =	wrdreg $0xC0  }
0xb1: {  	_ =	task [dreg:s7], $0x5FFFF  }
0xb2: {  	[dreg:$0x1] =	wrdreg $0xFFFFFFFF  }
0xb3: {  	[dreg:$0x0] =	wrdreg $0x60  }
0xb4: {  	[dreg:$0x2] =	wrdreg s24  }
0xb5: {  	[dreg:$0x3] =	wrdreg s16  }
0xb6: {  	[dreg:$0x4] =	wrdreg $0x9  }
0xb7: {  	_ =	task.clear_ibuf [dreg:s7], $0x5FFFF;
	_ =	strace $0x90000049  }
0xb8: {  	s29 =	simm.s32 $0x9;
	_ =	strace $0x8000004B  }
0xb9: {  	_ =	swait.ge [sflag:s29], $0x1  }
0xba: {  	[sflag:s29] =	ssyncadd.s32 $0xFFFFFFFF  }
0xbb: {  	_ =	strace $0x9000004B  }
0xbc: {  	_ =	sfence  }
0xbd: {  	s30 =	sld [smem:$0x0];
	_ =	sdelay $0x2  }
0xbe: {  	s31 =	sshll.u32 s1, $0xD;
	s1 =	sshrl.u32 s1, $0x2  }
0xbf: {  	s3 =	sand.u32 $0x4000, s31;
	s1 =	sadd.s32 s1, s30  }
0xc0: {  	s0 =	sor.u32 s3, s0;
	s1 =	sshll.u32 s1, $0x11  }
0xc1: {  	s0 =	sor.u32 s1, s0  }
0xc2: {  	s0 =	sadd.s32 $0x8F2B, s0  }
0xc3: {  	[sflag:s0] =	ssyncadd.remote.s32 $0x1  }
0xc4: {  	_ =	sfence.sel $0xFFFF  }
0xc5: {  	[dreg:$0x0] =	wrdreg $0xFFFFFFFF;
	(pc) =	sbr.abs _section_cstart, $3  }
0xc6: {  	[dreg:$0x1] =	wrdreg $0xFFFFFFFF  }
0xc7: {  	_ =	task.clear_ibuf [dreg:s7], $0x2FFFF;
	_ =	strace $0x9FFFFFFF  }
0xc8: {  	(tm) =	ssettm $0x7FFFFFFF  }
0xc9: {  	_ =	shalt  }
tec
execute0_lowered:
.L_overlay_start_1:
0x0: {  	(tag) =	ssettag $0x1  }
0x1: {  	s1 =	srdreg.scid;
	s8 =	rddreg [dreg:$0x0]  }
0x2: {  	s0 =	stileid.u32;
	s3 =	rddreg [dreg:$0x1];
	s6 =	sand.u32 $0x1, s1  }
0x3: {  	s2 =	simm.s32 $0x0;
	s4 =	sshll.u32 s0, $0x9;
	s5 =	sshll.u32 s6, $0x8  }
0x4: {  	[smem:$0x7FF] =	sst s2;
	s9 =	sor.u32 s5, s4  }
0x5: {  	s1 =	rddreg [dreg:$0x2];
	_ =	strace $0x8000004A;
	s4 =	sshrl.u32 s9, $0x3  }
0x6: {  	s10 =	ssub.s32 $0x2, s6;
	s4 =	sadd.s32 s3, s4;
	s3 =	simm.s32 $0x2  }
0x7: {  	[tilespmem:s2], [sflag:$0x2] =	stream.linear.gather [hbm4b:s4+s2], $0x100, $0x38;
	[tilespmem:$0x8100] =	vst v63  }
0x8: {  	s7 =	simm.s32 $0x1;
	s11 =	sshrl.u32 s10, $0x1;
	_ =	swait.ge [sflag:s3], $0x100  }
0x9: {  	s6 =	simm.s32 $0x100;
	s10 =	ssub.s32 s10, s11;
	[sflag:s3] =	ssyncset.done $0x0  }
0xa: {  	s5 =	sadd.s32 $0x8CA600, s8;
	s31 =	smax.u32 s10, $0x1;
	[sflag:s3] =	ssyncadd.s32 $0xFFFFFF00  }
0xb: {  	[tilespmem:s6], [sflag:$0x1] =	stream.indirect.gather [hbm4b:s5+s6], $0x80, s2, s6, $0xb8;
	[tilespmem:$0x8100] =	vst v63  }
0xc: {  	p0 =	sne.s32 s31, $0x1;
	_ =	swait.ge [sflag:s7], $0x8000  }
.Ltmp0:
0xd: {  	s9 =	sshll.u32 s9, $0x4;
	[sflag:s7] =	ssyncset.done $0x0;
	(pc) =	sbr.rel @!p0 .LBB2_2-.Ltmp0, $4  }
0xe: {  	s8 =	sadd.s32 s8, s9;
	[sflag:s7] =	ssyncadd.s32 $0xFFFF8000  }
0xf: {  	[hbm4b:s8+s2] =	stream.linear.scatter [tilespmem:s6], [sflag:$0x2], $0x8000, $0x38;
	[tilespmem:$0x8100] =	vst v63  }
0x10: {  	_ =	swait.ge [sflag:s3], $0x8000  }
0x11: {  	s9 =	sadd.s32 $0xFFFFFFFF, s31;
	[sflag:s3] =	ssyncset.done $0x0  }
.LBB2_1:
0x12: {  	p0 =	sne.s32 s9, $0x1;
	s9 =	sadd.s32 $0xFFFFFFFF, s9;
	[sflag:s3] =	ssyncadd.s32 $0xFFFF8000  }
0x13: {  	[tilespmem:s2], [sflag:$0x2] =	stream.linear.gather [hbm4b:s4+s2], $0x100, $0x38;
	[tilespmem:$0x8100] =	vst v63  }
0x14: {  	_ =	swait.ge [sflag:s3], $0x100  }
0x15: {  	[sflag:s3] =	ssyncset.done $0x0  }
0x16: {  	[sflag:s3] =	ssyncadd.s32 $0xFFFFFF00  }
0x17: {  	[tilespmem:s6], [sflag:$0x1] =	stream.indirect.gather [hbm4b:s5+s6], $0x80, s2, s6, $0xb8;
	[tilespmem:$0x8100] =	vst v63  }
0x18: {  	_ =	swait.ge [sflag:s7], $0x8000  }
.Ltmp1:
0x19: {  	[sflag:s7] =	ssyncset.done $0x0;
	(pc) =	sbr.rel @p0 .LBB2_1-.Ltmp1, $4  }
0x1a: {  	[sflag:s7] =	ssyncadd.s32 $0xFFFF8000  }
0x1b: {  	[hbm4b:s8+s2] =	stream.linear.scatter [tilespmem:s6], [sflag:$0x2], $0x8000, $0x38;
	[tilespmem:$0x8100] =	vst v63  }
0x1c: {  	_ =	swait.ge [sflag:s3], $0x8000  }
0x1d: {  	[sflag:s3] =	ssyncset.done $0x0  }
.LBB2_2:
0x1e: {  	[sflag:s3] =	ssyncadd.s32 $0xFFFF8000  }
0x1f: {  	_ =	sfence.sel $0x180000  }
0x20: {  	[bflag:$0x0] =	sbarrier.arrive $0xFFFF  }
0x21: {  	p0 =	sne.s32 s0, $0x0;
	_ =	strace $0x9000004A  }
0x22: {  	s0 =	sadd.s32 @!p0 $0x100000, s1;
	[bflag:$0x2] =	sbarrier.arrive $0xFFFF  }
0x23: {  	[sflag:s0] =	ssyncadd.tile.s32 @!p0 $0x1;
	_ =	shalt  }
.Lfunc_end2:
_tile_overlayer_lowered:
.L_overlay_start_2:
0x24: {  	(tag) =	ssettag $0x2  }
0x25: {  	s0 =	rddreg [dreg:$0x0];
	s2 =	stileid.u32  }
0x26: {  	s1 =	rddreg [dreg:$0x1];
	p0 =	sne.s32 s2, $0x0  }
0x27: {  	s3 =	rddreg [dreg:$0x2];
	[bflag:$0x3] =	sbarrier.arrive $0xFFFF;
	s2 =	simm.s32 @!p0 $0x1C02  }
0x28: {  	[timem:s3], [sflag:s2] =	dma.local @!p0 [hbm:s0], s1  }
0x29: {  	s0 =	simm.s32 @!p0 $0x2  }
0x2a: {  	_ =	swait.ge @!p0 [sflag:s0], s1  }
0x2b: {  	s1 =	ssub.s32 @!p0 $0x0, s1;
	[sflag:s0] =	ssyncset.done @!p0 $0x0  }
0x2c: {  	[sflag:s0] =	ssyncadd.s32 @!p0 s1  }
0x2d: {  	[bflag:$0x3] =	sbarrier.arrive $0xFFFF  }
0x2e: {  	_ =	shalt  }

// kernel: sparse-core-data-format-call.cloned.1.call-start
scs
called_computation_lowered:
.L_overlay_start_0:
0x0: {  	s1 =	sld [smem:$0x3FD9]  }
0x1: {  	s2 =	sld [smem:$0x3FFE];
	_ =	sdelay $0x1  }
0x2: {  	s3 =	srdreg.scid  }
0x3: {  	s0 =	sand.u32 $0x1, s3  }
0x4: {  	s17 =	sshll.u32 s0, $0xA;
	s1 =	sadd.s32 s2, s1  }
0x5: {  	s1 =	sadd.s32 s1, s17  }
0x6: {  	[smem:$0x3FAC] =	sst s1  }
0x7: {  	_ = 	snop  }
0x8: {  	(tm) =	ssettm $0x1  }
0x9: {  	s18 =	sld [smem:$0x3FFB];
	_ =	sdelay $0x3  }
0xa: {  	_ =	strace s18  }
0xb: {  	s1 =	sld [smem:$0x3FFC];
	_ =	sdelay $0x3  }
0xc: {  	_ =	strace s1  }
0xd: {  	s1 =	sld [smem:$0x3FFD];
	_ =	sdelay $0x3  }
0xe: {  	_ =	strace s1  }
0xf: {  	_ =	strace $0x8FFFFFFF  }
0x10: {  	s19 =	sld [smem:$0x3FDB];
	_ =	sdelay $0x1  }
0x11: {  	s20 =	simm.s32 $_scs_section_size  }
0x12: {  	s4 =	simm.s32 $_size__tile_overlayer_lowered;
	s5 =	simm.s32 $_tile_overlayer_lowered  }
0x13: {  	s23 =	simm.s32 $0x1BFF;
	s22 =	sshll.u32 s5, $0x1;
	s1 =	sadd.s32 s20, s19  }
0x14: {  	s6 =	simm.s32 $0x0;
	s21 =	sshll.u32 s4, $0x1;
	s4 =	sadd.s32 s22, s1  }
0x15: {  	[timem:s6], [sflag:s23] =	dma.local [hbm:s4], s21  }
0x16: {  	_ =	swait.ge [sflag:s23], s21  }
0x17: {  	s2 =	ssub.s32 $0x0, s21;
	[sflag:s23] =	ssyncset.done $0x0  }
0x18: {  	[sflag:s23] =	ssyncadd.s32 s2;
	_ =	sdelay $0x1  }
0x19: {  	s24 =	simm.s32 $0x1B8B  }
0x1a: {  	_ =	swait.ge [sflag:s24], $0x1  }
0x1b: {  	[sflag:s24] =	ssyncset.done $0x0  }
0x1c: {  	s26 =	simm.s32 $0x1B8E;
	s25 =	sld [smem:$0x3FFE];
	[sflag:s24] =	ssyncadd.s32 $0xFFFFFFFF  }
0x1d: {  	s27 =	simm.s32 $execute0_lowered;
	[smem:$0x3FD2] =	sst s26  }
0x1e: {  	s4 =	sshll.u32 s27, $0x1;
	_ =	strace $0x80000046;
	[dreg:$0x1] =	wrdreg $0xFFFFFFFF  }
0x1f: {  	s28 =	simm.s32 $_size_execute0_lowered;
	s1 =	sadd.s32 s1, s4;
	[dreg:$0x0] =	wrdreg $0x0  }
0x20: {  	s4 =	sshll.u32 s28, $0x1;
	[dreg:$0x2] =	wrdreg s1  }
0x21: {  	[dreg:$0x3] =	wrdreg s4  }
0x22: {  	[dreg:$0x4] =	wrdreg $0xC0  }
0x23: {  	_ =	task [dreg:s6], $0x5FFFF  }
0x24: {  	[dreg:$0x1] =	wrdreg $0xFFFFFFFF  }
0x25: {  	[dreg:$0x0] =	wrdreg $0x60  }
0x26: {  	[dreg:$0x2] =	wrdreg s25  }
0x27: {  	[dreg:$0x3] =	wrdreg $0x9  }
0x28: {  	_ =	task.clear_ibuf [dreg:s6], $0x4FFFF;
	_ =	strace $0x90000046  }
0x29: {  	s29 =	simm.s32 $0x9;
	_ =	strace $0x80000048  }
0x2a: {  	_ =	swait.ge [sflag:s29], $0x1  }
0x2b: {  	[sflag:s29] =	ssyncadd.s32 $0xFFFFFFFF  }
0x2c: {  	_ =	strace $0x90000048  }
0x2d: {  	_ =	sfence  }
0x2e: {  	s30 =	sld [smem:$0x0];
	_ =	sdelay $0x2  }
0x2f: {  	s31 =	sshll.u32 s3, $0xD;
	s3 =	sshrl.u32 s3, $0x2  }
0x30: {  	s2 =	sand.u32 $0x4000, s31;
	s1 =	sadd.s32 s3, s30  }
0x31: {  	s0 =	sor.u32 s2, s0;
	s1 =	sshll.u32 s1, $0x11  }
0x32: {  	s0 =	sor.u32 s1, s0  }
0x33: {  	s0 =	sadd.s32 $0x8F2B, s0  }
0x34: {  	[sflag:s0] =	ssyncadd.remote.s32 $0x1  }
0x35: {  	_ =	sfence.sel $0xFFFF  }
0x36: {  	[dreg:$0x0] =	wrdreg $0xFFFFFFFF;
	(pc) =	sbr.abs _section_cstart, $3  }
0x37: {  	[dreg:$0x1] =	wrdreg $0xFFFFFFFF  }
0x38: {  	_ =	task.clear_ibuf [dreg:s6], $0x2FFFF;
	_ =	strace $0x9FFFFFFF  }
0x39: {  	(tm) =	ssettm $0x7FFFFFFF  }
tec
execute0_lowered:
.L_overlay_start_1:
0x0: {  	(tag) =	ssettag $0x1  }
0x1: {  	s0 =	rddreg [dreg:$0x0];
	_ =	strace $0x80000047;
	s2 =	stileid.u32  }
0x2: {  	s30 =	srdreg.scid;
	s3 =	simm.s32 $0x1;
	s31 =	simm.s32 $0x2  }
0x3: {  	s17 =	simm.s32 $0x0;
	s18 =	simm.s32 $0x0;
	s19 =	simm.s32 $0x0  }
0x4: {  	s10 =	simm.s32 $0x0;
	s12 =	simm.s32 $0x0;
	s14 =	simm.s32 $0x0  }
0x5: {  	s13 =	simm.s32 $0x0;
	s11 =	simm.s32 $0x0;
	s7 =	sadd.s32 $0xFA600, s0  }
.Ltmp0:
0x6: {  	s0 =	sadd.s32 $0x4E2600, s0;
	s1 =	sshll.u32 s2, $0x4;
	(pc) =	sbr.rel .LBB1_1-.Ltmp0, $4  }
0x7: {  	[sflag:s3] =	ssyncpa.u1 $0x0;
	[dreg:$0x3] =	wrdreg s0;
	s0 =	sshll.u32 s30, $0x8  }
0x8: {  	s8 =	sand.u32 $0x7, s2;
	[dreg:$0x2] =	wrdreg s7;
	s0 =	sor.u32 s1, s0  }
0x9: {  	[sflag:s31] =	ssyncpa.u1 $0x0;
	[dreg:$0x4] =	wrdreg s8;
	s9 =	sand.u32 $0x180, s0  }
0xa: {  	s16 =	smov.u32 s8;
	s15 =	smov.u32 s9;
	[dreg:$0x5] =	wrdreg s9  }
.LBB1_14:
0xb: {  	s10 =	rddreg [dreg:$0x6]  }
0xc: {  	s12 =	rddreg [dreg:$0x8]  }
0xd: {  	s4 =	rddreg [dreg:$0x11]  }
0xe: {  	s5 =	rddreg [dreg:$0x12]  }
0xf: {  	s22 =	rddreg [dreg:$0x10]  }
0x10: {  	s14 =	rddreg [dreg:$0xa]  }
0x11: {  	s26 =	rddreg [dreg:$0x3]  }
0x12: {  	s29 =	rddreg [dreg:$0x13]  }
0x13: {  	s7 =	rddreg [dreg:$0x2]  }
0x14: {  	s8 =	rddreg [dreg:$0x4]  }
0x15: {  	s9 =	rddreg [dreg:$0x5]  }
0x16: {  	s11 =	rddreg [dreg:$0x7]  }
0x17: {  	s13 =	rddreg [dreg:$0x9]  }
0x18: {  	s15 =	rddreg [dreg:$0xb]  }
0x19: {  	s16 =	rddreg [dreg:$0xc]  }
0x1a: {  	s17 =	rddreg [dreg:$0xd]  }
0x1b: {  	s31 =	simm.s32 $0x4000;
	s18 =	rddreg [dreg:$0xe]  }
0x1c: {  	s19 =	rddreg [dreg:$0xf];
	s0 =	sshll.u32 s10, $0xB;
	s1 =	sshll.u32 s12, $0x3  }
0x1d: {  	p0 =	sgt.s32 s12, $0x780;
	s2 =	smov.u32 s12;
	s23 =	sand.u32 $0x78, s12  }
0x1e: {  	s6 =	sshll.u32 s10, $0x7;
	s25 =	smul.u32 $0x7D000, s14;
	s27 =	sand.u32 $0x7, s12  }
0x1f: {  	s0 =	sand.u32 $0xFFFFC000, s0;
	s3 =	sand.u32 $0xFFFFFC00, s1;
	s2 =	simm.s32 @!p0 $0x780  }
0x20: {  	p0 =	sgt.s32 s10, $0x750;
	s1 =	sand.u32 $0x400, s1;
	s24 =	sand.u32 $0x380, s6  }
0x21: {  	s0 =	sadd.s32 s3, s0;
	s3 =	smov.u32 s10;
	s2 =	sadd.s32 s4, s2  }
0x22: {  	s1 =	sor.u32 s23, s1;
	s0 =	sshrl.u32 s0, $0xB;
	s4 =	sadd.s32 $0xFFFFF880, s2  }
0x23: {  	s3 =	simm.s32 @!p0 $0x750;
	s2 =	ssub.s32 $0x800, s2;
	p0 =	sgt.s32 s4, $0x7F  }
0x24: {  	s3 =	sadd.s32 s5, s3;
	s21 =	smulhi.u32 $0x20C49C, s0;
	s2 =	simm.s32 @p0 $0x0  }
0x25: {  	s1 =	sor.u32 s24, s1;
	s5 =	sadd.s32 $0xFFFFF8B0, s3;
	s2 =	smul.u32 s22, s2  }
0x26: {  	s3 =	ssub.s32 $0x7D0, s3;
	p0 =	sgt.s32 s5, $0x7F;
	s4 =	smul.u32 $0x7D0, s21  }
0x27: {  	s28 =	sshll.u32 s27, $0x12;
	s1 =	sshrl.u32 s1, $0x3;
	s3 =	simm.s32 @p0 $0x0  }
0x28: {  	s2 =	smul.u32 s3, s2;
	s0 =	ssub.s32 s0, s4;
	s3 =	sadd.s32 s26, s25  }
0x29: {  	s30 =	sor.u32 $0x400, s28;
	s0 =	sshll.u32 s0, $0x8;
	s1 =	sadd.s32 s1, s3  }
0x2a: {  	s4 =	sor.u32 $0x8000, s29;
	s2 =	sand.u32 $0x3FFFFFFF, s2;
	s0 =	sadd.s32 s0, s1  }
0x2b: {  	[hbm4b:s0+s30] =	stream.strided.scatter [tilespmem:s4], [sflag:$0x2], s2, s31, s30, $0x20;
	[tilespmem:$0x10100] =	vst v63  }
.LBB1_15:
0x2c: {  	p0 =	slt.u32 s11, $0x2  }
0x2d: {  	p1 =	sgt.s32 @!p0 s19, $0x7  }
0x2e: {  	s0 =	smov.u32 s19;
	s1 =	sshra.s32 @!p0 s19, $0x1F;
	p1 =	por !p1, p0  }
0x2f: {  	s1 =	sand.u32 @!p0 s1, s19;
	s0 =	simm.s32 @p1 $0x7  }
0x30: {  	s3 =	smov.u32 s17;
	s0 =	ssub.s32 @!p0 s0, s1  }
0x31: {  	p2 =	sgt.s32 @!p0 s18, $0x780;
	s2 =	sshra.s32 @!p0 s18, $0x1F;
	s1 =	sadd.s32 @!p0 $0xFFFFFFF9, s0  }
0x32: {  	p2 =	por !p2, p0;
	p1 =	sgt.s32 @!p0 s1, $0x0;
	s1 =	smov.u32 s18  }
0x33: {  	s2 =	sand.u32 @!p0 s2, s18;
	s1 =	simm.s32 @p2 $0x780;
	p2 =	sgt.s32 @!p0 s17, $0x750  }
0x34: {  	s0 =	ssub.s32 @!p0 $0x8, s0;
	p1 =	por !p1, p0;
	p2 =	por !p2, p0  }
0x35: {  	s1 =	ssub.s32 @!p0 s1, s2;
	s2 =	sshra.s32 @!p0 s17, $0x1F;
	s0 =	simm.s32 @!p1 $0x0  }
0x36: {  	s3 =	simm.s32 @p2 $0x750;
	s2 =	sand.u32 @!p0 s2, s17;
	s4 =	sadd.s32 @!p0 $0xFFFFF880, s1  }
0x37: {  	s1 =	ssub.s32 @!p0 $0x800, s1;
	s2 =	ssub.s32 @!p0 s3, s2;
	p1 =	sgt.s32 @!p0 s4, $0x7F  }
0x38: {  	s4 =	smov.u32 s15;
	s3 =	sadd.s32 @!p0 $0xFFFFF8B0, s2;
	p1 =	por !p1, p0  }
0x39: {  	s2 =	ssub.s32 @!p0 $0x7D0, s2;
	p2 =	sgt.s32 @!p0 s3, $0x7F;
	s1 =	simm.s32 @!p1 $0x0  }
0x3a: {  	p1 =	por !p2, p0;
	s0 =	smul.u32 @!p0 s0, s1;
	s1 =	sadd.s32 $0x80, s13  }
0x3b: {  	s3 =	sadd.s32 $0x200, s15;
	s2 =	simm.s32 @!p1 $0x0;
	p1 =	sgt.s32 s1, $0x7CF  }
0x3c: {  	s0 =	smul.u32 @!p0 s2, s0;
	s4 =	smov.u32 @p1 s3  }
0x3d: {  	s2 =	sadd.s32 $0x8, s16;
	s3 =	smov.u32 s16;
	p2 =	sgt.s32 s4, $0x7CF  }
0x3e: {  	s11 =	sadd.s32 $0x1, s11;
	s3 =	smov.u32 @p2 s2  }
0x3f: {  	s19 =	smov.u32 s14;
	s1 =	simm.s32 @p1 $0x0;
	p1 =	sgt.s32 s3, $0x7  }
0x40: {  	s14 =	smov.u32 s16;
	s3 =	smov.u32 @p1 s8;
	p1 =	sne.s32 s11, $0x42  }
.Ltmp1:
0x41: {  	s18 =	smov.u32 s12;
	s12 =	smov.u32 s15;
	(pc) =	sbr.rel @!p1 .LBB1_16-.Ltmp1, $4  }
0x42: {  	s17 =	smov.u32 s10;
	s0 =	sand.u32 @!p0 $0x3FFFFFFF, s0;
	s2 =	simm.s32 @!p0 $0x2  }
0x43: {  	s10 =	smov.u32 s13;
	s13 =	smov.u32 s1;
	_ =	swait.ge @!p0 [sflag:s2], s0  }
0x44: {  	s4 =	smov.u32 @p2 s9;
	s0 =	ssub.s32 @!p0 $0x0, s0;
	[sflag:s2] =	ssyncset.done @!p0 $0x0  }
0x45: {  	s15 =	smov.u32 s4;
	[sflag:s2] =	ssyncadd.s32 @!p0 s0;
	s16 =	smov.u32 s3  }
.LBB1_1:
0x46: {  	p0 =	sgt.u32 s11, $0x3F  }
0x47: {  	p1 =	sgt.s32 @!p0 s16, $0x7  }
0x48: {  	s0 =	smov.u32 s16;
	s1 =	sshra.s32 @!p0 s16, $0x1F;
	p1 =	por !p1, p0  }
0x49: {  	s1 =	sand.u32 @!p0 s1, s16;
	s0 =	simm.s32 @p1 $0x7  }
0x4a: {  	s0 =	ssub.s32 @!p0 s0, s1  }
0x4b: {  	s1 =	sadd.s32 @!p0 $0xFFFFFFF9, s0  }
0x4c: {  	s3 =	smov.u32 s15;
	p1 =	sgt.s32 @!p0 s1, $0x0  }
0x4d: {  	s2 =	sshll.u32 @!p0 s15, $0xB;
	s0 =	ssub.s32 @!p0 $0x8, s0;
	p1 =	por !p1, p0  }
0x4e: {  	s4 =	sshra.s32 @!p0 s15, $0x1F;
	s0 =	simm.s32 @!p1 $0x0;
	p1 =	sgt.s32 @!p0 s15, $0x750  }
0x4f: {  	s6 =	sshra.s32 @!p0 s13, $0x1F;
	s4 =	sand.u32 @!p0 s4, s15;
	p1 =	por !p1, p0  }
0x50: {  	s2 =	sand.u32 @!p0 $0xFFFFC000, s2;
	s6 =	sand.u32 @!p0 s6, s13;
	s3 =	simm.s32 @p1 $0x750  }
0x51: {  	s1 =	sand.u32 @!p0 $0x78, s13;
	p1 =	sgt.s32 @!p0 s13, $0x780;
	s3 =	ssub.s32 @!p0 s3, s4  }
0x52: {  	p1 =	por !p1, p0;
	s4 =	smov.u32 s13;
	s5 =	sadd.s32 @!p0 $0xFFFFF8B0, s3  }
0x53: {  	s4 =	simm.s32 @p1 $0x780;
	s3 =	ssub.s32 @!p0 $0x7D0, s3;
	p1 =	sgt.s32 @!p0 s5, $0x7F  }
0x54: {  	s5 =	sshll.u32 @!p0 s13, $0x3;
	s4 =	ssub.s32 @!p0 s4, s6;
	p1 =	por !p1, p0  }
0x55: {  	s2 =	sadd.s32 @!p0 s2, s5;
	s6 =	sadd.s32 @!p0 $0xFFFFF880, s4;
	s3 =	simm.s32 @!p1 $0x0  }
0x56: {  	p1 =	sgt.s32 @!p0 s6, $0x7F;
	s6 =	sshll.u32 @!p0 s15, $0x7;
	s2 =	sshrl.u32 @!p0 s2, $0xB  }
0x57: {  	s0 =	smul.u32 @!p0 s0, s3;
	s3 =	ssub.s32 @!p0 $0x800, s4;
	p1 =	por !p1, p0  }
0x58: {  	s4 =	sand.u32 @!p0 $0x380, s6;
	s6 =	smulhi.u32 @!p0 $0x20C49C, s2;
	s3 =	simm.s32 @!p1 $0x0  }
0x59: {  	s1 =	sor.u32 @!p0 s4, s1;
	s0 =	smul.u32 @!p0 s3, s0  }
0x5a: {  	s4 =	sand.u32 @!p0 $0x400, s5;
	s3 =	sxor.u32 @!p0 $0xFFFFFFFF, s11;
	s5 =	smul.u32 @!p0 $0x7D0, s6  }
0x5b: {  	s1 =	sor.u32 @!p0 s4, s1;
	s4 =	smul.u32 @!p0 $0x7D000, s16;
	s3 =	sshll.u32 @!p0 s3, $0xE  }
0x5c: {  	s1 =	sshrl.u32 @!p0 s1, $0x3;
	s3 =	sand.u32 @!p0 $0x4000, s3;
	s2 =	ssub.s32 @!p0 s2, s5  }
0x5d: {  	s0 =	sand.u32 @!p0 $0x3FFFFFFF, s0;
	s4 =	sadd.s32 @!p0 s7, s4;
	s5 =	sand.u32 @!p0 $0x7, s13  }
0x5e: {  	s2 =	sshll.u32 @!p0 s2, $0x8;
	s1 =	sadd.s32 @!p0 s1, s4;
	s4 =	sshll.u32 @!p0 s5, $0x12  }
0x5f: {  	s1 =	sadd.s32 @!p0 s2, s1;
	s2 =	sor.u32 @!p0 $0x400, s4;
	s4 =	simm.s32 @!p0 $0x4000  }
0x60: {  	[tilespmem:s3], [sflag:$0x1] =	stream.strided.gather @!p0 [hbm4b:s1+s2], s0, s4, s2, $0x38;
	[tilespmem:$0x10100] =	vst v63  }
0x61: {  	p0 =	seq.s32 s11, $0x0  }
0x62: {  	p1 =	seq.s32 @!p0 s11, $0x41  }
0x63: {  	p0 =	por p0, p1  }
.Ltmp2:
0x64: {  	_ = 	snop;
	(pc) =	sbr.rel @p0 .LBB1_15-.Ltmp2, $1  }
0x65: {  	_ =	sdelay $0x3  }
0x66: {  	[dreg:$0xf] =	wrdreg s19  }
0x67: {  	[dreg:$0xe] =	wrdreg s18  }
0x68: {  	[dreg:$0xd] =	wrdreg s17  }
0x69: {  	[dreg:$0xc] =	wrdreg s16  }
0x6a: {  	[dreg:$0xb] =	wrdreg s15  }
0x6b: {  	[dreg:$0x9] =	wrdreg s13  }
0x6c: {  	p0 =	sgt.s32 s14, $0x7;
	s0 =	smov.u32 s14;
	s1 =	sshra.s32 s14, $0x1F  }
0x6d: {  	s25 =	ssub.s32 $0x0, s12;
	s2 =	sshra.s32 s12, $0x1F;
	s3 =	smov.u32 s12  }
0x6e: {  	p1 =	sgt.s32 s10, $0x780;
	s27 =	ssub.s32 $0x0, s10;
	[dreg:$0x6] =	wrdreg s10  }
0x6f: {  	s28 =	sshra.s32 s10, $0x1F;
	s0 =	simm.s32 @!p0 $0x7;
	s1 =	sand.u32 s1, s14  }
0x70: {  	p0 =	sgt.s32 s12, $0x750;
	s29 =	sand.u32 s27, s28;
	s0 =	ssub.s32 s0, s1  }
0x71: {  	s1 =	sand.u32 s25, s2;
	s3 =	simm.s32 @!p0 $0x750;
	s2 =	smov.u32 s10  }
0x72: {  	s4 =	sadd.s32 $0xFFFFFFF9, s0;
	[dreg:$0x11] =	wrdreg s1;
	s1 =	sadd.s32 s1, s3  }
0x73: {  	s5 =	ssub.s32 $0x8, s0;
	s2 =	simm.s32 @!p1 $0x780;
	p0 =	sgt.s32 s4, $0x0  }
0x74: {  	s26 =	sadd.s32 $0xFFFFF8B0, s1;
	s0 =	ssub.s32 $0x7D0, s1;
	s1 =	sadd.s32 s29, s2  }
0x75: {  	[dreg:$0xa] =	wrdreg s14;
	s5 =	simm.s32 @p0 $0x0;
	s2 =	sadd.s32 $0xFFFFF880, s1  }
0x76: {  	s1 =	ssub.s32 $0x800, s1;
	p0 =	sgt.s32 s2, $0x7F;
	s2 =	sadd.s32 $0x1, s14  }
0x77: {  	s3 =	sadd.s32 $0x80, s12;
	s1 =	simm.s32 @p0 $0x0;
	p0 =	slt.s32 s2, $0x8  }
0x78: {  	p1 =	sgt.s32 s26, $0x7F;
	s2 =	simm.s32 @!p0 $0x8;
	p0 =	slt.s32 s3, $0x7D0  }
0x79: {  	s0 =	simm.s32 @p1 $0x0;
	s22 =	ssub.s32 s2, s14;
	s3 =	simm.s32 @!p0 $0x7D0  }
0x7a: {  	s0 =	smul.u32 s5, s0;
	s23 =	ssub.s32 s3, s12;
	p0 =	slt.s32 s22, $0x1  }
0x7b: {  	[dreg:$0x8] =	wrdreg s12;
	p1 =	slt.s32 @!p0 s23, $0x1  }
0x7c: {  	[dreg:$0x7] =	wrdreg s11;
	s0 =	smul.u32 s1, s0;
	p1 =	por p0, p1  }
.Ltmp3:
0x7d: {  	s30 =	simm.s32 $0x1;
	[dreg:$0x12] =	wrdreg s29;
	(pc) =	sbr.rel @p1 .LBB1_14-.Ltmp3, $4  }
0x7e: {  	[dreg:$0x10] =	wrdreg s5;
	s1 =	sand.u32 $0x3FFFFFFF, s0;
	s0 =	sand.u32 $0x1, s11  }
0x7f: {  	_ =	swait.ge [sflag:s30], s1;
	s31 =	smul.u32 $0x4080, s0  }
0x80: {  	s1 =	ssub.s32 $0x0, s1;
	[sflag:s30] =	ssyncset.done $0x0  }
0x81: {  	[sflag:s30] =	ssyncadd.s32 s1;
	[dreg:$0x13] =	wrdreg s31  }
0x82: {  	s2 =	rddreg [dreg:$0x6]  }
0x83: {  	s1 =	sadd.s32 $0x80, s2  }
0x84: {  	p1 =	slt.s32 s1, $0x7D0  }
.Ltmp4:
0x85: {  	s1 =	simm.s32 @!p1 $0x7D0;
	(pc) =	sbr.rel .LBB1_4-.Ltmp4, $4  }
0x86: {  	s26 =	sshll.u32 @!p0 s0, $0xE;
	s0 =	rddreg [dreg:$0x13];
	s1 =	ssub.s32 s1, s2  }
0x87: {  	s29 =	simm.s32 $0x0;
	s27 =	sor.u32 @!p0 $0x8000, s0;
	s1 =	sadd.s32 $0xF, s1  }
0x88: {  	s24 =	sand.u32 $0xFFFFFFF0, s1;
	s25 =	sand.u32 @!p0 $0xFFFFFF00, s1;
	s31 =	sshll.u32 s1, $0x3  }
0x89: {  	p0 =	slt.s32 s1, $0x100;
	s28 =	sand.u32 $0xFFFFF800, s31;
	p1 =	sge.s32 s25, s24  }
.LBB1_13:
0x8a: {  	s29 =	sadd.s32 $0x1, s29  }
0x8b: {  	p2 =	sne.s32 s29, s22  }
.Ltmp5:
0x8c: {  	_ = 	snop;
	(pc) =	sbr.rel @!p2 .LBB1_14-.Ltmp5, $1  }
0x8d: {  	_ =	sdelay $0x3  }
.LBB1_4:
.Ltmp6:
0x8e: {  	(pc) =	sbr.rel .LBB1_5-.Ltmp6, $4  }
0x8f: {  	s0 =	sshll.u32 s29, $0x10;
	s1 =	smul.u32 $0x10200, s29  }
0x90: {  	s0 =	sshra.s32 s0, $0x2  }
0x91: {  	s30 =	sadd.s32 s0, s26;
	s21 =	sshra.s32 s1, $0x2  }
0x92: {  	s0 =	simm.s32 $0x400;
	s1 =	simm.s32 $0x0;
	s31 =	sadd.s32 s21, s27  }
.LBB1_12:
0x93: {  	s1 =	sadd.s32 $0x1, s1  }
0x94: {  	p2 =	sne.s32 s1, s23  }
.Ltmp7:
0x95: {  	_ = 	snop;
	(pc) =	sbr.rel @!p2 .LBB1_13-.Ltmp7, $2  }
0x96: {  	_ =	sdelay $0x2  }
0x97: {  	s0 =	sadd.s32 $0x80, s0  }
.LBB1_5:
.Ltmp8:
0x98: {  	(pc) =	sbr.rel @p0 .LBB1_9-.Ltmp8, $2  }
0x99: {  	_ =	sdelay $0x2  }
0x9a: {  	s7 =	sshll.u32 s1, $0x7;
	s3 =	sand.u32 $0x7F, s1  }
0x9b: {  	s10 =	sshll.u32 s1, $0x3  }
0x9c: {  	s6 =	sand.u32 $0x380, s7;
	s8 =	sshrl.u32 s10, $0x7  }
0x9d: {  	s2 =	sadd.s32 $0x800, s10;
	s11 =	sadd.s32 $0x1000, s10;
	s14 =	sadd.s32 s6, s30  }
0x9e: {  	s15 =	sadd.s32 $0x1800, s10;
	s18 =	sadd.s32 $0x3000, s10;
	s5 =	sand.u32 $0x78, s8  }
0x9f: {  	s13 =	sshrl.u32 s11, $0x7;
	s11 =	sshrl.u32 s15, $0x7;
	s19 =	sshrl.u32 s18, $0x7  }
0xa0: {  	s20 =	sadd.s32 $0x10, s8;
	s9 =	sadd.s32 $0x20, s8;
	v0 =	vmov s14;
	s14 =	sand.u32 $0x3C00, s0  }
0xa1: {  	s4 =	smul.u32 $0x204, s5;
	s6 =	sand.u32 $0x78, s13;
	s11 =	sand.u32 $0x78, s11  }
0xa2: {  	s5 =	sxor.u32 $0x40, s5;
	s13 =	sadd.s32 $0x2800, s10;
	s6 =	smul.u32 $0x204, s6  }
0xa3: {  	s10 =	sadd.s32 $0x3800, s10;
	s15 =	sand.u32 $0x78, s9;
	s11 =	smul.u32 $0x204, s11  }
0xa4: {  	s12 =	smul.u32 $0x204, s5;
	s10 =	sshrl.u32 s10, $0x7;
	s4 =	sshrl.u32 s4, $0x2  }
0xa5: {  	s17 =	sshrl.u32 s13, $0x7;
	s10 =	sand.u32 $0x78, s10;
	s4 =	sadd.s32 s4, s31  }
0xa6: {  	s6 =	sshrl.u32 s6, $0x2;
	s16 =	sshrl.u32 s11, $0x2;
	s12 =	sshrl.u32 s12, $0x2  }
0xa7: {  	s11 =	sand.u32 $0x78, s17;
	s10 =	smul.u32 $0x204, s10;
	s17 =	sadd.s32 $0x50, s8  }
0xa8: {  	s4 =	sadd.s32 s3, s4;
	s6 =	sadd.s32 s6, s31;
	s12 =	sadd.s32 s12, s31  }
0xa9: {  	s11 =	smul.u32 $0x204, s11;
	s5 =	sadd.s32 s3, s6;
	s6 =	sadd.s32 s16, s31  }
0xaa: {  	s13 =	sand.u32 $0x78, s17;
	s10 =	sshrl.u32 s10, $0x2;
	s21 =	sadd.s32 s3, s6  }
0xab: {  	s6 =	sadd.s32 s3, s12;
	s11 =	sshrl.u32 s11, $0x2;
	s12 =	sand.u32 $0x78, s19  }
0xac: {  	s16 =	sadd.s32 $0x30, s8;
	s11 =	sadd.s32 s11, s31;
	s12 =	smul.u32 $0x204, s12  }
0xad: {  	s13 =	smul.u32 $0x204, s13;
	s19 =	sadd.s32 s3, s11;
	s11 =	sand.u32 $0x78, s20  }
0xae: {  	s10 =	sadd.s32 s10, s31;
	s12 =	sshrl.u32 s12, $0x2;
	s11 =	smul.u32 $0x204, s11  }
0xaf: {  	s18 =	sadd.s32 s3, s10;
	s13 =	sshrl.u32 s13, $0x2;
	s12 =	sadd.s32 s12, s31  }
0xb0: {  	s20 =	sadd.s32 s3, s12;
	s11 =	sshrl.u32 s11, $0x2;
	s12 =	smul.u32 $0x204, s15  }
0xb1: {  	s15 =	sadd.s32 $0x60, s8;
	s10 =	sadd.s32 s11, s31;
	s11 =	sand.u32 $0x78, s16  }
0xb2: {  	s8 =	sadd.s32 $0x70, s8;
	s15 =	sand.u32 $0x78, s15;
	s11 =	smul.u32 $0x204, s11  }
0xb3: {  	v1 =	vld.idx.msk [tilespmem:v0+s14+$0x0 ss:$0x1], $0xffff;
	s8 =	sand.u32 $0x78, s8;
	s12 =	sshrl.u32 s12, $0x2;
	s17 =	smul.u32 $0x204, s15  }
0xb4: {  	s8 =	smul.u32 $0x204, s8;
	s9 =	sadd.s32 s12, s31;
	s12 =	sadd.s32 s3, s10  }
0xb5: {  	s10 =	sadd.s32 s13, s31;
	s13 =	sadd.s32 $0xFFFFFC00, s0;
	s11 =	sshrl.u32 s11, $0x2  }
0xb6: {  	s15 =	sadd.s32 s3, s9;
	s17 =	sshrl.u32 s17, $0x2;
	s11 =	sadd.s32 s11, s31  }
0xb7: {  	s8 =	sshrl.u32 s8, $0x2;
	s16 =	sadd.s32 s3, s11;
	s11 =	sadd.s32 s17, s31  }
0xb8: {  	[tilespmem:s4+$0x0 ss:$0x81] =	vst.msk $0xffff, v1;
	v1 =	vld.idx.msk [tilespmem:v0+s14+$0x20 ss:$0x1], $0xffff;
	s9 =	sadd.s32 s8, s31;
	s8 =	sadd.s32 s3, s11;
	s11 =	sand.u32 $0x3C00, s13  }
0xb9: {  	s2 =	sshrl.u32 s2, $0x7;
	v2 =	vld.idx.msk [tilespmem:v0+s11+$0x70 ss:$0x1], $0xffff  }
0xba: {  	s2 =	sand.u32 $0x78, s2;
	v3 =	vld.idx.msk [tilespmem:v0+s11+$0x0 ss:$0x1], $0xffff  }
0xbb: {  	s2 =	smul.u32 $0x204, s2;
	v4 =	vld.idx.msk [tilespmem:v0+s11+$0x10 ss:$0x1], $0xffff  }
0xbc: {  	v5 =	vld.idx.msk [tilespmem:v0+s11+$0x20 ss:$0x1], $0xffff  }
0xbd: {  	s2 =	sshrl.u32 s2, $0x2;
	v6 =	vld.idx.msk [tilespmem:v0+s11+$0x30 ss:$0x1], $0xffff  }
0xbe: {  	s2 =	sadd.s32 s2, s31;
	v7 =	vld.idx.msk [tilespmem:v0+s11+$0x40 ss:$0x1], $0xffff;
	[tilespmem:s18+$0x0 ss:$0x81] =	vst.msk $0xffff, v2  }
0xbf: {  	s2 =	sadd.s32 s3, s2;
	v8 =	vld.idx.msk [tilespmem:v0+s11+$0x50 ss:$0x1], $0xffff;
	[tilespmem:s4+$0x0 ss:$0x81] =	vst.msk $0xffff, v3  }
0xc0: {  	p2 =	sgt.s32 s25, $0x100;
	v9 =	vld.idx.msk [tilespmem:v0+s11+$0x60 ss:$0x1], $0xffff;
	[tilespmem:s2+$0x0 ss:$0x81] =	vst.msk $0xffff, v4  }
.Ltmp9:
0xc1: {  	v4 =	vld.idx.msk [tilespmem:v0+s14+$0x10 ss:$0x1], $0xffff;
	[tilespmem:s5+$0x0 ss:$0x81] =	vst.msk $0xffff, v5;
	(pc) =	sbr.rel @!p2 .LBB1_8-.Ltmp9, $4  }
0xc2: {  	[tilespmem:s21+$0x0 ss:$0x81] =	vst.msk $0xffff, v6;
	v2 =	vld.idx.msk [tilespmem:v0+s14+$0x30 ss:$0x1], $0xffff  }
0xc3: {  	[tilespmem:s6+$0x0 ss:$0x81] =	vst.msk $0xffff, v7;
	v3 =	vld.idx.msk [tilespmem:v0+s14+$0x40 ss:$0x1], $0xffff  }
0xc4: {  	s17 =	sadd.s32 s3, s10;
	[tilespmem:s19+$0x0 ss:$0x81] =	vst.msk $0xffff, v8;
	v5 =	vld.idx.msk [tilespmem:v0+s14+$0x50 ss:$0x1], $0xffff  }
0xc5: {  	s10 =	sadd.s32 s3, s9;
	s13 =	sadd.s32 $0x800, s0;
	s11 =	simm.s32 $0x100;
	[tilespmem:s20+$0x0 ss:$0x81] =	vst.msk $0xffff, v9;
	v6 =	vld.idx.msk [tilespmem:v0+s14+$0x60 ss:$0x1], $0xffff  }
.LBB1_7:
0xc6: {  	s9 =	sadd.s32 $0xFFFFFC00, s13;
	s11 =	sadd.s32 $0x100, s11;
	[tilespmem:s12+$0x0 ss:$0x81] =	vst.msk $0xffff, v4;
	v4 =	vld.idx.msk [tilespmem:v0+s14+$0x70 ss:$0x1], $0xffff;
	s14 =	sand.u32 $0x3C00, s13  }
0xc7: {  	s9 =	sand.u32 $0x3C00, s9;
	v7 =	vld.idx.msk [tilespmem:v0+s14+$0x0 ss:$0x1], $0xffff;
	p2 =	slt.s32 s11, s25;
	[tilespmem:s15+$0x0 ss:$0x81] =	vst.msk $0xffff, v1  }
0xc8: {  	v1 =	vld.idx.msk [tilespmem:v0+s9+$0x70 ss:$0x1], $0xffff;
	[tilespmem:s16+$0x0 ss:$0x81] =	vst.msk $0xffff, v2  }
0xc9: {  	v2 =	vld.idx.msk [tilespmem:v0+s9+$0x0 ss:$0x1], $0xffff;
	[tilespmem:s6+$0x0 ss:$0x81] =	vst.msk $0xffff, v3  }
0xca: {  	v3 =	vld.idx.msk [tilespmem:v0+s9+$0x10 ss:$0x1], $0xffff;
	[tilespmem:s17+$0x0 ss:$0x81] =	vst.msk $0xffff, v5  }
0xcb: {  	v5 =	vld.idx.msk [tilespmem:v0+s9+$0x20 ss:$0x1], $0xffff;
	[tilespmem:s8+$0x0 ss:$0x81] =	vst.msk $0xffff, v6  }
0xcc: {  	v6 =	vld.idx.msk [tilespmem:v0+s9+$0x30 ss:$0x1], $0xffff;
	[tilespmem:s10+$0x0 ss:$0x81] =	vst.msk $0xffff, v4  }
0xcd: {  	v8 =	vld.idx.msk [tilespmem:v0+s9+$0x40 ss:$0x1], $0xffff;
	[tilespmem:s4+$0x0 ss:$0x81] =	vst.msk $0xffff, v7  }
0xce: {  	v7 =	vld.idx.msk [tilespmem:v0+s9+$0x50 ss:$0x1], $0xffff;
	[tilespmem:s18+$0x0 ss:$0x81] =	vst.msk $0xffff, v1  }
0xcf: {  	[tilespmem:s4+$0x0 ss:$0x81] =	vst.msk $0xffff, v2;
	v9 =	vld.idx.msk [tilespmem:v0+s9+$0x60 ss:$0x1], $0xffff  }
0xd0: {  	[tilespmem:s2+$0x0 ss:$0x81] =	vst.msk $0xffff, v3;
	v4 =	vld.idx.msk [tilespmem:v0+s14+$0x10 ss:$0x1], $0xffff  }
.Ltmp10:
0xd1: {  	[tilespmem:s5+$0x0 ss:$0x81] =	vst.msk $0xffff, v5;
	v1 =	vld.idx.msk [tilespmem:v0+s14+$0x20 ss:$0x1], $0xffff;
	(pc) =	sbr.rel @p2 .LBB1_7-.Ltmp10, $4  }
0xd2: {  	[tilespmem:s21+$0x0 ss:$0x81] =	vst.msk $0xffff, v6;
	v2 =	vld.idx.msk [tilespmem:v0+s14+$0x30 ss:$0x1], $0xffff  }
0xd3: {  	[tilespmem:s6+$0x0 ss:$0x81] =	vst.msk $0xffff, v8;
	v3 =	vld.idx.msk [tilespmem:v0+s14+$0x40 ss:$0x1], $0xffff  }
0xd4: {  	[tilespmem:s19+$0x0 ss:$0x81] =	vst.msk $0xffff, v7;
	v5 =	vld.idx.msk [tilespmem:v0+s14+$0x50 ss:$0x1], $0xffff  }
0xd5: {  	s13 =	sadd.s32 $0x800, s13;
	[tilespmem:s20+$0x0 ss:$0x81] =	vst.msk $0xffff, v9;
	v6 =	vld.idx.msk [tilespmem:v0+s14+$0x60 ss:$0x1], $0xffff  }
.LBB1_8:
0xd6: {  	_ =	sdelay $0x2  }
0xd7: {  	[tilespmem:s12+$0x0 ss:$0x81] =	vst.msk $0xffff, v4  }
0xd8: {  	v0 =	vld.idx.msk [tilespmem:v0+s14+$0x70 ss:$0x1], $0xffff;
	[tilespmem:s15+$0x0 ss:$0x81] =	vst.msk $0xffff, v1  }
0xd9: {  	[tilespmem:s16+$0x0 ss:$0x81] =	vst.msk $0xffff, v2  }
0xda: {  	[tilespmem:s6+$0x0 ss:$0x81] =	vst.msk $0xffff, v3  }
0xdb: {  	[tilespmem:s17+$0x0 ss:$0x81] =	vst.msk $0xffff, v5  }
0xdc: {  	[tilespmem:s8+$0x0 ss:$0x81] =	vst.msk $0xffff, v6  }
0xdd: {  	[tilespmem:s10+$0x0 ss:$0x81] =	vst.msk $0xffff, v0  }
.LBB1_9:
.Ltmp11:
0xde: {  	(pc) =	sbr.rel @p1 .LBB1_12-.Ltmp11, $1  }
0xdf: {  	_ =	sdelay $0x3  }
0xe0: {  	s4 =	sand.u32 $0x380, s7;
	s2 =	sshrl.u32 s1, $0x4;
	s3 =	sadd.s32 s3, s31  }
0xe1: {  	s5 =	smov.u32 s28;
	s6 =	smov.u32 s25;
	s4 =	sadd.s32 s4, s30  }
.LBB1_11:
0xe2: {  	s8 =	sand.u32 $0x3C00, s5  }
0xe3: {  	s8 =	sadd.s32 s7, s8  }
0xe4: {  	s8 =	sand.u32 $0x3C00, s8  }
0xe5: {  	s9 =	sand.u32 $0x70, s6;
	s20 =	sadd.s32 s6, s2;
	s8 =	sadd.s32 s8, s4  }
0xe6: {  	s6 =	sadd.s32 $0x10, s6;
	s21 =	sand.u32 $0x78, s20;
	s8 =	sadd.s32 s9, s8  }
0xe7: {  	p2 =	slt.s32 s6, s24;
	v0 =	vld [tilespmem:s8+$0x0];
	s8 =	smul.u32 $0x204, s21  }
.Ltmp12:
0xe8: {  	_ = 	snop;
	(pc) =	sbr.rel @p2 .LBB1_11-.Ltmp12, $4  }
0xe9: {  	_ = 	snop  }
0xea: {  	s8 =	sshrl.u32 s8, $0x2  }
0xeb: {  	s8 =	sadd.s32 s8, s3  }
0xec: {  	s5 =	sadd.s32 $0x80, s5;
	[tilespmem:s8+$0x0 ss:$0x81] =	vst.msk $0xffff, v0  }
.Ltmp13:
0xed: {  	_ = 	snop;
	(pc) =	sbr.rel .LBB1_12-.Ltmp13, $1  }
0xee: {  	_ =	sdelay $0x3  }
.LBB1_16:
0xef: {  	_ =	sfence.sel $0x180000  }
0xf0: {  	s0 =	simm.s32 $0x1;
	[bflag:$0x0] =	sbarrier.arrive $0xFFFF  }
0xf1: {  	s30 =	simm.s32 $0x2;
	[sflag:s0] =	ssyncpa.u1 $0x1  }
0xf2: {  	[sflag:s30] =	ssyncpa.u1 $0x1  }
0xf3: {  	_ =	strace $0x90000047  }
0xf4: {  	s31 =	stileid.u32;
	[bflag:$0x2] =	sbarrier.arrive $0xFFFF  }
0xf5: {  	p0 =	sne.s32 s31, $0x0;
	s0 =	rddreg [dreg:$0x1]  }
0xf6: {  	s0 =	sadd.s32 @!p0 $0x100000, s0  }
0xf7: {  	[sflag:s0] =	ssyncadd.tile.s32 @!p0 $0x1;
	_ =	shalt  }
.Lfunc_end1:
_tile_overlayer_lowered:
.L_overlay_start_2:
0xf8: {  	(tag) =	ssettag $0x2  }
0xf9: {  	s0 =	rddreg [dreg:$0x0];
	s2 =	stileid.u32  }
0xfa: {  	s1 =	rddreg [dreg:$0x1];
	p0 =	sne.s32 s2, $0x0  }
0xfb: {  	s3 =	rddreg [dreg:$0x2];
	[bflag:$0x3] =	sbarrier.arrive $0xFFFF;
	s2 =	simm.s32 @!p0 $0x1C01  }
0xfc: {  	[timem:s3], [sflag:s2] =	dma.local @!p0 [hbm:s0], s1  }
0xfd: {  	s0 =	simm.s32 @!p0 $0x1  }
0xfe: {  	_ =	swait.ge @!p0 [sflag:s0], s1  }
0xff: {  	s1 =	ssub.s32 @!p0 $0x0, s1;
	[sflag:s0] =	ssyncset.done @!p0 $0x0  }
0x100: {  	[sflag:s0] =	ssyncadd.s32 @!p0 s1  }
0x101: {  	[bflag:$0x3] =	sbarrier.arrive $0xFFFF  }
0x102: {  	_ =	shalt  }

</sc_bundles>
